<compile_context>
chip_gen: v7x
topology: tpu7x:2x2x1
jax: 0.10.2.dev20260603
libtpu: 0.0.44.dev20260713+nightly
codegen_flags: <defaults>
</compile_context>

<pallas_src>
import functools

import jax
import jax.numpy as jnp
from jax import lax
from jax.experimental import pallas as pl
from jax.experimental.pallas import tpu as pltpu
from jax.experimental.pallas import tpu_sc as plsc

N = 10000
E = 160000
F = 128
EF = 16
G = 200
NG = 64
PH = 128

NP = 10240
GP = 256
GW = 128
NC = 2
NS = 16
NW = NC * NS
LANES = 16
CHUNK = 128
NCHUNK = E // CHUNK
STEPS = (NCHUNK + NW - 1) // NW
RPS = NP // NS

_mesh = plsc.VectorSubcoreMesh(core_axis_name="c", subcore_axis_name="s",
                               num_cores=NC, num_subcores=NS)
_sc_params = pltpu.CompilerParams(use_tc_tiling_on_sc=False,
                                  needs_layout_passes=False)
_sc_params_tiled = pltpu.CompilerParams(use_tc_tiling_on_sc=True,
                                        needs_layout_passes=False)

f32 = jnp.float32
i32 = jnp.int32


def _dot(a, b):
    return lax.dot_general(a, b, (((1,), (0,)), ((), ())),
                           preferred_element_type=f32)


def _seg_dot(onehot, x):
    return lax.dot_general(onehot, x, (((0,), (0,)), ((), ())),
                           precision=lax.Precision.HIGHEST,
                           preferred_element_type=f32)


def _bcast_dot(onehot, g):
    return lax.dot_general(onehot, g, (((1,), (0,)), ((), ())),
                           precision=lax.Precision.HIGHEST,
                           preferred_element_type=f32)


def _lrelu(x):
    return jnp.where(x >= 0, x, 0.01 * x)


def _elu(x):
    return jnp.where(x > 0, x, jnp.exp(jnp.minimum(x, 0.0)) - 1.0)


def _sigmoid(x):
    return 1.0 / (1.0 + jnp.exp(-x))


def _gru_block(x, h, Wi, Wh, bi, bh):
    gi = _dot(x, Wi) + bi
    gh = _dot(h, Wh) + bh
    r = _sigmoid(gi[:, 0:G] + gh[:, 0:G])
    z = _sigmoid(gi[:, G:2 * G] + gh[:, G:2 * G])
    n = jnp.tanh(gi[:, 2 * G:] + r * gh[:, 2 * G:])
    return (1.0 - z) * n + z * h


def _full(shape):
    return pl.BlockSpec(shape, lambda *_: tuple(0 for _ in shape))


def _rows(bn, cols):
    return pl.BlockSpec((bn, cols), lambda i: (i, 0))



BN = 512
BE = 1000


def _tc1_body(nf, Wpn, bpn, A, wtop, bpe2, hv, np1, sn):
    hv_ = _lrelu(_dot(nf[...], Wpn[...]) + bpn[...])
    hv[...] = hv_
    np1[...] = _dot(nf[...], A[...])
    sn[...] = _dot(hv_, wtop[...]) + bpe2[...]


def _tc1(nf_p, Wpn, bpn, A_pad, wtop, bpe2):
    return pl.pallas_call(
        _tc1_body,
        grid=(NP // BN,),
        in_specs=[_rows(BN, F), _full((F, G)), _full((1, G)), _full((F, GP)),
                  _full((G, 1)), _full((1, 1))],
        out_specs=[_rows(BN, G), _rows(BN, GP), _rows(BN, 1)],
        out_shape=[jax.ShapeDtypeStruct((NP, G), f32),
                   jax.ShapeDtypeStruct((NP, GP), f32),
                   jax.ShapeDtypeStruct((NP, 1), f32)],
        name="tc1_node_prep",
    )(nf_p, Wpn, bpn, A_pad, wtop, bpe2)


def _tc3_body(gnp1, ef, snd, Bm, bpe1, wbot, Wet, bet, w):
    he1 = _lrelu(gnp1[...] + _dot(ef[...], Bm[...]) + bpe1[...])
    se = _dot(he1, wbot[...])
    e = jnp.exp(_lrelu(snd[...] + se))
    m = _dot(he1, Wet[...]) + bet[...]
    w[...] = e * m
    w[:, G:G + 1] = e


def _tc3(gnp1, ef, snd, Bm_pad, bpe1_pad, wbot_pad, Wet_pad, bet_pad):
    return pl.pallas_call(
        _tc3_body,
        grid=(E // BE,),
        in_specs=[_rows(BE, GP), _rows(BE, EF), _rows(BE, 1),
                  _full((EF, GP)), _full((1, GP)), _full((GP, 1)),
                  _full((GP, GP)), _full((1, GP))],
        out_specs=_rows(BE, GP),
        out_shape=jax.ShapeDtypeStruct((E, GP), f32),
        name="tc3_edge_ctx",
    )(gnp1, ef, snd, Bm_pad, bpe1_pad, wbot_pad, Wet_pad, bet_pad)


def _tc5_body(wsum, hv, Wi, Wh, bi, bh, vd, vs, bl1, Wpn2, bpn2,
              h, hp2, sd2, ss2):
    s = wsum[:, G:G + 1]
    inv = 1.0 / (s + 1e-9)
    c = wsum[:, :G] * inv
    h_ = jnp.maximum(_gru_block(_elu(c), hv[...], Wi[...], Wh[...],
                                bi[...], bh[...]), 0.0)
    h[:, :G] = h_
    h[:, G:] = jnp.zeros((BN, GP - G), f32)
    hp2[:, :G] = _dot(h_, Wpn2[...]) + bpn2[...]
    hp2[:, G:] = jnp.zeros((BN, GP - G), f32)
    hp2[:, G:G + 1] = jnp.ones((BN, 1), f32)
    sd2[...] = _dot(h_, vd[...]) + bl1[...]
    ss2[...] = _dot(h_, vs[...])


def _tc5(wsum, hv, Wi, Wh, bi, bh, vd, vs, bl1, Wpn2, bpn2):
    return pl.pallas_call(
        _tc5_body,
        grid=(NP // BN,),
        in_specs=[_rows(BN, GP),
                  _rows(BN, G),
                  _full((G, 3 * G)), _full((G, 3 * G)), _full((1, 3 * G)),
                  _full((1, 3 * G)), _full((G, 1)), _full((G, 1)),
                  _full((1, 1)), _full((G, G)), _full((1, G))],
        out_specs=[_rows(BN, GP), _rows(BN, GP), _rows(BN, 1), _rows(BN, 1)],
        out_shape=[jax.ShapeDtypeStruct((NP, GP), f32),
                   jax.ShapeDtypeStruct((NP, GP), f32),
                   jax.ShapeDtypeStruct((NP, 1), f32),
                   jax.ShapeDtypeStruct((NP, 1), f32)],
        name="tc5_layer0_update",
    )(wsum, hv, Wi, Wh, bi, bh, vd, vs, bl1, Wpn2, bpn2)


def _tc7a_body(wsum, h, gid, Wi, Wh, bi, bh,
               un0, un1, h2, zn0, zn1, g0):
    s = wsum[:, G:G + 1]
    inv = 1.0 / (s + 1e-9)
    c = wsum[:, :G] * inv
    h2_ = jnp.maximum(_gru_block(_elu(c), h[:, :G], Wi[...], Wh[...],
                                 bi[...], bh[...]), 0.0)
    h2[...] = h2_
    zn0[...] = _dot(h2_, un0[...])
    zn1[...] = _dot(h2_, un1[...])
    onehot = (gid[...] == lax.broadcasted_iota(i32, (BN, NG), 1)).astype(f32)
    acc = _seg_dot(onehot, h2_)

    @pl.when(pl.program_id(0) == 0)
    def _():
        g0[...] = jnp.zeros_like(g0)

    g0[...] += acc


def _tc7a(wsum, h, gid, Wi, Wh, bi, bh, un0, un1):
    return pl.pallas_call(
        _tc7a_body,
        grid=(NP // BN,),
        in_specs=[_rows(BN, GP),
                  _rows(BN, GP), _rows(BN, 1),
                  _full((G, 3 * G)), _full((G, 3 * G)), _full((1, 3 * G)),
                  _full((1, 3 * G)), _full((G, 1)), _full((G, 1))],
        out_specs=[_rows(BN, G), _rows(BN, 1), _rows(BN, 1),
                   _full((NG, G))],
        out_shape=[jax.ShapeDtypeStruct((NP, G), f32),
                   jax.ShapeDtypeStruct((NP, 1), f32),
                   jax.ShapeDtypeStruct((NP, 1), f32),
                   jax.ShapeDtypeStruct((NG, G), f32)],
        name="tc7a_layer1_update",
    )(wsum, h, gid, Wi, Wh, bi, bh, un0, un1)


def _tc7b_body(h2, znt, gid, gprev, ug, bcl, Wpnt, bpnt, sg, gw):
    zn_g = _dot(jnp.maximum(gprev[...], 0.0), ug[...]) + bcl[...]
    onehot = (gid[...] == lax.broadcasted_iota(i32, (BN, NG), 1)).astype(f32)
    zg = _bcast_dot(onehot, zn_g)
    e = jnp.exp(_lrelu(zg + znt[...]))
    hp = _dot(h2[:, :G], Wpnt[...]) + bpnt[...]
    sg_acc = _seg_dot(onehot, e)
    gw_acc = _seg_dot(onehot, e * hp)

    @pl.when(pl.program_id(0) == 0)
    def _():
        sg[...] = jnp.zeros_like(sg)
        gw[...] = jnp.zeros_like(gw)

    sg[...] += sg_acc
    gw[...] += gw_acc


def _tc7b(h2, znt, gid, gprev, ug, bcl, Wpnt, bpnt):
    return pl.pallas_call(
        _tc7b_body,
        grid=(NP // BN,),
        in_specs=[_rows(BN, G), _rows(BN, 1), _rows(BN, 1), _full((NG, G)),
                  _full((G, 1)), _full((1, 1)), _full((G, G)),
                  _full((1, G))],
        out_specs=[_full((NG, 1)), _full((NG, G))],
        out_shape=[jax.ShapeDtypeStruct((NG, 1), f32),
                   jax.ShapeDtypeStruct((NG, G), f32)],
        name="tc7b_readout_attn",
    )(h2, znt, gid, gprev, ug, bcl, Wpnt, bpnt)


def _tc7c_body(sg, gw, gprev, Wi, Wh, bi, bh, gnext):
    gr = gw[...] / (sg[...] + 1e-9)
    gnext[...] = jnp.maximum(
        _gru_block(_elu(gr), gprev[...], Wi[...], Wh[...], bi[...], bh[...]),
        0.0)


def _tc7c(sg, gw, gprev, Wi, Wh, bi, bh):
    return pl.pallas_call(
        _tc7c_body,
        grid=(1,),
        in_specs=[_full((NG, 1)), _full((NG, G)), _full((NG, G)),
                  _full((G, 3 * G)), _full((G, 3 * G)), _full((1, 3 * G)),
                  _full((1, 3 * G))],
        out_specs=[_full((NG, G))],
        out_shape=[jax.ShapeDtypeStruct((NG, G), f32)],
        name="tc7c_graph_gru",
    )(sg, gw, gprev, Wi, Wh, bi, bh)[0]


def _head_body(sg, gw, gprev, Wi, Wh, bi, bh, Wp1, bp1, gamma, beta,
               Wp2, bp2, out):
    gr = gw[...] / (sg[...] + 1e-9)
    g2 = jnp.maximum(
        _gru_block(_elu(gr), gprev[...], Wi[...], Wh[...], bi[...], bh[...]),
        0.0)
    y = jnp.maximum(_dot(g2, Wp1[...]) + bp1[...], 0.0)
    mu = jnp.mean(y, axis=-1, keepdims=True)
    yc = y - mu
    var = jnp.mean(yc * yc, axis=-1, keepdims=True)
    y = yc * lax.rsqrt(var + 1e-5) * gamma[...] + beta[...]
    out[...] = _dot(y, Wp2[...]) + bp2[...]


def _head(sg, gw, gprev, Wi, Wh, bi, bh, Wp1, bp1, gamma, beta, Wp2, bp2):
    return pl.pallas_call(
        _head_body,
        grid=(1,),
        in_specs=[_full((NG, 1)), _full((NG, G)), _full((NG, G)),
                  _full((G, 3 * G)), _full((G, 3 * G)), _full((1, 3 * G)),
                  _full((1, 3 * G)), _full((G, PH)), _full((1, PH)),
                  _full((1, PH)), _full((1, PH)), _full((PH, 1)),
                  _full((1, 1))],
        out_specs=[_full((NG, 1))],
        out_shape=[jax.ShapeDtypeStruct((NG, 1), f32)],
        name="tc_head",
    )(sg, gw, gprev, Wi, Wh, bi, bh, Wp1, bp1, gamma, beta, Wp2, bp2)[0]



def _wid():
    return lax.axis_index("s") * NC + lax.axis_index("c")


def _chunk_loop(body):
    w = _wid()

    def step(j, _):
        c = w + j * NW

        @pl.when(c < NCHUNK)
        def _():
            body(c)
        return 0

    lax.fori_loop(0, STEPS, step, 0)


@functools.partial(
    pl.kernel,
    out_type=jax.ShapeDtypeStruct((E, GP), f32),
    mesh=_mesh,
    compiler_params=_sc_params_tiled,
    scratch_types=[pltpu.VMEM((CHUNK,), i32),
                   pltpu.VMEM((CHUNK,), i32),
                   pltpu.VMEM((CHUNK, GP), f32),
                   pltpu.VMEM((CHUNK, GP), f32),
                   pltpu.SemaphoreType.DMA,
                   pltpu.SemaphoreType.DMA],
    name="sc_gather_rows",
)
def _sc_gather_rows(table, idx, out, iv0, iv1, rv0, rv1, sm0, sm1):
    w = _wid()
    tsteps = (NCHUNK + NW - 1) // NW

    def issue(c, iv, rv, sm):
        pltpu.sync_copy(idx.at[pl.ds(c * CHUNK, CHUNK)], iv)
        pltpu.async_copy(table.at[iv], rv, sm)

    def process(j, iv, rv, sm, ivn, rvn, smn):
        c = w + j * NW

        @pl.when(c < NCHUNK)
        def _():
            cn = c + NW

            @pl.when(cn < NCHUNK)
            def _():
                issue(cn, ivn, rvn, smn)
            pltpu.make_async_copy(table.at[iv], rv, sm).wait()
            pltpu.sync_copy(rv, out.at[pl.ds(c * CHUNK, CHUNK)])

    issue(w, iv0, rv0, sm0)

    def step(jj, _):
        j = 2 * jj
        process(j, iv0, rv0, sm0, iv1, rv1, sm1)
        process(j + 1, iv1, rv1, sm1, iv0, rv0, sm0)
        return 0

    lax.fori_loop(0, (tsteps + 1) // 2, step, 0)


@functools.partial(
    pl.kernel,
    out_type=jax.ShapeDtypeStruct((E,), f32),
    mesh=_mesh,
    compiler_params=_sc_params,
    scratch_types=[pltpu.VMEM((NP,), f32),
                   pltpu.VMEM((CHUNK,), i32),
                   pltpu.VMEM((CHUNK,), f32)],
    name="sc_gather_scalar",
)
def _sc_gather_scalar(table, idx, out, table_v, idx_v, out_v):
    pltpu.sync_copy(table, table_v)

    def body(c):
        base = c * CHUNK
        pltpu.sync_copy(idx.at[pl.ds(base, CHUNK)], idx_v)
        for g in range(CHUNK // LANES):
            iv = idx_v[pl.ds(g * LANES, LANES)]
            out_v[pl.ds(g * LANES, LANES)] = plsc.load_gather(table_v, [iv])
        pltpu.sync_copy(out_v, out.at[pl.ds(base, CHUNK)])
    _chunk_loop(body)


@functools.partial(
    pl.kernel,
    out_type=jax.ShapeDtypeStruct((NP, GP), f32),
    mesh=_mesh,
    compiler_params=_sc_params_tiled,
    scratch_types=[pltpu.VMEM((CHUNK, GW), f32),
                   pltpu.VMEM((CHUNK, GW), f32),
                   pltpu.VMEM((1, CHUNK), i32),
                   pltpu.VMEM((1, CHUNK), i32),
                   pltpu.VMEM_SHARED((NP, GW), f32),
                   pltpu.SemaphoreType.DMA,
                   pltpu.SemaphoreType.DMA],
    name="sc_scatter_add_rows",
)
def _sc_scatter_add_rows(rows, idx, zblk, out, rv0, rv1, iv0, iv1, shared,
                         sm0, sm1):
    cid = lax.axis_index("c")
    sid = lax.axis_index("s")
    col = cid * GW
    tsteps = (NCHUNK + NS - 1) // NS

    pltpu.sync_copy(zblk, rv0)
    for k in range(RPS // CHUNK):
        pltpu.sync_copy(rv0,
                        shared.at[pl.ds(sid * RPS + k * CHUNK, CHUNK)])
    plsc.subcore_barrier()

    def issue(c, rv, iv, sm):
        base = c * CHUNK
        pltpu.sync_copy(idx.at[pl.ds(base, CHUNK)], iv.at[0])
        pltpu.async_copy(rows.at[pl.ds(base, CHUNK), pl.ds(col, GW)], rv, sm)

    def process(j, rv, iv, sm, rvn, ivn, smn):
        c = sid + j * NS

        @pl.when(c < NCHUNK)
        def _():
            cn = c + NS

            @pl.when(cn < NCHUNK)
            def _():
                issue(cn, rvn, ivn, smn)
            base = c * CHUNK
            pltpu.make_async_copy(
                rows.at[pl.ds(base, CHUNK), pl.ds(col, GW)], rv, sm).wait()
            pltpu.sync_copy(rv, shared.at[iv.at[0]], add=True)

    issue(sid, rv0, iv0, sm0)

    def step(jj, _):
        j = 2 * jj
        process(j, rv0, iv0, sm0, rv1, iv1, sm1)
        process(j + 1, rv1, iv1, sm1, rv0, iv0, sm0)
        return 0

    lax.fori_loop(0, (tsteps + 1) // 2, step, 0)

    plsc.subcore_barrier()
    pltpu.sync_copy(shared.at[pl.ds(sid * RPS, RPS)],
                    out.at[pl.ds(sid * RPS, RPS), pl.ds(col, GW)])


@functools.partial(
    pl.kernel,
    out_type=jax.ShapeDtypeStruct((NP, GP), f32),
    mesh=_mesh,
    compiler_params=_sc_params_tiled,
    scratch_types=[pltpu.VMEM((CHUNK, GW), f32),
                   pltpu.VMEM((CHUNK, GW), f32),
                   pltpu.VMEM((1, CHUNK), i32),
                   pltpu.VMEM((1, CHUNK), i32),
                   pltpu.VMEM((1, CHUNK), i32),
                   pltpu.VMEM((CHUNK,), f32),
                   pltpu.VMEM_SHARED((NP, GW), f32),
                   pltpu.SemaphoreType.DMA,
                   pltpu.SemaphoreType.DMA],
    name="sc_l1_aggregate",
)
def _sc_l1_aggregate(h_cat, elog2, src, dst, zblk, out, rv0, rv1, sv0, sv1,
                     di_v, e_v, shared, sm0, sm1):
    cid = lax.axis_index("c")
    sid = lax.axis_index("s")
    col = cid * GW
    row_off = cid * NP
    tsteps = (NCHUNK + NS - 1) // NS

    pltpu.sync_copy(zblk, rv0)
    for k in range(RPS // CHUNK):
        pltpu.sync_copy(rv0,
                        shared.at[pl.ds(sid * RPS + k * CHUNK, CHUNK)])
    plsc.subcore_barrier()

    def issue(c, rv, sv, sm):
        base = c * CHUNK
        pltpu.sync_copy(src.at[pl.ds(base, CHUNK)], sv.at[0])
        for g in range(CHUNK // LANES):
            sl = pl.ds(g * LANES, LANES)
            sv[0, sl] = sv[0, sl] + row_off
        pltpu.async_copy(h_cat.at[sv.at[0]], rv, sm)

    def process(j, rv, sv, sm, rvn, svn, smn):
        c = sid + j * NS

        @pl.when(c < NCHUNK)
        def _():
            cn = c + NS

            @pl.when(cn < NCHUNK)
            def _():
                issue(cn, rvn, svn, smn)
            base = c * CHUNK
            pltpu.sync_copy(dst.at[pl.ds(base, CHUNK)], di_v.at[0])
            pltpu.sync_copy(elog2.at[pl.ds(base, CHUNK)], e_v)
            pltpu.make_async_copy(h_cat.at[sv.at[0]], rv, sm).wait()

            def scale(r, _):
                bc = plsc.load_gather(e_v, [jnp.full((LANES,), r, i32)])
                for q in range(GW // LANES):
                    qs = pl.ds(q * LANES, LANES)
                    rv[r, qs] = rv[r, qs] * bc
                return 0

            lax.fori_loop(0, CHUNK, scale, 0)
            pltpu.sync_copy(rv, shared.at[di_v.at[0]], add=True)

    issue(sid, rv0, sv0, sm0)

    def step(jj, _):
        j = 2 * jj
        process(j, rv0, sv0, sm0, rv1, sv1, sm1)
        process(j + 1, rv1, sv1, sm1, rv0, sv0, sm0)
        return 0

    lax.fori_loop(0, (tsteps + 1) // 2, step, 0)

    plsc.subcore_barrier()
    pltpu.sync_copy(shared.at[pl.ds(sid * RPS, RPS)],
                    out.at[pl.ds(sid * RPS, RPS), pl.ds(col, GW)])


@functools.partial(
    pl.kernel,
    out_type=jax.ShapeDtypeStruct((E,), f32),
    mesh=_mesh,
    compiler_params=_sc_params,
    scratch_types=[pltpu.VMEM((NP,), f32),
                   pltpu.VMEM((NP,), f32),
                   pltpu.VMEM((CHUNK,), i32),
                   pltpu.VMEM((CHUNK,), i32),
                   pltpu.VMEM((CHUNK,), f32)],
    name="sc_layer1_logits",
)
def _sc_layer1_logits(sd2, ss2, dst, src, elog2, td_v, ts_v, di_v, si_v,
                      e_v):
    pltpu.sync_copy(sd2, td_v)
    pltpu.sync_copy(ss2, ts_v)

    def body(c):
        base = c * CHUNK
        pltpu.sync_copy(dst.at[pl.ds(base, CHUNK)], di_v)
        pltpu.sync_copy(src.at[pl.ds(base, CHUNK)], si_v)
        for g in range(CHUNK // LANES):
            sl = pl.ds(g * LANES, LANES)
            dv = di_v[sl]
            sv = si_v[sl]
            zd = plsc.load_gather(td_v, [dv])
            zs = plsc.load_gather(ts_v, [sv])
            z = zd + zs
            e = jnp.exp(jnp.where(z >= 0, z, 0.01 * z))
            e_v[sl] = e
        pltpu.sync_copy(e_v, elog2.at[pl.ds(base, CHUNK)])
    _chunk_loop(body)



def kernel(node_feats, edge_feats, edge_index, graph_ids, params):
    src = edge_index[0].astype(i32)
    dst = edge_index[1].astype(i32)

    nf_p = jnp.zeros((NP, F), f32).at[:N].set(node_feats)
    gid_p = jnp.full((NP,), NG, i32).at[:N].set(graph_ids.astype(i32))
    gid_col = gid_p.reshape(NP, 1)

    p = params
    Wpn, bpn = p['pn'][0], p['pn'][1].reshape(1, G)
    Wpe1, bpe1 = p['pe1'][0], p['pe1'][1].reshape(1, G)
    A, Bm = Wpe1[:F], Wpe1[F:]
    Wpe2, bpe2 = p['pe2'][0], p['pe2'][1].reshape(1, 1)
    wtop, wbot = Wpe2[:G], Wpe2[G:]
    gpad = ((0, 0), (0, GP - G))
    A_pad = jnp.pad(A, gpad)
    Bm_pad = jnp.pad(Bm, gpad)
    bpe1_pad = jnp.pad(bpe1, gpad)
    wbot_pad = jnp.pad(wbot, ((0, GP - G), (0, 0)))
    Wet, bet = p['et'][0], p['et'][1].reshape(1, G)
    Wet_pad = jnp.pad(Wet, ((0, GP - G), (0, GP - G)))
    bet_pad = jnp.pad(bet, ((0, 0), (0, GP - G)))
    g1Wi, g1Wh, g1bi, g1bh = (p['gru1'][0], p['gru1'][1],
                              p['gru1'][2].reshape(1, 3 * G),
                              p['gru1'][3].reshape(1, 3 * G))
    Wl1pe, bl1pe = p['l1_pe'][0], p['l1_pe'][1].reshape(1, 1)
    vd, vs = Wl1pe[:G], Wl1pe[G:]
    Wl1pn, bl1pn = p['l1_pn'][0], p['l1_pn'][1].reshape(1, G)
    g2Wi, g2Wh, g2bi, g2bh = (p['l1_gru'][0], p['l1_gru'][1],
                              p['l1_gru'][2].reshape(1, 3 * G),
                              p['l1_gru'][3].reshape(1, 3 * G))

    hv, np1, sn = _tc1(nf_p, Wpn, bpn, A_pad, wtop, bpe2)
    gnp1 = _sc_gather_rows(np1, src)
    snd = _sc_gather_scalar(sn.reshape(NP), dst)
    w = _tc3(gnp1, edge_feats, snd.reshape(E, 1), Bm_pad, bpe1_pad,
             wbot_pad, Wet_pad, bet_pad)
    zblk = jnp.zeros((CHUNK, GW), f32)
    wsum = _sc_scatter_add_rows(w, dst, zblk)
    h, hp2, sd2, ss2 = _tc5(wsum, hv, g1Wi, g1Wh, g1bi, g1bh, vd, vs,
                            bl1pe, Wl1pn, bl1pn)

    elog2 = _sc_layer1_logits(sd2.reshape(NP), ss2.reshape(NP), dst, src)
    h_cat = jnp.concatenate([hp2[:, :GW], hp2[:, GW:]], axis=0)
    w2sum = _sc_l1_aggregate(h_cat, elog2, src, dst, zblk)

    ro0cl, bro0cl = p['ro0_cl'][0], p['ro0_cl'][1].reshape(1, 1)
    ug0, un0 = ro0cl[:G], ro0cl[G:]
    ro1cl, bro1cl = p['ro1_cl'][0], p['ro1_cl'][1].reshape(1, 1)
    ug1, un1 = ro1cl[:G], ro1cl[G:]
    W0pn, b0pn = p['ro0_pn'][0], p['ro0_pn'][1].reshape(1, G)
    W1pn, b1pn = p['ro1_pn'][0], p['ro1_pn'][1].reshape(1, G)
    r0Wi, r0Wh, r0bi, r0bh = (p['ro0_gru'][0], p['ro0_gru'][1],
                              p['ro0_gru'][2].reshape(1, 3 * G),
                              p['ro0_gru'][3].reshape(1, 3 * G))
    r1Wi, r1Wh, r1bi, r1bh = (p['ro1_gru'][0], p['ro1_gru'][1],
                              p['ro1_gru'][2].reshape(1, 3 * G),
                              p['ro1_gru'][3].reshape(1, 3 * G))
    Wp1, bp1 = p['p1'][0], p['p1'][1].reshape(1, PH)
    gamma, beta = p['ln'][0].reshape(1, PH), p['ln'][1].reshape(1, PH)
    Wp2, bp2 = p['p2'][0], p['p2'][1].reshape(1, 1)

    h2, zn0, zn1, g0 = _tc7a(w2sum, h, gid_col,
                             g2Wi, g2Wh, g2bi, g2bh, un0, un1)
    sg0, gw0 = _tc7b(h2, zn0, gid_col, g0, ug0, bro0cl, W0pn, b0pn)
    g1 = _tc7c(sg0, gw0, g0, r0Wi, r0Wh, r0bi, r0bh)
    sg1, gw1 = _tc7b(h2, zn1, gid_col, g1, ug1, bro1cl, W1pn, b1pn)
    out = _head(sg1, gw1, g1, r1Wi, r1Wh, r1bi, r1bh,
                Wp1, bp1, gamma, beta, Wp2, bp2)
    return out

# --- scband reference (transcript-rebuilt; emitter-appended) ---
"""Pipeline reference for scband-attentive-fppredictor-60756607369241 (READ-ONLY COPY).

The authoritative reference and input builder live on the scoring server;
editing this copy changes nothing except your own understanding.
"""

import jax, jax.numpy as jnp
import numpy as np

N_NODES = 10000
N_EDGES = 160000
NODE_FEAT = 128
EDGE_FEAT = 16
GFEAT = 200
N_GRAPHS = 64
PRED_H = 128
N_TASKS = 1


def _lin_init(key, fi, fo):
    kw, kb = jax.random.split(key)
    W = jax.random.normal(kw, (fi, fo), jnp.float32) / np.sqrt(fi)
    b = jax.random.normal(kb, (fo,), jnp.float32) * 0.01
    return (W, b)


def _gru_init(key, fi, h):
    k1, k2 = jax.random.split(key)
    Wi = jax.random.normal(k1, (fi, 3 * h), jnp.float32) / np.sqrt(fi)
    Wh = jax.random.normal(k2, (h, 3 * h), jnp.float32) / np.sqrt(h)
    return (Wi, Wh, jnp.zeros((3 * h,), jnp.float32), jnp.zeros((3 * h,), jnp.float32))


def _make_params(key):
    ks = list(jax.random.split(key, 16))
    p = {}
    p['pn'] = _lin_init(ks[0], NODE_FEAT, GFEAT)
    p['pe1'] = _lin_init(ks[1], NODE_FEAT + EDGE_FEAT, GFEAT)
    p['pe2'] = _lin_init(ks[2], 2 * GFEAT, 1)
    p['et'] = _lin_init(ks[3], GFEAT, GFEAT)
    p['gru1'] = _gru_init(ks[4], GFEAT, GFEAT)
    p['l1_pe'] = _lin_init(ks[5], 2 * GFEAT, 1)
    p['l1_pn'] = _lin_init(ks[6], GFEAT, GFEAT)
    p['l1_gru'] = _gru_init(ks[7], GFEAT, GFEAT)
    p['ro0_cl'] = _lin_init(ks[8], 2 * GFEAT, 1)
    p['ro0_pn'] = _lin_init(ks[9], GFEAT, GFEAT)
    p['ro0_gru'] = _gru_init(ks[10], GFEAT, GFEAT)
    p['ro1_cl'] = _lin_init(ks[11], 2 * GFEAT, 1)
    p['ro1_pn'] = _lin_init(ks[12], GFEAT, GFEAT)
    p['ro1_gru'] = _gru_init(ks[13], GFEAT, GFEAT)
    p['p1'] = _lin_init(ks[14], GFEAT, PRED_H)
    p['ln'] = (jnp.ones((PRED_H,), jnp.float32), jnp.zeros((PRED_H,), jnp.float32))
    p['p2'] = _lin_init(ks[15], PRED_H, N_TASKS)
    return p


def _linear(x, wb):
    W, b = wb
    return x @ W + b


def _gru(x, h, g):
    Wi, Wh, bi, bh = g
    gi = x @ Wi + bi
    gh = h @ Wh + bh
    i_r, i_z, i_n = jnp.split(gi, 3, axis=1)
    h_r, h_z, h_n = jnp.split(gh, 3, axis=1)
    r = jax.nn.sigmoid(i_r + h_r)
    z = jax.nn.sigmoid(i_z + h_z)
    n = jnp.tanh(i_n + r * h_n)
    return (1.0 - z) * n + z * h


def _segment_softmax(logits, seg, num_segments):
    m = jax.ops.segment_max(logits, seg, num_segments=num_segments)
    m = jnp.where(jnp.isfinite(m), m, 0.0)
    e = jnp.exp(logits - m[seg])
    s = jax.ops.segment_sum(e, seg, num_segments=num_segments)
    return e / (s[seg] + 1e-9)


def _forward(node_feats, edge_feats, params, src, dst, graph_ids):
    lrelu = lambda x: jax.nn.leaky_relu(x, 0.01)
    # --- AttentiveFPGNN: GetContext ---
    hv_new = lrelu(_linear(node_feats, params['pn']))
    he1 = lrelu(_linear(jnp.concatenate([node_feats[src], edge_feats], axis=1), params['pe1']))
    logits = lrelu(_linear(jnp.concatenate([hv_new[dst], he1], axis=1), params['pe2']))
    a = _segment_softmax(logits, dst, N_NODES)
    c = jax.ops.segment_sum(a * _linear(he1, params['et']), dst, num_segments=N_NODES)
    h = jax.nn.relu(_gru(jax.nn.elu(c), hv_new, params['gru1']))
    # --- AttentiveFPGNN: GNNLayer (num_layers - 1 = 1) ---
    logits = lrelu(_linear(jnp.concatenate([h[dst], h[src]], axis=1), params['l1_pe']))
    a = _segment_softmax(logits, dst, N_NODES)
    hp = _linear(h, params['l1_pn'])
    c = jax.ops.segment_sum(a * hp[src], dst, num_segments=N_NODES)
    h = jax.nn.relu(_gru(jax.nn.elu(c), h, params['l1_gru']))
    # --- AttentiveFPReadout (num_timesteps = 2) ---
    g_feats = jax.ops.segment_sum(h, graph_ids, num_segments=N_GRAPHS)
    for t in ('ro0', 'ro1'):
        z = lrelu(_linear(jnp.concatenate([jax.nn.relu(g_feats)[graph_ids], h], axis=1), params[t + '_cl']))
        a = _segment_softmax(z, graph_ids, N_GRAPHS)
        g_repr = jax.ops.segment_sum(a * _linear(h, params[t + '_pn']), graph_ids, num_segments=N_GRAPHS)
        g_feats = jax.nn.relu(_gru(jax.nn.elu(g_repr), g_feats, params[t + '_gru']))
    # --- Predictor MLP ---
    x = jax.nn.relu(_linear(g_feats, params['p1']))
    mu = jnp.mean(x, axis=-1, keepdims=True)
    var = jnp.var(x, axis=-1, keepdims=True)
    gamma, beta = params['ln']
    x = (x - mu) / jnp.sqrt(var + 1e-5) * gamma + beta
    return _linear(x, params['p2'])


def setup_inputs(seed: int = 0):
    key = jax.random.key(seed)
    k1, k2, k3, k4, k5 = jax.random.split(key, 5)
    node_feats = jax.random.normal(k1, (N_NODES, NODE_FEAT), jnp.float32)
    edge_feats = jax.random.normal(k2, (N_EDGES, EDGE_FEAT), jnp.float32)
    edge_index = jax.random.randint(k3, (2, N_EDGES), 0, N_NODES)
    graph_ids = jnp.sort(jax.random.randint(k5, (N_NODES,), 0, N_GRAPHS))
    params = _make_params(k4)
    return {'node_feats': node_feats, 'edge_feats': edge_feats, 'edge_index': edge_index, 'graph_ids': graph_ids, 'params': params}


def reference(node_feats, edge_feats, edge_index, graph_ids, params):
    return _forward(node_feats, edge_feats, params, edge_index[0], edge_index[1], graph_ids)

if __name__ == "__main__":
    import jax
    _d = setup_inputs()
    print(jax.jit(kernel)(*tuple(_d.values())))

</pallas_src>

<mosaic_0001>
#map = affine_map<(d0, d1) -> (0)>
module attributes {stable_mosaic.version = 14 : i64} {
  func.func @sc_layer1_logits(%arg0: i32, %arg1: i32, %arg2: memref<10240xf32, #tpu.memory_space<hbm>>, %arg3: memref<10240xf32, #tpu.memory_space<hbm>>, %arg4: memref<160000xi32, #tpu.memory_space<hbm>>, %arg5: memref<160000xi32, #tpu.memory_space<hbm>>, %arg6: memref<160000xf32, #tpu.memory_space<hbm>>, %arg7: memref<10240xf32, #tpu.memory_space<vmem>>, %arg8: memref<10240xf32, #tpu.memory_space<vmem>>, %arg9: memref<128xi32, #tpu.memory_space<vmem>>, %arg10: memref<128xi32, #tpu.memory_space<vmem>>, %arg11: memref<128xf32, #tpu.memory_space<vmem>>) attributes {dimension_semantics = [#tpu.dimension_semantics<core_parallel>, #tpu.dimension_semantics<subcore_parallel>], iteration_bounds = array<i64: 2, 16>, scalar_prefetch = 0 : i64, scratch_operands = 5 : i64, tpu.core_type = #tpu.core_type<sc_vector_subcore>, window_params = [{transform_indices = #map}, {transform_indices = #map}, {transform_indices = #map}, {transform_indices = #map}, {transform_indices = #map}]} {
    "tpu.region"() ({
      %run_scoped3A = tpu.sem_alloc : memref<!tpu.dma_semaphore, #tpu.memory_space<semaphore_mem>>
      tpu.enqueue_dma source(%arg2 : memref<10240xf32, #tpu.memory_space<hbm>>) target(%arg7 : memref<10240xf32, #tpu.memory_space<vmem>>) target_semaphore(%run_scoped3A : memref<!tpu.dma_semaphore, #tpu.memory_space<semaphore_mem>>)
      tpu.wait_dma2 semaphore(%run_scoped3A : memref<!tpu.dma_semaphore, #tpu.memory_space<semaphore_mem>>) src(%arg2 : memref<10240xf32, #tpu.memory_space<hbm>>) dst(%arg7 : memref<10240xf32, #tpu.memory_space<vmem>>)
      tpu.yield
    }) : () -> ()
    "tpu.region"() ({
      %run_scoped3A = tpu.sem_alloc : memref<!tpu.dma_semaphore, #tpu.memory_space<semaphore_mem>>
      tpu.enqueue_dma source(%arg3 : memref<10240xf32, #tpu.memory_space<hbm>>) target(%arg8 : memref<10240xf32, #tpu.memory_space<vmem>>) target_semaphore(%run_scoped3A : memref<!tpu.dma_semaphore, #tpu.memory_space<semaphore_mem>>)
      tpu.wait_dma2 semaphore(%run_scoped3A : memref<!tpu.dma_semaphore, #tpu.memory_space<semaphore_mem>>) src(%arg3 : memref<10240xf32, #tpu.memory_space<hbm>>) dst(%arg8 : memref<10240xf32, #tpu.memory_space<vmem>>)
      tpu.yield
    }) : () -> ()
    %mul3A = arith.constant 2 : i32
    %mul3A_0 = arith.muli %arg1, %mul3A : i32
    %add3A = arith.addi %mul3A_0, %arg0 : i32
    %scan3A = arith.constant 0 : i32
    %scan3A_1 = arith.constant 0 : i32
    %scan3A_2 = arith.constant 40 : i32
    %scan3A_3 = arith.addi %scan3A_1, %scan3A_2 : i32
    %scan3A_4 = arith.constant 1 : i32
    %scan3A_5 = scf.for %scan3A_7 = %scan3A_1 to %scan3A_3 step %scan3A_4 iter_args(%scan3A_8 = %scan3A) -> (i32)  : i32 {
      %mul3A_9 = arith.constant 32 : i32
      %mul3A_10 = arith.muli %scan3A_7, %mul3A_9 : i32
      %add3A_11 = arith.addi %add3A, %mul3A_10 : i32
      %lt3A = arith.constant 1250 : i32
      %lt3A_12 = arith.cmpi slt, %add3A_11, %lt3A : i32
      %convert_element_type3A = arith.extui %lt3A_12 : i1 to i32
      %cond3A = arith.constant 0 : i32
      %cond3A_13 = arith.cmpi ne, %convert_element_type3A, %cond3A : i32
      scf.if %cond3A_13 {
        %mul3A_15 = arith.constant 128 : i32
        %mul3A_16 = arith.muli %add3A_11, %mul3A_15 : i32
        "tpu.region"() ({
          %run_scoped3A = tpu.sem_alloc : memref<!tpu.dma_semaphore, #tpu.memory_space<semaphore_mem>>
          %dma_start3A = tpu.memref_slice %arg4[%mul3A_16] : memref<160000xi32, #tpu.memory_space<hbm>> -> memref<128xi32, #tpu.memory_space<hbm>>
          %dma_start3A_147 = tpu.memref_slice %arg4[%mul3A_16] : memref<160000xi32, #tpu.memory_space<hbm>> -> memref<128xi32, #tpu.memory_space<hbm>>
          tpu.enqueue_dma source(%dma_start3A_147 : memref<128xi32, #tpu.memory_space<hbm>>) target(%arg9 : memref<128xi32, #tpu.memory_space<vmem>>) target_semaphore(%run_scoped3A : memref<!tpu.dma_semaphore, #tpu.memory_space<semaphore_mem>>)
          %dma_wait3A = tpu.memref_slice %arg4[%mul3A_16] : memref<160000xi32, #tpu.memory_space<hbm>> -> memref<128xi32, #tpu.memory_space<hbm>>
          %dma_wait3A_148 = tpu.memref_slice %arg4[%mul3A_16] : memref<160000xi32, #tpu.memory_space<hbm>> -> memref<128xi32, #tpu.memory_space<hbm>>
          tpu.wait_dma2 semaphore(%run_scoped3A : memref<!tpu.dma_semaphore, #tpu.memory_space<semaphore_mem>>) src(%dma_wait3A_148 : memref<128xi32, #tpu.memory_space<hbm>>) dst(%arg9 : memref<128xi32, #tpu.memory_space<vmem>>)
          tpu.yield
        }) : () -> ()
        "tpu.region"() ({
          %run_scoped3A = tpu.sem_alloc : memref<!tpu.dma_semaphore, #tpu.memory_space<semaphore_mem>>
          %dma_start3A = tpu.memref_slice %arg5[%mul3A_16] : memref<160000xi32, #tpu.memory_space<hbm>> -> memref<128xi32, #tpu.memory_space<hbm>>
          %dma_start3A_147 = tpu.memref_slice %arg5[%mul3A_16] : memref<160000xi32, #tpu.memory_space<hbm>> -> memref<128xi32, #tpu.memory_space<hbm>>
          tpu.enqueue_dma source(%dma_start3A_147 : memref<128xi32, #tpu.memory_space<hbm>>) target(%arg10 : memref<128xi32, #tpu.memory_space<vmem>>) target_semaphore(%run_scoped3A : memref<!tpu.dma_semaphore, #tpu.memory_space<semaphore_mem>>)
          %dma_wait3A = tpu.memref_slice %arg5[%mul3A_16] : memref<160000xi32, #tpu.memory_space<hbm>> -> memref<128xi32, #tpu.memory_space<hbm>>
          %dma_wait3A_148 = tpu.memref_slice %arg5[%mul3A_16] : memref<160000xi32, #tpu.memory_space<hbm>> -> memref<128xi32, #tpu.memory_space<hbm>>
          tpu.wait_dma2 semaphore(%run_scoped3A : memref<!tpu.dma_semaphore, #tpu.memory_space<semaphore_mem>>) src(%dma_wait3A_148 : memref<128xi32, #tpu.memory_space<hbm>>) dst(%arg10 : memref<128xi32, #tpu.memory_space<vmem>>)
          tpu.yield
        }) : () -> ()
        %get3A = arith.constant 0 : index
        %get3A_17 = tpu.vector_load %arg9[%get3A] {strides = array<i32>} : memref<128xi32, #tpu.memory_space<vmem>>, vector<16xi32>,
        %get3A_18 = arith.constant 0 : index
        %get3A_19 = tpu.vector_load %arg10[%get3A_18] {strides = array<i32>} : memref<128xi32, #tpu.memory_space<vmem>>, vector<16xi32>,
        %gather3A = tpu.vector_load_idx %arg7[%get3A_17] : memref<10240xf32, #tpu.memory_space<vmem>>[vector<16xi32>], vector<16xf32>,
        %gather3A_20 = tpu.vector_load_idx %arg8[%get3A_19] : memref<10240xf32, #tpu.memory_space<vmem>>[vector<16xi32>], vector<16xf32>,
        %add3A_21 = arith.addf %gather3A, %gather3A_20 : vector<16xf32>
        %ge3A = arith.constant 0.000000e+00 : f32
        %ge3A_22 = vector.broadcast %ge3A : f32 to vector<16xf32>
        %ge3A_23 = arith.cmpf oge, %add3A_21, %ge3A_22 : vector<16xf32>
        %mul3A_24 = arith.constant 0.00999999977 : f32
        %mul3A_25 = vector.broadcast %mul3A_24 : f32 to vector<16xf32>
        %mul3A_26 = arith.mulf %mul3A_25, %add3A_21 : vector<16xf32>
        %select_n3A = arith.select %ge3A_23, %add3A_21, %mul3A_26 : vector<16xi1>, vector<16xf32>
        %exp3A = math.exp %select_n3A : vector<16xf32>
        %swap3A = arith.constant 0 : index
        %swap3A_27 = tpu.vector_load %arg11[%swap3A] {strides = array<i32>} : memref<128xf32, #tpu.memory_space<vmem>>, vector<16xf32>,
        tpu.vector_store %arg11[%swap3A], %exp3A {strides = array<i32>} : memref<128xf32, #tpu.memory_space<vmem>>, vector<16xf32>,
        %get3A_28 = arith.constant 16 : index
        %get3A_29 = tpu.vector_load %arg9[%get3A_28] {strides = array<i32>} : memref<128xi32, #tpu.memory_space<vmem>>, vector<16xi32>,
        %get3A_30 = arith.constant 16 : index
        %get3A_31 = tpu.vector_load %arg10[%get3A_30] {strides = array<i32>} : memref<128xi32, #tpu.memory_space<vmem>>, vector<16xi32>,
        %gather3A_32 = tpu.vector_load_idx %arg7[%get3A_29] : memref<10240xf32, #tpu.memory_space<vmem>>[vector<16xi32>], vector<16xf32>,
        %gather3A_33 = tpu.vector_load_idx %arg8[%get3A_31] : memref<10240xf32, #tpu.memory_space<vmem>>[vector<16xi32>], vector<16xf32>,
        %add3A_34 = arith.addf %gather3A_32, %gather3A_33 : vector<16xf32>
        %ge3A_35 = arith.constant 0.000000e+00 : f32
        %ge3A_36 = vector.broadcast %ge3A_35 : f32 to vector<16xf32>
        %ge3A_37 = arith.cmpf oge, %add3A_34, %ge3A_36 : vector<16xf32>
        %mul3A_38 = arith.constant 0.00999999977 : f32
        %mul3A_39 = vector.broadcast %mul3A_38 : f32 to vector<16xf32>
        %mul3A_40 = arith.mulf %mul3A_39, %add3A_34 : vector<16xf32>
        %select_n3A_41 = arith.select %ge3A_37, %add3A_34, %mul3A_40 : vector<16xi1>, vector<16xf32>
        %exp3A_42 = math.exp %select_n3A_41 : vector<16xf32>
        %swap3A_43 = arith.constant 16 : index
        %swap3A_44 = tpu.vector_load %arg11[%swap3A_43] {strides = array<i32>} : memref<128xf32, #tpu.memory_space<vmem>>, vector<16xf32>,
        tpu.vector_store %arg11[%swap3A_43], %exp3A_42 {strides = array<i32>} : memref<128xf32, #tpu.memory_space<vmem>>, vector<16xf32>,
        %get3A_45 = arith.constant 32 : index
        %get3A_46 = tpu.vector_load %arg9[%get3A_45] {strides = array<i32>} : memref<128xi32, #tpu.memory_space<vmem>>, vector<16xi32>,
        %get3A_47 = arith.constant 32 : index
        %get3A_48 = tpu.vector_load %arg10[%get3A_47] {strides = array<i32>} : memref<128xi32, #tpu.memory_space<vmem>>, vector<16xi32>,
        %gather3A_49 = tpu.vector_load_idx %arg7[%get3A_46] : memref<10240xf32, #tpu.memory_space<vmem>>[vector<16xi32>], vector<16xf32>,
        %gather3A_50 = tpu.vector_load_idx %arg8[%get3A_48] : memref<10240xf32, #tpu.memory_space<vmem>>[vector<16xi32>], vector<16xf32>,
        %add3A_51 = arith.addf %gather3A_49, %gather3A_50 : vector<16xf32>
        %ge3A_52 = arith.constant 0.000000e+00 : f32
        %ge3A_53 = vector.broadcast %ge3A_52 : f32 to vector<16xf32>
        %ge3A_54 = arith.cmpf oge, %add3A_51, %ge3A_53 : vector<16xf32>
        %mul3A_55 = arith.constant 0.00999999977 : f32
        %mul3A_56 = vector.broadcast %mul3A_55 : f32 to vector<16xf32>
        %mul3A_57 = arith.mulf %mul3A_56, %add3A_51 : vector<16xf32>
        %select_n3A_58 = arith.select %ge3A_54, %add3A_51, %mul3A_57 : vector<16xi1>, vector<16xf32>
        %exp3A_59 = math.exp %select_n3A_58 : vector<16xf32>
        %swap3A_60 = arith.constant 32 : index
        %swap3A_61 = tpu.vector_load %arg11[%swap3A_60] {strides = array<i32>} : memref<128xf32, #tpu.memory_space<vmem>>, vector<16xf32>,
        tpu.vector_store %arg11[%swap3A_60], %exp3A_59 {strides = array<i32>} : memref<128xf32, #tpu.memory_space<vmem>>, vector<16xf32>,
        %get3A_62 = arith.constant 48 : index
        %get3A_63 = tpu.vector_load %arg9[%get3A_62] {strides = array<i32>} : memref<128xi32, #tpu.memory_space<vmem>>, vector<16xi32>,
        %get3A_64 = arith.constant 48 : index
        %get3A_65 = tpu.vector_load %arg10[%get3A_64] {strides = array<i32>} : memref<128xi32, #tpu.memory_space<vmem>>, vector<16xi32>,
        %gather3A_66 = tpu.vector_load_idx %arg7[%get3A_63] : memref<10240xf32, #tpu.memory_space<vmem>>[vector<16xi32>], vector<16xf32>,
        %gather3A_67 = tpu.vector_load_idx %arg8[%get3A_65] : memref<10240xf32, #tpu.memory_space<vmem>>[vector<16xi32>], vector<16xf32>,
        %add3A_68 = arith.addf %gather3A_66, %gather3A_67 : vector<16xf32>
        %ge3A_69 = arith.constant 0.000000e+00 : f32
        %ge3A_70 = vector.broadcast %ge3A_69 : f32 to vector<16xf32>
        %ge3A_71 = arith.cmpf oge, %add3A_68, %ge3A_70 : vector<16xf32>
        %mul3A_72 = arith.constant 0.00999999977 : f32
        %mul3A_73 = vector.broadcast %mul3A_72 : f32 to vector<16xf32>
        %mul3A_74 = arith.mulf %mul3A_73, %add3A_68 : vector<16xf32>
        %select_n3A_75 = arith.select %ge3A_71, %add3A_68, %mul3A_74 : vector<16xi1>, vector<16xf32>
        %exp3A_76 = math.exp %select_n3A_75 : vector<16xf32>
        %swap3A_77 = arith.constant 48 : index
        %swap3A_78 = tpu.vector_load %arg11[%swap3A_77] {strides = array<i32>} : memref<128xf32, #tpu.memory_space<vmem>>, vector<16xf32>,
        tpu.vector_store %arg11[%swap3A_77], %exp3A_76 {strides = array<i32>} : memref<128xf32, #tpu.memory_space<vmem>>, vector<16xf32>,
        %get3A_79 = arith.constant 64 : index
        %get3A_80 = tpu.vector_load %arg9[%get3A_79] {strides = array<i32>} : memref<128xi32, #tpu.memory_space<vmem>>, vector<16xi32>,
        %get3A_81 = arith.constant 64 : index
        %get3A_82 = tpu.vector_load %arg10[%get3A_81] {strides = array<i32>} : memref<128xi32, #tpu.memory_space<vmem>>, vector<16xi32>,
        %gather3A_83 = tpu.vector_load_idx %arg7[%get3A_80] : memref<10240xf32, #tpu.memory_space<vmem>>[vector<16xi32>], vector<16xf32>,
        %gather3A_84 = tpu.vector_load_idx %arg8[%get3A_82] : memref<10240xf32, #tpu.memory_space<vmem>>[vector<16xi32>], vector<16xf32>,
        %add3A_85 = arith.addf %gather3A_83, %gather3A_84 : vector<16xf32>
        %ge3A_86 = arith.constant 0.000000e+00 : f32
        %ge3A_87 = vector.broadcast %ge3A_86 : f32 to vector<16xf32>
        %ge3A_88 = arith.cmpf oge, %add3A_85, %ge3A_87 : vector<16xf32>
        %mul3A_89 = arith.constant 0.00999999977 : f32
        %mul3A_90 = vector.broadcast %mul3A_89 : f32 to vector<16xf32>
        %mul3A_91 = arith.mulf %mul3A_90, %add3A_85 : vector<16xf32>
        %select_n3A_92 = arith.select %ge3A_88, %add3A_85, %mul3A_91 : vector<16xi1>, vector<16xf32>
        %exp3A_93 = math.exp %select_n3A_92 : vector<16xf32>
        %swap3A_94 = arith.constant 64 : index
        %swap3A_95 = tpu.vector_load %arg11[%swap3A_94] {strides = array<i32>} : memref<128xf32, #tpu.memory_space<vmem>>, vector<16xf32>,
        tpu.vector_store %arg11[%swap3A_94], %exp3A_93 {strides = array<i32>} : memref<128xf32, #tpu.memory_space<vmem>>, vector<16xf32>,
        %get3A_96 = arith.constant 80 : index
        %get3A_97 = tpu.vector_load %arg9[%get3A_96] {strides = array<i32>} : memref<128xi32, #tpu.memory_space<vmem>>, vector<16xi32>,
        %get3A_98 = arith.constant 80 : index
        %get3A_99 = tpu.vector_load %arg10[%get3A_98] {strides = array<i32>} : memref<128xi32, #tpu.memory_space<vmem>>, vector<16xi32>,
        %gather3A_100 = tpu.vector_load_idx %arg7[%get3A_97] : memref<10240xf32, #tpu.memory_space<vmem>>[vector<16xi32>], vector<16xf32>,
        %gather3A_101 = tpu.vector_load_idx %arg8[%get3A_99] : memref<10240xf32, #tpu.memory_space<vmem>>[vector<16xi32>], vector<16xf32>,
        %add3A_102 = arith.addf %gather3A_100, %gather3A_101 : vector<16xf32>
        %ge3A_103 = arith.constant 0.000000e+00 : f32
        %ge3A_104 = vector.broadcast %ge3A_103 : f32 to vector<16xf32>
        %ge3A_105 = arith.cmpf oge, %add3A_102, %ge3A_104 : vector<16xf32>
        %mul3A_106 = arith.constant 0.00999999977 : f32
        %mul3A_107 = vector.broadcast %mul3A_106 : f32 to vector<16xf32>
        %mul3A_108 = arith.mulf %mul3A_107, %add3A_102 : vector<16xf32>
        %select_n3A_109 = arith.select %ge3A_105, %add3A_102, %mul3A_108 : vector<16xi1>, vector<16xf32>
        %exp3A_110 = math.exp %select_n3A_109 : vector<16xf32>
        %swap3A_111 = arith.constant 80 : index
        %swap3A_112 = tpu.vector_load %arg11[%swap3A_111] {strides = array<i32>} : memref<128xf32, #tpu.memory_space<vmem>>, vector<16xf32>,
        tpu.vector_store %arg11[%swap3A_111], %exp3A_110 {strides = array<i32>} : memref<128xf32, #tpu.memory_space<vmem>>, vector<16xf32>,
        %get3A_113 = arith.constant 96 : index
        %get3A_114 = tpu.vector_load %arg9[%get3A_113] {strides = array<i32>} : memref<128xi32, #tpu.memory_space<vmem>>, vector<16xi32>,
        %get3A_115 = arith.constant 96 : index
        %get3A_116 = tpu.vector_load %arg10[%get3A_115] {strides = array<i32>} : memref<128xi32, #tpu.memory_space<vmem>>, vector<16xi32>,
        %gather3A_117 = tpu.vector_load_idx %arg7[%get3A_114] : memref<10240xf32, #tpu.memory_space<vmem>>[vector<16xi32>], vector<16xf32>,
        %gather3A_118 = tpu.vector_load_idx %arg8[%get3A_116] : memref<10240xf32, #tpu.memory_space<vmem>>[vector<16xi32>], vector<16xf32>,
        %add3A_119 = arith.addf %gather3A_117, %gather3A_118 : vector<16xf32>
        %ge3A_120 = arith.constant 0.000000e+00 : f32
        %ge3A_121 = vector.broadcast %ge3A_120 : f32 to vector<16xf32>
        %ge3A_122 = arith.cmpf oge, %add3A_119, %ge3A_121 : vector<16xf32>
        %mul3A_123 = arith.constant 0.00999999977 : f32
        %mul3A_124 = vector.broadcast %mul3A_123 : f32 to vector<16xf32>
        %mul3A_125 = arith.mulf %mul3A_124, %add3A_119 : vector<16xf32>
        %select_n3A_126 = arith.select %ge3A_122, %add3A_119, %mul3A_125 : vector<16xi1>, vector<16xf32>
        %exp3A_127 = math.exp %select_n3A_126 : vector<16xf32>
        %swap3A_128 = arith.constant 96 : index
        %swap3A_129 = tpu.vector_load %arg11[%swap3A_128] {strides = array<i32>} : memref<128xf32, #tpu.memory_space<vmem>>, vector<16xf32>,
        tpu.vector_store %arg11[%swap3A_128], %exp3A_127 {strides = array<i32>} : memref<128xf32, #tpu.memory_space<vmem>>, vector<16xf32>,
        %get3A_130 = arith.constant 112 : index
        %get3A_131 = tpu.vector_load %arg9[%get3A_130] {strides = array<i32>} : memref<128xi32, #tpu.memory_space<vmem>>, vector<16xi32>,
        %get3A_132 = arith.constant 112 : index
        %get3A_133 = tpu.vector_load %arg10[%get3A_132] {strides = array<i32>} : memref<128xi32, #tpu.memory_space<vmem>>, vector<16xi32>,
        %gather3A_134 = tpu.vector_load_idx %arg7[%get3A_131] : memref<10240xf32, #tpu.memory_space<vmem>>[vector<16xi32>], vector<16xf32>,
        %gather3A_135 = tpu.vector_load_idx %arg8[%get3A_133] : memref<10240xf32, #tpu.memory_space<vmem>>[vector<16xi32>], vector<16xf32>,
        %add3A_136 = arith.addf %gather3A_134, %gather3A_135 : vector<16xf32>
        %ge3A_137 = arith.constant 0.000000e+00 : f32
        %ge3A_138 = vector.broadcast %ge3A_137 : f32 to vector<16xf32>
        %ge3A_139 = arith.cmpf oge, %add3A_136, %ge3A_138 : vector<16xf32>
        %mul3A_140 = arith.constant 0.00999999977 : f32
        %mul3A_141 = vector.broadcast %mul3A_140 : f32 to vector<16xf32>
        %mul3A_142 = arith.mulf %mul3A_141, %add3A_136 : vector<16xf32>
        %select_n3A_143 = arith.select %ge3A_139, %add3A_136, %mul3A_142 : vector<16xi1>, vector<16xf32>
        %exp3A_144 = math.exp %select_n3A_143 : vector<16xf32>
        %swap3A_145 = arith.constant 112 : index
        %swap3A_146 = tpu.vector_load %arg11[%swap3A_145] {strides = array<i32>} : memref<128xf32, #tpu.memory_space<vmem>>, vector<16xf32>,
        tpu.vector_store %arg11[%swap3A_145], %exp3A_144 {strides = array<i32>} : memref<128xf32, #tpu.memory_space<vmem>>, vector<16xf32>,
        "tpu.region"() ({
          %run_scoped3A = tpu.sem_alloc : memref<!tpu.dma_semaphore, #tpu.memory_space<semaphore_mem>>
          %dma_start3A = tpu.memref_slice %arg6[%mul3A_16] : memref<160000xf32, #tpu.memory_space<hbm>> -> memref<128xf32, #tpu.memory_space<hbm>>
          %dma_start3A_147 = tpu.memref_slice %arg6[%mul3A_16] : memref<160000xf32, #tpu.memory_space<hbm>> -> memref<128xf32, #tpu.memory_space<hbm>>
          tpu.enqueue_dma source(%arg11 : memref<128xf32, #tpu.memory_space<vmem>>) target(%dma_start3A_147 : memref<128xf32, #tpu.memory_space<hbm>>) target_semaphore(%run_scoped3A : memref<!tpu.dma_semaphore, #tpu.memory_space<semaphore_mem>>)
          %dma_wait3A = tpu.memref_slice %arg6[%mul3A_16] : memref<160000xf32, #tpu.memory_space<hbm>> -> memref<128xf32, #tpu.memory_space<hbm>>
          %dma_wait3A_148 = tpu.memref_slice %arg6[%mul3A_16] : memref<160000xf32, #tpu.memory_space<hbm>> -> memref<128xf32, #tpu.memory_space<hbm>>
          tpu.wait_dma2 semaphore(%run_scoped3A : memref<!tpu.dma_semaphore, #tpu.memory_space<semaphore_mem>>) src(%arg11 : memref<128xf32, #tpu.memory_space<vmem>>) dst(%dma_wait3A_148 : memref<128xf32, #tpu.memory_space<hbm>>)
          tpu.yield
        }) : () -> ()
      } else {
      }
      %scan3A_14 = arith.constant 0 : i32
      scf.yield %scan3A_14 : i32
    }
    %scan3A_6 = arith.constant 40 : i32
    return
  }
}

#map = affine_map<(d0, d1) -> (0)>
module attributes {stable_mosaic.version = 14 : i64} {
  func.func @sc_gather_scalar(%arg0: i32, %arg1: i32, %arg2: memref<10240xf32, #tpu.memory_space<hbm>>, %arg3: memref<160000xi32, #tpu.memory_space<hbm>>, %arg4: memref<160000xf32, #tpu.memory_space<hbm>>, %arg5: memref<10240xf32, #tpu.memory_space<vmem>>, %arg6: memref<128xi32, #tpu.memory_space<vmem>>, %arg7: memref<128xf32, #tpu.memory_space<vmem>>) attributes {dimension_semantics = [#tpu.dimension_semantics<core_parallel>, #tpu.dimension_semantics<subcore_parallel>], iteration_bounds = array<i64: 2, 16>, scalar_prefetch = 0 : i64, scratch_operands = 3 : i64, tpu.core_type = #tpu.core_type<sc_vector_subcore>, window_params = [{transform_indices = #map}, {transform_indices = #map}, {transform_indices = #map}]} {
    "tpu.region"() ({
      %run_scoped3A = tpu.sem_alloc : memref<!tpu.dma_semaphore, #tpu.memory_space<semaphore_mem>>
      tpu.enqueue_dma source(%arg2 : memref<10240xf32, #tpu.memory_space<hbm>>) target(%arg5 : memref<10240xf32, #tpu.memory_space<vmem>>) target_semaphore(%run_scoped3A : memref<!tpu.dma_semaphore, #tpu.memory_space<semaphore_mem>>)
      tpu.wait_dma2 semaphore(%run_scoped3A : memref<!tpu.dma_semaphore, #tpu.memory_space<semaphore_mem>>) src(%arg2 : memref<10240xf32, #tpu.memory_space<hbm>>) dst(%arg5 : memref<10240xf32, #tpu.memory_space<vmem>>)
      tpu.yield
    }) : () -> ()
    %mul3A = arith.constant 2 : i32
    %mul3A_0 = arith.muli %arg1, %mul3A : i32
    %add3A = arith.addi %mul3A_0, %arg0 : i32
    %scan3A = arith.constant 0 : i32
    %scan3A_1 = arith.constant 0 : i32
    %scan3A_2 = arith.constant 40 : i32
    %scan3A_3 = arith.addi %scan3A_1, %scan3A_2 : i32
    %scan3A_4 = arith.constant 1 : i32
    %scan3A_5 = scf.for %scan3A_7 = %scan3A_1 to %scan3A_3 step %scan3A_4 iter_args(%scan3A_8 = %scan3A) -> (i32)  : i32 {
      %mul3A_9 = arith.constant 32 : i32
      %mul3A_10 = arith.muli %scan3A_7, %mul3A_9 : i32
      %add3A_11 = arith.addi %add3A, %mul3A_10 : i32
      %lt3A = arith.constant 1250 : i32
      %lt3A_12 = arith.cmpi slt, %add3A_11, %lt3A : i32
      %convert_element_type3A = arith.extui %lt3A_12 : i1 to i32
      %cond3A = arith.constant 0 : i32
      %cond3A_13 = arith.cmpi ne, %convert_element_type3A, %cond3A : i32
      scf.if %cond3A_13 {
        %mul3A_15 = arith.constant 128 : i32
        %mul3A_16 = arith.muli %add3A_11, %mul3A_15 : i32
        "tpu.region"() ({
          %run_scoped3A = tpu.sem_alloc : memref<!tpu.dma_semaphore, #tpu.memory_space<semaphore_mem>>
          %dma_start3A = tpu.memref_slice %arg3[%mul3A_16] : memref<160000xi32, #tpu.memory_space<hbm>> -> memref<128xi32, #tpu.memory_space<hbm>>
          %dma_start3A_54 = tpu.memref_slice %arg3[%mul3A_16] : memref<160000xi32, #tpu.memory_space<hbm>> -> memref<128xi32, #tpu.memory_space<hbm>>
          tpu.enqueue_dma source(%dma_start3A_54 : memref<128xi32, #tpu.memory_space<hbm>>) target(%arg6 : memref<128xi32, #tpu.memory_space<vmem>>) target_semaphore(%run_scoped3A : memref<!tpu.dma_semaphore, #tpu.memory_space<semaphore_mem>>)
          %dma_wait3A = tpu.memref_slice %arg3[%mul3A_16] : memref<160000xi32, #tpu.memory_space<hbm>> -> memref<128xi32, #tpu.memory_space<hbm>>
          %dma_wait3A_55 = tpu.memref_slice %arg3[%mul3A_16] : memref<160000xi32, #tpu.memory_space<hbm>> -> memref<128xi32, #tpu.memory_space<hbm>>
          tpu.wait_dma2 semaphore(%run_scoped3A : memref<!tpu.dma_semaphore, #tpu.memory_space<semaphore_mem>>) src(%dma_wait3A_55 : memref<128xi32, #tpu.memory_space<hbm>>) dst(%arg6 : memref<128xi32, #tpu.memory_space<vmem>>)
          tpu.yield
        }) : () -> ()
        %get3A = arith.constant 0 : index
        %get3A_17 = tpu.vector_load %arg6[%get3A] {strides = array<i32>} : memref<128xi32, #tpu.memory_space<vmem>>, vector<16xi32>,
        %gather3A = tpu.vector_load_idx %arg5[%get3A_17] : memref<10240xf32, #tpu.memory_space<vmem>>[vector<16xi32>], vector<16xf32>,
        %swap3A = arith.constant 0 : index
        %swap3A_18 = tpu.vector_load %arg7[%swap3A] {strides = array<i32>} : memref<128xf32, #tpu.memory_space<vmem>>, vector<16xf32>,
        tpu.vector_store %arg7[%swap3A], %gather3A {strides = array<i32>} : memref<128xf32, #tpu.memory_space<vmem>>, vector<16xf32>,
        %get3A_19 = arith.constant 16 : index
        %get3A_20 = tpu.vector_load %arg6[%get3A_19] {strides = array<i32>} : memref<128xi32, #tpu.memory_space<vmem>>, vector<16xi32>,
        %gather3A_21 = tpu.vector_load_idx %arg5[%get3A_20] : memref<10240xf32, #tpu.memory_space<vmem>>[vector<16xi32>], vector<16xf32>,
        %swap3A_22 = arith.constant 16 : index
        %swap3A_23 = tpu.vector_load %arg7[%swap3A_22] {strides = array<i32>} : memref<128xf32, #tpu.memory_space<vmem>>, vector<16xf32>,
        tpu.vector_store %arg7[%swap3A_22], %gather3A_21 {strides = array<i32>} : memref<128xf32, #tpu.memory_space<vmem>>, vector<16xf32>,
        %get3A_24 = arith.constant 32 : index
        %get3A_25 = tpu.vector_load %arg6[%get3A_24] {strides = array<i32>} : memref<128xi32, #tpu.memory_space<vmem>>, vector<16xi32>,
        %gather3A_26 = tpu.vector_load_idx %arg5[%get3A_25] : memref<10240xf32, #tpu.memory_space<vmem>>[vector<16xi32>], vector<16xf32>,
        %swap3A_27 = arith.constant 32 : index
        %swap3A_28 = tpu.vector_load %arg7[%swap3A_27] {strides = array<i32>} : memref<128xf32, #tpu.memory_space<vmem>>, vector<16xf32>,
        tpu.vector_store %arg7[%swap3A_27], %gather3A_26 {strides = array<i32>} : memref<128xf32, #tpu.memory_space<vmem>>, vector<16xf32>,
        %get3A_29 = arith.constant 48 : index
        %get3A_30 = tpu.vector_load %arg6[%get3A_29] {strides = array<i32>} : memref<128xi32, #tpu.memory_space<vmem>>, vector<16xi32>,
        %gather3A_31 = tpu.vector_load_idx %arg5[%get3A_30] : memref<10240xf32, #tpu.memory_space<vmem>>[vector<16xi32>], vector<16xf32>,
        %swap3A_32 = arith.constant 48 : index
        %swap3A_33 = tpu.vector_load %arg7[%swap3A_32] {strides = array<i32>} : memref<128xf32, #tpu.memory_space<vmem>>, vector<16xf32>,
        tpu.vector_store %arg7[%swap3A_32], %gather3A_31 {strides = array<i32>} : memref<128xf32, #tpu.memory_space<vmem>>, vector<16xf32>,
        %get3A_34 = arith.constant 64 : index
        %get3A_35 = tpu.vector_load %arg6[%get3A_34] {strides = array<i32>} : memref<128xi32, #tpu.memory_space<vmem>>, vector<16xi32>,
        %gather3A_36 = tpu.vector_load_idx %arg5[%get3A_35] : memref<10240xf32, #tpu.memory_space<vmem>>[vector<16xi32>], vector<16xf32>,
        %swap3A_37 = arith.constant 64 : index
        %swap3A_38 = tpu.vector_load %arg7[%swap3A_37] {strides = array<i32>} : memref<128xf32, #tpu.memory_space<vmem>>, vector<16xf32>,
        tpu.vector_store %arg7[%swap3A_37], %gather3A_36 {strides = array<i32>} : memref<128xf32, #tpu.memory_space<vmem>>, vector<16xf32>,
        %get3A_39 = arith.constant 80 : index
        %get3A_40 = tpu.vector_load %arg6[%get3A_39] {strides = array<i32>} : memref<128xi32, #tpu.memory_space<vmem>>, vector<16xi32>,
        %gather3A_41 = tpu.vector_load_idx %arg5[%get3A_40] : memref<10240xf32, #tpu.memory_space<vmem>>[vector<16xi32>], vector<16xf32>,
        %swap3A_42 = arith.constant 80 : index
        %swap3A_43 = tpu.vector_load %arg7[%swap3A_42] {strides = array<i32>} : memref<128xf32, #tpu.memory_space<vmem>>, vector<16xf32>,
        tpu.vector_store %arg7[%swap3A_42], %gather3A_41 {strides = array<i32>} : memref<128xf32, #tpu.memory_space<vmem>>, vector<16xf32>,
        %get3A_44 = arith.constant 96 : index
        %get3A_45 = tpu.vector_load %arg6[%get3A_44] {strides = array<i32>} : memref<128xi32, #tpu.memory_space<vmem>>, vector<16xi32>,
        %gather3A_46 = tpu.vector_load_idx %arg5[%get3A_45] : memref<10240xf32, #tpu.memory_space<vmem>>[vector<16xi32>], vector<16xf32>,
        %swap3A_47 = arith.constant 96 : index
        %swap3A_48 = tpu.vector_load %arg7[%swap3A_47] {strides = array<i32>} : memref<128xf32, #tpu.memory_space<vmem>>, vector<16xf32>,
        tpu.vector_store %arg7[%swap3A_47], %gather3A_46 {strides = array<i32>} : memref<128xf32, #tpu.memory_space<vmem>>, vector<16xf32>,
        %get3A_49 = arith.constant 112 : index
        %get3A_50 = tpu.vector_load %arg6[%get3A_49] {strides = array<i32>} : memref<128xi32, #tpu.memory_space<vmem>>, vector<16xi32>,
        %gather3A_51 = tpu.vector_load_idx %arg5[%get3A_50] : memref<10240xf32, #tpu.memory_space<vmem>>[vector<16xi32>], vector<16xf32>,
        %swap3A_52 = arith.constant 112 : index
        %swap3A_53 = tpu.vector_load %arg7[%swap3A_52] {strides = array<i32>} : memref<128xf32, #tpu.memory_space<vmem>>, vector<16xf32>,
        tpu.vector_store %arg7[%swap3A_52], %gather3A_51 {strides = array<i32>} : memref<128xf32, #tpu.memory_space<vmem>>, vector<16xf32>,
        "tpu.region"() ({
          %run_scoped3A = tpu.sem_alloc : memref<!tpu.dma_semaphore, #tpu.memory_space<semaphore_mem>>
          %dma_start3A = tpu.memref_slice %arg4[%mul3A_16] : memref<160000xf32, #tpu.memory_space<hbm>> -> memref<128xf32, #tpu.memory_space<hbm>>
          %dma_start3A_54 = tpu.memref_slice %arg4[%mul3A_16] : memref<160000xf32, #tpu.memory_space<hbm>> -> memref<128xf32, #tpu.memory_space<hbm>>
          tpu.enqueue_dma source(%arg7 : memref<128xf32, #tpu.memory_space<vmem>>) target(%dma_start3A_54 : memref<128xf32, #tpu.memory_space<hbm>>) target_semaphore(%run_scoped3A : memref<!tpu.dma_semaphore, #tpu.memory_space<semaphore_mem>>)
          %dma_wait3A = tpu.memref_slice %arg4[%mul3A_16] : memref<160000xf32, #tpu.memory_space<hbm>> -> memref<128xf32, #tpu.memory_space<hbm>>
          %dma_wait3A_55 = tpu.memref_slice %arg4[%mul3A_16] : memref<160000xf32, #tpu.memory_space<hbm>> -> memref<128xf32, #tpu.memory_space<hbm>>
          tpu.wait_dma2 semaphore(%run_scoped3A : memref<!tpu.dma_semaphore, #tpu.memory_space<semaphore_mem>>) src(%arg7 : memref<128xf32, #tpu.memory_space<vmem>>) dst(%dma_wait3A_55 : memref<128xf32, #tpu.memory_space<hbm>>)
          tpu.yield
        }) : () -> ()
      } else {
      }
      %scan3A_14 = arith.constant 0 : i32
      scf.yield %scan3A_14 : i32
    }
    %scan3A_6 = arith.constant 40 : i32
    return
  }
}

#map = affine_map<(d0, d1) -> (0, 0)>
#map1 = affine_map<(d0, d1) -> (0)>
module attributes {stable_mosaic.version = 14 : i64} {
  func.func @sc_scatter_add_rows(%arg0: i32, %arg1: i32, %arg2: memref<160000x256xf32, #tpu.memory_space<hbm>>, %arg3: memref<160000xi32, #tpu.memory_space<hbm>>, %arg4: memref<128x128xf32, #tpu.memory_space<hbm>>, %arg5: memref<10240x256xf32, #tpu.memory_space<hbm>>, %arg6: memref<128x128xf32, #tpu.memory_space<vmem>>, %arg7: memref<128x128xf32, #tpu.memory_space<vmem>>, %arg8: memref<1x128xi32, #tpu.memory_space<vmem>>, %arg9: memref<1x128xi32, #tpu.memory_space<vmem>>, %arg10: memref<10240x128xf32, #tpu.memory_space<vmem_shared>>, %arg11: memref<!tpu.dma_semaphore, #tpu.memory_space<semaphore_mem>>, %arg12: memref<!tpu.dma_semaphore, #tpu.memory_space<semaphore_mem>>) attributes {dimension_semantics = [#tpu.dimension_semantics<core_parallel>, #tpu.dimension_semantics<subcore_parallel>], iteration_bounds = array<i64: 2, 16>, scalar_prefetch = 0 : i64, scratch_operands = 7 : i64, tpu.core_type = #tpu.core_type<sc_vector_subcore>, window_params = [{transform_indices = #map}, {transform_indices = #map1}, {transform_indices = #map}, {transform_indices = #map}]} {
    %mul3A = arith.constant 128 : i32
    %mul3A_0 = arith.muli %arg0, %mul3A : i32
    "tpu.region"() ({
      %run_scoped3A_34 = tpu.sem_alloc : memref<!tpu.dma_semaphore, #tpu.memory_space<semaphore_mem>>
      tpu.enqueue_dma source(%arg4 : memref<128x128xf32, #tpu.memory_space<hbm>>) target(%arg6 : memref<128x128xf32, #tpu.memory_space<vmem>>) target_semaphore(%run_scoped3A_34 : memref<!tpu.dma_semaphore, #tpu.memory_space<semaphore_mem>>)
      tpu.wait_dma2 semaphore(%run_scoped3A_34 : memref<!tpu.dma_semaphore, #tpu.memory_space<semaphore_mem>>) src(%arg4 : memref<128x128xf32, #tpu.memory_space<hbm>>) dst(%arg6 : memref<128x128xf32, #tpu.memory_space<vmem>>)
      tpu.yield
    }) : () -> ()
    %mul3A_1 = arith.constant 640 : i32
    %mul3A_2 = arith.muli %arg1, %mul3A_1 : i32
    %add3A = arith.constant 0 : i32
    %add3A_3 = arith.addi %mul3A_2, %add3A : i32
    "tpu.region"() ({
      %run_scoped3A_34 = tpu.sem_alloc : memref<!tpu.dma_semaphore, #tpu.memory_space<semaphore_mem>>
      %dma_start3A_35 = arith.constant 0 : i32
      %dma_start3A_36 = tpu.memref_slice %arg10[%add3A_3, %dma_start3A_35] : memref<10240x128xf32, #tpu.memory_space<vmem_shared>> -> memref<128x128xf32, #tpu.memory_space<vmem_shared>>
      %dma_start3A_37 = arith.constant 0 : i32
      %dma_start3A_38 = tpu.memref_slice %arg10[%add3A_3, %dma_start3A_37] : memref<10240x128xf32, #tpu.memory_space<vmem_shared>> -> memref<128x128xf32, #tpu.memory_space<vmem_shared>>
      tpu.enqueue_dma source(%arg6 : memref<128x128xf32, #tpu.memory_space<vmem>>) target(%dma_start3A_38 : memref<128x128xf32, #tpu.memory_space<vmem_shared>>) target_semaphore(%run_scoped3A_34 : memref<!tpu.dma_semaphore, #tpu.memory_space<semaphore_mem>>)
      %dma_wait3A = arith.constant 0 : i32
      %dma_wait3A_39 = tpu.memref_slice %arg10[%add3A_3, %dma_wait3A] : memref<10240x128xf32, #tpu.memory_space<vmem_shared>> -> memref<128x128xf32, #tpu.memory_space<vmem_shared>>
      %dma_wait3A_40 = arith.constant 0 : i32
      %dma_wait3A_41 = tpu.memref_slice %arg10[%add3A_3, %dma_wait3A_40] : memref<10240x128xf32, #tpu.memory_space<vmem_shared>> -> memref<128x128xf32, #tpu.memory_space<vmem_shared>>
      tpu.wait_dma2 semaphore(%run_scoped3A_34 : memref<!tpu.dma_semaphore, #tpu.memory_space<semaphore_mem>>) src(%arg6 : memref<128x128xf32, #tpu.memory_space<vmem>>) dst(%dma_wait3A_41 : memref<128x128xf32, #tpu.memory_space<vmem_shared>>)
      tpu.yield
    }) : () -> ()
    %mul3A_4 = arith.constant 640 : i32
    %mul3A_5 = arith.muli %arg1, %mul3A_4 : i32
    %add3A_6 = arith.constant 128 : i32
    %add3A_7 = arith.addi %mul3A_5, %add3A_6 : i32
    "tpu.region"() ({
      %run_scoped3A_34 = tpu.sem_alloc : memref<!tpu.dma_semaphore, #tpu.memory_space<semaphore_mem>>
      %dma_start3A_35 = arith.constant 0 : i32
      %dma_start3A_36 = tpu.memref_slice %arg10[%add3A_7, %dma_start3A_35] : memref<10240x128xf32, #tpu.memory_space<vmem_shared>> -> memref<128x128xf32, #tpu.memory_space<vmem_shared>>
      %dma_start3A_37 = arith.constant 0 : i32
      %dma_start3A_38 = tpu.memref_slice %arg10[%add3A_7, %dma_start3A_37] : memref<10240x128xf32, #tpu.memory_space<vmem_shared>> -> memref<128x128xf32, #tpu.memory_space<vmem_shared>>
      tpu.enqueue_dma source(%arg6 : memref<128x128xf32, #tpu.memory_space<vmem>>) target(%dma_start3A_38 : memref<128x128xf32, #tpu.memory_space<vmem_shared>>) target_semaphore(%run_scoped3A_34 : memref<!tpu.dma_semaphore, #tpu.memory_space<semaphore_mem>>)
      %dma_wait3A = arith.constant 0 : i32
      %dma_wait3A_39 = tpu.memref_slice %arg10[%add3A_7, %dma_wait3A] : memref<10240x128xf32, #tpu.memory_space<vmem_shared>> -> memref<128x128xf32, #tpu.memory_space<vmem_shared>>
      %dma_wait3A_40 = arith.constant 0 : i32
      %dma_wait3A_41 = tpu.memref_slice %arg10[%add3A_7, %dma_wait3A_40] : memref<10240x128xf32, #tpu.memory_space<vmem_shared>> -> memref<128x128xf32, #tpu.memory_space<vmem_shared>>
      tpu.wait_dma2 semaphore(%run_scoped3A_34 : memref<!tpu.dma_semaphore, #tpu.memory_space<semaphore_mem>>) src(%arg6 : memref<128x128xf32, #tpu.memory_space<vmem>>) dst(%dma_wait3A_41 : memref<128x128xf32, #tpu.memory_space<vmem_shared>>)
      tpu.yield
    }) : () -> ()
    %mul3A_8 = arith.constant 640 : i32
    %mul3A_9 = arith.muli %arg1, %mul3A_8 : i32
    %add3A_10 = arith.constant 256 : i32
    %add3A_11 = arith.addi %mul3A_9, %add3A_10 : i32
    "tpu.region"() ({
      %run_scoped3A_34 = tpu.sem_alloc : memref<!tpu.dma_semaphore, #tpu.memory_space<semaphore_mem>>
      %dma_start3A_35 = arith.constant 0 : i32
      %dma_start3A_36 = tpu.memref_slice %arg10[%add3A_11, %dma_start3A_35] : memref<10240x128xf32, #tpu.memory_space<vmem_shared>> -> memref<128x128xf32, #tpu.memory_space<vmem_shared>>
      %dma_start3A_37 = arith.constant 0 : i32
      %dma_start3A_38 = tpu.memref_slice %arg10[%add3A_11, %dma_start3A_37] : memref<10240x128xf32, #tpu.memory_space<vmem_shared>> -> memref<128x128xf32, #tpu.memory_space<vmem_shared>>
      tpu.enqueue_dma source(%arg6 : memref<128x128xf32, #tpu.memory_space<vmem>>) target(%dma_start3A_38 : memref<128x128xf32, #tpu.memory_space<vmem_shared>>) target_semaphore(%run_scoped3A_34 : memref<!tpu.dma_semaphore, #tpu.memory_space<semaphore_mem>>)
      %dma_wait3A = arith.constant 0 : i32
      %dma_wait3A_39 = tpu.memref_slice %arg10[%add3A_11, %dma_wait3A] : memref<10240x128xf32, #tpu.memory_space<vmem_shared>> -> memref<128x128xf32, #tpu.memory_space<vmem_shared>>
      %dma_wait3A_40 = arith.constant 0 : i32
      %dma_wait3A_41 = tpu.memref_slice %arg10[%add3A_11, %dma_wait3A_40] : memref<10240x128xf32, #tpu.memory_space<vmem_shared>> -> memref<128x128xf32, #tpu.memory_space<vmem_shared>>
      tpu.wait_dma2 semaphore(%run_scoped3A_34 : memref<!tpu.dma_semaphore, #tpu.memory_space<semaphore_mem>>) src(%arg6 : memref<128x128xf32, #tpu.memory_space<vmem>>) dst(%dma_wait3A_41 : memref<128x128xf32, #tpu.memory_space<vmem_shared>>)
      tpu.yield
    }) : () -> ()
    %mul3A_12 = arith.constant 640 : i32
    %mul3A_13 = arith.muli %arg1, %mul3A_12 : i32
    %add3A_14 = arith.constant 384 : i32
    %add3A_15 = arith.addi %mul3A_13, %add3A_14 : i32
    "tpu.region"() ({
      %run_scoped3A_34 = tpu.sem_alloc : memref<!tpu.dma_semaphore, #tpu.memory_space<semaphore_mem>>
      %dma_start3A_35 = arith.constant 0 : i32
      %dma_start3A_36 = tpu.memref_slice %arg10[%add3A_15, %dma_start3A_35] : memref<10240x128xf32, #tpu.memory_space<vmem_shared>> -> memref<128x128xf32, #tpu.memory_space<vmem_shared>>
      %dma_start3A_37 = arith.constant 0 : i32
      %dma_start3A_38 = tpu.memref_slice %arg10[%add3A_15, %dma_start3A_37] : memref<10240x128xf32, #tpu.memory_space<vmem_shared>> -> memref<128x128xf32, #tpu.memory_space<vmem_shared>>
      tpu.enqueue_dma source(%arg6 : memref<128x128xf32, #tpu.memory_space<vmem>>) target(%dma_start3A_38 : memref<128x128xf32, #tpu.memory_space<vmem_shared>>) target_semaphore(%run_scoped3A_34 : memref<!tpu.dma_semaphore, #tpu.memory_space<semaphore_mem>>)
      %dma_wait3A = arith.constant 0 : i32
      %dma_wait3A_39 = tpu.memref_slice %arg10[%add3A_15, %dma_wait3A] : memref<10240x128xf32, #tpu.memory_space<vmem_shared>> -> memref<128x128xf32, #tpu.memory_space<vmem_shared>>
      %dma_wait3A_40 = arith.constant 0 : i32
      %dma_wait3A_41 = tpu.memref_slice %arg10[%add3A_15, %dma_wait3A_40] : memref<10240x128xf32, #tpu.memory_space<vmem_shared>> -> memref<128x128xf32, #tpu.memory_space<vmem_shared>>
      tpu.wait_dma2 semaphore(%run_scoped3A_34 : memref<!tpu.dma_semaphore, #tpu.memory_space<semaphore_mem>>) src(%arg6 : memref<128x128xf32, #tpu.memory_space<vmem>>) dst(%dma_wait3A_41 : memref<128x128xf32, #tpu.memory_space<vmem_shared>>)
      tpu.yield
    }) : () -> ()
    %mul3A_16 = arith.constant 640 : i32
    %mul3A_17 = arith.muli %arg1, %mul3A_16 : i32
    %add3A_18 = arith.constant 512 : i32
    %add3A_19 = arith.addi %mul3A_17, %add3A_18 : i32
    "tpu.region"() ({
      %run_scoped3A_34 = tpu.sem_alloc : memref<!tpu.dma_semaphore, #tpu.memory_space<semaphore_mem>>
      %dma_start3A_35 = arith.constant 0 : i32
      %dma_start3A_36 = tpu.memref_slice %arg10[%add3A_19, %dma_start3A_35] : memref<10240x128xf32, #tpu.memory_space<vmem_shared>> -> memref<128x128xf32, #tpu.memory_space<vmem_shared>>
      %dma_start3A_37 = arith.constant 0 : i32
      %dma_start3A_38 = tpu.memref_slice %arg10[%add3A_19, %dma_start3A_37] : memref<10240x128xf32, #tpu.memory_space<vmem_shared>> -> memref<128x128xf32, #tpu.memory_space<vmem_shared>>
      tpu.enqueue_dma source(%arg6 : memref<128x128xf32, #tpu.memory_space<vmem>>) target(%dma_start3A_38 : memref<128x128xf32, #tpu.memory_space<vmem_shared>>) target_semaphore(%run_scoped3A_34 : memref<!tpu.dma_semaphore, #tpu.memory_space<semaphore_mem>>)
      %dma_wait3A = arith.constant 0 : i32
      %dma_wait3A_39 = tpu.memref_slice %arg10[%add3A_19, %dma_wait3A] : memref<10240x128xf32, #tpu.memory_space<vmem_shared>> -> memref<128x128xf32, #tpu.memory_space<vmem_shared>>
      %dma_wait3A_40 = arith.constant 0 : i32
      %dma_wait3A_41 = tpu.memref_slice %arg10[%add3A_19, %dma_wait3A_40] : memref<10240x128xf32, #tpu.memory_space<vmem_shared>> -> memref<128x128xf32, #tpu.memory_space<vmem_shared>>
      tpu.wait_dma2 semaphore(%run_scoped3A_34 : memref<!tpu.dma_semaphore, #tpu.memory_space<semaphore_mem>>) src(%arg6 : memref<128x128xf32, #tpu.memory_space<vmem>>) dst(%dma_wait3A_41 : memref<128x128xf32, #tpu.memory_space<vmem_shared>>)
      tpu.yield
    }) : () -> ()
    %barrier3A = arith.constant 0 : index
    tpu.barrier barrier_id(%barrier3A)
    %mul3A_20 = arith.constant 128 : i32
    %mul3A_21 = arith.muli %arg1, %mul3A_20 : i32
    %run_scoped3A = arith.constant 0 : i32
    "tpu.region"() ({
      %run_scoped3A_34 = tpu.sem_alloc : memref<!tpu.dma_semaphore, #tpu.memory_space<semaphore_mem>>
      %dma_start3A_35 = arith.constant 0 : i32
      %dma_start3A_36 = tpu.memref_slice %arg8[%run_scoped3A, %dma_start3A_35] : memref<1x128xi32, #tpu.memory_space<vmem>> -> memref<1x128xi32, #tpu.memory_space<vmem>>
      %dma_start3A_37 = tpu.memref_squeeze %dma_start3A_36 : memref<1x128xi32, #tpu.memory_space<vmem>> -> memref<128xi32, #tpu.memory_space<vmem>>
      %dma_start3A_38 = tpu.memref_slice %arg3[%mul3A_21] : memref<160000xi32, #tpu.memory_space<hbm>> -> memref<128xi32, #tpu.memory_space<hbm>>
      %dma_start3A_39 = arith.constant 0 : i32
      %dma_start3A_40 = tpu.memref_slice %arg8[%run_scoped3A, %dma_start3A_39] : memref<1x128xi32, #tpu.memory_space<vmem>> -> memref<1x128xi32, #tpu.memory_space<vmem>>
      %dma_start3A_41 = tpu.memref_squeeze %dma_start3A_40 : memref<1x128xi32, #tpu.memory_space<vmem>> -> memref<128xi32, #tpu.memory_space<vmem>>
      %dma_start3A_42 = tpu.memref_slice %arg3[%mul3A_21] : memref<160000xi32, #tpu.memory_space<hbm>> -> memref<128xi32, #tpu.memory_space<hbm>>
      tpu.enqueue_dma source(%dma_start3A_42 : memref<128xi32, #tpu.memory_space<hbm>>) target(%dma_start3A_41 : memref<128xi32, #tpu.memory_space<vmem>>) target_semaphore(%run_scoped3A_34 : memref<!tpu.dma_semaphore, #tpu.memory_space<semaphore_mem>>)
      %dma_wait3A = arith.constant 0 : i32
      %dma_wait3A_43 = tpu.memref_slice %arg8[%run_scoped3A, %dma_wait3A] : memref<1x128xi32, #tpu.memory_space<vmem>> -> memref<1x128xi32, #tpu.memory_space<vmem>>
      %dma_wait3A_44 = tpu.memref_squeeze %dma_wait3A_43 : memref<1x128xi32, #tpu.memory_space<vmem>> -> memref<128xi32, #tpu.memory_space<vmem>>
      %dma_wait3A_45 = tpu.memref_slice %arg3[%mul3A_21] : memref<160000xi32, #tpu.memory_space<hbm>> -> memref<128xi32, #tpu.memory_space<hbm>>
      %dma_wait3A_46 = arith.constant 0 : i32
      %dma_wait3A_47 = tpu.memref_slice %arg8[%run_scoped3A, %dma_wait3A_46] : memref<1x128xi32, #tpu.memory_space<vmem>> -> memref<1x128xi32, #tpu.memory_space<vmem>>
      %dma_wait3A_48 = tpu.memref_squeeze %dma_wait3A_47 : memref<1x128xi32, #tpu.memory_space<vmem>> -> memref<128xi32, #tpu.memory_space<vmem>>
      %dma_wait3A_49 = tpu.memref_slice %arg3[%mul3A_21] : memref<160000xi32, #tpu.memory_space<hbm>> -> memref<128xi32, #tpu.memory_space<hbm>>
      tpu.wait_dma2 semaphore(%run_scoped3A_34 : memref<!tpu.dma_semaphore, #tpu.memory_space<semaphore_mem>>) src(%dma_wait3A_49 : memref<128xi32, #tpu.memory_space<hbm>>) dst(%dma_wait3A_48 : memref<128xi32, #tpu.memory_space<vmem>>)
      tpu.yield
    }) : () -> ()
    %dma_start3A = tpu.memref_slice %arg2[%mul3A_21, %mul3A_0] : memref<160000x256xf32, #tpu.memory_space<hbm>> -> memref<128x128xf32, #tpu.memory_space<hbm>>
    %dma_start3A_22 = tpu.memref_slice %arg2[%mul3A_21, %mul3A_0] : memref<160000x256xf32, #tpu.memory_space<hbm>> -> memref<128x128xf32, #tpu.memory_space<hbm>>
    tpu.enqueue_dma source(%dma_start3A_22 : memref<128x128xf32, #tpu.memory_space<hbm>>) target(%arg6 : memref<128x128xf32, #tpu.memory_space<vmem>>) target_semaphore(%arg11 : memref<!tpu.dma_semaphore, #tpu.memory_space<semaphore_mem>>)
    %scan3A = arith.constant 0 : i32
    %scan3A_23 = arith.constant 0 : i32
    %scan3A_24 = arith.constant 40 : i32
    %scan3A_25 = arith.addi %scan3A_23, %scan3A_24 : i32
    %scan3A_26 = arith.constant 1 : i32
    %scan3A_27 = scf.for %scan3A_34 = %scan3A_23 to %scan3A_25 step %scan3A_26 iter_args(%scan3A_35 = %scan3A) -> (i32)  : i32 {
      %mul3A_36 = arith.constant 2 : i32
      %mul3A_37 = arith.muli %mul3A_36, %scan3A_34 : i32
      %mul3A_38 = arith.constant 16 : i32
      %mul3A_39 = arith.muli %mul3A_37, %mul3A_38 : i32
      %add3A_40 = arith.addi %arg1, %mul3A_39 : i32
      %lt3A = arith.constant 1250 : i32
      %lt3A_41 = arith.cmpi slt, %add3A_40, %lt3A : i32
      %convert_element_type3A = arith.extui %lt3A_41 : i1 to i32
      %cond3A = arith.constant 0 : i32
      %cond3A_42 = arith.cmpi ne, %convert_element_type3A, %cond3A : i32
      scf.if %cond3A_42 {
        %add3A_54 = arith.constant 16 : i32
        %add3A_55 = arith.addi %add3A_40, %add3A_54 : i32
        %lt3A_56 = arith.constant 1250 : i32
        %lt3A_57 = arith.cmpi slt, %add3A_55, %lt3A_56 : i32
        %convert_element_type3A_58 = arith.extui %lt3A_57 : i1 to i32
        %cond3A_59 = arith.constant 0 : i32
        %cond3A_60 = arith.cmpi ne, %convert_element_type3A_58, %cond3A_59 : i32
        scf.if %cond3A_60 {
          %mul3A_65 = arith.constant 128 : i32
          %mul3A_66 = arith.muli %add3A_55, %mul3A_65 : i32
          %run_scoped3A_67 = arith.constant 0 : i32
          "tpu.region"() ({
            %run_scoped3A_70 = tpu.sem_alloc : memref<!tpu.dma_semaphore, #tpu.memory_space<semaphore_mem>>
            %dma_start3A_71 = arith.constant 0 : i32
            %dma_start3A_72 = tpu.memref_slice %arg9[%run_scoped3A_67, %dma_start3A_71] : memref<1x128xi32, #tpu.memory_space<vmem>> -> memref<1x128xi32, #tpu.memory_space<vmem>>
            %dma_start3A_73 = tpu.memref_squeeze %dma_start3A_72 : memref<1x128xi32, #tpu.memory_space<vmem>> -> memref<128xi32, #tpu.memory_space<vmem>>
            %dma_start3A_74 = tpu.memref_slice %arg3[%mul3A_66] : memref<160000xi32, #tpu.memory_space<hbm>> -> memref<128xi32, #tpu.memory_space<hbm>>
            %dma_start3A_75 = arith.constant 0 : i32
            %dma_start3A_76 = tpu.memref_slice %arg9[%run_scoped3A_67, %dma_start3A_75] : memref<1x128xi32, #tpu.memory_space<vmem>> -> memref<1x128xi32, #tpu.memory_space<vmem>>
            %dma_start3A_77 = tpu.memref_squeeze %dma_start3A_76 : memref<1x128xi32, #tpu.memory_space<vmem>> -> memref<128xi32, #tpu.memory_space<vmem>>
            %dma_start3A_78 = tpu.memref_slice %arg3[%mul3A_66] : memref<160000xi32, #tpu.memory_space<hbm>> -> memref<128xi32, #tpu.memory_space<hbm>>
            tpu.enqueue_dma source(%dma_start3A_78 : memref<128xi32, #tpu.memory_space<hbm>>) target(%dma_start3A_77 : memref<128xi32, #tpu.memory_space<vmem>>) target_semaphore(%run_scoped3A_70 : memref<!tpu.dma_semaphore, #tpu.memory_space<semaphore_mem>>)
            %dma_wait3A_79 = arith.constant 0 : i32
            %dma_wait3A_80 = tpu.memref_slice %arg9[%run_scoped3A_67, %dma_wait3A_79] : memref<1x128xi32, #tpu.memory_space<vmem>> -> memref<1x128xi32, #tpu.memory_space<vmem>>
            %dma_wait3A_81 = tpu.memref_squeeze %dma_wait3A_80 : memref<1x128xi32, #tpu.memory_space<vmem>> -> memref<128xi32, #tpu.memory_space<vmem>>
            %dma_wait3A_82 = tpu.memref_slice %arg3[%mul3A_66] : memref<160000xi32, #tpu.memory_space<hbm>> -> memref<128xi32, #tpu.memory_space<hbm>>
            %dma_wait3A_83 = arith.constant 0 : i32
            %dma_wait3A_84 = tpu.memref_slice %arg9[%run_scoped3A_67, %dma_wait3A_83] : memref<1x128xi32, #tpu.memory_space<vmem>> -> memref<1x128xi32, #tpu.memory_space<vmem>>
            %dma_wait3A_85 = tpu.memref_squeeze %dma_wait3A_84 : memref<1x128xi32, #tpu.memory_space<vmem>> -> memref<128xi32, #tpu.memory_space<vmem>>
            %dma_wait3A_86 = tpu.memref_slice %arg3[%mul3A_66] : memref<160000xi32, #tpu.memory_space<hbm>> -> memref<128xi32, #tpu.memory_space<hbm>>
            tpu.wait_dma2 semaphore(%run_scoped3A_70 : memref<!tpu.dma_semaphore, #tpu.memory_space<semaphore_mem>>) src(%dma_wait3A_86 : memref<128xi32, #tpu.memory_space<hbm>>) dst(%dma_wait3A_85 : memref<128xi32, #tpu.memory_space<vmem>>)
            tpu.yield
          }) : () -> ()
          %dma_start3A_68 = tpu.memref_slice %arg2[%mul3A_66, %mul3A_0] : memref<160000x256xf32, #tpu.memory_space<hbm>> -> memref<128x128xf32, #tpu.memory_space<hbm>>
          %dma_start3A_69 = tpu.memref_slice %arg2[%mul3A_66, %mul3A_0] : memref<160000x256xf32, #tpu.memory_space<hbm>> -> memref<128x128xf32, #tpu.memory_space<hbm>>
          tpu.enqueue_dma source(%dma_start3A_69 : memref<128x128xf32, #tpu.memory_space<hbm>>) target(%arg7 : memref<128x128xf32, #tpu.memory_space<vmem>>) target_semaphore(%arg12 : memref<!tpu.dma_semaphore, #tpu.memory_space<semaphore_mem>>)
        } else {
        }
        %mul3A_61 = arith.constant 128 : i32
        %mul3A_62 = arith.muli %add3A_40, %mul3A_61 : i32
        %dma_wait3A = tpu.memref_slice %arg2[%mul3A_62, %mul3A_0] : memref<160000x256xf32, #tpu.memory_space<hbm>> -> memref<128x128xf32, #tpu.memory_space<hbm>>
        %dma_wait3A_63 = tpu.memref_slice %arg2[%mul3A_62, %mul3A_0] : memref<160000x256xf32, #tpu.memory_space<hbm>> -> memref<128x128xf32, #tpu.memory_space<hbm>>
        tpu.wait_dma2 semaphore(%arg11 : memref<!tpu.dma_semaphore, #tpu.memory_space<semaphore_mem>>) src(%dma_wait3A_63 : memref<128x128xf32, #tpu.memory_space<hbm>>) dst(%arg6 : memref<128x128xf32, #tpu.memory_space<vmem>>)
        %run_scoped3A_64 = arith.constant 0 : i32
        "tpu.region"() ({
          %run_scoped3A_65 = tpu.sem_alloc : memref<!tpu.dma_semaphore, #tpu.memory_space<semaphore_mem>>
          %dma_start3A_66 = arith.constant 0 : i32
          %dma_start3A_67 = tpu.memref_slice %arg8[%run_scoped3A_64, %dma_start3A_66] : memref<1x128xi32, #tpu.memory_space<vmem>> -> memref<1x128xi32, #tpu.memory_space<vmem>>
          %dma_start3A_68 = tpu.memref_squeeze %dma_start3A_67 : memref<1x128xi32, #tpu.memory_space<vmem>> -> memref<128xi32, #tpu.memory_space<vmem>>
          %dma_start3A_69 = arith.constant 0 : i32
          %dma_start3A_70 = arith.constant 0 : i32
          %dma_start3A_71 = tpu.memref_slice %arg10[%dma_start3A_69, %dma_start3A_70] : memref<10240x128xf32, #tpu.memory_space<vmem_shared>> -> memref<10240x128xf32, #tpu.memory_space<vmem_shared>>
          tpu.enqueue_indirect_dma source(%arg6 : memref<128x128xf32, #tpu.memory_space<vmem>>) target(%dma_start3A_71 : memref<10240x128xf32, #tpu.memory_space<vmem_shared>>) offsets(%dma_start3A_68 : memref<128xi32, #tpu.memory_space<vmem>>) semaphore(%run_scoped3A_65 : memref<!tpu.dma_semaphore, #tpu.memory_space<semaphore_mem>>) {add = true}
          %dma_wait3A_72 = arith.constant 0 : i32
          %dma_wait3A_73 = tpu.memref_slice %arg8[%run_scoped3A_64, %dma_wait3A_72] : memref<1x128xi32, #tpu.memory_space<vmem>> -> memref<1x128xi32, #tpu.memory_space<vmem>>
          %dma_wait3A_74 = tpu.memref_squeeze %dma_wait3A_73 : memref<1x128xi32, #tpu.memory_space<vmem>> -> memref<128xi32, #tpu.memory_space<vmem>>
          %dma_wait3A_75 = arith.constant 0 : i32
          %dma_wait3A_76 = arith.constant 0 : i32
          %dma_wait3A_77 = tpu.memref_slice %arg10[%dma_wait3A_75, %dma_wait3A_76] : memref<10240x128xf32, #tpu.memory_space<vmem_shared>> -> memref<10240x128xf32, #tpu.memory_space<vmem_shared>>
          tpu.wait_indirect_dma semaphore(%run_scoped3A_65 : memref<!tpu.dma_semaphore, #tpu.memory_space<semaphore_mem>>) src(%arg6 : memref<128x128xf32, #tpu.memory_space<vmem>>) dst(%dma_wait3A_77 : memref<10240x128xf32, #tpu.memory_space<vmem_shared>>)
          tpu.yield
        }) : () -> ()
      } else {
      }
      %add3A_43 = arith.constant 1 : i32
      %add3A_44 = arith.addi %mul3A_37, %add3A_43 : i32
      %mul3A_45 = arith.constant 16 : i32
      %mul3A_46 = arith.muli %add3A_44, %mul3A_45 : i32
      %add3A_47 = arith.addi %arg1, %mul3A_46 : i32
      %lt3A_48 = arith.constant 1250 : i32
      %lt3A_49 = arith.cmpi slt, %add3A_47, %lt3A_48 : i32
      %convert_element_type3A_50 = arith.extui %lt3A_49 : i1 to i32
      %cond3A_51 = arith.constant 0 : i32
      %cond3A_52 = arith.cmpi ne, %convert_element_type3A_50, %cond3A_51 : i32
      scf.if %cond3A_52 {
        %add3A_54 = arith.constant 16 : i32
        %add3A_55 = arith.addi %add3A_47, %add3A_54 : i32
        %lt3A_56 = arith.constant 1250 : i32
        %lt3A_57 = arith.cmpi slt, %add3A_55, %lt3A_56 : i32
        %convert_element_type3A_58 = arith.extui %lt3A_57 : i1 to i32
        %cond3A_59 = arith.constant 0 : i32
        %cond3A_60 = arith.cmpi ne, %convert_element_type3A_58, %cond3A_59 : i32
        scf.if %cond3A_60 {
          %mul3A_65 = arith.constant 128 : i32
          %mul3A_66 = arith.muli %add3A_55, %mul3A_65 : i32
          %run_scoped3A_67 = arith.constant 0 : i32
          "tpu.region"() ({
            %run_scoped3A_70 = tpu.sem_alloc : memref<!tpu.dma_semaphore, #tpu.memory_space<semaphore_mem>>
            %dma_start3A_71 = arith.constant 0 : i32
            %dma_start3A_72 = tpu.memref_slice %arg8[%run_scoped3A_67, %dma_start3A_71] : memref<1x128xi32, #tpu.memory_space<vmem>> -> memref<1x128xi32, #tpu.memory_space<vmem>>
            %dma_start3A_73 = tpu.memref_squeeze %dma_start3A_72 : memref<1x128xi32, #tpu.memory_space<vmem>> -> memref<128xi32, #tpu.memory_space<vmem>>
            %dma_start3A_74 = tpu.memref_slice %arg3[%mul3A_66] : memref<160000xi32, #tpu.memory_space<hbm>> -> memref<128xi32, #tpu.memory_space<hbm>>
            %dma_start3A_75 = arith.constant 0 : i32
            %dma_start3A_76 = tpu.memref_slice %arg8[%run_scoped3A_67, %dma_start3A_75] : memref<1x128xi32, #tpu.memory_space<vmem>> -> memref<1x128xi32, #tpu.memory_space<vmem>>
            %dma_start3A_77 = tpu.memref_squeeze %dma_start3A_76 : memref<1x128xi32, #tpu.memory_space<vmem>> -> memref<128xi32, #tpu.memory_space<vmem>>
            %dma_start3A_78 = tpu.memref_slice %arg3[%mul3A_66] : memref<160000xi32, #tpu.memory_space<hbm>> -> memref<128xi32, #tpu.memory_space<hbm>>
            tpu.enqueue_dma source(%dma_start3A_78 : memref<128xi32, #tpu.memory_space<hbm>>) target(%dma_start3A_77 : memref<128xi32, #tpu.memory_space<vmem>>) target_semaphore(%run_scoped3A_70 : memref<!tpu.dma_semaphore, #tpu.memory_space<semaphore_mem>>)
            %dma_wait3A_79 = arith.constant 0 : i32
            %dma_wait3A_80 = tpu.memref_slice %arg8[%run_scoped3A_67, %dma_wait3A_79] : memref<1x128xi32, #tpu.memory_space<vmem>> -> memref<1x128xi32, #tpu.memory_space<vmem>>
            %dma_wait3A_81 = tpu.memref_squeeze %dma_wait3A_80 : memref<1x128xi32, #tpu.memory_space<vmem>> -> memref<128xi32, #tpu.memory_space<vmem>>
            %dma_wait3A_82 = tpu.memref_slice %arg3[%mul3A_66] : memref<160000xi32, #tpu.memory_space<hbm>> -> memref<128xi32, #tpu.memory_space<hbm>>
            %dma_wait3A_83 = arith.constant 0 : i32
            %dma_wait3A_84 = tpu.memref_slice %arg8[%run_scoped3A_67, %dma_wait3A_83] : memref<1x128xi32, #tpu.memory_space<vmem>> -> memref<1x128xi32, #tpu.memory_space<vmem>>
            %dma_wait3A_85 = tpu.memref_squeeze %dma_wait3A_84 : memref<1x128xi32, #tpu.memory_space<vmem>> -> memref<128xi32, #tpu.memory_space<vmem>>
            %dma_wait3A_86 = tpu.memref_slice %arg3[%mul3A_66] : memref<160000xi32, #tpu.memory_space<hbm>> -> memref<128xi32, #tpu.memory_space<hbm>>
            tpu.wait_dma2 semaphore(%run_scoped3A_70 : memref<!tpu.dma_semaphore, #tpu.memory_space<semaphore_mem>>) src(%dma_wait3A_86 : memref<128xi32, #tpu.memory_space<hbm>>) dst(%dma_wait3A_85 : memref<128xi32, #tpu.memory_space<vmem>>)
            tpu.yield
          }) : () -> ()
          %dma_start3A_68 = tpu.memref_slice %arg2[%mul3A_66, %mul3A_0] : memref<160000x256xf32, #tpu.memory_space<hbm>> -> memref<128x128xf32, #tpu.memory_space<hbm>>
          %dma_start3A_69 = tpu.memref_slice %arg2[%mul3A_66, %mul3A_0] : memref<160000x256xf32, #tpu.memory_space<hbm>> -> memref<128x128xf32, #tpu.memory_space<hbm>>
          tpu.enqueue_dma source(%dma_start3A_69 : memref<128x128xf32, #tpu.memory_space<hbm>>) target(%arg6 : memref<128x128xf32, #tpu.memory_space<vmem>>) target_semaphore(%arg11 : memref<!tpu.dma_semaphore, #tpu.memory_space<semaphore_mem>>)
        } else {
        }
        %mul3A_61 = arith.constant 128 : i32
        %mul3A_62 = arith.muli %add3A_47, %mul3A_61 : i32
        %dma_wait3A = tpu.memref_slice %arg2[%mul3A_62, %mul3A_0] : memref<160000x256xf32, #tpu.memory_space<hbm>> -> memref<128x128xf32, #tpu.memory_space<hbm>>
        %dma_wait3A_63 = tpu.memref_slice %arg2[%mul3A_62, %mul3A_0] : memref<160000x256xf32, #tpu.memory_space<hbm>> -> memref<128x128xf32, #tpu.memory_space<hbm>>
        tpu.wait_dma2 semaphore(%arg12 : memref<!tpu.dma_semaphore, #tpu.memory_space<semaphore_mem>>) src(%dma_wait3A_63 : memref<128x128xf32, #tpu.memory_space<hbm>>) dst(%arg7 : memref<128x128xf32, #tpu.memory_space<vmem>>)
        %run_scoped3A_64 = arith.constant 0 : i32
        "tpu.region"() ({
          %run_scoped3A_65 = tpu.sem_alloc : memref<!tpu.dma_semaphore, #tpu.memory_space<semaphore_mem>>
          %dma_start3A_66 = arith.constant 0 : i32
          %dma_start3A_67 = tpu.memref_slice %arg9[%run_scoped3A_64, %dma_start3A_66] : memref<1x128xi32, #tpu.memory_space<vmem>> -> memref<1x128xi32, #tpu.memory_space<vmem>>
          %dma_start3A_68 = tpu.memref_squeeze %dma_start3A_67 : memref<1x128xi32, #tpu.memory_space<vmem>> -> memref<128xi32, #tpu.memory_space<vmem>>
          %dma_start3A_69 = arith.constant 0 : i32
          %dma_start3A_70 = arith.constant 0 : i32
          %dma_start3A_71 = tpu.memref_slice %arg10[%dma_start3A_69, %dma_start3A_70] : memref<10240x128xf32, #tpu.memory_space<vmem_shared>> -> memref<10240x128xf32, #tpu.memory_space<vmem_shared>>
          tpu.enqueue_indirect_dma source(%arg7 : memref<128x128xf32, #tpu.memory_space<vmem>>) target(%dma_start3A_71 : memref<10240x128xf32, #tpu.memory_space<vmem_shared>>) offsets(%dma_start3A_68 : memref<128xi32, #tpu.memory_space<vmem>>) semaphore(%run_scoped3A_65 : memref<!tpu.dma_semaphore, #tpu.memory_space<semaphore_mem>>) {add = true}
          %dma_wait3A_72 = arith.constant 0 : i32
          %dma_wait3A_73 = tpu.memref_slice %arg9[%run_scoped3A_64, %dma_wait3A_72] : memref<1x128xi32, #tpu.memory_space<vmem>> -> memref<1x128xi32, #tpu.memory_space<vmem>>
          %dma_wait3A_74 = tpu.memref_squeeze %dma_wait3A_73 : memref<1x128xi32, #tpu.memory_space<vmem>> -> memref<128xi32, #tpu.memory_space<vmem>>
          %dma_wait3A_75 = arith.constant 0 : i32
          %dma_wait3A_76 = arith.constant 0 : i32
          %dma_wait3A_77 = tpu.memref_slice %arg10[%dma_wait3A_75, %dma_wait3A_76] : memref<10240x128xf32, #tpu.memory_space<vmem_shared>> -> memref<10240x128xf32, #tpu.memory_space<vmem_shared>>
          tpu.wait_indirect_dma semaphore(%run_scoped3A_65 : memref<!tpu.dma_semaphore, #tpu.memory_space<semaphore_mem>>) src(%arg7 : memref<128x128xf32, #tpu.memory_space<vmem>>) dst(%dma_wait3A_77 : memref<10240x128xf32, #tpu.memory_space<vmem_shared>>)
          tpu.yield
        }) : () -> ()
      } else {
      }
      %scan3A_53 = arith.constant 0 : i32
      scf.yield %scan3A_53 : i32
    }
    %scan3A_28 = arith.constant 40 : i32
    %barrier3A_29 = arith.constant 0 : index
    tpu.barrier barrier_id(%barrier3A_29)
    %mul3A_30 = arith.constant 640 : i32
    %mul3A_31 = arith.muli %arg1, %mul3A_30 : i32
    %mul3A_32 = arith.constant 640 : i32
    %mul3A_33 = arith.muli %arg1, %mul3A_32 : i32
    "tpu.region"() ({
      %run_scoped3A_34 = tpu.sem_alloc : memref<!tpu.dma_semaphore, #tpu.memory_space<semaphore_mem>>
      %dma_start3A_35 = tpu.memref_slice %arg5[%mul3A_33, %mul3A_0] : memref<10240x256xf32, #tpu.memory_space<hbm>> -> memref<640x128xf32, #tpu.memory_space<hbm>>
      %dma_start3A_36 = arith.constant 0 : i32
      %dma_start3A_37 = tpu.memref_slice %arg10[%mul3A_31, %dma_start3A_36] : memref<10240x128xf32, #tpu.memory_space<vmem_shared>> -> memref<640x128xf32, #tpu.memory_space<vmem_shared>>
      tpu.enqueue_dma source(%dma_start3A_37 : memref<640x128xf32, #tpu.memory_space<vmem_shared>>) target(%dma_start3A_35 : memref<640x128xf32, #tpu.memory_space<hbm>>) target_semaphore(%run_scoped3A_34 : memref<!tpu.dma_semaphore, #tpu.memory_space<semaphore_mem>>)
      %dma_wait3A = tpu.memref_slice %arg5[%mul3A_33, %mul3A_0] : memref<10240x256xf32, #tpu.memory_space<hbm>> -> memref<640x128xf32, #tpu.memory_space<hbm>>
      %dma_wait3A_38 = arith.constant 0 : i32
      %dma_wait3A_39 = tpu.memref_slice %arg10[%mul3A_31, %dma_wait3A_38] : memref<10240x128xf32, #tpu.memory_space<vmem_shared>> -> memref<640x128xf32, #tpu.memory_space<vmem_shared>>
      tpu.wait_dma2 semaphore(%run_scoped3A_34 : memref<!tpu.dma_semaphore, #tpu.memory_space<semaphore_mem>>) src(%dma_wait3A_39 : memref<640x128xf32, #tpu.memory_space<vmem_shared>>) dst(%dma_wait3A : memref<640x128xf32, #tpu.memory_space<hbm>>)
      tpu.yield
    }) : () -> ()
    return
  }
}

#map = affine_map<(d0, d1) -> (0, 0)>
#map1 = affine_map<(d0, d1) -> (0)>
module attributes {stable_mosaic.version = 14 : i64} {
  func.func @sc_gather_rows(%arg0: i32, %arg1: i32, %arg2: memref<10240x256xf32, #tpu.memory_space<hbm>>, %arg3: memref<160000xi32, #tpu.memory_space<hbm>>, %arg4: memref<160000x256xf32, #tpu.memory_space<hbm>>, %arg5: memref<128xi32, #tpu.memory_space<vmem>>, %arg6: memref<128xi32, #tpu.memory_space<vmem>>, %arg7: memref<128x256xf32, #tpu.memory_space<vmem>>, %arg8: memref<128x256xf32, #tpu.memory_space<vmem>>, %arg9: memref<!tpu.dma_semaphore, #tpu.memory_space<semaphore_mem>>, %arg10: memref<!tpu.dma_semaphore, #tpu.memory_space<semaphore_mem>>) attributes {dimension_semantics = [#tpu.dimension_semantics<core_parallel>, #tpu.dimension_semantics<subcore_parallel>], iteration_bounds = array<i64: 2, 16>, scalar_prefetch = 0 : i64, scratch_operands = 6 : i64, tpu.core_type = #tpu.core_type<sc_vector_subcore>, window_params = [{transform_indices = #map}, {transform_indices = #map1}, {transform_indices = #map}]} {
    %mul3A = arith.constant 2 : i32
    %mul3A_0 = arith.muli %arg1, %mul3A : i32
    %add3A = arith.addi %mul3A_0, %arg0 : i32
    %mul3A_1 = arith.constant 128 : i32
    %mul3A_2 = arith.muli %add3A, %mul3A_1 : i32
    "tpu.region"() ({
      %run_scoped3A = tpu.sem_alloc : memref<!tpu.dma_semaphore, #tpu.memory_space<semaphore_mem>>
      %dma_start3A_11 = tpu.memref_slice %arg3[%mul3A_2] : memref<160000xi32, #tpu.memory_space<hbm>> -> memref<128xi32, #tpu.memory_space<hbm>>
      %dma_start3A_12 = tpu.memref_slice %arg3[%mul3A_2] : memref<160000xi32, #tpu.memory_space<hbm>> -> memref<128xi32, #tpu.memory_space<hbm>>
      tpu.enqueue_dma source(%dma_start3A_12 : memref<128xi32, #tpu.memory_space<hbm>>) target(%arg5 : memref<128xi32, #tpu.memory_space<vmem>>) target_semaphore(%run_scoped3A : memref<!tpu.dma_semaphore, #tpu.memory_space<semaphore_mem>>)
      %dma_wait3A = tpu.memref_slice %arg3[%mul3A_2] : memref<160000xi32, #tpu.memory_space<hbm>> -> memref<128xi32, #tpu.memory_space<hbm>>
      %dma_wait3A_13 = tpu.memref_slice %arg3[%mul3A_2] : memref<160000xi32, #tpu.memory_space<hbm>> -> memref<128xi32, #tpu.memory_space<hbm>>
      tpu.wait_dma2 semaphore(%run_scoped3A : memref<!tpu.dma_semaphore, #tpu.memory_space<semaphore_mem>>) src(%dma_wait3A_13 : memref<128xi32, #tpu.memory_space<hbm>>) dst(%arg5 : memref<128xi32, #tpu.memory_space<vmem>>)
      tpu.yield
    }) : () -> ()
    %dma_start3A = arith.constant 0 : i32
    %dma_start3A_3 = arith.constant 0 : i32
    %dma_start3A_4 = tpu.memref_slice %arg2[%dma_start3A, %dma_start3A_3] : memref<10240x256xf32, #tpu.memory_space<hbm>> -> memref<10240x256xf32, #tpu.memory_space<hbm>>
    tpu.enqueue_indirect_dma source(%dma_start3A_4 : memref<10240x256xf32, #tpu.memory_space<hbm>>) target(%arg7 : memref<128x256xf32, #tpu.memory_space<vmem>>) offsets(%arg5 : memref<128xi32, #tpu.memory_space<vmem>>) semaphore(%arg9 : memref<!tpu.dma_semaphore, #tpu.memory_space<semaphore_mem>>)
    %scan3A = arith.constant 0 : i32
    %scan3A_5 = arith.constant 0 : i32
    %scan3A_6 = arith.constant 20 : i32
    %scan3A_7 = arith.addi %scan3A_5, %scan3A_6 : i32
    %scan3A_8 = arith.constant 1 : i32
    %scan3A_9 = scf.for %scan3A_11 = %scan3A_5 to %scan3A_7 step %scan3A_8 iter_args(%scan3A_12 = %scan3A) -> (i32)  : i32 {
      %mul3A_13 = arith.constant 2 : i32
      %mul3A_14 = arith.muli %mul3A_13, %scan3A_11 : i32
      %mul3A_15 = arith.constant 32 : i32
      %mul3A_16 = arith.muli %mul3A_14, %mul3A_15 : i32
      %add3A_17 = arith.addi %add3A, %mul3A_16 : i32
      %lt3A = arith.constant 1250 : i32
      %lt3A_18 = arith.cmpi slt, %add3A_17, %lt3A : i32
      %convert_element_type3A = arith.extui %lt3A_18 : i1 to i32
      %cond3A = arith.constant 0 : i32
      %cond3A_19 = arith.cmpi ne, %convert_element_type3A, %cond3A : i32
      scf.if %cond3A_19 {
        %add3A_31 = arith.constant 32 : i32
        %add3A_32 = arith.addi %add3A_17, %add3A_31 : i32
        %lt3A_33 = arith.constant 1250 : i32
        %lt3A_34 = arith.cmpi slt, %add3A_32, %lt3A_33 : i32
        %convert_element_type3A_35 = arith.extui %lt3A_34 : i1 to i32
        %cond3A_36 = arith.constant 0 : i32
        %cond3A_37 = arith.cmpi ne, %convert_element_type3A_35, %cond3A_36 : i32
        scf.if %cond3A_37 {
          %mul3A_42 = arith.constant 128 : i32
          %mul3A_43 = arith.muli %add3A_32, %mul3A_42 : i32
          "tpu.region"() ({
            %run_scoped3A = tpu.sem_alloc : memref<!tpu.dma_semaphore, #tpu.memory_space<semaphore_mem>>
            %dma_start3A_47 = tpu.memref_slice %arg3[%mul3A_43] : memref<160000xi32, #tpu.memory_space<hbm>> -> memref<128xi32, #tpu.memory_space<hbm>>
            %dma_start3A_48 = tpu.memref_slice %arg3[%mul3A_43] : memref<160000xi32, #tpu.memory_space<hbm>> -> memref<128xi32, #tpu.memory_space<hbm>>
            tpu.enqueue_dma source(%dma_start3A_48 : memref<128xi32, #tpu.memory_space<hbm>>) target(%arg6 : memref<128xi32, #tpu.memory_space<vmem>>) target_semaphore(%run_scoped3A : memref<!tpu.dma_semaphore, #tpu.memory_space<semaphore_mem>>)
            %dma_wait3A_49 = tpu.memref_slice %arg3[%mul3A_43] : memref<160000xi32, #tpu.memory_space<hbm>> -> memref<128xi32, #tpu.memory_space<hbm>>
            %dma_wait3A_50 = tpu.memref_slice %arg3[%mul3A_43] : memref<160000xi32, #tpu.memory_space<hbm>> -> memref<128xi32, #tpu.memory_space<hbm>>
            tpu.wait_dma2 semaphore(%run_scoped3A : memref<!tpu.dma_semaphore, #tpu.memory_space<semaphore_mem>>) src(%dma_wait3A_50 : memref<128xi32, #tpu.memory_space<hbm>>) dst(%arg6 : memref<128xi32, #tpu.memory_space<vmem>>)
            tpu.yield
          }) : () -> ()
          %dma_start3A_44 = arith.constant 0 : i32
          %dma_start3A_45 = arith.constant 0 : i32
          %dma_start3A_46 = tpu.memref_slice %arg2[%dma_start3A_44, %dma_start3A_45] : memref<10240x256xf32, #tpu.memory_space<hbm>> -> memref<10240x256xf32, #tpu.memory_space<hbm>>
          tpu.enqueue_indirect_dma source(%dma_start3A_46 : memref<10240x256xf32, #tpu.memory_space<hbm>>) target(%arg8 : memref<128x256xf32, #tpu.memory_space<vmem>>) offsets(%arg6 : memref<128xi32, #tpu.memory_space<vmem>>) semaphore(%arg10 : memref<!tpu.dma_semaphore, #tpu.memory_space<semaphore_mem>>)
        } else {
        }
        %dma_wait3A = arith.constant 0 : i32
        %dma_wait3A_38 = arith.constant 0 : i32
        %dma_wait3A_39 = tpu.memref_slice %arg2[%dma_wait3A, %dma_wait3A_38] : memref<10240x256xf32, #tpu.memory_space<hbm>> -> memref<10240x256xf32, #tpu.memory_space<hbm>>
        tpu.wait_indirect_dma semaphore(%arg9 : memref<!tpu.dma_semaphore, #tpu.memory_space<semaphore_mem>>) src(%dma_wait3A_39 : memref<10240x256xf32, #tpu.memory_space<hbm>>) dst(%arg7 : memref<128x256xf32, #tpu.memory_space<vmem>>)
        %mul3A_40 = arith.constant 128 : i32
        %mul3A_41 = arith.muli %add3A_17, %mul3A_40 : i32
        "tpu.region"() ({
          %run_scoped3A = tpu.sem_alloc : memref<!tpu.dma_semaphore, #tpu.memory_space<semaphore_mem>>
          %dma_start3A_42 = arith.constant 0 : i32
          %dma_start3A_43 = tpu.memref_slice %arg4[%mul3A_41, %dma_start3A_42] : memref<160000x256xf32, #tpu.memory_space<hbm>> -> memref<128x256xf32, #tpu.memory_space<hbm>>
          %dma_start3A_44 = arith.constant 0 : i32
          %dma_start3A_45 = tpu.memref_slice %arg4[%mul3A_41, %dma_start3A_44] : memref<160000x256xf32, #tpu.memory_space<hbm>> -> memref<128x256xf32, #tpu.memory_space<hbm>>
          tpu.enqueue_dma source(%arg7 : memref<128x256xf32, #tpu.memory_space<vmem>>) target(%dma_start3A_45 : memref<128x256xf32, #tpu.memory_space<hbm>>) target_semaphore(%run_scoped3A : memref<!tpu.dma_semaphore, #tpu.memory_space<semaphore_mem>>)
          %dma_wait3A_46 = arith.constant 0 : i32
          %dma_wait3A_47 = tpu.memref_slice %arg4[%mul3A_41, %dma_wait3A_46] : memref<160000x256xf32, #tpu.memory_space<hbm>> -> memref<128x256xf32, #tpu.memory_space<hbm>>
          %dma_wait3A_48 = arith.constant 0 : i32
          %dma_wait3A_49 = tpu.memref_slice %arg4[%mul3A_41, %dma_wait3A_48] : memref<160000x256xf32, #tpu.memory_space<hbm>> -> memref<128x256xf32, #tpu.memory_space<hbm>>
          tpu.wait_dma2 semaphore(%run_scoped3A : memref<!tpu.dma_semaphore, #tpu.memory_space<semaphore_mem>>) src(%arg7 : memref<128x256xf32, #tpu.memory_space<vmem>>) dst(%dma_wait3A_49 : memref<128x256xf32, #tpu.memory_space<hbm>>)
          tpu.yield
        }) : () -> ()
      } else {
      }
      %add3A_20 = arith.constant 1 : i32
      %add3A_21 = arith.addi %mul3A_14, %add3A_20 : i32
      %mul3A_22 = arith.constant 32 : i32
      %mul3A_23 = arith.muli %add3A_21, %mul3A_22 : i32
      %add3A_24 = arith.addi %add3A, %mul3A_23 : i32
      %lt3A_25 = arith.constant 1250 : i32
      %lt3A_26 = arith.cmpi slt, %add3A_24, %lt3A_25 : i32
      %convert_element_type3A_27 = arith.extui %lt3A_26 : i1 to i32
      %cond3A_28 = arith.constant 0 : i32
      %cond3A_29 = arith.cmpi ne, %convert_element_type3A_27, %cond3A_28 : i32
      scf.if %cond3A_29 {
        %add3A_31 = arith.constant 32 : i32
        %add3A_32 = arith.addi %add3A_24, %add3A_31 : i32
        %lt3A_33 = arith.constant 1250 : i32
        %lt3A_34 = arith.cmpi slt, %add3A_32, %lt3A_33 : i32
        %convert_element_type3A_35 = arith.extui %lt3A_34 : i1 to i32
        %cond3A_36 = arith.constant 0 : i32
        %cond3A_37 = arith.cmpi ne, %convert_element_type3A_35, %cond3A_36 : i32
        scf.if %cond3A_37 {
          %mul3A_42 = arith.constant 128 : i32
          %mul3A_43 = arith.muli %add3A_32, %mul3A_42 : i32
          "tpu.region"() ({
            %run_scoped3A = tpu.sem_alloc : memref<!tpu.dma_semaphore, #tpu.memory_space<semaphore_mem>>
            %dma_start3A_47 = tpu.memref_slice %arg3[%mul3A_43] : memref<160000xi32, #tpu.memory_space<hbm>> -> memref<128xi32, #tpu.memory_space<hbm>>
            %dma_start3A_48 = tpu.memref_slice %arg3[%mul3A_43] : memref<160000xi32, #tpu.memory_space<hbm>> -> memref<128xi32, #tpu.memory_space<hbm>>
            tpu.enqueue_dma source(%dma_start3A_48 : memref<128xi32, #tpu.memory_space<hbm>>) target(%arg5 : memref<128xi32, #tpu.memory_space<vmem>>) target_semaphore(%run_scoped3A : memref<!tpu.dma_semaphore, #tpu.memory_space<semaphore_mem>>)
            %dma_wait3A_49 = tpu.memref_slice %arg3[%mul3A_43] : memref<160000xi32, #tpu.memory_space<hbm>> -> memref<128xi32, #tpu.memory_space<hbm>>
            %dma_wait3A_50 = tpu.memref_slice %arg3[%mul3A_43] : memref<160000xi32, #tpu.memory_space<hbm>> -> memref<128xi32, #tpu.memory_space<hbm>>
            tpu.wait_dma2 semaphore(%run_scoped3A : memref<!tpu.dma_semaphore, #tpu.memory_space<semaphore_mem>>) src(%dma_wait3A_50 : memref<128xi32, #tpu.memory_space<hbm>>) dst(%arg5 : memref<128xi32, #tpu.memory_space<vmem>>)
            tpu.yield
          }) : () -> ()
          %dma_start3A_44 = arith.constant 0 : i32
          %dma_start3A_45 = arith.constant 0 : i32
          %dma_start3A_46 = tpu.memref_slice %arg2[%dma_start3A_44, %dma_start3A_45] : memref<10240x256xf32, #tpu.memory_space<hbm>> -> memref<10240x256xf32, #tpu.memory_space<hbm>>
          tpu.enqueue_indirect_dma source(%dma_start3A_46 : memref<10240x256xf32, #tpu.memory_space<hbm>>) target(%arg7 : memref<128x256xf32, #tpu.memory_space<vmem>>) offsets(%arg5 : memref<128xi32, #tpu.memory_space<vmem>>) semaphore(%arg9 : memref<!tpu.dma_semaphore, #tpu.memory_space<semaphore_mem>>)
        } else {
        }
        %dma_wait3A = arith.constant 0 : i32
        %dma_wait3A_38 = arith.constant 0 : i32
        %dma_wait3A_39 = tpu.memref_slice %arg2[%dma_wait3A, %dma_wait3A_38] : memref<10240x256xf32, #tpu.memory_space<hbm>> -> memref<10240x256xf32, #tpu.memory_space<hbm>>
        tpu.wait_indirect_dma semaphore(%arg10 : memref<!tpu.dma_semaphore, #tpu.memory_space<semaphore_mem>>) src(%dma_wait3A_39 : memref<10240x256xf32, #tpu.memory_space<hbm>>) dst(%arg8 : memref<128x256xf32, #tpu.memory_space<vmem>>)
        %mul3A_40 = arith.constant 128 : i32
        %mul3A_41 = arith.muli %add3A_24, %mul3A_40 : i32
        "tpu.region"() ({
          %run_scoped3A = tpu.sem_alloc : memref<!tpu.dma_semaphore, #tpu.memory_space<semaphore_mem>>
          %dma_start3A_42 = arith.constant 0 : i32
          %dma_start3A_43 = tpu.memref_slice %arg4[%mul3A_41, %dma_start3A_42] : memref<160000x256xf32, #tpu.memory_space<hbm>> -> memref<128x256xf32, #tpu.memory_space<hbm>>
          %dma_start3A_44 = arith.constant 0 : i32
          %dma_start3A_45 = tpu.memref_slice %arg4[%mul3A_41, %dma_start3A_44] : memref<160000x256xf32, #tpu.memory_space<hbm>> -> memref<128x256xf32, #tpu.memory_space<hbm>>
          tpu.enqueue_dma source(%arg8 : memref<128x256xf32, #tpu.memory_space<vmem>>) target(%dma_start3A_45 : memref<128x256xf32, #tpu.memory_space<hbm>>) target_semaphore(%run_scoped3A : memref<!tpu.dma_semaphore, #tpu.memory_space<semaphore_mem>>)
          %dma_wait3A_46 = arith.constant 0 : i32
          %dma_wait3A_47 = tpu.memref_slice %arg4[%mul3A_41, %dma_wait3A_46] : memref<160000x256xf32, #tpu.memory_space<hbm>> -> memref<128x256xf32, #tpu.memory_space<hbm>>
          %dma_wait3A_48 = arith.constant 0 : i32
          %dma_wait3A_49 = tpu.memref_slice %arg4[%mul3A_41, %dma_wait3A_48] : memref<160000x256xf32, #tpu.memory_space<hbm>> -> memref<128x256xf32, #tpu.memory_space<hbm>>
          tpu.wait_dma2 semaphore(%run_scoped3A : memref<!tpu.dma_semaphore, #tpu.memory_space<semaphore_mem>>) src(%arg8 : memref<128x256xf32, #tpu.memory_space<vmem>>) dst(%dma_wait3A_49 : memref<128x256xf32, #tpu.memory_space<hbm>>)
          tpu.yield
        }) : () -> ()
      } else {
      }
      %scan3A_30 = arith.constant 0 : i32
      scf.yield %scan3A_30 : i32
    }
    %scan3A_10 = arith.constant 20 : i32
    return
  }
}

#map = affine_map<(d0, d1) -> (0, 0)>
#map1 = affine_map<(d0, d1) -> (0)>
module attributes {stable_mosaic.version = 14 : i64} {
  func.func @sc_l1_aggregate(%arg0: i32, %arg1: i32, %arg2: memref<20480x128xf32, #tpu.memory_space<hbm>>, %arg3: memref<160000xf32, #tpu.memory_space<hbm>>, %arg4: memref<160000xi32, #tpu.memory_space<hbm>>, %arg5: memref<160000xi32, #tpu.memory_space<hbm>>, %arg6: memref<128x128xf32, #tpu.memory_space<hbm>>, %arg7: memref<10240x256xf32, #tpu.memory_space<hbm>>, %arg8: memref<128x128xf32, #tpu.memory_space<vmem>>, %arg9: memref<128x128xf32, #tpu.memory_space<vmem>>, %arg10: memref<1x128xi32, #tpu.memory_space<vmem>>, %arg11: memref<1x128xi32, #tpu.memory_space<vmem>>, %arg12: memref<1x128xi32, #tpu.memory_space<vmem>>, %arg13: memref<128xf32, #tpu.memory_space<vmem>>, %arg14: memref<10240x128xf32, #tpu.memory_space<vmem_shared>>, %arg15: memref<!tpu.dma_semaphore, #tpu.memory_space<semaphore_mem>>, %arg16: memref<!tpu.dma_semaphore, #tpu.memory_space<semaphore_mem>>) attributes {dimension_semantics = [#tpu.dimension_semantics<core_parallel>, #tpu.dimension_semantics<subcore_parallel>], iteration_bounds = array<i64: 2, 16>, scalar_prefetch = 0 : i64, scratch_operands = 9 : i64, tpu.core_type = #tpu.core_type<sc_vector_subcore>, window_params = [{transform_indices = #map}, {transform_indices = #map1}, {transform_indices = #map1}, {transform_indices = #map1}, {transform_indices = #map}, {transform_indices = #map}]} {
    %mul3A = arith.constant 128 : i32
    %mul3A_0 = arith.muli %arg0, %mul3A : i32
    %mul3A_1 = arith.constant 10240 : i32
    %mul3A_2 = arith.muli %arg0, %mul3A_1 : i32
    "tpu.region"() ({
      %run_scoped3A_119 = tpu.sem_alloc : memref<!tpu.dma_semaphore, #tpu.memory_space<semaphore_mem>>
      tpu.enqueue_dma source(%arg6 : memref<128x128xf32, #tpu.memory_space<hbm>>) target(%arg8 : memref<128x128xf32, #tpu.memory_space<vmem>>) target_semaphore(%run_scoped3A_119 : memref<!tpu.dma_semaphore, #tpu.memory_space<semaphore_mem>>)
      tpu.wait_dma2 semaphore(%run_scoped3A_119 : memref<!tpu.dma_semaphore, #tpu.memory_space<semaphore_mem>>) src(%arg6 : memref<128x128xf32, #tpu.memory_space<hbm>>) dst(%arg8 : memref<128x128xf32, #tpu.memory_space<vmem>>)
      tpu.yield
    }) : () -> ()
    %mul3A_3 = arith.constant 640 : i32
    %mul3A_4 = arith.muli %arg1, %mul3A_3 : i32
    %add3A = arith.constant 0 : i32
    %add3A_5 = arith.addi %mul3A_4, %add3A : i32
    "tpu.region"() ({
      %run_scoped3A_119 = tpu.sem_alloc : memref<!tpu.dma_semaphore, #tpu.memory_space<semaphore_mem>>
      %dma_start3A_120 = arith.constant 0 : i32
      %dma_start3A_121 = tpu.memref_slice %arg14[%add3A_5, %dma_start3A_120] : memref<10240x128xf32, #tpu.memory_space<vmem_shared>> -> memref<128x128xf32, #tpu.memory_space<vmem_shared>>
      %dma_start3A_122 = arith.constant 0 : i32
      %dma_start3A_123 = tpu.memref_slice %arg14[%add3A_5, %dma_start3A_122] : memref<10240x128xf32, #tpu.memory_space<vmem_shared>> -> memref<128x128xf32, #tpu.memory_space<vmem_shared>>
      tpu.enqueue_dma source(%arg8 : memref<128x128xf32, #tpu.memory_space<vmem>>) target(%dma_start3A_123 : memref<128x128xf32, #tpu.memory_space<vmem_shared>>) target_semaphore(%run_scoped3A_119 : memref<!tpu.dma_semaphore, #tpu.memory_space<semaphore_mem>>)
      %dma_wait3A = arith.constant 0 : i32
      %dma_wait3A_124 = tpu.memref_slice %arg14[%add3A_5, %dma_wait3A] : memref<10240x128xf32, #tpu.memory_space<vmem_shared>> -> memref<128x128xf32, #tpu.memory_space<vmem_shared>>
      %dma_wait3A_125 = arith.constant 0 : i32
      %dma_wait3A_126 = tpu.memref_slice %arg14[%add3A_5, %dma_wait3A_125] : memref<10240x128xf32, #tpu.memory_space<vmem_shared>> -> memref<128x128xf32, #tpu.memory_space<vmem_shared>>
      tpu.wait_dma2 semaphore(%run_scoped3A_119 : memref<!tpu.dma_semaphore, #tpu.memory_space<semaphore_mem>>) src(%arg8 : memref<128x128xf32, #tpu.memory_space<vmem>>) dst(%dma_wait3A_126 : memref<128x128xf32, #tpu.memory_space<vmem_shared>>)
      tpu.yield
    }) : () -> ()
    %mul3A_6 = arith.constant 640 : i32
    %mul3A_7 = arith.muli %arg1, %mul3A_6 : i32
    %add3A_8 = arith.constant 128 : i32
    %add3A_9 = arith.addi %mul3A_7, %add3A_8 : i32
    "tpu.region"() ({
      %run_scoped3A_119 = tpu.sem_alloc : memref<!tpu.dma_semaphore, #tpu.memory_space<semaphore_mem>>
      %dma_start3A_120 = arith.constant 0 : i32
      %dma_start3A_121 = tpu.memref_slice %arg14[%add3A_9, %dma_start3A_120] : memref<10240x128xf32, #tpu.memory_space<vmem_shared>> -> memref<128x128xf32, #tpu.memory_space<vmem_shared>>
      %dma_start3A_122 = arith.constant 0 : i32
      %dma_start3A_123 = tpu.memref_slice %arg14[%add3A_9, %dma_start3A_122] : memref<10240x128xf32, #tpu.memory_space<vmem_shared>> -> memref<128x128xf32, #tpu.memory_space<vmem_shared>>
      tpu.enqueue_dma source(%arg8 : memref<128x128xf32, #tpu.memory_space<vmem>>) target(%dma_start3A_123 : memref<128x128xf32, #tpu.memory_space<vmem_shared>>) target_semaphore(%run_scoped3A_119 : memref<!tpu.dma_semaphore, #tpu.memory_space<semaphore_mem>>)
      %dma_wait3A = arith.constant 0 : i32
      %dma_wait3A_124 = tpu.memref_slice %arg14[%add3A_9, %dma_wait3A] : memref<10240x128xf32, #tpu.memory_space<vmem_shared>> -> memref<128x128xf32, #tpu.memory_space<vmem_shared>>
      %dma_wait3A_125 = arith.constant 0 : i32
      %dma_wait3A_126 = tpu.memref_slice %arg14[%add3A_9, %dma_wait3A_125] : memref<10240x128xf32, #tpu.memory_space<vmem_shared>> -> memref<128x128xf32, #tpu.memory_space<vmem_shared>>
      tpu.wait_dma2 semaphore(%run_scoped3A_119 : memref<!tpu.dma_semaphore, #tpu.memory_space<semaphore_mem>>) src(%arg8 : memref<128x128xf32, #tpu.memory_space<vmem>>) dst(%dma_wait3A_126 : memref<128x128xf32, #tpu.memory_space<vmem_shared>>)
      tpu.yield
    }) : () -> ()
    %mul3A_10 = arith.constant 640 : i32
    %mul3A_11 = arith.muli %arg1, %mul3A_10 : i32
    %add3A_12 = arith.constant 256 : i32
    %add3A_13 = arith.addi %mul3A_11, %add3A_12 : i32
    "tpu.region"() ({
      %run_scoped3A_119 = tpu.sem_alloc : memref<!tpu.dma_semaphore, #tpu.memory_space<semaphore_mem>>
      %dma_start3A_120 = arith.constant 0 : i32
      %dma_start3A_121 = tpu.memref_slice %arg14[%add3A_13, %dma_start3A_120] : memref<10240x128xf32, #tpu.memory_space<vmem_shared>> -> memref<128x128xf32, #tpu.memory_space<vmem_shared>>
      %dma_start3A_122 = arith.constant 0 : i32
      %dma_start3A_123 = tpu.memref_slice %arg14[%add3A_13, %dma_start3A_122] : memref<10240x128xf32, #tpu.memory_space<vmem_shared>> -> memref<128x128xf32, #tpu.memory_space<vmem_shared>>
      tpu.enqueue_dma source(%arg8 : memref<128x128xf32, #tpu.memory_space<vmem>>) target(%dma_start3A_123 : memref<128x128xf32, #tpu.memory_space<vmem_shared>>) target_semaphore(%run_scoped3A_119 : memref<!tpu.dma_semaphore, #tpu.memory_space<semaphore_mem>>)
      %dma_wait3A = arith.constant 0 : i32
      %dma_wait3A_124 = tpu.memref_slice %arg14[%add3A_13, %dma_wait3A] : memref<10240x128xf32, #tpu.memory_space<vmem_shared>> -> memref<128x128xf32, #tpu.memory_space<vmem_shared>>
      %dma_wait3A_125 = arith.constant 0 : i32
      %dma_wait3A_126 = tpu.memref_slice %arg14[%add3A_13, %dma_wait3A_125] : memref<10240x128xf32, #tpu.memory_space<vmem_shared>> -> memref<128x128xf32, #tpu.memory_space<vmem_shared>>
      tpu.wait_dma2 semaphore(%run_scoped3A_119 : memref<!tpu.dma_semaphore, #tpu.memory_space<semaphore_mem>>) src(%arg8 : memref<128x128xf32, #tpu.memory_space<vmem>>) dst(%dma_wait3A_126 : memref<128x128xf32, #tpu.memory_space<vmem_shared>>)
      tpu.yield
    }) : () -> ()
    %mul3A_14 = arith.constant 640 : i32
    %mul3A_15 = arith.muli %arg1, %mul3A_14 : i32
    %add3A_16 = arith.constant 384 : i32
    %add3A_17 = arith.addi %mul3A_15, %add3A_16 : i32
    "tpu.region"() ({
      %run_scoped3A_119 = tpu.sem_alloc : memref<!tpu.dma_semaphore, #tpu.memory_space<semaphore_mem>>
      %dma_start3A_120 = arith.constant 0 : i32
      %dma_start3A_121 = tpu.memref_slice %arg14[%add3A_17, %dma_start3A_120] : memref<10240x128xf32, #tpu.memory_space<vmem_shared>> -> memref<128x128xf32, #tpu.memory_space<vmem_shared>>
      %dma_start3A_122 = arith.constant 0 : i32
      %dma_start3A_123 = tpu.memref_slice %arg14[%add3A_17, %dma_start3A_122] : memref<10240x128xf32, #tpu.memory_space<vmem_shared>> -> memref<128x128xf32, #tpu.memory_space<vmem_shared>>
      tpu.enqueue_dma source(%arg8 : memref<128x128xf32, #tpu.memory_space<vmem>>) target(%dma_start3A_123 : memref<128x128xf32, #tpu.memory_space<vmem_shared>>) target_semaphore(%run_scoped3A_119 : memref<!tpu.dma_semaphore, #tpu.memory_space<semaphore_mem>>)
      %dma_wait3A = arith.constant 0 : i32
      %dma_wait3A_124 = tpu.memref_slice %arg14[%add3A_17, %dma_wait3A] : memref<10240x128xf32, #tpu.memory_space<vmem_shared>> -> memref<128x128xf32, #tpu.memory_space<vmem_shared>>
      %dma_wait3A_125 = arith.constant 0 : i32
      %dma_wait3A_126 = tpu.memref_slice %arg14[%add3A_17, %dma_wait3A_125] : memref<10240x128xf32, #tpu.memory_space<vmem_shared>> -> memref<128x128xf32, #tpu.memory_space<vmem_shared>>
      tpu.wait_dma2 semaphore(%run_scoped3A_119 : memref<!tpu.dma_semaphore, #tpu.memory_space<semaphore_mem>>) src(%arg8 : memref<128x128xf32, #tpu.memory_space<vmem>>) dst(%dma_wait3A_126 : memref<128x128xf32, #tpu.memory_space<vmem_shared>>)
      tpu.yield
    }) : () -> ()
    %mul3A_18 = arith.constant 640 : i32
    %mul3A_19 = arith.muli %arg1, %mul3A_18 : i32
    %add3A_20 = arith.constant 512 : i32
    %add3A_21 = arith.addi %mul3A_19, %add3A_20 : i32
    "tpu.region"() ({
      %run_scoped3A_119 = tpu.sem_alloc : memref<!tpu.dma_semaphore, #tpu.memory_space<semaphore_mem>>
      %dma_start3A_120 = arith.constant 0 : i32
      %dma_start3A_121 = tpu.memref_slice %arg14[%add3A_21, %dma_start3A_120] : memref<10240x128xf32, #tpu.memory_space<vmem_shared>> -> memref<128x128xf32, #tpu.memory_space<vmem_shared>>
      %dma_start3A_122 = arith.constant 0 : i32
      %dma_start3A_123 = tpu.memref_slice %arg14[%add3A_21, %dma_start3A_122] : memref<10240x128xf32, #tpu.memory_space<vmem_shared>> -> memref<128x128xf32, #tpu.memory_space<vmem_shared>>
      tpu.enqueue_dma source(%arg8 : memref<128x128xf32, #tpu.memory_space<vmem>>) target(%dma_start3A_123 : memref<128x128xf32, #tpu.memory_space<vmem_shared>>) target_semaphore(%run_scoped3A_119 : memref<!tpu.dma_semaphore, #tpu.memory_space<semaphore_mem>>)
      %dma_wait3A = arith.constant 0 : i32
      %dma_wait3A_124 = tpu.memref_slice %arg14[%add3A_21, %dma_wait3A] : memref<10240x128xf32, #tpu.memory_space<vmem_shared>> -> memref<128x128xf32, #tpu.memory_space<vmem_shared>>
      %dma_wait3A_125 = arith.constant 0 : i32
      %dma_wait3A_126 = tpu.memref_slice %arg14[%add3A_21, %dma_wait3A_125] : memref<10240x128xf32, #tpu.memory_space<vmem_shared>> -> memref<128x128xf32, #tpu.memory_space<vmem_shared>>
      tpu.wait_dma2 semaphore(%run_scoped3A_119 : memref<!tpu.dma_semaphore, #tpu.memory_space<semaphore_mem>>) src(%arg8 : memref<128x128xf32, #tpu.memory_space<vmem>>) dst(%dma_wait3A_126 : memref<128x128xf32, #tpu.memory_space<vmem_shared>>)
      tpu.yield
    }) : () -> ()
    %barrier3A = arith.constant 0 : index
    tpu.barrier barrier_id(%barrier3A)
    %mul3A_22 = arith.constant 128 : i32
    %mul3A_23 = arith.muli %arg1, %mul3A_22 : i32
    %run_scoped3A = arith.constant 0 : i32
    "tpu.region"() ({
      %run_scoped3A_119 = tpu.sem_alloc : memref<!tpu.dma_semaphore, #tpu.memory_space<semaphore_mem>>
      %dma_start3A_120 = arith.constant 0 : i32
      %dma_start3A_121 = tpu.memref_slice %arg10[%run_scoped3A, %dma_start3A_120] : memref<1x128xi32, #tpu.memory_space<vmem>> -> memref<1x128xi32, #tpu.memory_space<vmem>>
      %dma_start3A_122 = tpu.memref_squeeze %dma_start3A_121 : memref<1x128xi32, #tpu.memory_space<vmem>> -> memref<128xi32, #tpu.memory_space<vmem>>
      %dma_start3A_123 = tpu.memref_slice %arg4[%mul3A_23] : memref<160000xi32, #tpu.memory_space<hbm>> -> memref<128xi32, #tpu.memory_space<hbm>>
      %dma_start3A_124 = arith.constant 0 : i32
      %dma_start3A_125 = tpu.memref_slice %arg10[%run_scoped3A, %dma_start3A_124] : memref<1x128xi32, #tpu.memory_space<vmem>> -> memref<1x128xi32, #tpu.memory_space<vmem>>
      %dma_start3A_126 = tpu.memref_squeeze %dma_start3A_125 : memref<1x128xi32, #tpu.memory_space<vmem>> -> memref<128xi32, #tpu.memory_space<vmem>>
      %dma_start3A_127 = tpu.memref_slice %arg4[%mul3A_23] : memref<160000xi32, #tpu.memory_space<hbm>> -> memref<128xi32, #tpu.memory_space<hbm>>
      tpu.enqueue_dma source(%dma_start3A_127 : memref<128xi32, #tpu.memory_space<hbm>>) target(%dma_start3A_126 : memref<128xi32, #tpu.memory_space<vmem>>) target_semaphore(%run_scoped3A_119 : memref<!tpu.dma_semaphore, #tpu.memory_space<semaphore_mem>>)
      %dma_wait3A = arith.constant 0 : i32
      %dma_wait3A_128 = tpu.memref_slice %arg10[%run_scoped3A, %dma_wait3A] : memref<1x128xi32, #tpu.memory_space<vmem>> -> memref<1x128xi32, #tpu.memory_space<vmem>>
      %dma_wait3A_129 = tpu.memref_squeeze %dma_wait3A_128 : memref<1x128xi32, #tpu.memory_space<vmem>> -> memref<128xi32, #tpu.memory_space<vmem>>
      %dma_wait3A_130 = tpu.memref_slice %arg4[%mul3A_23] : memref<160000xi32, #tpu.memory_space<hbm>> -> memref<128xi32, #tpu.memory_space<hbm>>
      %dma_wait3A_131 = arith.constant 0 : i32
      %dma_wait3A_132 = tpu.memref_slice %arg10[%run_scoped3A, %dma_wait3A_131] : memref<1x128xi32, #tpu.memory_space<vmem>> -> memref<1x128xi32, #tpu.memory_space<vmem>>
      %dma_wait3A_133 = tpu.memref_squeeze %dma_wait3A_132 : memref<1x128xi32, #tpu.memory_space<vmem>> -> memref<128xi32, #tpu.memory_space<vmem>>
      %dma_wait3A_134 = tpu.memref_slice %arg4[%mul3A_23] : memref<160000xi32, #tpu.memory_space<hbm>> -> memref<128xi32, #tpu.memory_space<hbm>>
      tpu.wait_dma2 semaphore(%run_scoped3A_119 : memref<!tpu.dma_semaphore, #tpu.memory_space<semaphore_mem>>) src(%dma_wait3A_134 : memref<128xi32, #tpu.memory_space<hbm>>) dst(%dma_wait3A_133 : memref<128xi32, #tpu.memory_space<vmem>>)
      tpu.yield
    }) : () -> ()
    %get3A = arith.constant 0 : i32
    %get3A_24 = arith.index_cast %get3A : i32 to index
    %get3A_25 = arith.constant 0 : index
    %get3A_26 = tpu.vector_load %arg10[%get3A_24, %get3A_25] {strides = array<i32>} : memref<1x128xi32, #tpu.memory_space<vmem>>, vector<16xi32>,
    %add3A_27 = vector.broadcast %mul3A_2 : i32 to vector<16xi32>
    %add3A_28 = arith.addi %get3A_26, %add3A_27 : vector<16xi32>
    %swap3A = arith.constant 0 : i32
    %swap3A_29 = arith.index_cast %swap3A : i32 to index
    %swap3A_30 = arith.constant 0 : index
    %swap3A_31 = tpu.vector_load %arg10[%swap3A_29, %swap3A_30] {strides = array<i32>} : memref<1x128xi32, #tpu.memory_space<vmem>>, vector<16xi32>,
    tpu.vector_store %arg10[%swap3A_29, %swap3A_30], %add3A_28 {strides = array<i32>} : memref<1x128xi32, #tpu.memory_space<vmem>>, vector<16xi32>,
    %get3A_32 = arith.constant 0 : i32
    %get3A_33 = arith.index_cast %get3A_32 : i32 to index
    %get3A_34 = arith.constant 16 : index
    %get3A_35 = tpu.vector_load %arg10[%get3A_33, %get3A_34] {strides = array<i32>} : memref<1x128xi32, #tpu.memory_space<vmem>>, vector<16xi32>,
    %add3A_36 = vector.broadcast %mul3A_2 : i32 to vector<16xi32>
    %add3A_37 = arith.addi %get3A_35, %add3A_36 : vector<16xi32>
    %swap3A_38 = arith.constant 0 : i32
    %swap3A_39 = arith.index_cast %swap3A_38 : i32 to index
    %swap3A_40 = arith.constant 16 : index
    %swap3A_41 = tpu.vector_load %arg10[%swap3A_39, %swap3A_40] {strides = array<i32>} : memref<1x128xi32, #tpu.memory_space<vmem>>, vector<16xi32>,
    tpu.vector_store %arg10[%swap3A_39, %swap3A_40], %add3A_37 {strides = array<i32>} : memref<1x128xi32, #tpu.memory_space<vmem>>, vector<16xi32>,
    %get3A_42 = arith.constant 0 : i32
    %get3A_43 = arith.index_cast %get3A_42 : i32 to index
    %get3A_44 = arith.constant 32 : index
    %get3A_45 = tpu.vector_load %arg10[%get3A_43, %get3A_44] {strides = array<i32>} : memref<1x128xi32, #tpu.memory_space<vmem>>, vector<16xi32>,
    %add3A_46 = vector.broadcast %mul3A_2 : i32 to vector<16xi32>
    %add3A_47 = arith.addi %get3A_45, %add3A_46 : vector<16xi32>
    %swap3A_48 = arith.constant 0 : i32
    %swap3A_49 = arith.index_cast %swap3A_48 : i32 to index
    %swap3A_50 = arith.constant 32 : index
    %swap3A_51 = tpu.vector_load %arg10[%swap3A_49, %swap3A_50] {strides = array<i32>} : memref<1x128xi32, #tpu.memory_space<vmem>>, vector<16xi32>,
    tpu.vector_store %arg10[%swap3A_49, %swap3A_50], %add3A_47 {strides = array<i32>} : memref<1x128xi32, #tpu.memory_space<vmem>>, vector<16xi32>,
    %get3A_52 = arith.constant 0 : i32
    %get3A_53 = arith.index_cast %get3A_52 : i32 to index
    %get3A_54 = arith.constant 48 : index
    %get3A_55 = tpu.vector_load %arg10[%get3A_53, %get3A_54] {strides = array<i32>} : memref<1x128xi32, #tpu.memory_space<vmem>>, vector<16xi32>,
    %add3A_56 = vector.broadcast %mul3A_2 : i32 to vector<16xi32>
    %add3A_57 = arith.addi %get3A_55, %add3A_56 : vector<16xi32>
    %swap3A_58 = arith.constant 0 : i32
    %swap3A_59 = arith.index_cast %swap3A_58 : i32 to index
    %swap3A_60 = arith.constant 48 : index
    %swap3A_61 = tpu.vector_load %arg10[%swap3A_59, %swap3A_60] {strides = array<i32>} : memref<1x128xi32, #tpu.memory_space<vmem>>, vector<16xi32>,
    tpu.vector_store %arg10[%swap3A_59, %swap3A_60], %add3A_57 {strides = array<i32>} : memref<1x128xi32, #tpu.memory_space<vmem>>, vector<16xi32>,
    %get3A_62 = arith.constant 0 : i32
    %get3A_63 = arith.index_cast %get3A_62 : i32 to index
    %get3A_64 = arith.constant 64 : index
    %get3A_65 = tpu.vector_load %arg10[%get3A_63, %get3A_64] {strides = array<i32>} : memref<1x128xi32, #tpu.memory_space<vmem>>, vector<16xi32>,
    %add3A_66 = vector.broadcast %mul3A_2 : i32 to vector<16xi32>
    %add3A_67 = arith.addi %get3A_65, %add3A_66 : vector<16xi32>
    %swap3A_68 = arith.constant 0 : i32
    %swap3A_69 = arith.index_cast %swap3A_68 : i32 to index
    %swap3A_70 = arith.constant 64 : index
    %swap3A_71 = tpu.vector_load %arg10[%swap3A_69, %swap3A_70] {strides = array<i32>} : memref<1x128xi32, #tpu.memory_space<vmem>>, vector<16xi32>,
    tpu.vector_store %arg10[%swap3A_69, %swap3A_70], %add3A_67 {strides = array<i32>} : memref<1x128xi32, #tpu.memory_space<vmem>>, vector<16xi32>,
    %get3A_72 = arith.constant 0 : i32
    %get3A_73 = arith.index_cast %get3A_72 : i32 to index
    %get3A_74 = arith.constant 80 : index
    %get3A_75 = tpu.vector_load %arg10[%get3A_73, %get3A_74] {strides = array<i32>} : memref<1x128xi32, #tpu.memory_space<vmem>>, vector<16xi32>,
    %add3A_76 = vector.broadcast %mul3A_2 : i32 to vector<16xi32>
    %add3A_77 = arith.addi %get3A_75, %add3A_76 : vector<16xi32>
    %swap3A_78 = arith.constant 0 : i32
    %swap3A_79 = arith.index_cast %swap3A_78 : i32 to index
    %swap3A_80 = arith.constant 80 : index
    %swap3A_81 = tpu.vector_load %arg10[%swap3A_79, %swap3A_80] {strides = array<i32>} : memref<1x128xi32, #tpu.memory_space<vmem>>, vector<16xi32>,
    tpu.vector_store %arg10[%swap3A_79, %swap3A_80], %add3A_77 {strides = array<i32>} : memref<1x128xi32, #tpu.memory_space<vmem>>, vector<16xi32>,
    %get3A_82 = arith.constant 0 : i32
    %get3A_83 = arith.index_cast %get3A_82 : i32 to index
    %get3A_84 = arith.constant 96 : index
    %get3A_85 = tpu.vector_load %arg10[%get3A_83, %get3A_84] {strides = array<i32>} : memref<1x128xi32, #tpu.memory_space<vmem>>, vector<16xi32>,
    %add3A_86 = vector.broadcast %mul3A_2 : i32 to vector<16xi32>
    %add3A_87 = arith.addi %get3A_85, %add3A_86 : vector<16xi32>
    %swap3A_88 = arith.constant 0 : i32
    %swap3A_89 = arith.index_cast %swap3A_88 : i32 to index
    %swap3A_90 = arith.constant 96 : index
    %swap3A_91 = tpu.vector_load %arg10[%swap3A_89, %swap3A_90] {strides = array<i32>} : memref<1x128xi32, #tpu.memory_space<vmem>>, vector<16xi32>,
    tpu.vector_store %arg10[%swap3A_89, %swap3A_90], %add3A_87 {strides = array<i32>} : memref<1x128xi32, #tpu.memory_space<vmem>>, vector<16xi32>,
    %get3A_92 = arith.constant 0 : i32
    %get3A_93 = arith.index_cast %get3A_92 : i32 to index
    %get3A_94 = arith.constant 112 : index
    %get3A_95 = tpu.vector_load %arg10[%get3A_93, %get3A_94] {strides = array<i32>} : memref<1x128xi32, #tpu.memory_space<vmem>>, vector<16xi32>,
    %add3A_96 = vector.broadcast %mul3A_2 : i32 to vector<16xi32>
    %add3A_97 = arith.addi %get3A_95, %add3A_96 : vector<16xi32>
    %swap3A_98 = arith.constant 0 : i32
    %swap3A_99 = arith.index_cast %swap3A_98 : i32 to index
    %swap3A_100 = arith.constant 112 : index
    %swap3A_101 = tpu.vector_load %arg10[%swap3A_99, %swap3A_100] {strides = array<i32>} : memref<1x128xi32, #tpu.memory_space<vmem>>, vector<16xi32>,
    tpu.vector_store %arg10[%swap3A_99, %swap3A_100], %add3A_97 {strides = array<i32>} : memref<1x128xi32, #tpu.memory_space<vmem>>, vector<16xi32>,
    %dma_start3A = arith.constant 0 : i32
    %dma_start3A_102 = arith.constant 0 : i32
    %dma_start3A_103 = tpu.memref_slice %arg10[%dma_start3A, %dma_start3A_102] : memref<1x128xi32, #tpu.memory_space<vmem>> -> memref<1x128xi32, #tpu.memory_space<vmem>>
    %dma_start3A_104 = tpu.memref_squeeze %dma_start3A_103 : memref<1x128xi32, #tpu.memory_space<vmem>> -> memref<128xi32, #tpu.memory_space<vmem>>
    %dma_start3A_105 = arith.constant 0 : i32
    %dma_start3A_106 = arith.constant 0 : i32
    %dma_start3A_107 = tpu.memref_slice %arg2[%dma_start3A_105, %dma_start3A_106] : memref<20480x128xf32, #tpu.memory_space<hbm>> -> memref<20480x128xf32, #tpu.memory_space<hbm>>
    tpu.enqueue_indirect_dma source(%dma_start3A_107 : memref<20480x128xf32, #tpu.memory_space<hbm>>) target(%arg8 : memref<128x128xf32, #tpu.memory_space<vmem>>) offsets(%dma_start3A_104 : memref<128xi32, #tpu.memory_space<vmem>>) semaphore(%arg15 : memref<!tpu.dma_semaphore, #tpu.memory_space<semaphore_mem>>)
    %scan3A = arith.constant 0 : i32
    %scan3A_108 = arith.constant 0 : i32
    %scan3A_109 = arith.constant 40 : i32
    %scan3A_110 = arith.addi %scan3A_108, %scan3A_109 : i32
    %scan3A_111 = arith.constant 1 : i32
    %scan3A_112 = scf.for %scan3A_119 = %scan3A_108 to %scan3A_110 step %scan3A_111 iter_args(%scan3A_120 = %scan3A) -> (i32)  : i32 {
      %mul3A_121 = arith.constant 2 : i32
      %mul3A_122 = arith.muli %mul3A_121, %scan3A_119 : i32
      %mul3A_123 = arith.constant 16 : i32
      %mul3A_124 = arith.muli %mul3A_122, %mul3A_123 : i32
      %add3A_125 = arith.addi %arg1, %mul3A_124 : i32
      %lt3A = arith.constant 1250 : i32
      %lt3A_126 = arith.cmpi slt, %add3A_125, %lt3A : i32
      %convert_element_type3A = arith.extui %lt3A_126 : i1 to i32
      %cond3A = arith.constant 0 : i32
      %cond3A_127 = arith.cmpi ne, %convert_element_type3A, %cond3A : i32
      scf.if %cond3A_127 {
        %add3A_139 = arith.constant 16 : i32
        %add3A_140 = arith.addi %add3A_125, %add3A_139 : i32
        %lt3A_141 = arith.constant 1250 : i32
        %lt3A_142 = arith.cmpi slt, %add3A_140, %lt3A_141 : i32
        %convert_element_type3A_143 = arith.extui %lt3A_142 : i1 to i32
        %cond3A_144 = arith.constant 0 : i32
        %cond3A_145 = arith.cmpi ne, %convert_element_type3A_143, %cond3A_144 : i32
        scf.if %cond3A_145 {
          %mul3A_163 = arith.constant 128 : i32
          %mul3A_164 = arith.muli %add3A_140, %mul3A_163 : i32
          %run_scoped3A_165 = arith.constant 0 : i32
          "tpu.region"() ({
            %run_scoped3A_253 = tpu.sem_alloc : memref<!tpu.dma_semaphore, #tpu.memory_space<semaphore_mem>>
            %dma_start3A_254 = arith.constant 0 : i32
            %dma_start3A_255 = tpu.memref_slice %arg11[%run_scoped3A_165, %dma_start3A_254] : memref<1x128xi32, #tpu.memory_space<vmem>> -> memref<1x128xi32, #tpu.memory_space<vmem>>
            %dma_start3A_256 = tpu.memref_squeeze %dma_start3A_255 : memref<1x128xi32, #tpu.memory_space<vmem>> -> memref<128xi32, #tpu.memory_space<vmem>>
            %dma_start3A_257 = tpu.memref_slice %arg4[%mul3A_164] : memref<160000xi32, #tpu.memory_space<hbm>> -> memref<128xi32, #tpu.memory_space<hbm>>
            %dma_start3A_258 = arith.constant 0 : i32
            %dma_start3A_259 = tpu.memref_slice %arg11[%run_scoped3A_165, %dma_start3A_258] : memref<1x128xi32, #tpu.memory_space<vmem>> -> memref<1x128xi32, #tpu.memory_space<vmem>>
            %dma_start3A_260 = tpu.memref_squeeze %dma_start3A_259 : memref<1x128xi32, #tpu.memory_space<vmem>> -> memref<128xi32, #tpu.memory_space<vmem>>
            %dma_start3A_261 = tpu.memref_slice %arg4[%mul3A_164] : memref<160000xi32, #tpu.memory_space<hbm>> -> memref<128xi32, #tpu.memory_space<hbm>>
            tpu.enqueue_dma source(%dma_start3A_261 : memref<128xi32, #tpu.memory_space<hbm>>) target(%dma_start3A_260 : memref<128xi32, #tpu.memory_space<vmem>>) target_semaphore(%run_scoped3A_253 : memref<!tpu.dma_semaphore, #tpu.memory_space<semaphore_mem>>)
            %dma_wait3A_262 = arith.constant 0 : i32
            %dma_wait3A_263 = tpu.memref_slice %arg11[%run_scoped3A_165, %dma_wait3A_262] : memref<1x128xi32, #tpu.memory_space<vmem>> -> memref<1x128xi32, #tpu.memory_space<vmem>>
            %dma_wait3A_264 = tpu.memref_squeeze %dma_wait3A_263 : memref<1x128xi32, #tpu.memory_space<vmem>> -> memref<128xi32, #tpu.memory_space<vmem>>
            %dma_wait3A_265 = tpu.memref_slice %arg4[%mul3A_164] : memref<160000xi32, #tpu.memory_space<hbm>> -> memref<128xi32, #tpu.memory_space<hbm>>
            %dma_wait3A_266 = arith.constant 0 : i32
            %dma_wait3A_267 = tpu.memref_slice %arg11[%run_scoped3A_165, %dma_wait3A_266] : memref<1x128xi32, #tpu.memory_space<vmem>> -> memref<1x128xi32, #tpu.memory_space<vmem>>
            %dma_wait3A_268 = tpu.memref_squeeze %dma_wait3A_267 : memref<1x128xi32, #tpu.memory_space<vmem>> -> memref<128xi32, #tpu.memory_space<vmem>>
            %dma_wait3A_269 = tpu.memref_slice %arg4[%mul3A_164] : memref<160000xi32, #tpu.memory_space<hbm>> -> memref<128xi32, #tpu.memory_space<hbm>>
            tpu.wait_dma2 semaphore(%run_scoped3A_253 : memref<!tpu.dma_semaphore, #tpu.memory_space<semaphore_mem>>) src(%dma_wait3A_269 : memref<128xi32, #tpu.memory_space<hbm>>) dst(%dma_wait3A_268 : memref<128xi32, #tpu.memory_space<vmem>>)
            tpu.yield
          }) : () -> ()
          %get3A_166 = arith.constant 0 : i32
          %get3A_167 = arith.index_cast %get3A_166 : i32 to index
          %get3A_168 = arith.constant 0 : index
          %get3A_169 = tpu.vector_load %arg11[%get3A_167, %get3A_168] {strides = array<i32>} : memref<1x128xi32, #tpu.memory_space<vmem>>, vector<16xi32>,
          %add3A_170 = vector.broadcast %mul3A_2 : i32 to vector<16xi32>
          %add3A_171 = arith.addi %get3A_169, %add3A_170 : vector<16xi32>
          %swap3A_172 = arith.constant 0 : i32
          %swap3A_173 = arith.index_cast %swap3A_172 : i32 to index
          %swap3A_174 = arith.constant 0 : index
          %swap3A_175 = tpu.vector_load %arg11[%swap3A_173, %swap3A_174] {strides = array<i32>} : memref<1x128xi32, #tpu.memory_space<vmem>>, vector<16xi32>,
          tpu.vector_store %arg11[%swap3A_173, %swap3A_174], %add3A_171 {strides = array<i32>} : memref<1x128xi32, #tpu.memory_space<vmem>>, vector<16xi32>,
          %get3A_176 = arith.constant 0 : i32
          %get3A_177 = arith.index_cast %get3A_176 : i32 to index
          %get3A_178 = arith.constant 16 : index
          %get3A_179 = tpu.vector_load %arg11[%get3A_177, %get3A_178] {strides = array<i32>} : memref<1x128xi32, #tpu.memory_space<vmem>>, vector<16xi32>,
          %add3A_180 = vector.broadcast %mul3A_2 : i32 to vector<16xi32>
          %add3A_181 = arith.addi %get3A_179, %add3A_180 : vector<16xi32>
          %swap3A_182 = arith.constant 0 : i32
          %swap3A_183 = arith.index_cast %swap3A_182 : i32 to index
          %swap3A_184 = arith.constant 16 : index
          %swap3A_185 = tpu.vector_load %arg11[%swap3A_183, %swap3A_184] {strides = array<i32>} : memref<1x128xi32, #tpu.memory_space<vmem>>, vector<16xi32>,
          tpu.vector_store %arg11[%swap3A_183, %swap3A_184], %add3A_181 {strides = array<i32>} : memref<1x128xi32, #tpu.memory_space<vmem>>, vector<16xi32>,
          %get3A_186 = arith.constant 0 : i32
          %get3A_187 = arith.index_cast %get3A_186 : i32 to index
          %get3A_188 = arith.constant 32 : index
          %get3A_189 = tpu.vector_load %arg11[%get3A_187, %get3A_188] {strides = array<i32>} : memref<1x128xi32, #tpu.memory_space<vmem>>, vector<16xi32>,
          %add3A_190 = vector.broadcast %mul3A_2 : i32 to vector<16xi32>
          %add3A_191 = arith.addi %get3A_189, %add3A_190 : vector<16xi32>
          %swap3A_192 = arith.constant 0 : i32
          %swap3A_193 = arith.index_cast %swap3A_192 : i32 to index
          %swap3A_194 = arith.constant 32 : index
          %swap3A_195 = tpu.vector_load %arg11[%swap3A_193, %swap3A_194] {strides = array<i32>} : memref<1x128xi32, #tpu.memory_space<vmem>>, vector<16xi32>,
          tpu.vector_store %arg11[%swap3A_193, %swap3A_194], %add3A_191 {strides = array<i32>} : memref<1x128xi32, #tpu.memory_space<vmem>>, vector<16xi32>,
          %get3A_196 = arith.constant 0 : i32
          %get3A_197 = arith.index_cast %get3A_196 : i32 to index
          %get3A_198 = arith.constant 48 : index
          %get3A_199 = tpu.vector_load %arg11[%get3A_197, %get3A_198] {strides = array<i32>} : memref<1x128xi32, #tpu.memory_space<vmem>>, vector<16xi32>,
          %add3A_200 = vector.broadcast %mul3A_2 : i32 to vector<16xi32>
          %add3A_201 = arith.addi %get3A_199, %add3A_200 : vector<16xi32>
          %swap3A_202 = arith.constant 0 : i32
          %swap3A_203 = arith.index_cast %swap3A_202 : i32 to index
          %swap3A_204 = arith.constant 48 : index
          %swap3A_205 = tpu.vector_load %arg11[%swap3A_203, %swap3A_204] {strides = array<i32>} : memref<1x128xi32, #tpu.memory_space<vmem>>, vector<16xi32>,
          tpu.vector_store %arg11[%swap3A_203, %swap3A_204], %add3A_201 {strides = array<i32>} : memref<1x128xi32, #tpu.memory_space<vmem>>, vector<16xi32>,
          %get3A_206 = arith.constant 0 : i32
          %get3A_207 = arith.index_cast %get3A_206 : i32 to index
          %get3A_208 = arith.constant 64 : index
          %get3A_209 = tpu.vector_load %arg11[%get3A_207, %get3A_208] {strides = array<i32>} : memref<1x128xi32, #tpu.memory_space<vmem>>, vector<16xi32>,
          %add3A_210 = vector.broadcast %mul3A_2 : i32 to vector<16xi32>
          %add3A_211 = arith.addi %get3A_209, %add3A_210 : vector<16xi32>
          %swap3A_212 = arith.constant 0 : i32
          %swap3A_213 = arith.index_cast %swap3A_212 : i32 to index
          %swap3A_214 = arith.constant 64 : index
          %swap3A_215 = tpu.vector_load %arg11[%swap3A_213, %swap3A_214] {strides = array<i32>} : memref<1x128xi32, #tpu.memory_space<vmem>>, vector<16xi32>,
          tpu.vector_store %arg11[%swap3A_213, %swap3A_214], %add3A_211 {strides = array<i32>} : memref<1x128xi32, #tpu.memory_space<vmem>>, vector<16xi32>,
          %get3A_216 = arith.constant 0 : i32
          %get3A_217 = arith.index_cast %get3A_216 : i32 to index
          %get3A_218 = arith.constant 80 : index
          %get3A_219 = tpu.vector_load %arg11[%get3A_217, %get3A_218] {strides = array<i32>} : memref<1x128xi32, #tpu.memory_space<vmem>>, vector<16xi32>,
          %add3A_220 = vector.broadcast %mul3A_2 : i32 to vector<16xi32>
          %add3A_221 = arith.addi %get3A_219, %add3A_220 : vector<16xi32>
          %swap3A_222 = arith.constant 0 : i32
          %swap3A_223 = arith.index_cast %swap3A_222 : i32 to index
          %swap3A_224 = arith.constant 80 : index
          %swap3A_225 = tpu.vector_load %arg11[%swap3A_223, %swap3A_224] {strides = array<i32>} : memref<1x128xi32, #tpu.memory_space<vmem>>, vector<16xi32>,
          tpu.vector_store %arg11[%swap3A_223, %swap3A_224], %add3A_221 {strides = array<i32>} : memref<1x128xi32, #tpu.memory_space<vmem>>, vector<16xi32>,
          %get3A_226 = arith.constant 0 : i32
          %get3A_227 = arith.index_cast %get3A_226 : i32 to index
          %get3A_228 = arith.constant 96 : index
          %get3A_229 = tpu.vector_load %arg11[%get3A_227, %get3A_228] {strides = array<i32>} : memref<1x128xi32, #tpu.memory_space<vmem>>, vector<16xi32>,
          %add3A_230 = vector.broadcast %mul3A_2 : i32 to vector<16xi32>
          %add3A_231 = arith.addi %get3A_229, %add3A_230 : vector<16xi32>
          %swap3A_232 = arith.constant 0 : i32
          %swap3A_233 = arith.index_cast %swap3A_232 : i32 to index
          %swap3A_234 = arith.constant 96 : index
          %swap3A_235 = tpu.vector_load %arg11[%swap3A_233, %swap3A_234] {strides = array<i32>} : memref<1x128xi32, #tpu.memory_space<vmem>>, vector<16xi32>,
          tpu.vector_store %arg11[%swap3A_233, %swap3A_234], %add3A_231 {strides = array<i32>} : memref<1x128xi32, #tpu.memory_space<vmem>>, vector<16xi32>,
          %get3A_236 = arith.constant 0 : i32
          %get3A_237 = arith.index_cast %get3A_236 : i32 to index
          %get3A_238 = arith.constant 112 : index
          %get3A_239 = tpu.vector_load %arg11[%get3A_237, %get3A_238] {strides = array<i32>} : memref<1x128xi32, #tpu.memory_space<vmem>>, vector<16xi32>,
          %add3A_240 = vector.broadcast %mul3A_2 : i32 to vector<16xi32>
          %add3A_241 = arith.addi %get3A_239, %add3A_240 : vector<16xi32>
          %swap3A_242 = arith.constant 0 : i32
          %swap3A_243 = arith.index_cast %swap3A_242 : i32 to index
          %swap3A_244 = arith.constant 112 : index
          %swap3A_245 = tpu.vector_load %arg11[%swap3A_243, %swap3A_244] {strides = array<i32>} : memref<1x128xi32, #tpu.memory_space<vmem>>, vector<16xi32>,
          tpu.vector_store %arg11[%swap3A_243, %swap3A_244], %add3A_241 {strides = array<i32>} : memref<1x128xi32, #tpu.memory_space<vmem>>, vector<16xi32>,
          %dma_start3A_246 = arith.constant 0 : i32
          %dma_start3A_247 = arith.constant 0 : i32
          %dma_start3A_248 = tpu.memref_slice %arg11[%dma_start3A_246, %dma_start3A_247] : memref<1x128xi32, #tpu.memory_space<vmem>> -> memref<1x128xi32, #tpu.memory_space<vmem>>
          %dma_start3A_249 = tpu.memref_squeeze %dma_start3A_248 : memref<1x128xi32, #tpu.memory_space<vmem>> -> memref<128xi32, #tpu.memory_space<vmem>>
          %dma_start3A_250 = arith.constant 0 : i32
          %dma_start3A_251 = arith.constant 0 : i32
          %dma_start3A_252 = tpu.memref_slice %arg2[%dma_start3A_250, %dma_start3A_251] : memref<20480x128xf32, #tpu.memory_space<hbm>> -> memref<20480x128xf32, #tpu.memory_space<hbm>>
          tpu.enqueue_indirect_dma source(%dma_start3A_252 : memref<20480x128xf32, #tpu.memory_space<hbm>>) target(%arg9 : memref<128x128xf32, #tpu.memory_space<vmem>>) offsets(%dma_start3A_249 : memref<128xi32, #tpu.memory_space<vmem>>) semaphore(%arg16 : memref<!tpu.dma_semaphore, #tpu.memory_space<semaphore_mem>>)
        } else {
        }
        %mul3A_146 = arith.constant 128 : i32
        %mul3A_147 = arith.muli %add3A_125, %mul3A_146 : i32
        %run_scoped3A_148 = arith.constant 0 : i32
        "tpu.region"() ({
          %run_scoped3A_163 = tpu.sem_alloc : memref<!tpu.dma_semaphore, #tpu.memory_space<semaphore_mem>>
          %dma_start3A_164 = arith.constant 0 : i32
          %dma_start3A_165 = tpu.memref_slice %arg12[%run_scoped3A_148, %dma_start3A_164] : memref<1x128xi32, #tpu.memory_space<vmem>> -> memref<1x128xi32, #tpu.memory_space<vmem>>
          %dma_start3A_166 = tpu.memref_squeeze %dma_start3A_165 : memref<1x128xi32, #tpu.memory_space<vmem>> -> memref<128xi32, #tpu.memory_space<vmem>>
          %dma_start3A_167 = tpu.memref_slice %arg5[%mul3A_147] : memref<160000xi32, #tpu.memory_space<hbm>> -> memref<128xi32, #tpu.memory_space<hbm>>
          %dma_start3A_168 = arith.constant 0 : i32
          %dma_start3A_169 = tpu.memref_slice %arg12[%run_scoped3A_148, %dma_start3A_168] : memref<1x128xi32, #tpu.memory_space<vmem>> -> memref<1x128xi32, #tpu.memory_space<vmem>>
          %dma_start3A_170 = tpu.memref_squeeze %dma_start3A_169 : memref<1x128xi32, #tpu.memory_space<vmem>> -> memref<128xi32, #tpu.memory_space<vmem>>
          %dma_start3A_171 = tpu.memref_slice %arg5[%mul3A_147] : memref<160000xi32, #tpu.memory_space<hbm>> -> memref<128xi32, #tpu.memory_space<hbm>>
          tpu.enqueue_dma source(%dma_start3A_171 : memref<128xi32, #tpu.memory_space<hbm>>) target(%dma_start3A_170 : memref<128xi32, #tpu.memory_space<vmem>>) target_semaphore(%run_scoped3A_163 : memref<!tpu.dma_semaphore, #tpu.memory_space<semaphore_mem>>)
          %dma_wait3A_172 = arith.constant 0 : i32
          %dma_wait3A_173 = tpu.memref_slice %arg12[%run_scoped3A_148, %dma_wait3A_172] : memref<1x128xi32, #tpu.memory_space<vmem>> -> memref<1x128xi32, #tpu.memory_space<vmem>>
          %dma_wait3A_174 = tpu.memref_squeeze %dma_wait3A_173 : memref<1x128xi32, #tpu.memory_space<vmem>> -> memref<128xi32, #tpu.memory_space<vmem>>
          %dma_wait3A_175 = tpu.memref_slice %arg5[%mul3A_147] : memref<160000xi32, #tpu.memory_space<hbm>> -> memref<128xi32, #tpu.memory_space<hbm>>
          %dma_wait3A_176 = arith.constant 0 : i32
          %dma_wait3A_177 = tpu.memref_slice %arg12[%run_scoped3A_148, %dma_wait3A_176] : memref<1x128xi32, #tpu.memory_space<vmem>> -> memref<1x128xi32, #tpu.memory_space<vmem>>
          %dma_wait3A_178 = tpu.memref_squeeze %dma_wait3A_177 : memref<1x128xi32, #tpu.memory_space<vmem>> -> memref<128xi32, #tpu.memory_space<vmem>>
          %dma_wait3A_179 = tpu.memref_slice %arg5[%mul3A_147] : memref<160000xi32, #tpu.memory_space<hbm>> -> memref<128xi32, #tpu.memory_space<hbm>>
          tpu.wait_dma2 semaphore(%run_scoped3A_163 : memref<!tpu.dma_semaphore, #tpu.memory_space<semaphore_mem>>) src(%dma_wait3A_179 : memref<128xi32, #tpu.memory_space<hbm>>) dst(%dma_wait3A_178 : memref<128xi32, #tpu.memory_space<vmem>>)
          tpu.yield
        }) : () -> ()
        "tpu.region"() ({
          %run_scoped3A_163 = tpu.sem_alloc : memref<!tpu.dma_semaphore, #tpu.memory_space<semaphore_mem>>
          %dma_start3A_164 = tpu.memref_slice %arg3[%mul3A_147] : memref<160000xf32, #tpu.memory_space<hbm>> -> memref<128xf32, #tpu.memory_space<hbm>>
          %dma_start3A_165 = tpu.memref_slice %arg3[%mul3A_147] : memref<160000xf32, #tpu.memory_space<hbm>> -> memref<128xf32, #tpu.memory_space<hbm>>
          tpu.enqueue_dma source(%dma_start3A_165 : memref<128xf32, #tpu.memory_space<hbm>>) target(%arg13 : memref<128xf32, #tpu.memory_space<vmem>>) target_semaphore(%run_scoped3A_163 : memref<!tpu.dma_semaphore, #tpu.memory_space<semaphore_mem>>)
          %dma_wait3A_166 = tpu.memref_slice %arg3[%mul3A_147] : memref<160000xf32, #tpu.memory_space<hbm>> -> memref<128xf32, #tpu.memory_space<hbm>>
          %dma_wait3A_167 = tpu.memref_slice %arg3[%mul3A_147] : memref<160000xf32, #tpu.memory_space<hbm>> -> memref<128xf32, #tpu.memory_space<hbm>>
          tpu.wait_dma2 semaphore(%run_scoped3A_163 : memref<!tpu.dma_semaphore, #tpu.memory_space<semaphore_mem>>) src(%dma_wait3A_167 : memref<128xf32, #tpu.memory_space<hbm>>) dst(%arg13 : memref<128xf32, #tpu.memory_space<vmem>>)
          tpu.yield
        }) : () -> ()
        %dma_wait3A = arith.constant 0 : i32
        %dma_wait3A_149 = arith.constant 0 : i32
        %dma_wait3A_150 = tpu.memref_slice %arg10[%dma_wait3A, %dma_wait3A_149] : memref<1x128xi32, #tpu.memory_space<vmem>> -> memref<1x128xi32, #tpu.memory_space<vmem>>
        %dma_wait3A_151 = tpu.memref_squeeze %dma_wait3A_150 : memref<1x128xi32, #tpu.memory_space<vmem>> -> memref<128xi32, #tpu.memory_space<vmem>>
        %dma_wait3A_152 = arith.constant 0 : i32
        %dma_wait3A_153 = arith.constant 0 : i32
        %dma_wait3A_154 = tpu.memref_slice %arg2[%dma_wait3A_152, %dma_wait3A_153] : memref<20480x128xf32, #tpu.memory_space<hbm>> -> memref<20480x128xf32, #tpu.memory_space<hbm>>
        tpu.wait_indirect_dma semaphore(%arg15 : memref<!tpu.dma_semaphore, #tpu.memory_space<semaphore_mem>>) src(%dma_wait3A_154 : memref<20480x128xf32, #tpu.memory_space<hbm>>) dst(%arg8 : memref<128x128xf32, #tpu.memory_space<vmem>>)
        %scan3A_155 = arith.constant 0 : i32
        %scan3A_156 = arith.constant 0 : i32
        %scan3A_157 = arith.constant 128 : i32
        %scan3A_158 = arith.addi %scan3A_156, %scan3A_157 : i32
        %scan3A_159 = arith.constant 1 : i32
        %scan3A_160 = scf.for %scan3A_163 = %scan3A_156 to %scan3A_158 step %scan3A_159 iter_args(%scan3A_164 = %scan3A_155) -> (i32)  : i32 {
          %broadcast_in_dim3A = vector.broadcast %scan3A_163 : i32 to vector<16xi32>
          %gather3A = tpu.vector_load_idx %arg13[%broadcast_in_dim3A] : memref<128xf32, #tpu.memory_space<vmem>>[vector<16xi32>], vector<16xf32>,
          %get3A_165 = arith.index_cast %scan3A_163 : i32 to index
          %get3A_166 = arith.constant 0 : index
          %get3A_167 = tpu.vector_load %arg8[%get3A_165, %get3A_166] {strides = array<i32>} : memref<128x128xf32, #tpu.memory_space<vmem>>, vector<16xf32>,
          %mul3A_168 = arith.mulf %get3A_167, %gather3A : vector<16xf32>
          %swap3A_169 = arith.index_cast %scan3A_163 : i32 to index
          %swap3A_170 = arith.constant 0 : index
          %swap3A_171 = tpu.vector_load %arg8[%swap3A_169, %swap3A_170] {strides = array<i32>} : memref<128x128xf32, #tpu.memory_space<vmem>>, vector<16xf32>,
          tpu.vector_store %arg8[%swap3A_169, %swap3A_170], %mul3A_168 {strides = array<i32>} : memref<128x128xf32, #tpu.memory_space<vmem>>, vector<16xf32>,
          %get3A_172 = arith.index_cast %scan3A_163 : i32 to index
          %get3A_173 = arith.constant 16 : index
          %get3A_174 = tpu.vector_load %arg8[%get3A_172, %get3A_173] {strides = array<i32>} : memref<128x128xf32, #tpu.memory_space<vmem>>, vector<16xf32>,
          %mul3A_175 = arith.mulf %get3A_174, %gather3A : vector<16xf32>
          %swap3A_176 = arith.index_cast %scan3A_163 : i32 to index
          %swap3A_177 = arith.constant 16 : index
          %swap3A_178 = tpu.vector_load %arg8[%swap3A_176, %swap3A_177] {strides = array<i32>} : memref<128x128xf32, #tpu.memory_space<vmem>>, vector<16xf32>,
          tpu.vector_store %arg8[%swap3A_176, %swap3A_177], %mul3A_175 {strides = array<i32>} : memref<128x128xf32, #tpu.memory_space<vmem>>, vector<16xf32>,
          %get3A_179 = arith.index_cast %scan3A_163 : i32 to index
          %get3A_180 = arith.constant 32 : index
          %get3A_181 = tpu.vector_load %arg8[%get3A_179, %get3A_180] {strides = array<i32>} : memref<128x128xf32, #tpu.memory_space<vmem>>, vector<16xf32>,
          %mul3A_182 = arith.mulf %get3A_181, %gather3A : vector<16xf32>
          %swap3A_183 = arith.index_cast %scan3A_163 : i32 to index
          %swap3A_184 = arith.constant 32 : index
          %swap3A_185 = tpu.vector_load %arg8[%swap3A_183, %swap3A_184] {strides = array<i32>} : memref<128x128xf32, #tpu.memory_space<vmem>>, vector<16xf32>,
          tpu.vector_store %arg8[%swap3A_183, %swap3A_184], %mul3A_182 {strides = array<i32>} : memref<128x128xf32, #tpu.memory_space<vmem>>, vector<16xf32>,
          %get3A_186 = arith.index_cast %scan3A_163 : i32 to index
          %get3A_187 = arith.constant 48 : index
          %get3A_188 = tpu.vector_load %arg8[%get3A_186, %get3A_187] {strides = array<i32>} : memref<128x128xf32, #tpu.memory_space<vmem>>, vector<16xf32>,
          %mul3A_189 = arith.mulf %get3A_188, %gather3A : vector<16xf32>
          %swap3A_190 = arith.index_cast %scan3A_163 : i32 to index
          %swap3A_191 = arith.constant 48 : index
          %swap3A_192 = tpu.vector_load %arg8[%swap3A_190, %swap3A_191] {strides = array<i32>} : memref<128x128xf32, #tpu.memory_space<vmem>>, vector<16xf32>,
          tpu.vector_store %arg8[%swap3A_190, %swap3A_191], %mul3A_189 {strides = array<i32>} : memref<128x128xf32, #tpu.memory_space<vmem>>, vector<16xf32>,
          %get3A_193 = arith.index_cast %scan3A_163 : i32 to index
          %get3A_194 = arith.constant 64 : index
          %get3A_195 = tpu.vector_load %arg8[%get3A_193, %get3A_194] {strides = array<i32>} : memref<128x128xf32, #tpu.memory_space<vmem>>, vector<16xf32>,
          %mul3A_196 = arith.mulf %get3A_195, %gather3A : vector<16xf32>
          %swap3A_197 = arith.index_cast %scan3A_163 : i32 to index
          %swap3A_198 = arith.constant 64 : index
          %swap3A_199 = tpu.vector_load %arg8[%swap3A_197, %swap3A_198] {strides = array<i32>} : memref<128x128xf32, #tpu.memory_space<vmem>>, vector<16xf32>,
          tpu.vector_store %arg8[%swap3A_197, %swap3A_198], %mul3A_196 {strides = array<i32>} : memref<128x128xf32, #tpu.memory_space<vmem>>, vector<16xf32>,
          %get3A_200 = arith.index_cast %scan3A_163 : i32 to index
          %get3A_201 = arith.constant 80 : index
          %get3A_202 = tpu.vector_load %arg8[%get3A_200, %get3A_201] {strides = array<i32>} : memref<128x128xf32, #tpu.memory_space<vmem>>, vector<16xf32>,
          %mul3A_203 = arith.mulf %get3A_202, %gather3A : vector<16xf32>
          %swap3A_204 = arith.index_cast %scan3A_163 : i32 to index
          %swap3A_205 = arith.constant 80 : index
          %swap3A_206 = tpu.vector_load %arg8[%swap3A_204, %swap3A_205] {strides = array<i32>} : memref<128x128xf32, #tpu.memory_space<vmem>>, vector<16xf32>,
          tpu.vector_store %arg8[%swap3A_204, %swap3A_205], %mul3A_203 {strides = array<i32>} : memref<128x128xf32, #tpu.memory_space<vmem>>, vector<16xf32>,
          %get3A_207 = arith.index_cast %scan3A_163 : i32 to index
          %get3A_208 = arith.constant 96 : index
          %get3A_209 = tpu.vector_load %arg8[%get3A_207, %get3A_208] {strides = array<i32>} : memref<128x128xf32, #tpu.memory_space<vmem>>, vector<16xf32>,
          %mul3A_210 = arith.mulf %get3A_209, %gather3A : vector<16xf32>
          %swap3A_211 = arith.index_cast %scan3A_163 : i32 to index
          %swap3A_212 = arith.constant 96 : index
          %swap3A_213 = tpu.vector_load %arg8[%swap3A_211, %swap3A_212] {strides = array<i32>} : memref<128x128xf32, #tpu.memory_space<vmem>>, vector<16xf32>,
          tpu.vector_store %arg8[%swap3A_211, %swap3A_212], %mul3A_210 {strides = array<i32>} : memref<128x128xf32, #tpu.memory_space<vmem>>, vector<16xf32>,
          %get3A_214 = arith.index_cast %scan3A_163 : i32 to index
          %get3A_215 = arith.constant 112 : index
          %get3A_216 = tpu.vector_load %arg8[%get3A_214, %get3A_215] {strides = array<i32>} : memref<128x128xf32, #tpu.memory_space<vmem>>, vector<16xf32>,
          %mul3A_217 = arith.mulf %get3A_216, %gather3A : vector<16xf32>
          %swap3A_218 = arith.index_cast %scan3A_163 : i32 to index
          %swap3A_219 = arith.constant 112 : index
          %swap3A_220 = tpu.vector_load %arg8[%swap3A_218, %swap3A_219] {strides = array<i32>} : memref<128x128xf32, #tpu.memory_space<vmem>>, vector<16xf32>,
          tpu.vector_store %arg8[%swap3A_218, %swap3A_219], %mul3A_217 {strides = array<i32>} : memref<128x128xf32, #tpu.memory_space<vmem>>, vector<16xf32>,
          %scan3A_221 = arith.constant 0 : i32
          scf.yield %scan3A_221 : i32
        }
        %scan3A_161 = arith.constant 128 : i32
        %run_scoped3A_162 = arith.constant 0 : i32
        "tpu.region"() ({
          %run_scoped3A_163 = tpu.sem_alloc : memref<!tpu.dma_semaphore, #tpu.memory_space<semaphore_mem>>
          %dma_start3A_164 = arith.constant 0 : i32
          %dma_start3A_165 = tpu.memref_slice %arg12[%run_scoped3A_162, %dma_start3A_164] : memref<1x128xi32, #tpu.memory_space<vmem>> -> memref<1x128xi32, #tpu.memory_space<vmem>>
          %dma_start3A_166 = tpu.memref_squeeze %dma_start3A_165 : memref<1x128xi32, #tpu.memory_space<vmem>> -> memref<128xi32, #tpu.memory_space<vmem>>
          %dma_start3A_167 = arith.constant 0 : i32
          %dma_start3A_168 = arith.constant 0 : i32
          %dma_start3A_169 = tpu.memref_slice %arg14[%dma_start3A_167, %dma_start3A_168] : memref<10240x128xf32, #tpu.memory_space<vmem_shared>> -> memref<10240x128xf32, #tpu.memory_space<vmem_shared>>
          tpu.enqueue_indirect_dma source(%arg8 : memref<128x128xf32, #tpu.memory_space<vmem>>) target(%dma_start3A_169 : memref<10240x128xf32, #tpu.memory_space<vmem_shared>>) offsets(%dma_start3A_166 : memref<128xi32, #tpu.memory_space<vmem>>) semaphore(%run_scoped3A_163 : memref<!tpu.dma_semaphore, #tpu.memory_space<semaphore_mem>>) {add = true}
          %dma_wait3A_170 = arith.constant 0 : i32
          %dma_wait3A_171 = tpu.memref_slice %arg12[%run_scoped3A_162, %dma_wait3A_170] : memref<1x128xi32, #tpu.memory_space<vmem>> -> memref<1x128xi32, #tpu.memory_space<vmem>>
          %dma_wait3A_172 = tpu.memref_squeeze %dma_wait3A_171 : memref<1x128xi32, #tpu.memory_space<vmem>> -> memref<128xi32, #tpu.memory_space<vmem>>
          %dma_wait3A_173 = arith.constant 0 : i32
          %dma_wait3A_174 = arith.constant 0 : i32
          %dma_wait3A_175 = tpu.memref_slice %arg14[%dma_wait3A_173, %dma_wait3A_174] : memref<10240x128xf32, #tpu.memory_space<vmem_shared>> -> memref<10240x128xf32, #tpu.memory_space<vmem_shared>>
          tpu.wait_indirect_dma semaphore(%run_scoped3A_163 : memref<!tpu.dma_semaphore, #tpu.memory_space<semaphore_mem>>) src(%arg8 : memref<128x128xf32, #tpu.memory_space<vmem>>) dst(%dma_wait3A_175 : memref<10240x128xf32, #tpu.memory_space<vmem_shared>>)
          tpu.yield
        }) : () -> ()
      } else {
      }
      %add3A_128 = arith.constant 1 : i32
      %add3A_129 = arith.addi %mul3A_122, %add3A_128 : i32
      %mul3A_130 = arith.constant 16 : i32
      %mul3A_131 = arith.muli %add3A_129, %mul3A_130 : i32
      %add3A_132 = arith.addi %arg1, %mul3A_131 : i32
      %lt3A_133 = arith.constant 1250 : i32
      %lt3A_134 = arith.cmpi slt, %add3A_132, %lt3A_133 : i32
      %convert_element_type3A_135 = arith.extui %lt3A_134 : i1 to i32
      %cond3A_136 = arith.constant 0 : i32
      %cond3A_137 = arith.cmpi ne, %convert_element_type3A_135, %cond3A_136 : i32
      scf.if %cond3A_137 {
        %add3A_139 = arith.constant 16 : i32
        %add3A_140 = arith.addi %add3A_132, %add3A_139 : i32
        %lt3A_141 = arith.constant 1250 : i32
        %lt3A_142 = arith.cmpi slt, %add3A_140, %lt3A_141 : i32
        %convert_element_type3A_143 = arith.extui %lt3A_142 : i1 to i32
        %cond3A_144 = arith.constant 0 : i32
        %cond3A_145 = arith.cmpi ne, %convert_element_type3A_143, %cond3A_144 : i32
        scf.if %cond3A_145 {
          %mul3A_163 = arith.constant 128 : i32
          %mul3A_164 = arith.muli %add3A_140, %mul3A_163 : i32
          %run_scoped3A_165 = arith.constant 0 : i32
          "tpu.region"() ({
            %run_scoped3A_253 = tpu.sem_alloc : memref<!tpu.dma_semaphore, #tpu.memory_space<semaphore_mem>>
            %dma_start3A_254 = arith.constant 0 : i32
            %dma_start3A_255 = tpu.memref_slice %arg10[%run_scoped3A_165, %dma_start3A_254] : memref<1x128xi32, #tpu.memory_space<vmem>> -> memref<1x128xi32, #tpu.memory_space<vmem>>
            %dma_start3A_256 = tpu.memref_squeeze %dma_start3A_255 : memref<1x128xi32, #tpu.memory_space<vmem>> -> memref<128xi32, #tpu.memory_space<vmem>>
            %dma_start3A_257 = tpu.memref_slice %arg4[%mul3A_164] : memref<160000xi32, #tpu.memory_space<hbm>> -> memref<128xi32, #tpu.memory_space<hbm>>
            %dma_start3A_258 = arith.constant 0 : i32
            %dma_start3A_259 = tpu.memref_slice %arg10[%run_scoped3A_165, %dma_start3A_258] : memref<1x128xi32, #tpu.memory_space<vmem>> -> memref<1x128xi32, #tpu.memory_space<vmem>>
            %dma_start3A_260 = tpu.memref_squeeze %dma_start3A_259 : memref<1x128xi32, #tpu.memory_space<vmem>> -> memref<128xi32, #tpu.memory_space<vmem>>
            %dma_start3A_261 = tpu.memref_slice %arg4[%mul3A_164] : memref<160000xi32, #tpu.memory_space<hbm>> -> memref<128xi32, #tpu.memory_space<hbm>>
            tpu.enqueue_dma source(%dma_start3A_261 : memref<128xi32, #tpu.memory_space<hbm>>) target(%dma_start3A_260 : memref<128xi32, #tpu.memory_space<vmem>>) target_semaphore(%run_scoped3A_253 : memref<!tpu.dma_semaphore, #tpu.memory_space<semaphore_mem>>)
            %dma_wait3A_262 = arith.constant 0 : i32
            %dma_wait3A_263 = tpu.memref_slice %arg10[%run_scoped3A_165, %dma_wait3A_262] : memref<1x128xi32, #tpu.memory_space<vmem>> -> memref<1x128xi32, #tpu.memory_space<vmem>>
            %dma_wait3A_264 = tpu.memref_squeeze %dma_wait3A_263 : memref<1x128xi32, #tpu.memory_space<vmem>> -> memref<128xi32, #tpu.memory_space<vmem>>
            %dma_wait3A_265 = tpu.memref_slice %arg4[%mul3A_164] : memref<160000xi32, #tpu.memory_space<hbm>> -> memref<128xi32, #tpu.memory_space<hbm>>
            %dma_wait3A_266 = arith.constant 0 : i32
            %dma_wait3A_267 = tpu.memref_slice %arg10[%run_scoped3A_165, %dma_wait3A_266] : memref<1x128xi32, #tpu.memory_space<vmem>> -> memref<1x128xi32, #tpu.memory_space<vmem>>
            %dma_wait3A_268 = tpu.memref_squeeze %dma_wait3A_267 : memref<1x128xi32, #tpu.memory_space<vmem>> -> memref<128xi32, #tpu.memory_space<vmem>>
            %dma_wait3A_269 = tpu.memref_slice %arg4[%mul3A_164] : memref<160000xi32, #tpu.memory_space<hbm>> -> memref<128xi32, #tpu.memory_space<hbm>>
            tpu.wait_dma2 semaphore(%run_scoped3A_253 : memref<!tpu.dma_semaphore, #tpu.memory_space<semaphore_mem>>) src(%dma_wait3A_269 : memref<128xi32, #tpu.memory_space<hbm>>) dst(%dma_wait3A_268 : memref<128xi32, #tpu.memory_space<vmem>>)
            tpu.yield
          }) : () -> ()
          %get3A_166 = arith.constant 0 : i32
          %get3A_167 = arith.index_cast %get3A_166 : i32 to index
          %get3A_168 = arith.constant 0 : index
          %get3A_169 = tpu.vector_load %arg10[%get3A_167, %get3A_168] {strides = array<i32>} : memref<1x128xi32, #tpu.memory_space<vmem>>, vector<16xi32>,
          %add3A_170 = vector.broadcast %mul3A_2 : i32 to vector<16xi32>
          %add3A_171 = arith.addi %get3A_169, %add3A_170 : vector<16xi32>
          %swap3A_172 = arith.constant 0 : i32
          %swap3A_173 = arith.index_cast %swap3A_172 : i32 to index
          %swap3A_174 = arith.constant 0 : index
          %swap3A_175 = tpu.vector_load %arg10[%swap3A_173, %swap3A_174] {strides = array<i32>} : memref<1x128xi32, #tpu.memory_space<vmem>>, vector<16xi32>,
          tpu.vector_store %arg10[%swap3A_173, %swap3A_174], %add3A_171 {strides = array<i32>} : memref<1x128xi32, #tpu.memory_space<vmem>>, vector<16xi32>,
          %get3A_176 = arith.constant 0 : i32
          %get3A_177 = arith.index_cast %get3A_176 : i32 to index
          %get3A_178 = arith.constant 16 : index
          %get3A_179 = tpu.vector_load %arg10[%get3A_177, %get3A_178] {strides = array<i32>} : memref<1x128xi32, #tpu.memory_space<vmem>>, vector<16xi32>,
          %add3A_180 = vector.broadcast %mul3A_2 : i32 to vector<16xi32>
          %add3A_181 = arith.addi %get3A_179, %add3A_180 : vector<16xi32>
          %swap3A_182 = arith.constant 0 : i32
          %swap3A_183 = arith.index_cast %swap3A_182 : i32 to index
          %swap3A_184 = arith.constant 16 : index
          %swap3A_185 = tpu.vector_load %arg10[%swap3A_183, %swap3A_184] {strides = array<i32>} : memref<1x128xi32, #tpu.memory_space<vmem>>, vector<16xi32>,
          tpu.vector_store %arg10[%swap3A_183, %swap3A_184], %add3A_181 {strides = array<i32>} : memref<1x128xi32, #tpu.memory_space<vmem>>, vector<16xi32>,
          %get3A_186 = arith.constant 0 : i32
          %get3A_187 = arith.index_cast %get3A_186 : i32 to index
          %get3A_188 = arith.constant 32 : index
          %get3A_189 = tpu.vector_load %arg10[%get3A_187, %get3A_188] {strides = array<i32>} : memref<1x128xi32, #tpu.memory_space<vmem>>, vector<16xi32>,
          %add3A_190 = vector.broadcast %mul3A_2 : i32 to vector<16xi32>
          %add3A_191 = arith.addi %get3A_189, %add3A_190 : vector<16xi32>
          %swap3A_192 = arith.constant 0 : i32
          %swap3A_193 = arith.index_cast %swap3A_192 : i32 to index
          %swap3A_194 = arith.constant 32 : index
          %swap3A_195 = tpu.vector_load %arg10[%swap3A_193, %swap3A_194] {strides = array<i32>} : memref<1x128xi32, #tpu.memory_space<vmem>>, vector<16xi32>,
          tpu.vector_store %arg10[%swap3A_193, %swap3A_194], %add3A_191 {strides = array<i32>} : memref<1x128xi32, #tpu.memory_space<vmem>>, vector<16xi32>,
          %get3A_196 = arith.constant 0 : i32
          %get3A_197 = arith.index_cast %get3A_196 : i32 to index
          %get3A_198 = arith.constant 48 : index
          %get3A_199 = tpu.vector_load %arg10[%get3A_197, %get3A_198] {strides = array<i32>} : memref<1x128xi32, #tpu.memory_space<vmem>>, vector<16xi32>,
          %add3A_200 = vector.broadcast %mul3A_2 : i32 to vector<16xi32>
          %add3A_201 = arith.addi %get3A_199, %add3A_200 : vector<16xi32>
          %swap3A_202 = arith.constant 0 : i32
          %swap3A_203 = arith.index_cast %swap3A_202 : i32 to index
          %swap3A_204 = arith.constant 48 : index
          %swap3A_205 = tpu.vector_load %arg10[%swap3A_203, %swap3A_204] {strides = array<i32>} : memref<1x128xi32, #tpu.memory_space<vmem>>, vector<16xi32>,
          tpu.vector_store %arg10[%swap3A_203, %swap3A_204], %add3A_201 {strides = array<i32>} : memref<1x128xi32, #tpu.memory_space<vmem>>, vector<16xi32>,
          %get3A_206 = arith.constant 0 : i32
          %get3A_207 = arith.index_cast %get3A_206 : i32 to index
          %get3A_208 = arith.constant 64 : index
          %get3A_209 = tpu.vector_load %arg10[%get3A_207, %get3A_208] {strides = array<i32>} : memref<1x128xi32, #tpu.memory_space<vmem>>, vector<16xi32>,
          %add3A_210 = vector.broadcast %mul3A_2 : i32 to vector<16xi32>
          %add3A_211 = arith.addi %get3A_209, %add3A_210 : vector<16xi32>
          %swap3A_212 = arith.constant 0 : i32
          %swap3A_213 = arith.index_cast %swap3A_212 : i32 to index
          %swap3A_214 = arith.constant 64 : index
          %swap3A_215 = tpu.vector_load %arg10[%swap3A_213, %swap3A_214] {strides = array<i32>} : memref<1x128xi32, #tpu.memory_space<vmem>>, vector<16xi32>,
          tpu.vector_store %arg10[%swap3A_213, %swap3A_214], %add3A_211 {strides = array<i32>} : memref<1x128xi32, #tpu.memory_space<vmem>>, vector<16xi32>,
          %get3A_216 = arith.constant 0 : i32
          %get3A_217 = arith.index_cast %get3A_216 : i32 to index
          %get3A_218 = arith.constant 80 : index
          %get3A_219 = tpu.vector_load %arg10[%get3A_217, %get3A_218] {strides = array<i32>} : memref<1x128xi32, #tpu.memory_space<vmem>>, vector<16xi32>,
          %add3A_220 = vector.broadcast %mul3A_2 : i32 to vector<16xi32>
          %add3A_221 = arith.addi %get3A_219, %add3A_220 : vector<16xi32>
          %swap3A_222 = arith.constant 0 : i32
          %swap3A_223 = arith.index_cast %swap3A_222 : i32 to index
          %swap3A_224 = arith.constant 80 : index
          %swap3A_225 = tpu.vector_load %arg10[%swap3A_223, %swap3A_224] {strides = array<i32>} : memref<1x128xi32, #tpu.memory_space<vmem>>, vector<16xi32>,
          tpu.vector_store %arg10[%swap3A_223, %swap3A_224], %add3A_221 {strides = array<i32>} : memref<1x128xi32, #tpu.memory_space<vmem>>, vector<16xi32>,
          %get3A_226 = arith.constant 0 : i32
          %get3A_227 = arith.index_cast %get3A_226 : i32 to index
          %get3A_228 = arith.constant 96 : index
          %get3A_229 = tpu.vector_load %arg10[%get3A_227, %get3A_228] {strides = array<i32>} : memref<1x128xi32, #tpu.memory_space<vmem>>, vector<16xi32>,
          %add3A_230 = vector.broadcast %mul3A_2 : i32 to vector<16xi32>
          %add3A_231 = arith.addi %get3A_229, %add3A_230 : vector<16xi32>
          %swap3A_232 = arith.constant 0 : i32
          %swap3A_233 = arith.index_cast %swap3A_232 : i32 to index
          %swap3A_234 = arith.constant 96 : index
          %swap3A_235 = tpu.vector_load %arg10[%swap3A_233, %swap3A_234] {strides = array<i32>} : memref<1x128xi32, #tpu.memory_space<vmem>>, vector<16xi32>,
          tpu.vector_store %arg10[%swap3A_233, %swap3A_234], %add3A_231 {strides = array<i32>} : memref<1x128xi32, #tpu.memory_space<vmem>>, vector<16xi32>,
          %get3A_236 = arith.constant 0 : i32
          %get3A_237 = arith.index_cast %get3A_236 : i32 to index
          %get3A_238 = arith.constant 112 : index
          %get3A_239 = tpu.vector_load %arg10[%get3A_237, %get3A_238] {strides = array<i32>} : memref<1x128xi32, #tpu.memory_space<vmem>>, vector<16xi32>,
          %add3A_240 = vector.broadcast %mul3A_2 : i32 to vector<16xi32>
          %add3A_241 = arith.addi %get3A_239, %add3A_240 : vector<16xi32>
          %swap3A_242 = arith.constant 0 : i32
          %swap3A_243 = arith.index_cast %swap3A_242 : i32 to index
          %swap3A_244 = arith.constant 112 : index
          %swap3A_245 = tpu.vector_load %arg10[%swap3A_243, %swap3A_244] {strides = array<i32>} : memref<1x128xi32, #tpu.memory_space<vmem>>, vector<16xi32>,
          tpu.vector_store %arg10[%swap3A_243, %swap3A_244], %add3A_241 {strides = array<i32>} : memref<1x128xi32, #tpu.memory_space<vmem>>, vector<16xi32>,
          %dma_start3A_246 = arith.constant 0 : i32
          %dma_start3A_247 = arith.constant 0 : i32
          %dma_start3A_248 = tpu.memref_slice %arg10[%dma_start3A_246, %dma_start3A_247] : memref<1x128xi32, #tpu.memory_space<vmem>> -> memref<1x128xi32, #tpu.memory_space<vmem>>
          %dma_start3A_249 = tpu.memref_squeeze %dma_start3A_248 : memref<1x128xi32, #tpu.memory_space<vmem>> -> memref<128xi32, #tpu.memory_space<vmem>>
          %dma_start3A_250 = arith.constant 0 : i32
          %dma_start3A_251 = arith.constant 0 : i32
          %dma_start3A_252 = tpu.memref_slice %arg2[%dma_start3A_250, %dma_start3A_251] : memref<20480x128xf32, #tpu.memory_space<hbm>> -> memref<20480x128xf32, #tpu.memory_space<hbm>>
          tpu.enqueue_indirect_dma source(%dma_start3A_252 : memref<20480x128xf32, #tpu.memory_space<hbm>>) target(%arg8 : memref<128x128xf32, #tpu.memory_space<vmem>>) offsets(%dma_start3A_249 : memref<128xi32, #tpu.memory_space<vmem>>) semaphore(%arg15 : memref<!tpu.dma_semaphore, #tpu.memory_space<semaphore_mem>>)
        } else {
        }
        %mul3A_146 = arith.constant 128 : i32
        %mul3A_147 = arith.muli %add3A_132, %mul3A_146 : i32
        %run_scoped3A_148 = arith.constant 0 : i32
        "tpu.region"() ({
          %run_scoped3A_163 = tpu.sem_alloc : memref<!tpu.dma_semaphore, #tpu.memory_space<semaphore_mem>>
          %dma_start3A_164 = arith.constant 0 : i32
          %dma_start3A_165 = tpu.memref_slice %arg12[%run_scoped3A_148, %dma_start3A_164] : memref<1x128xi32, #tpu.memory_space<vmem>> -> memref<1x128xi32, #tpu.memory_space<vmem>>
          %dma_start3A_166 = tpu.memref_squeeze %dma_start3A_165 : memref<1x128xi32, #tpu.memory_space<vmem>> -> memref<128xi32, #tpu.memory_space<vmem>>
          %dma_start3A_167 = tpu.memref_slice %arg5[%mul3A_147] : memref<160000xi32, #tpu.memory_space<hbm>> -> memref<128xi32, #tpu.memory_space<hbm>>
          %dma_start3A_168 = arith.constant 0 : i32
          %dma_start3A_169 = tpu.memref_slice %arg12[%run_scoped3A_148, %dma_start3A_168] : memref<1x128xi32, #tpu.memory_space<vmem>> -> memref<1x128xi32, #tpu.memory_space<vmem>>
          %dma_start3A_170 = tpu.memref_squeeze %dma_start3A_169 : memref<1x128xi32, #tpu.memory_space<vmem>> -> memref<128xi32, #tpu.memory_space<vmem>>
          %dma_start3A_171 = tpu.memref_slice %arg5[%mul3A_147] : memref<160000xi32, #tpu.memory_space<hbm>> -> memref<128xi32, #tpu.memory_space<hbm>>
          tpu.enqueue_dma source(%dma_start3A_171 : memref<128xi32, #tpu.memory_space<hbm>>) target(%dma_start3A_170 : memref<128xi32, #tpu.memory_space<vmem>>) target_semaphore(%run_scoped3A_163 : memref<!tpu.dma_semaphore, #tpu.memory_space<semaphore_mem>>)
          %dma_wait3A_172 = arith.constant 0 : i32
          %dma_wait3A_173 = tpu.memref_slice %arg12[%run_scoped3A_148, %dma_wait3A_172] : memref<1x128xi32, #tpu.memory_space<vmem>> -> memref<1x128xi32, #tpu.memory_space<vmem>>
          %dma_wait3A_174 = tpu.memref_squeeze %dma_wait3A_173 : memref<1x128xi32, #tpu.memory_space<vmem>> -> memref<128xi32, #tpu.memory_space<vmem>>
          %dma_wait3A_175 = tpu.memref_slice %arg5[%mul3A_147] : memref<160000xi32, #tpu.memory_space<hbm>> -> memref<128xi32, #tpu.memory_space<hbm>>
          %dma_wait3A_176 = arith.constant 0 : i32
          %dma_wait3A_177 = tpu.memref_slice %arg12[%run_scoped3A_148, %dma_wait3A_176] : memref<1x128xi32, #tpu.memory_space<vmem>> -> memref<1x128xi32, #tpu.memory_space<vmem>>
          %dma_wait3A_178 = tpu.memref_squeeze %dma_wait3A_177 : memref<1x128xi32, #tpu.memory_space<vmem>> -> memref<128xi32, #tpu.memory_space<vmem>>
          %dma_wait3A_179 = tpu.memref_slice %arg5[%mul3A_147] : memref<160000xi32, #tpu.memory_space<hbm>> -> memref<128xi32, #tpu.memory_space<hbm>>
          tpu.wait_dma2 semaphore(%run_scoped3A_163 : memref<!tpu.dma_semaphore, #tpu.memory_space<semaphore_mem>>) src(%dma_wait3A_179 : memref<128xi32, #tpu.memory_space<hbm>>) dst(%dma_wait3A_178 : memref<128xi32, #tpu.memory_space<vmem>>)
          tpu.yield
        }) : () -> ()
        "tpu.region"() ({
          %run_scoped3A_163 = tpu.sem_alloc : memref<!tpu.dma_semaphore, #tpu.memory_space<semaphore_mem>>
          %dma_start3A_164 = tpu.memref_slice %arg3[%mul3A_147] : memref<160000xf32, #tpu.memory_space<hbm>> -> memref<128xf32, #tpu.memory_space<hbm>>
          %dma_start3A_165 = tpu.memref_slice %arg3[%mul3A_147] : memref<160000xf32, #tpu.memory_space<hbm>> -> memref<128xf32, #tpu.memory_space<hbm>>
          tpu.enqueue_dma source(%dma_start3A_165 : memref<128xf32, #tpu.memory_space<hbm>>) target(%arg13 : memref<128xf32, #tpu.memory_space<vmem>>) target_semaphore(%run_scoped3A_163 : memref<!tpu.dma_semaphore, #tpu.memory_space<semaphore_mem>>)
          %dma_wait3A_166 = tpu.memref_slice %arg3[%mul3A_147] : memref<160000xf32, #tpu.memory_space<hbm>> -> memref<128xf32, #tpu.memory_space<hbm>>
          %dma_wait3A_167 = tpu.memref_slice %arg3[%mul3A_147] : memref<160000xf32, #tpu.memory_space<hbm>> -> memref<128xf32, #tpu.memory_space<hbm>>
          tpu.wait_dma2 semaphore(%run_scoped3A_163 : memref<!tpu.dma_semaphore, #tpu.memory_space<semaphore_mem>>) src(%dma_wait3A_167 : memref<128xf32, #tpu.memory_space<hbm>>) dst(%arg13 : memref<128xf32, #tpu.memory_space<vmem>>)
          tpu.yield
        }) : () -> ()
        %dma_wait3A = arith.constant 0 : i32
        %dma_wait3A_149 = arith.constant 0 : i32
        %dma_wait3A_150 = tpu.memref_slice %arg11[%dma_wait3A, %dma_wait3A_149] : memref<1x128xi32, #tpu.memory_space<vmem>> -> memref<1x128xi32, #tpu.memory_space<vmem>>
        %dma_wait3A_151 = tpu.memref_squeeze %dma_wait3A_150 : memref<1x128xi32, #tpu.memory_space<vmem>> -> memref<128xi32, #tpu.memory_space<vmem>>
        %dma_wait3A_152 = arith.constant 0 : i32
        %dma_wait3A_153 = arith.constant 0 : i32
        %dma_wait3A_154 = tpu.memref_slice %arg2[%dma_wait3A_152, %dma_wait3A_153] : memref<20480x128xf32, #tpu.memory_space<hbm>> -> memref<20480x128xf32, #tpu.memory_space<hbm>>
        tpu.wait_indirect_dma semaphore(%arg16 : memref<!tpu.dma_semaphore, #tpu.memory_space<semaphore_mem>>) src(%dma_wait3A_154 : memref<20480x128xf32, #tpu.memory_space<hbm>>) dst(%arg9 : memref<128x128xf32, #tpu.memory_space<vmem>>)
        %scan3A_155 = arith.constant 0 : i32
        %scan3A_156 = arith.constant 0 : i32
        %scan3A_157 = arith.constant 128 : i32
        %scan3A_158 = arith.addi %scan3A_156, %scan3A_157 : i32
        %scan3A_159 = arith.constant 1 : i32
        %scan3A_160 = scf.for %scan3A_163 = %scan3A_156 to %scan3A_158 step %scan3A_159 iter_args(%scan3A_164 = %scan3A_155) -> (i32)  : i32 {
          %broadcast_in_dim3A = vector.broadcast %scan3A_163 : i32 to vector<16xi32>
          %gather3A = tpu.vector_load_idx %arg13[%broadcast_in_dim3A] : memref<128xf32, #tpu.memory_space<vmem>>[vector<16xi32>], vector<16xf32>,
          %get3A_165 = arith.index_cast %scan3A_163 : i32 to index
          %get3A_166 = arith.constant 0 : index
          %get3A_167 = tpu.vector_load %arg9[%get3A_165, %get3A_166] {strides = array<i32>} : memref<128x128xf32, #tpu.memory_space<vmem>>, vector<16xf32>,
          %mul3A_168 = arith.mulf %get3A_167, %gather3A : vector<16xf32>
          %swap3A_169 = arith.index_cast %scan3A_163 : i32 to index
          %swap3A_170 = arith.constant 0 : index
          %swap3A_171 = tpu.vector_load %arg9[%swap3A_169, %swap3A_170] {strides = array<i32>} : memref<128x128xf32, #tpu.memory_space<vmem>>, vector<16xf32>,
          tpu.vector_store %arg9[%swap3A_169, %swap3A_170], %mul3A_168 {strides = array<i32>} : memref<128x128xf32, #tpu.memory_space<vmem>>, vector<16xf32>,
          %get3A_172 = arith.index_cast %scan3A_163 : i32 to index
          %get3A_173 = arith.constant 16 : index
          %get3A_174 = tpu.vector_load %arg9[%get3A_172, %get3A_173] {strides = array<i32>} : memref<128x128xf32, #tpu.memory_space<vmem>>, vector<16xf32>,
          %mul3A_175 = arith.mulf %get3A_174, %gather3A : vector<16xf32>
          %swap3A_176 = arith.index_cast %scan3A_163 : i32 to index
          %swap3A_177 = arith.constant 16 : index
          %swap3A_178 = tpu.vector_load %arg9[%swap3A_176, %swap3A_177] {strides = array<i32>} : memref<128x128xf32, #tpu.memory_space<vmem>>, vector<16xf32>,
          tpu.vector_store %arg9[%swap3A_176, %swap3A_177], %mul3A_175 {strides = array<i32>} : memref<128x128xf32, #tpu.memory_space<vmem>>, vector<16xf32>,
          %get3A_179 = arith.index_cast %scan3A_163 : i32 to index
          %get3A_180 = arith.constant 32 : index
          %get3A_181 = tpu.vector_load %arg9[%get3A_179, %get3A_180] {strides = array<i32>} : memref<128x128xf32, #tpu.memory_space<vmem>>, vector<16xf32>,
          %mul3A_182 = arith.mulf %get3A_181, %gather3A : vector<16xf32>
          %swap3A_183 = arith.index_cast %scan3A_163 : i32 to index
          %swap3A_184 = arith.constant 32 : index
          %swap3A_185 = tpu.vector_load %arg9[%swap3A_183, %swap3A_184] {strides = array<i32>} : memref<128x128xf32, #tpu.memory_space<vmem>>, vector<16xf32>,
          tpu.vector_store %arg9[%swap3A_183, %swap3A_184], %mul3A_182 {strides = array<i32>} : memref<128x128xf32, #tpu.memory_space<vmem>>, vector<16xf32>,
          %get3A_186 = arith.index_cast %scan3A_163 : i32 to index
          %get3A_187 = arith.constant 48 : index
          %get3A_188 = tpu.vector_load %arg9[%get3A_186, %get3A_187] {strides = array<i32>} : memref<128x128xf32, #tpu.memory_space<vmem>>, vector<16xf32>,
          %mul3A_189 = arith.mulf %get3A_188, %gather3A : vector<16xf32>
          %swap3A_190 = arith.index_cast %scan3A_163 : i32 to index
          %swap3A_191 = arith.constant 48 : index
          %swap3A_192 = tpu.vector_load %arg9[%swap3A_190, %swap3A_191] {strides = array<i32>} : memref<128x128xf32, #tpu.memory_space<vmem>>, vector<16xf32>,
          tpu.vector_store %arg9[%swap3A_190, %swap3A_191], %mul3A_189 {strides = array<i32>} : memref<128x128xf32, #tpu.memory_space<vmem>>, vector<16xf32>,
          %get3A_193 = arith.index_cast %scan3A_163 : i32 to index
          %get3A_194 = arith.constant 64 : index
          %get3A_195 = tpu.vector_load %arg9[%get3A_193, %get3A_194] {strides = array<i32>} : memref<128x128xf32, #tpu.memory_space<vmem>>, vector<16xf32>,
          %mul3A_196 = arith.mulf %get3A_195, %gather3A : vector<16xf32>
          %swap3A_197 = arith.index_cast %scan3A_163 : i32 to index
          %swap3A_198 = arith.constant 64 : index
          %swap3A_199 = tpu.vector_load %arg9[%swap3A_197, %swap3A_198] {strides = array<i32>} : memref<128x128xf32, #tpu.memory_space<vmem>>, vector<16xf32>,
          tpu.vector_store %arg9[%swap3A_197, %swap3A_198], %mul3A_196 {strides = array<i32>} : memref<128x128xf32, #tpu.memory_space<vmem>>, vector<16xf32>,
          %get3A_200 = arith.index_cast %scan3A_163 : i32 to index
          %get3A_201 = arith.constant 80 : index
          %get3A_202 = tpu.vector_load %arg9[%get3A_200, %get3A_201] {strides = array<i32>} : memref<128x128xf32, #tpu.memory_space<vmem>>, vector<16xf32>,
          %mul3A_203 = arith.mulf %get3A_202, %gather3A : vector<16xf32>
          %swap3A_204 = arith.index_cast %scan3A_163 : i32 to index
          %swap3A_205 = arith.constant 80 : index
          %swap3A_206 = tpu.vector_load %arg9[%swap3A_204, %swap3A_205] {strides = array<i32>} : memref<128x128xf32, #tpu.memory_space<vmem>>, vector<16xf32>,
          tpu.vector_store %arg9[%swap3A_204, %swap3A_205], %mul3A_203 {strides = array<i32>} : memref<128x128xf32, #tpu.memory_space<vmem>>, vector<16xf32>,
          %get3A_207 = arith.index_cast %scan3A_163 : i32 to index
          %get3A_208 = arith.constant 96 : index
          %get3A_209 = tpu.vector_load %arg9[%get3A_207, %get3A_208] {strides = array<i32>} : memref<128x128xf32, #tpu.memory_space<vmem>>, vector<16xf32>,
          %mul3A_210 = arith.mulf %get3A_209, %gather3A : vector<16xf32>
          %swap3A_211 = arith.index_cast %scan3A_163 : i32 to index
          %swap3A_212 = arith.constant 96 : index
          %swap3A_213 = tpu.vector_load %arg9[%swap3A_211, %swap3A_212] {strides = array<i32>} : memref<128x128xf32, #tpu.memory_space<vmem>>, vector<16xf32>,
          tpu.vector_store %arg9[%swap3A_211, %swap3A_212], %mul3A_210 {strides = array<i32>} : memref<128x128xf32, #tpu.memory_space<vmem>>, vector<16xf32>,
          %get3A_214 = arith.index_cast %scan3A_163 : i32 to index
          %get3A_215 = arith.constant 112 : index
          %get3A_216 = tpu.vector_load %arg9[%get3A_214, %get3A_215] {strides = array<i32>} : memref<128x128xf32, #tpu.memory_space<vmem>>, vector<16xf32>,
          %mul3A_217 = arith.mulf %get3A_216, %gather3A : vector<16xf32>
          %swap3A_218 = arith.index_cast %scan3A_163 : i32 to index
          %swap3A_219 = arith.constant 112 : index
          %swap3A_220 = tpu.vector_load %arg9[%swap3A_218, %swap3A_219] {strides = array<i32>} : memref<128x128xf32, #tpu.memory_space<vmem>>, vector<16xf32>,
          tpu.vector_store %arg9[%swap3A_218, %swap3A_219], %mul3A_217 {strides = array<i32>} : memref<128x128xf32, #tpu.memory_space<vmem>>, vector<16xf32>,
          %scan3A_221 = arith.constant 0 : i32
          scf.yield %scan3A_221 : i32
        }
        %scan3A_161 = arith.constant 128 : i32
        %run_scoped3A_162 = arith.constant 0 : i32
        "tpu.region"() ({
          %run_scoped3A_163 = tpu.sem_alloc : memref<!tpu.dma_semaphore, #tpu.memory_space<semaphore_mem>>
          %dma_start3A_164 = arith.constant 0 : i32
          %dma_start3A_165 = tpu.memref_slice %arg12[%run_scoped3A_162, %dma_start3A_164] : memref<1x128xi32, #tpu.memory_space<vmem>> -> memref<1x128xi32, #tpu.memory_space<vmem>>
          %dma_start3A_166 = tpu.memref_squeeze %dma_start3A_165 : memref<1x128xi32, #tpu.memory_space<vmem>> -> memref<128xi32, #tpu.memory_space<vmem>>
          %dma_start3A_167 = arith.constant 0 : i32
          %dma_start3A_168 = arith.constant 0 : i32
          %dma_start3A_169 = tpu.memref_slice %arg14[%dma_start3A_167, %dma_start3A_168] : memref<10240x128xf32, #tpu.memory_space<vmem_shared>> -> memref<10240x128xf32, #tpu.memory_space<vmem_shared>>
          tpu.enqueue_indirect_dma source(%arg9 : memref<128x128xf32, #tpu.memory_space<vmem>>) target(%dma_start3A_169 : memref<10240x128xf32, #tpu.memory_space<vmem_shared>>) offsets(%dma_start3A_166 : memref<128xi32, #tpu.memory_space<vmem>>) semaphore(%run_scoped3A_163 : memref<!tpu.dma_semaphore, #tpu.memory_space<semaphore_mem>>) {add = true}
          %dma_wait3A_170 = arith.constant 0 : i32
          %dma_wait3A_171 = tpu.memref_slice %arg12[%run_scoped3A_162, %dma_wait3A_170] : memref<1x128xi32, #tpu.memory_space<vmem>> -> memref<1x128xi32, #tpu.memory_space<vmem>>
          %dma_wait3A_172 = tpu.memref_squeeze %dma_wait3A_171 : memref<1x128xi32, #tpu.memory_space<vmem>> -> memref<128xi32, #tpu.memory_space<vmem>>
          %dma_wait3A_173 = arith.constant 0 : i32
          %dma_wait3A_174 = arith.constant 0 : i32
          %dma_wait3A_175 = tpu.memref_slice %arg14[%dma_wait3A_173, %dma_wait3A_174] : memref<10240x128xf32, #tpu.memory_space<vmem_shared>> -> memref<10240x128xf32, #tpu.memory_space<vmem_shared>>
          tpu.wait_indirect_dma semaphore(%run_scoped3A_163 : memref<!tpu.dma_semaphore, #tpu.memory_space<semaphore_mem>>) src(%arg9 : memref<128x128xf32, #tpu.memory_space<vmem>>) dst(%dma_wait3A_175 : memref<10240x128xf32, #tpu.memory_space<vmem_shared>>)
          tpu.yield
        }) : () -> ()
      } else {
      }
      %scan3A_138 = arith.constant 0 : i32
      scf.yield %scan3A_138 : i32
    }
    %scan3A_113 = arith.constant 40 : i32
    %barrier3A_114 = arith.constant 0 : index
    tpu.barrier barrier_id(%barrier3A_114)
    %mul3A_115 = arith.constant 640 : i32
    %mul3A_116 = arith.muli %arg1, %mul3A_115 : i32
    %mul3A_117 = arith.constant 640 : i32
    %mul3A_118 = arith.muli %arg1, %mul3A_117 : i32
    "tpu.region"() ({
      %run_scoped3A_119 = tpu.sem_alloc : memref<!tpu.dma_semaphore, #tpu.memory_space<semaphore_mem>>
      %dma_start3A_120 = tpu.memref_slice %arg7[%mul3A_118, %mul3A_0] : memref<10240x256xf32, #tpu.memory_space<hbm>> -> memref<640x128xf32, #tpu.memory_space<hbm>>
      %dma_start3A_121 = arith.constant 0 : i32
      %dma_start3A_122 = tpu.memref_slice %arg14[%mul3A_116, %dma_start3A_121] : memref<10240x128xf32, #tpu.memory_space<vmem_shared>> -> memref<640x128xf32, #tpu.memory_space<vmem_shared>>
      tpu.enqueue_dma source(%dma_start3A_122 : memref<640x128xf32, #tpu.memory_space<vmem_shared>>) target(%dma_start3A_120 : memref<640x128xf32, #tpu.memory_space<hbm>>) target_semaphore(%run_scoped3A_119 : memref<!tpu.dma_semaphore, #tpu.memory_space<semaphore_mem>>)
      %dma_wait3A = tpu.memref_slice %arg7[%mul3A_118, %mul3A_0] : memref<10240x256xf32, #tpu.memory_space<hbm>> -> memref<640x128xf32, #tpu.memory_space<hbm>>
      %dma_wait3A_123 = arith.constant 0 : i32
      %dma_wait3A_124 = tpu.memref_slice %arg14[%mul3A_116, %dma_wait3A_123] : memref<10240x128xf32, #tpu.memory_space<vmem_shared>> -> memref<640x128xf32, #tpu.memory_space<vmem_shared>>
      tpu.wait_dma2 semaphore(%run_scoped3A_119 : memref<!tpu.dma_semaphore, #tpu.memory_space<semaphore_mem>>) src(%dma_wait3A_124 : memref<640x128xf32, #tpu.memory_space<vmem_shared>>) dst(%dma_wait3A : memref<640x128xf32, #tpu.memory_space<hbm>>)
      tpu.yield
    }) : () -> ()
    return
  }
}

module attributes {stable_mosaic.version = 14 : i64} {
  func.func @tc1_node_prep(%arg0: i32, %arg1: memref<512x128xf32, #tpu.memory_space<vmem>>, %arg2: memref<128x200xf32, #tpu.memory_space<vmem>>, %arg3: memref<1x200xf32, #tpu.memory_space<vmem>>, %arg4: memref<128x256xf32, #tpu.memory_space<vmem>>, %arg5: memref<200x1xf32, #tpu.memory_space<vmem>>, %arg6: memref<1x1xf32, #tpu.memory_space<vmem>>, %arg7: memref<512x200xf32, #tpu.memory_space<vmem>>, %arg8: memref<512x256xf32, #tpu.memory_space<vmem>>, %arg9: memref<512x1xf32, #tpu.memory_space<vmem>>) attributes {dimension_semantics = [#tpu.dimension_semantics<arbitrary>], iteration_bounds = array<i64: 20>, scalar_prefetch = 0 : i64, scratch_operands = 0 : i64, tpu.core_type = #tpu.core_type<tc>, window_params = [{transform_indices = @transform_0, window_bounds = array<i64: 512, 128>}, {pipeline_mode = #tpu.pipeline_mode<synchronous>, transform_indices = @transform_1, window_bounds = array<i64: 128, 200>}, {pipeline_mode = #tpu.pipeline_mode<synchronous>, transform_indices = @transform_2, window_bounds = array<i64: 1, 200>}, {pipeline_mode = #tpu.pipeline_mode<synchronous>, transform_indices = @transform_3, window_bounds = array<i64: 128, 256>}, {pipeline_mode = #tpu.pipeline_mode<synchronous>, transform_indices = @transform_4, window_bounds = array<i64: 200, 1>}, {pipeline_mode = #tpu.pipeline_mode<synchronous>, transform_indices = @transform_5, window_bounds = array<i64: 1, 1>}, {transform_indices = @transform_6, window_bounds = array<i64: 512, 200>}, {transform_indices = @transform_7, window_bounds = array<i64: 512, 256>}, {transform_indices = @transform_8, window_bounds = array<i64: 512, 1>}]} {
    %get3A = arith.constant 0 : index
    %get3A_0 = arith.constant 0 : index
    %get3A_1 = vector.load %arg1[%get3A, %get3A_0] : memref<512x128xf32, #tpu.memory_space<vmem>>, vector<512x128xf32>
    %get3A_2 = arith.constant 0 : index
    %get3A_3 = arith.constant 0 : index
    %get3A_4 = vector.load %arg2[%get3A_2, %get3A_3] : memref<128x200xf32, #tpu.memory_space<vmem>>, vector<128x200xf32>
    %dot_general3A = arith.constant dense<0.000000e+00> : vector<512x200xf32>
    %dot_general3A_5 = tpu.matmul %get3A_1, %get3A_4, %dot_general3A {dimension_numbers = #tpu.dot_dimension_numbers<[1], [0], [0], [1], [0, 0, 1, 1], [], []>, transpose_lhs_hint = false} : vector<512x128xf32>, vector<128x200xf32>, vector<512x200xf32> -> vector<512x200xf32>
    %get3A_6 = arith.constant 0 : index
    %get3A_7 = arith.constant 0 : index
    %get3A_8 = vector.load %arg3[%get3A_6, %get3A_7] : memref<1x200xf32, #tpu.memory_space<vmem>>, vector<1x200xf32>
    %add3A = vector.broadcast %get3A_8 : vector<1x200xf32> to vector<512x200xf32>
    %add3A_9 = arith.addf %dot_general3A_5, %add3A : vector<512x200xf32>
    %ge3A = arith.constant 0.000000e+00 : f32
    %ge3A_10 = vector.broadcast %ge3A : f32 to vector<512x200xf32>
    %ge3A_11 = arith.cmpf oge, %add3A_9, %ge3A_10 : vector<512x200xf32>
    %mul3A = arith.constant 0.00999999977 : f32
    %mul3A_12 = vector.broadcast %mul3A : f32 to vector<512x200xf32>
    %mul3A_13 = arith.mulf %mul3A_12, %add3A_9 : vector<512x200xf32>
    %select_n3A = arith.select %ge3A_11, %add3A_9, %mul3A_13 : vector<512x200xi1>, vector<512x200xf32>
    %swap3A = arith.constant 0 : index
    %swap3A_14 = arith.constant 0 : index
    %swap3A_15 = vector.load %arg7[%swap3A, %swap3A_14] : memref<512x200xf32, #tpu.memory_space<vmem>>, vector<512x200xf32>
    tpu.vector_store %arg7[%swap3A, %swap3A_14], %select_n3A {strides = array<i32>} : memref<512x200xf32, #tpu.memory_space<vmem>>, vector<512x200xf32>,
    %get3A_16 = arith.constant 0 : index
    %get3A_17 = arith.constant 0 : index
    %get3A_18 = vector.load %arg1[%get3A_16, %get3A_17] : memref<512x128xf32, #tpu.memory_space<vmem>>, vector<512x128xf32>
    %get3A_19 = arith.constant 0 : index
    %get3A_20 = arith.constant 0 : index
    %get3A_21 = vector.load %arg4[%get3A_19, %get3A_20] : memref<128x256xf32, #tpu.memory_space<vmem>>, vector<128x256xf32>
    %dot_general3A_22 = arith.constant dense<0.000000e+00> : vector<512x256xf32>
    %dot_general3A_23 = tpu.matmul %get3A_18, %get3A_21, %dot_general3A_22 {dimension_numbers = #tpu.dot_dimension_numbers<[1], [0], [0], [1], [0, 0, 1, 1], [], []>, transpose_lhs_hint = false} : vector<512x128xf32>, vector<128x256xf32>, vector<512x256xf32> -> vector<512x256xf32>
    %swap3A_24 = arith.constant 0 : index
    %swap3A_25 = arith.constant 0 : index
    %swap3A_26 = vector.load %arg8[%swap3A_24, %swap3A_25] : memref<512x256xf32, #tpu.memory_space<vmem>>, vector<512x256xf32>
    tpu.vector_store %arg8[%swap3A_24, %swap3A_25], %dot_general3A_23 {strides = array<i32>} : memref<512x256xf32, #tpu.memory_space<vmem>>, vector<512x256xf32>,
    %get3A_27 = arith.constant 0 : index
    %get3A_28 = arith.constant 0 : index
    %get3A_29 = vector.load %arg5[%get3A_27, %get3A_28] : memref<200x1xf32, #tpu.memory_space<vmem>>, vector<200x1xf32>
    %dot_general3A_30 = arith.constant dense<0.000000e+00> : vector<512x1xf32>
    %dot_general3A_31 = tpu.matmul %select_n3A, %get3A_29, %dot_general3A_30 {dimension_numbers = #tpu.dot_dimension_numbers<[1], [0], [0], [1], [0, 0, 1, 1], [], []>, transpose_lhs_hint = false} : vector<512x200xf32>, vector<200x1xf32>, vector<512x1xf32> -> vector<512x1xf32>
    %get3A_32 = arith.constant 0 : index
    %get3A_33 = arith.constant 0 : index
    %get3A_34 = vector.load %arg6[%get3A_32, %get3A_33] : memref<1x1xf32, #tpu.memory_space<vmem>>, vector<1x1xf32>
    %add3A_35 = vector.broadcast %get3A_34 : vector<1x1xf32> to vector<512x1xf32>
    %add3A_36 = arith.addf %dot_general3A_31, %add3A_35 : vector<512x1xf32>
    %swap3A_37 = arith.constant 0 : index
    %swap3A_38 = arith.constant 0 : index
    %swap3A_39 = vector.load %arg9[%swap3A_37, %swap3A_38] : memref<512x1xf32, #tpu.memory_space<vmem>>, vector<512x1xf32>
    tpu.vector_store %arg9[%swap3A_37, %swap3A_38], %add3A_36 {strides = array<i32>} : memref<512x1xf32, #tpu.memory_space<vmem>>, vector<512x1xf32>,
    return
  }
  func.func @transform_0(%arg0: i32) -> (i32, i32) {
    %c0_i32 = arith.constant 0 : i32
    %c0_i32_0 = arith.constant 0 : i32
    return %arg0, %c0_i32 : i32, i32
  }
  func.func @transform_1(%arg0: i32) -> (i32, i32) {
    %c0_i32 = arith.constant 0 : i32
    %c0_i32_0 = arith.constant 0 : i32
    %c0_i32_1 = arith.constant 0 : i32
    return %c0_i32, %c0_i32_0 : i32, i32
  }
  func.func @transform_2(%arg0: i32) -> (i32, i32) {
    %c0_i32 = arith.constant 0 : i32
    %c0_i32_0 = arith.constant 0 : i32
    %c0_i32_1 = arith.constant 0 : i32
    return %c0_i32, %c0_i32_0 : i32, i32
  }
  func.func @transform_3(%arg0: i32) -> (i32, i32) {
    %c0_i32 = arith.constant 0 : i32
    %c0_i32_0 = arith.constant 0 : i32
    %c0_i32_1 = arith.constant 0 : i32
    return %c0_i32, %c0_i32_0 : i32, i32
  }
  func.func @transform_4(%arg0: i32) -> (i32, i32) {
    %c0_i32 = arith.constant 0 : i32
    %c0_i32_0 = arith.constant 0 : i32
    %c0_i32_1 = arith.constant 0 : i32
    return %c0_i32, %c0_i32_0 : i32, i32
  }
  func.func @transform_5(%arg0: i32) -> (i32, i32) {
    %c0_i32 = arith.constant 0 : i32
    %c0_i32_0 = arith.constant 0 : i32
    %c0_i32_1 = arith.constant 0 : i32
    return %c0_i32, %c0_i32_0 : i32, i32
  }
  func.func @transform_6(%arg0: i32) -> (i32, i32) {
    %c0_i32 = arith.constant 0 : i32
    %c0_i32_0 = arith.constant 0 : i32
    return %arg0, %c0_i32 : i32, i32
  }
  func.func @transform_7(%arg0: i32) -> (i32, i32) {
    %c0_i32 = arith.constant 0 : i32
    %c0_i32_0 = arith.constant 0 : i32
    return %arg0, %c0_i32 : i32, i32
  }
  func.func @transform_8(%arg0: i32) -> (i32, i32) {
    %c0_i32 = arith.constant 0 : i32
    %c0_i32_0 = arith.constant 0 : i32
    return %arg0, %c0_i32 : i32, i32
  }
}

module attributes {stable_mosaic.version = 14 : i64} {
  func.func @tc3_edge_ctx(%arg0: i32, %arg1: memref<1000x256xf32, #tpu.memory_space<vmem>>, %arg2: memref<1000x16xf32, #tpu.memory_space<vmem>>, %arg3: memref<1000x1xf32, #tpu.memory_space<vmem>>, %arg4: memref<16x256xf32, #tpu.memory_space<vmem>>, %arg5: memref<1x256xf32, #tpu.memory_space<vmem>>, %arg6: memref<256x1xf32, #tpu.memory_space<vmem>>, %arg7: memref<256x256xf32, #tpu.memory_space<vmem>>, %arg8: memref<1x256xf32, #tpu.memory_space<vmem>>, %arg9: memref<1000x256xf32, #tpu.memory_space<vmem>>) attributes {dimension_semantics = [#tpu.dimension_semantics<arbitrary>], iteration_bounds = array<i64: 160>, scalar_prefetch = 0 : i64, scratch_operands = 0 : i64, tpu.core_type = #tpu.core_type<tc>, window_params = [{transform_indices = @transform_0, window_bounds = array<i64: 1000, 256>}, {transform_indices = @transform_1, window_bounds = array<i64: 1000, 16>}, {transform_indices = @transform_2, window_bounds = array<i64: 1000, 1>}, {pipeline_mode = #tpu.pipeline_mode<synchronous>, transform_indices = @transform_3, window_bounds = array<i64: 16, 256>}, {pipeline_mode = #tpu.pipeline_mode<synchronous>, transform_indices = @transform_4, window_bounds = array<i64: 1, 256>}, {pipeline_mode = #tpu.pipeline_mode<synchronous>, transform_indices = @transform_5, window_bounds = array<i64: 256, 1>}, {pipeline_mode = #tpu.pipeline_mode<synchronous>, transform_indices = @transform_6, window_bounds = array<i64: 256, 256>}, {pipeline_mode = #tpu.pipeline_mode<synchronous>, transform_indices = @transform_7, window_bounds = array<i64: 1, 256>}, {transform_indices = @transform_8, window_bounds = array<i64: 1000, 256>}]} {
    %get3A = arith.constant 0 : index
    %get3A_0 = arith.constant 0 : index
    %get3A_1 = vector.load %arg1[%get3A, %get3A_0] : memref<1000x256xf32, #tpu.memory_space<vmem>>, vector<1000x256xf32>
    %get3A_2 = arith.constant 0 : index
    %get3A_3 = arith.constant 0 : index
    %get3A_4 = vector.load %arg2[%get3A_2, %get3A_3] : memref<1000x16xf32, #tpu.memory_space<vmem>>, vector<1000x16xf32>
    %get3A_5 = arith.constant 0 : index
    %get3A_6 = arith.constant 0 : index
    %get3A_7 = vector.load %arg4[%get3A_5, %get3A_6] : memref<16x256xf32, #tpu.memory_space<vmem>>, vector<16x256xf32>
    %dot_general3A = arith.constant dense<0.000000e+00> : vector<1000x256xf32>
    %dot_general3A_8 = tpu.matmul %get3A_4, %get3A_7, %dot_general3A {dimension_numbers = #tpu.dot_dimension_numbers<[1], [0], [0], [1], [0, 0, 1, 1], [], []>, transpose_lhs_hint = false} : vector<1000x16xf32>, vector<16x256xf32>, vector<1000x256xf32> -> vector<1000x256xf32>
    %add3A = arith.addf %get3A_1, %dot_general3A_8 : vector<1000x256xf32>
    %get3A_9 = arith.constant 0 : index
    %get3A_10 = arith.constant 0 : index
    %get3A_11 = vector.load %arg5[%get3A_9, %get3A_10] : memref<1x256xf32, #tpu.memory_space<vmem>>, vector<1x256xf32>
    %add3A_12 = vector.broadcast %get3A_11 : vector<1x256xf32> to vector<1000x256xf32>
    %add3A_13 = arith.addf %add3A, %add3A_12 : vector<1000x256xf32>
    %ge3A = arith.constant 0.000000e+00 : f32
    %ge3A_14 = vector.broadcast %ge3A : f32 to vector<1000x256xf32>
    %ge3A_15 = arith.cmpf oge, %add3A_13, %ge3A_14 : vector<1000x256xf32>
    %mul3A = arith.constant 0.00999999977 : f32
    %mul3A_16 = vector.broadcast %mul3A : f32 to vector<1000x256xf32>
    %mul3A_17 = arith.mulf %mul3A_16, %add3A_13 : vector<1000x256xf32>
    %select_n3A = arith.select %ge3A_15, %add3A_13, %mul3A_17 : vector<1000x256xi1>, vector<1000x256xf32>
    %get3A_18 = arith.constant 0 : index
    %get3A_19 = arith.constant 0 : index
    %get3A_20 = vector.load %arg6[%get3A_18, %get3A_19] : memref<256x1xf32, #tpu.memory_space<vmem>>, vector<256x1xf32>
    %dot_general3A_21 = arith.constant dense<0.000000e+00> : vector<1000x1xf32>
    %dot_general3A_22 = tpu.matmul %select_n3A, %get3A_20, %dot_general3A_21 {dimension_numbers = #tpu.dot_dimension_numbers<[1], [0], [0], [1], [0, 0, 1, 1], [], []>, transpose_lhs_hint = false} : vector<1000x256xf32>, vector<256x1xf32>, vector<1000x1xf32> -> vector<1000x1xf32>
    %get3A_23 = arith.constant 0 : index
    %get3A_24 = arith.constant 0 : index
    %get3A_25 = vector.load %arg3[%get3A_23, %get3A_24] : memref<1000x1xf32, #tpu.memory_space<vmem>>, vector<1000x1xf32>
    %add3A_26 = arith.addf %get3A_25, %dot_general3A_22 : vector<1000x1xf32>
    %ge3A_27 = arith.constant 0.000000e+00 : f32
    %ge3A_28 = vector.broadcast %ge3A_27 : f32 to vector<1000x1xf32>
    %ge3A_29 = arith.cmpf oge, %add3A_26, %ge3A_28 : vector<1000x1xf32>
    %mul3A_30 = arith.constant 0.00999999977 : f32
    %mul3A_31 = vector.broadcast %mul3A_30 : f32 to vector<1000x1xf32>
    %mul3A_32 = arith.mulf %mul3A_31, %add3A_26 : vector<1000x1xf32>
    %select_n3A_33 = arith.select %ge3A_29, %add3A_26, %mul3A_32 : vector<1000x1xi1>, vector<1000x1xf32>
    %exp3A = math.exp %select_n3A_33 : vector<1000x1xf32>
    %get3A_34 = arith.constant 0 : index
    %get3A_35 = arith.constant 0 : index
    %get3A_36 = vector.load %arg7[%get3A_34, %get3A_35] : memref<256x256xf32, #tpu.memory_space<vmem>>, vector<256x256xf32>
    %dot_general3A_37 = arith.constant dense<0.000000e+00> : vector<1000x256xf32>
    %dot_general3A_38 = tpu.matmul %select_n3A, %get3A_36, %dot_general3A_37 {dimension_numbers = #tpu.dot_dimension_numbers<[1], [0], [0], [1], [0, 0, 1, 1], [], []>, transpose_lhs_hint = false} : vector<1000x256xf32>, vector<256x256xf32>, vector<1000x256xf32> -> vector<1000x256xf32>
    %get3A_39 = arith.constant 0 : index
    %get3A_40 = arith.constant 0 : index
    %get3A_41 = vector.load %arg8[%get3A_39, %get3A_40] : memref<1x256xf32, #tpu.memory_space<vmem>>, vector<1x256xf32>
    %add3A_42 = vector.broadcast %get3A_41 : vector<1x256xf32> to vector<1000x256xf32>
    %add3A_43 = arith.addf %dot_general3A_38, %add3A_42 : vector<1000x256xf32>
    %mul3A_44 = vector.broadcast %exp3A : vector<1000x1xf32> to vector<1000x256xf32>
    %mul3A_45 = arith.mulf %mul3A_44, %add3A_43 : vector<1000x256xf32>
    %swap3A = arith.constant 0 : index
    %swap3A_46 = arith.constant 0 : index
    %swap3A_47 = vector.load %arg9[%swap3A, %swap3A_46] : memref<1000x256xf32, #tpu.memory_space<vmem>>, vector<1000x256xf32>
    tpu.vector_store %arg9[%swap3A, %swap3A_46], %mul3A_45 {strides = array<i32>} : memref<1000x256xf32, #tpu.memory_space<vmem>>, vector<1000x256xf32>,
    %swap3A_48 = arith.constant 0 : index
    %swap3A_49 = arith.constant 200 : index
    %swap3A_50 = vector.load %arg9[%swap3A_48, %swap3A_49] : memref<1000x256xf32, #tpu.memory_space<vmem>>, vector<1000x1xf32>
    tpu.vector_store %arg9[%swap3A_48, %swap3A_49], %exp3A {strides = array<i32>} : memref<1000x256xf32, #tpu.memory_space<vmem>>, vector<1000x1xf32>,
    return
  }
  func.func @transform_0(%arg0: i32) -> (i32, i32) {
    %c0_i32 = arith.constant 0 : i32
    %c0_i32_0 = arith.constant 0 : i32
    return %arg0, %c0_i32 : i32, i32
  }
  func.func @transform_1(%arg0: i32) -> (i32, i32) {
    %c0_i32 = arith.constant 0 : i32
    %c0_i32_0 = arith.constant 0 : i32
    return %arg0, %c0_i32 : i32, i32
  }
  func.func @transform_2(%arg0: i32) -> (i32, i32) {
    %c0_i32 = arith.constant 0 : i32
    %c0_i32_0 = arith.constant 0 : i32
    return %arg0, %c0_i32 : i32, i32
  }
  func.func @transform_3(%arg0: i32) -> (i32, i32) {
    %c0_i32 = arith.constant 0 : i32
    %c0_i32_0 = arith.constant 0 : i32
    %c0_i32_1 = arith.constant 0 : i32
    return %c0_i32, %c0_i32_0 : i32, i32
  }
  func.func @transform_4(%arg0: i32) -> (i32, i32) {
    %c0_i32 = arith.constant 0 : i32
    %c0_i32_0 = arith.constant 0 : i32
    %c0_i32_1 = arith.constant 0 : i32
    return %c0_i32, %c0_i32_0 : i32, i32
  }
  func.func @transform_5(%arg0: i32) -> (i32, i32) {
    %c0_i32 = arith.constant 0 : i32
    %c0_i32_0 = arith.constant 0 : i32
    %c0_i32_1 = arith.constant 0 : i32
    return %c0_i32, %c0_i32_0 : i32, i32
  }
  func.func @transform_6(%arg0: i32) -> (i32, i32) {
    %c0_i32 = arith.constant 0 : i32
    %c0_i32_0 = arith.constant 0 : i32
    %c0_i32_1 = arith.constant 0 : i32
    return %c0_i32, %c0_i32_0 : i32, i32
  }
  func.func @transform_7(%arg0: i32) -> (i32, i32) {
    %c0_i32 = arith.constant 0 : i32
    %c0_i32_0 = arith.constant 0 : i32
    %c0_i32_1 = arith.constant 0 : i32
    return %c0_i32, %c0_i32_0 : i32, i32
  }
  func.func @transform_8(%arg0: i32) -> (i32, i32) {
    %c0_i32 = arith.constant 0 : i32
    %c0_i32_0 = arith.constant 0 : i32
    return %arg0, %c0_i32 : i32, i32
  }
}

module attributes {stable_mosaic.version = 14 : i64} {
  func.func @tc5_layer0_update(%arg0: i32, %arg1: memref<512x256xf32, #tpu.memory_space<vmem>>, %arg2: memref<512x200xf32, #tpu.memory_space<vmem>>, %arg3: memref<200x600xf32, #tpu.memory_space<vmem>>, %arg4: memref<200x600xf32, #tpu.memory_space<vmem>>, %arg5: memref<1x600xf32, #tpu.memory_space<vmem>>, %arg6: memref<1x600xf32, #tpu.memory_space<vmem>>, %arg7: memref<200x1xf32, #tpu.memory_space<vmem>>, %arg8: memref<200x1xf32, #tpu.memory_space<vmem>>, %arg9: memref<1x1xf32, #tpu.memory_space<vmem>>, %arg10: memref<200x200xf32, #tpu.memory_space<vmem>>, %arg11: memref<1x200xf32, #tpu.memory_space<vmem>>, %arg12: memref<512x256xf32, #tpu.memory_space<vmem>>, %arg13: memref<512x256xf32, #tpu.memory_space<vmem>>, %arg14: memref<512x1xf32, #tpu.memory_space<vmem>>, %arg15: memref<512x1xf32, #tpu.memory_space<vmem>>) attributes {dimension_semantics = [#tpu.dimension_semantics<arbitrary>], iteration_bounds = array<i64: 20>, scalar_prefetch = 0 : i64, scratch_operands = 0 : i64, tpu.core_type = #tpu.core_type<tc>, window_params = [{transform_indices = @transform_0, window_bounds = array<i64: 512, 256>}, {transform_indices = @transform_1, window_bounds = array<i64: 512, 200>}, {pipeline_mode = #tpu.pipeline_mode<synchronous>, transform_indices = @transform_2, window_bounds = array<i64: 200, 600>}, {pipeline_mode = #tpu.pipeline_mode<synchronous>, transform_indices = @transform_3, window_bounds = array<i64: 200, 600>}, {pipeline_mode = #tpu.pipeline_mode<synchronous>, transform_indices = @transform_4, window_bounds = array<i64: 1, 600>}, {pipeline_mode = #tpu.pipeline_mode<synchronous>, transform_indices = @transform_5, window_bounds = array<i64: 1, 600>}, {pipeline_mode = #tpu.pipeline_mode<synchronous>, transform_indices = @transform_6, window_bounds = array<i64: 200, 1>}, {pipeline_mode = #tpu.pipeline_mode<synchronous>, transform_indices = @transform_7, window_bounds = array<i64: 200, 1>}, {pipeline_mode = #tpu.pipeline_mode<synchronous>, transform_indices = @transform_8, window_bounds = array<i64: 1, 1>}, {pipeline_mode = #tpu.pipeline_mode<synchronous>, transform_indices = @transform_9, window_bounds = array<i64: 200, 200>}, {pipeline_mode = #tpu.pipeline_mode<synchronous>, transform_indices = @transform_10, window_bounds = array<i64: 1, 200>}, {transform_indices = @transform_11, window_bounds = array<i64: 512, 256>}, {transform_indices = @transform_12, window_bounds = array<i64: 512, 256>}, {transform_indices = @transform_13, window_bounds = array<i64: 512, 1>}, {transform_indices = @transform_14, window_bounds = array<i64: 512, 1>}]} {
    %get3A = arith.constant 0 : index
    %get3A_0 = arith.constant 200 : index
    %get3A_1 = vector.load %arg1[%get3A, %get3A_0] : memref<512x256xf32, #tpu.memory_space<vmem>>, vector<512x1xf32>
    %add3A = arith.constant 9.99999971E-10 : f32
    %add3A_2 = vector.broadcast %add3A : f32 to vector<512x1xf32>
    %add3A_3 = arith.addf %get3A_1, %add3A_2 : vector<512x1xf32>
    %div3A = arith.constant 1.000000e+00 : f32
    %div3A_4 = vector.broadcast %div3A : f32 to vector<512x1xf32>
    %div3A_5 = arith.divf %div3A_4, %add3A_3 : vector<512x1xf32>
    %get3A_6 = arith.constant 0 : index
    %get3A_7 = arith.constant 0 : index
    %get3A_8 = vector.load %arg1[%get3A_6, %get3A_7] : memref<512x256xf32, #tpu.memory_space<vmem>>, vector<512x200xf32>
    %mul3A = vector.broadcast %div3A_5 : vector<512x1xf32> to vector<512x200xf32>
    %mul3A_9 = arith.mulf %get3A_8, %mul3A : vector<512x200xf32>
    %gt3A = arith.constant 0.000000e+00 : f32
    %gt3A_10 = vector.broadcast %gt3A : f32 to vector<512x200xf32>
    %gt3A_11 = arith.cmpf ogt, %mul3A_9, %gt3A_10 : vector<512x200xf32>
    %min3A = arith.constant 0.000000e+00 : f32
    %min3A_12 = vector.broadcast %min3A : f32 to vector<512x200xf32>
    %min3A_13 = arith.minimumf %mul3A_9, %min3A_12 : vector<512x200xf32>
    %exp3A = math.exp %min3A_13 : vector<512x200xf32>
    %sub3A = arith.constant 1.000000e+00 : f32
    %sub3A_14 = vector.broadcast %sub3A : f32 to vector<512x200xf32>
    %sub3A_15 = arith.subf %exp3A, %sub3A_14 : vector<512x200xf32>
    %select_n3A = arith.select %gt3A_11, %mul3A_9, %sub3A_15 : vector<512x200xi1>, vector<512x200xf32>
    %get3A_16 = arith.constant 0 : index
    %get3A_17 = arith.constant 0 : index
    %get3A_18 = vector.load %arg2[%get3A_16, %get3A_17] : memref<512x200xf32, #tpu.memory_space<vmem>>, vector<512x200xf32>
    %get3A_19 = arith.constant 0 : index
    %get3A_20 = arith.constant 0 : index
    %get3A_21 = vector.load %arg3[%get3A_19, %get3A_20] : memref<200x600xf32, #tpu.memory_space<vmem>>, vector<200x600xf32>
    %get3A_22 = arith.constant 0 : index
    %get3A_23 = arith.constant 0 : index
    %get3A_24 = vector.load %arg4[%get3A_22, %get3A_23] : memref<200x600xf32, #tpu.memory_space<vmem>>, vector<200x600xf32>
    %get3A_25 = arith.constant 0 : index
    %get3A_26 = arith.constant 0 : index
    %get3A_27 = vector.load %arg5[%get3A_25, %get3A_26] : memref<1x600xf32, #tpu.memory_space<vmem>>, vector<1x600xf32>
    %get3A_28 = arith.constant 0 : index
    %get3A_29 = arith.constant 0 : index
    %get3A_30 = vector.load %arg6[%get3A_28, %get3A_29] : memref<1x600xf32, #tpu.memory_space<vmem>>, vector<1x600xf32>
    %dot_general3A = arith.constant dense<0.000000e+00> : vector<512x600xf32>
    %dot_general3A_31 = tpu.matmul %select_n3A, %get3A_21, %dot_general3A {dimension_numbers = #tpu.dot_dimension_numbers<[1], [0], [0], [1], [0, 0, 1, 1], [], []>, transpose_lhs_hint = false} : vector<512x200xf32>, vector<200x600xf32>, vector<512x600xf32> -> vector<512x600xf32>
    %add3A_32 = vector.broadcast %get3A_27 : vector<1x600xf32> to vector<512x600xf32>
    %add3A_33 = arith.addf %dot_general3A_31, %add3A_32 : vector<512x600xf32>
    %dot_general3A_34 = arith.constant dense<0.000000e+00> : vector<512x600xf32>
    %dot_general3A_35 = tpu.matmul %get3A_18, %get3A_24, %dot_general3A_34 {dimension_numbers = #tpu.dot_dimension_numbers<[1], [0], [0], [1], [0, 0, 1, 1], [], []>, transpose_lhs_hint = false} : vector<512x200xf32>, vector<200x600xf32>, vector<512x600xf32> -> vector<512x600xf32>
    %add3A_36 = vector.broadcast %get3A_30 : vector<1x600xf32> to vector<512x600xf32>
    %add3A_37 = arith.addf %dot_general3A_35, %add3A_36 : vector<512x600xf32>
    %slice3A = vector.extract_strided_slice %add3A_33 {offsets = [0, 0], sizes = [512, 200], strides = [1, 1]} : vector<512x600xf32> to vector<512x200xf32>
    %slice3A_38 = vector.extract_strided_slice %add3A_37 {offsets = [0, 0], sizes = [512, 200], strides = [1, 1]} : vector<512x600xf32> to vector<512x200xf32>
    %add3A_39 = arith.addf %slice3A, %slice3A_38 : vector<512x200xf32>
    %neg3A = arith.constant 0.000000e+00 : f32
    %neg3A_40 = vector.broadcast %neg3A : f32 to vector<512x200xf32>
    %neg3A_41 = arith.subf %neg3A_40, %add3A_39 : vector<512x200xf32>
    %exp3A_42 = math.exp %neg3A_41 : vector<512x200xf32>
    %add3A_43 = arith.constant 1.000000e+00 : f32
    %add3A_44 = vector.broadcast %add3A_43 : f32 to vector<512x200xf32>
    %add3A_45 = arith.addf %add3A_44, %exp3A_42 : vector<512x200xf32>
    %div3A_46 = arith.constant 1.000000e+00 : f32
    %div3A_47 = vector.broadcast %div3A_46 : f32 to vector<512x200xf32>
    %div3A_48 = arith.divf %div3A_47, %add3A_45 : vector<512x200xf32>
    %slice3A_49 = vector.extract_strided_slice %add3A_33 {offsets = [0, 200], sizes = [512, 200], strides = [1, 1]} : vector<512x600xf32> to vector<512x200xf32>
    %slice3A_50 = vector.extract_strided_slice %add3A_37 {offsets = [0, 200], sizes = [512, 200], strides = [1, 1]} : vector<512x600xf32> to vector<512x200xf32>
    %add3A_51 = arith.addf %slice3A_49, %slice3A_50 : vector<512x200xf32>
    %neg3A_52 = arith.constant 0.000000e+00 : f32
    %neg3A_53 = vector.broadcast %neg3A_52 : f32 to vector<512x200xf32>
    %neg3A_54 = arith.subf %neg3A_53, %add3A_51 : vector<512x200xf32>
    %exp3A_55 = math.exp %neg3A_54 : vector<512x200xf32>
    %add3A_56 = arith.constant 1.000000e+00 : f32
    %add3A_57 = vector.broadcast %add3A_56 : f32 to vector<512x200xf32>
    %add3A_58 = arith.addf %add3A_57, %exp3A_55 : vector<512x200xf32>
    %div3A_59 = arith.constant 1.000000e+00 : f32
    %div3A_60 = vector.broadcast %div3A_59 : f32 to vector<512x200xf32>
    %div3A_61 = arith.divf %div3A_60, %add3A_58 : vector<512x200xf32>
    %slice3A_62 = vector.extract_strided_slice %add3A_33 {offsets = [0, 400], sizes = [512, 200], strides = [1, 1]} : vector<512x600xf32> to vector<512x200xf32>
    %slice3A_63 = vector.extract_strided_slice %add3A_37 {offsets = [0, 400], sizes = [512, 200], strides = [1, 1]} : vector<512x600xf32> to vector<512x200xf32>
    %mul3A_64 = arith.mulf %div3A_48, %slice3A_63 : vector<512x200xf32>
    %add3A_65 = arith.addf %slice3A_62, %mul3A_64 : vector<512x200xf32>
    %tanh3A = math.tanh %add3A_65 : vector<512x200xf32>
    %sub3A_66 = arith.constant 1.000000e+00 : f32
    %sub3A_67 = vector.broadcast %sub3A_66 : f32 to vector<512x200xf32>
    %sub3A_68 = arith.subf %sub3A_67, %div3A_61 : vector<512x200xf32>
    %mul3A_69 = arith.mulf %sub3A_68, %tanh3A : vector<512x200xf32>
    %mul3A_70 = arith.mulf %div3A_61, %get3A_18 : vector<512x200xf32>
    %add3A_71 = arith.addf %mul3A_69, %mul3A_70 : vector<512x200xf32>
    %max3A = arith.constant 0.000000e+00 : f32
    %max3A_72 = vector.broadcast %max3A : f32 to vector<512x200xf32>
    %max3A_73 = arith.maximumf %add3A_71, %max3A_72 : vector<512x200xf32>
    %swap3A = arith.constant 0 : index
    %swap3A_74 = arith.constant 0 : index
    %swap3A_75 = vector.load %arg12[%swap3A, %swap3A_74] : memref<512x256xf32, #tpu.memory_space<vmem>>, vector<512x200xf32>
    tpu.vector_store %arg12[%swap3A, %swap3A_74], %max3A_73 {strides = array<i32>} : memref<512x256xf32, #tpu.memory_space<vmem>>, vector<512x200xf32>,
    %broadcast_in_dim3A = arith.constant 0.000000e+00 : f32
    %broadcast_in_dim3A_76 = vector.broadcast %broadcast_in_dim3A : f32 to vector<512x56xf32>
    %swap3A_77 = arith.constant 0 : index
    %swap3A_78 = arith.constant 200 : index
    %swap3A_79 = vector.load %arg12[%swap3A_77, %swap3A_78] : memref<512x256xf32, #tpu.memory_space<vmem>>, vector<512x56xf32>
    tpu.vector_store %arg12[%swap3A_77, %swap3A_78], %broadcast_in_dim3A_76 {strides = array<i32>} : memref<512x256xf32, #tpu.memory_space<vmem>>, vector<512x56xf32>,
    %get3A_80 = arith.constant 0 : index
    %get3A_81 = arith.constant 0 : index
    %get3A_82 = vector.load %arg10[%get3A_80, %get3A_81] : memref<200x200xf32, #tpu.memory_space<vmem>>, vector<200x200xf32>
    %dot_general3A_83 = arith.constant dense<0.000000e+00> : vector<512x200xf32>
    %dot_general3A_84 = tpu.matmul %max3A_73, %get3A_82, %dot_general3A_83 {dimension_numbers = #tpu.dot_dimension_numbers<[1], [0], [0], [1], [0, 0, 1, 1], [], []>, transpose_lhs_hint = false} : vector<512x200xf32>, vector<200x200xf32>, vector<512x200xf32> -> vector<512x200xf32>
    %get3A_85 = arith.constant 0 : index
    %get3A_86 = arith.constant 0 : index
    %get3A_87 = vector.load %arg11[%get3A_85, %get3A_86] : memref<1x200xf32, #tpu.memory_space<vmem>>, vector<1x200xf32>
    %add3A_88 = vector.broadcast %get3A_87 : vector<1x200xf32> to vector<512x200xf32>
    %add3A_89 = arith.addf %dot_general3A_84, %add3A_88 : vector<512x200xf32>
    %swap3A_90 = arith.constant 0 : index
    %swap3A_91 = arith.constant 0 : index
    %swap3A_92 = vector.load %arg13[%swap3A_90, %swap3A_91] : memref<512x256xf32, #tpu.memory_space<vmem>>, vector<512x200xf32>
    tpu.vector_store %arg13[%swap3A_90, %swap3A_91], %add3A_89 {strides = array<i32>} : memref<512x256xf32, #tpu.memory_space<vmem>>, vector<512x200xf32>,
    %broadcast_in_dim3A_93 = arith.constant 0.000000e+00 : f32
    %broadcast_in_dim3A_94 = vector.broadcast %broadcast_in_dim3A_93 : f32 to vector<512x56xf32>
    %swap3A_95 = arith.constant 0 : index
    %swap3A_96 = arith.constant 200 : index
    %swap3A_97 = vector.load %arg13[%swap3A_95, %swap3A_96] : memref<512x256xf32, #tpu.memory_space<vmem>>, vector<512x56xf32>
    tpu.vector_store %arg13[%swap3A_95, %swap3A_96], %broadcast_in_dim3A_94 {strides = array<i32>} : memref<512x256xf32, #tpu.memory_space<vmem>>, vector<512x56xf32>,
    %broadcast_in_dim3A_98 = arith.constant 1.000000e+00 : f32
    %broadcast_in_dim3A_99 = vector.broadcast %broadcast_in_dim3A_98 : f32 to vector<512x1xf32>
    %swap3A_100 = arith.constant 0 : index
    %swap3A_101 = arith.constant 200 : index
    %swap3A_102 = vector.load %arg13[%swap3A_100, %swap3A_101] : memref<512x256xf32, #tpu.memory_space<vmem>>, vector<512x1xf32>
    tpu.vector_store %arg13[%swap3A_100, %swap3A_101], %broadcast_in_dim3A_99 {strides = array<i32>} : memref<512x256xf32, #tpu.memory_space<vmem>>, vector<512x1xf32>,
    %get3A_103 = arith.constant 0 : index
    %get3A_104 = arith.constant 0 : index
    %get3A_105 = vector.load %arg7[%get3A_103, %get3A_104] : memref<200x1xf32, #tpu.memory_space<vmem>>, vector<200x1xf32>
    %dot_general3A_106 = arith.constant dense<0.000000e+00> : vector<512x1xf32>
    %dot_general3A_107 = tpu.matmul %max3A_73, %get3A_105, %dot_general3A_106 {dimension_numbers = #tpu.dot_dimension_numbers<[1], [0], [0], [1], [0, 0, 1, 1], [], []>, transpose_lhs_hint = false} : vector<512x200xf32>, vector<200x1xf32>, vector<512x1xf32> -> vector<512x1xf32>
    %get3A_108 = arith.constant 0 : index
    %get3A_109 = arith.constant 0 : index
    %get3A_110 = vector.load %arg9[%get3A_108, %get3A_109] : memref<1x1xf32, #tpu.memory_space<vmem>>, vector<1x1xf32>
    %add3A_111 = vector.broadcast %get3A_110 : vector<1x1xf32> to vector<512x1xf32>
    %add3A_112 = arith.addf %dot_general3A_107, %add3A_111 : vector<512x1xf32>
    %swap3A_113 = arith.constant 0 : index
    %swap3A_114 = arith.constant 0 : index
    %swap3A_115 = vector.load %arg14[%swap3A_113, %swap3A_114] : memref<512x1xf32, #tpu.memory_space<vmem>>, vector<512x1xf32>
    tpu.vector_store %arg14[%swap3A_113, %swap3A_114], %add3A_112 {strides = array<i32>} : memref<512x1xf32, #tpu.memory_space<vmem>>, vector<512x1xf32>,
    %get3A_116 = arith.constant 0 : index
    %get3A_117 = arith.constant 0 : index
    %get3A_118 = vector.load %arg8[%get3A_116, %get3A_117] : memref<200x1xf32, #tpu.memory_space<vmem>>, vector<200x1xf32>
    %dot_general3A_119 = arith.constant dense<0.000000e+00> : vector<512x1xf32>
    %dot_general3A_120 = tpu.matmul %max3A_73, %get3A_118, %dot_general3A_119 {dimension_numbers = #tpu.dot_dimension_numbers<[1], [0], [0], [1], [0, 0, 1, 1], [], []>, transpose_lhs_hint = false} : vector<512x200xf32>, vector<200x1xf32>, vector<512x1xf32> -> vector<512x1xf32>
    %swap3A_121 = arith.constant 0 : index
    %swap3A_122 = arith.constant 0 : index
    %swap3A_123 = vector.load %arg15[%swap3A_121, %swap3A_122] : memref<512x1xf32, #tpu.memory_space<vmem>>, vector<512x1xf32>
    tpu.vector_store %arg15[%swap3A_121, %swap3A_122], %dot_general3A_120 {strides = array<i32>} : memref<512x1xf32, #tpu.memory_space<vmem>>, vector<512x1xf32>,
    return
  }
  func.func @transform_0(%arg0: i32) -> (i32, i32) {
    %c0_i32 = arith.constant 0 : i32
    %c0_i32_0 = arith.constant 0 : i32
    return %arg0, %c0_i32 : i32, i32
  }
  func.func @transform_1(%arg0: i32) -> (i32, i32) {
    %c0_i32 = arith.constant 0 : i32
    %c0_i32_0 = arith.constant 0 : i32
    return %arg0, %c0_i32 : i32, i32
  }
  func.func @transform_2(%arg0: i32) -> (i32, i32) {
    %c0_i32 = arith.constant 0 : i32
    %c0_i32_0 = arith.constant 0 : i32
    %c0_i32_1 = arith.constant 0 : i32
    return %c0_i32, %c0_i32_0 : i32, i32
  }
  func.func @transform_3(%arg0: i32) -> (i32, i32) {
    %c0_i32 = arith.constant 0 : i32
    %c0_i32_0 = arith.constant 0 : i32
    %c0_i32_1 = arith.constant 0 : i32
    return %c0_i32, %c0_i32_0 : i32, i32
  }
  func.func @transform_4(%arg0: i32) -> (i32, i32) {
    %c0_i32 = arith.constant 0 : i32
    %c0_i32_0 = arith.constant 0 : i32
    %c0_i32_1 = arith.constant 0 : i32
    return %c0_i32, %c0_i32_0 : i32, i32
  }
  func.func @transform_5(%arg0: i32) -> (i32, i32) {
    %c0_i32 = arith.constant 0 : i32
    %c0_i32_0 = arith.constant 0 : i32
    %c0_i32_1 = arith.constant 0 : i32
    return %c0_i32, %c0_i32_0 : i32, i32
  }
  func.func @transform_6(%arg0: i32) -> (i32, i32) {
    %c0_i32 = arith.constant 0 : i32
    %c0_i32_0 = arith.constant 0 : i32
    %c0_i32_1 = arith.constant 0 : i32
    return %c0_i32, %c0_i32_0 : i32, i32
  }
  func.func @transform_7(%arg0: i32) -> (i32, i32) {
    %c0_i32 = arith.constant 0 : i32
    %c0_i32_0 = arith.constant 0 : i32
    %c0_i32_1 = arith.constant 0 : i32
    return %c0_i32, %c0_i32_0 : i32, i32
  }
  func.func @transform_8(%arg0: i32) -> (i32, i32) {
    %c0_i32 = arith.constant 0 : i32
    %c0_i32_0 = arith.constant 0 : i32
    %c0_i32_1 = arith.constant 0 : i32
    return %c0_i32, %c0_i32_0 : i32, i32
  }
  func.func @transform_9(%arg0: i32) -> (i32, i32) {
    %c0_i32 = arith.constant 0 : i32
    %c0_i32_0 = arith.constant 0 : i32
    %c0_i32_1 = arith.constant 0 : i32
    return %c0_i32, %c0_i32_0 : i32, i32
  }
  func.func @transform_10(%arg0: i32) -> (i32, i32) {
    %c0_i32 = arith.constant 0 : i32
    %c0_i32_0 = arith.constant 0 : i32
    %c0_i32_1 = arith.constant 0 : i32
    return %c0_i32, %c0_i32_0 : i32, i32
  }
  func.func @transform_11(%arg0: i32) -> (i32, i32) {
    %c0_i32 = arith.constant 0 : i32
    %c0_i32_0 = arith.constant 0 : i32
    return %arg0, %c0_i32 : i32, i32
  }
  func.func @transform_12(%arg0: i32) -> (i32, i32) {
    %c0_i32 = arith.constant 0 : i32
    %c0_i32_0 = arith.constant 0 : i32
    return %arg0, %c0_i32 : i32, i32
  }
  func.func @transform_13(%arg0: i32) -> (i32, i32) {
    %c0_i32 = arith.constant 0 : i32
    %c0_i32_0 = arith.constant 0 : i32
    return %arg0, %c0_i32 : i32, i32
  }
  func.func @transform_14(%arg0: i32) -> (i32, i32) {
    %c0_i32 = arith.constant 0 : i32
    %c0_i32_0 = arith.constant 0 : i32
    return %arg0, %c0_i32 : i32, i32
  }
}

module attributes {stable_mosaic.version = 14 : i64} {
  func.func @tc7a_layer1_update(%arg0: i32, %arg1: memref<512x256xf32, #tpu.memory_space<vmem>>, %arg2: memref<512x256xf32, #tpu.memory_space<vmem>>, %arg3: memref<512x1xi32, #tpu.memory_space<vmem>>, %arg4: memref<200x600xf32, #tpu.memory_space<vmem>>, %arg5: memref<200x600xf32, #tpu.memory_space<vmem>>, %arg6: memref<1x600xf32, #tpu.memory_space<vmem>>, %arg7: memref<1x600xf32, #tpu.memory_space<vmem>>, %arg8: memref<200x1xf32, #tpu.memory_space<vmem>>, %arg9: memref<200x1xf32, #tpu.memory_space<vmem>>, %arg10: memref<512x200xf32, #tpu.memory_space<vmem>>, %arg11: memref<512x1xf32, #tpu.memory_space<vmem>>, %arg12: memref<512x1xf32, #tpu.memory_space<vmem>>, %arg13: memref<64x200xf32, #tpu.memory_space<vmem>>) attributes {dimension_semantics = [#tpu.dimension_semantics<arbitrary>], iteration_bounds = array<i64: 20>, scalar_prefetch = 0 : i64, scratch_operands = 0 : i64, tpu.core_type = #tpu.core_type<tc>, window_params = [{transform_indices = @transform_0, window_bounds = array<i64: 512, 256>}, {transform_indices = @transform_1, window_bounds = array<i64: 512, 256>}, {transform_indices = @transform_2, window_bounds = array<i64: 512, 1>}, {pipeline_mode = #tpu.pipeline_mode<synchronous>, transform_indices = @transform_3, window_bounds = array<i64: 200, 600>}, {pipeline_mode = #tpu.pipeline_mode<synchronous>, transform_indices = @transform_4, window_bounds = array<i64: 200, 600>}, {pipeline_mode = #tpu.pipeline_mode<synchronous>, transform_indices = @transform_5, window_bounds = array<i64: 1, 600>}, {pipeline_mode = #tpu.pipeline_mode<synchronous>, transform_indices = @transform_6, window_bounds = array<i64: 1, 600>}, {pipeline_mode = #tpu.pipeline_mode<synchronous>, transform_indices = @transform_7, window_bounds = array<i64: 200, 1>}, {pipeline_mode = #tpu.pipeline_mode<synchronous>, transform_indices = @transform_8, window_bounds = array<i64: 200, 1>}, {transform_indices = @transform_9, window_bounds = array<i64: 512, 200>}, {transform_indices = @transform_10, window_bounds = array<i64: 512, 1>}, {transform_indices = @transform_11, window_bounds = array<i64: 512, 1>}, {pipeline_mode = #tpu.pipeline_mode<synchronous>, transform_indices = @transform_12, window_bounds = array<i64: 64, 200>}]} {
    %get3A = arith.constant 0 : index
    %get3A_0 = arith.constant 200 : index
    %get3A_1 = vector.load %arg1[%get3A, %get3A_0] : memref<512x256xf32, #tpu.memory_space<vmem>>, vector<512x1xf32>
    %add3A = arith.constant 9.99999971E-10 : f32
    %add3A_2 = vector.broadcast %add3A : f32 to vector<512x1xf32>
    %add3A_3 = arith.addf %get3A_1, %add3A_2 : vector<512x1xf32>
    %div3A = arith.constant 1.000000e+00 : f32
    %div3A_4 = vector.broadcast %div3A : f32 to vector<512x1xf32>
    %div3A_5 = arith.divf %div3A_4, %add3A_3 : vector<512x1xf32>
    %get3A_6 = arith.constant 0 : index
    %get3A_7 = arith.constant 0 : index
    %get3A_8 = vector.load %arg1[%get3A_6, %get3A_7] : memref<512x256xf32, #tpu.memory_space<vmem>>, vector<512x200xf32>
    %mul3A = vector.broadcast %div3A_5 : vector<512x1xf32> to vector<512x200xf32>
    %mul3A_9 = arith.mulf %get3A_8, %mul3A : vector<512x200xf32>
    %gt3A = arith.constant 0.000000e+00 : f32
    %gt3A_10 = vector.broadcast %gt3A : f32 to vector<512x200xf32>
    %gt3A_11 = arith.cmpf ogt, %mul3A_9, %gt3A_10 : vector<512x200xf32>
    %min3A = arith.constant 0.000000e+00 : f32
    %min3A_12 = vector.broadcast %min3A : f32 to vector<512x200xf32>
    %min3A_13 = arith.minimumf %mul3A_9, %min3A_12 : vector<512x200xf32>
    %exp3A = math.exp %min3A_13 : vector<512x200xf32>
    %sub3A = arith.constant 1.000000e+00 : f32
    %sub3A_14 = vector.broadcast %sub3A : f32 to vector<512x200xf32>
    %sub3A_15 = arith.subf %exp3A, %sub3A_14 : vector<512x200xf32>
    %select_n3A = arith.select %gt3A_11, %mul3A_9, %sub3A_15 : vector<512x200xi1>, vector<512x200xf32>
    %get3A_16 = arith.constant 0 : index
    %get3A_17 = arith.constant 0 : index
    %get3A_18 = vector.load %arg2[%get3A_16, %get3A_17] : memref<512x256xf32, #tpu.memory_space<vmem>>, vector<512x200xf32>
    %get3A_19 = arith.constant 0 : index
    %get3A_20 = arith.constant 0 : index
    %get3A_21 = vector.load %arg4[%get3A_19, %get3A_20] : memref<200x600xf32, #tpu.memory_space<vmem>>, vector<200x600xf32>
    %get3A_22 = arith.constant 0 : index
    %get3A_23 = arith.constant 0 : index
    %get3A_24 = vector.load %arg5[%get3A_22, %get3A_23] : memref<200x600xf32, #tpu.memory_space<vmem>>, vector<200x600xf32>
    %get3A_25 = arith.constant 0 : index
    %get3A_26 = arith.constant 0 : index
    %get3A_27 = vector.load %arg6[%get3A_25, %get3A_26] : memref<1x600xf32, #tpu.memory_space<vmem>>, vector<1x600xf32>
    %get3A_28 = arith.constant 0 : index
    %get3A_29 = arith.constant 0 : index
    %get3A_30 = vector.load %arg7[%get3A_28, %get3A_29] : memref<1x600xf32, #tpu.memory_space<vmem>>, vector<1x600xf32>
    %dot_general3A = arith.constant dense<0.000000e+00> : vector<512x600xf32>
    %dot_general3A_31 = tpu.matmul %select_n3A, %get3A_21, %dot_general3A {dimension_numbers = #tpu.dot_dimension_numbers<[1], [0], [0], [1], [0, 0, 1, 1], [], []>, transpose_lhs_hint = false} : vector<512x200xf32>, vector<200x600xf32>, vector<512x600xf32> -> vector<512x600xf32>
    %add3A_32 = vector.broadcast %get3A_27 : vector<1x600xf32> to vector<512x600xf32>
    %add3A_33 = arith.addf %dot_general3A_31, %add3A_32 : vector<512x600xf32>
    %dot_general3A_34 = arith.constant dense<0.000000e+00> : vector<512x600xf32>
    %dot_general3A_35 = tpu.matmul %get3A_18, %get3A_24, %dot_general3A_34 {dimension_numbers = #tpu.dot_dimension_numbers<[1], [0], [0], [1], [0, 0, 1, 1], [], []>, transpose_lhs_hint = false} : vector<512x200xf32>, vector<200x600xf32>, vector<512x600xf32> -> vector<512x600xf32>
    %add3A_36 = vector.broadcast %get3A_30 : vector<1x600xf32> to vector<512x600xf32>
    %add3A_37 = arith.addf %dot_general3A_35, %add3A_36 : vector<512x600xf32>
    %slice3A = vector.extract_strided_slice %add3A_33 {offsets = [0, 0], sizes = [512, 200], strides = [1, 1]} : vector<512x600xf32> to vector<512x200xf32>
    %slice3A_38 = vector.extract_strided_slice %add3A_37 {offsets = [0, 0], sizes = [512, 200], strides = [1, 1]} : vector<512x600xf32> to vector<512x200xf32>
    %add3A_39 = arith.addf %slice3A, %slice3A_38 : vector<512x200xf32>
    %neg3A = arith.constant 0.000000e+00 : f32
    %neg3A_40 = vector.broadcast %neg3A : f32 to vector<512x200xf32>
    %neg3A_41 = arith.subf %neg3A_40, %add3A_39 : vector<512x200xf32>
    %exp3A_42 = math.exp %neg3A_41 : vector<512x200xf32>
    %add3A_43 = arith.constant 1.000000e+00 : f32
    %add3A_44 = vector.broadcast %add3A_43 : f32 to vector<512x200xf32>
    %add3A_45 = arith.addf %add3A_44, %exp3A_42 : vector<512x200xf32>
    %div3A_46 = arith.constant 1.000000e+00 : f32
    %div3A_47 = vector.broadcast %div3A_46 : f32 to vector<512x200xf32>
    %div3A_48 = arith.divf %div3A_47, %add3A_45 : vector<512x200xf32>
    %slice3A_49 = vector.extract_strided_slice %add3A_33 {offsets = [0, 200], sizes = [512, 200], strides = [1, 1]} : vector<512x600xf32> to vector<512x200xf32>
    %slice3A_50 = vector.extract_strided_slice %add3A_37 {offsets = [0, 200], sizes = [512, 200], strides = [1, 1]} : vector<512x600xf32> to vector<512x200xf32>
    %add3A_51 = arith.addf %slice3A_49, %slice3A_50 : vector<512x200xf32>
    %neg3A_52 = arith.constant 0.000000e+00 : f32
    %neg3A_53 = vector.broadcast %neg3A_52 : f32 to vector<512x200xf32>
    %neg3A_54 = arith.subf %neg3A_53, %add3A_51 : vector<512x200xf32>
    %exp3A_55 = math.exp %neg3A_54 : vector<512x200xf32>
    %add3A_56 = arith.constant 1.000000e+00 : f32
    %add3A_57 = vector.broadcast %add3A_56 : f32 to vector<512x200xf32>
    %add3A_58 = arith.addf %add3A_57, %exp3A_55 : vector<512x200xf32>
    %div3A_59 = arith.constant 1.000000e+00 : f32
    %div3A_60 = vector.broadcast %div3A_59 : f32 to vector<512x200xf32>
    %div3A_61 = arith.divf %div3A_60, %add3A_58 : vector<512x200xf32>
    %slice3A_62 = vector.extract_strided_slice %add3A_33 {offsets = [0, 400], sizes = [512, 200], strides = [1, 1]} : vector<512x600xf32> to vector<512x200xf32>
    %slice3A_63 = vector.extract_strided_slice %add3A_37 {offsets = [0, 400], sizes = [512, 200], strides = [1, 1]} : vector<512x600xf32> to vector<512x200xf32>
    %mul3A_64 = arith.mulf %div3A_48, %slice3A_63 : vector<512x200xf32>
    %add3A_65 = arith.addf %slice3A_62, %mul3A_64 : vector<512x200xf32>
    %tanh3A = math.tanh %add3A_65 : vector<512x200xf32>
    %sub3A_66 = arith.constant 1.000000e+00 : f32
    %sub3A_67 = vector.broadcast %sub3A_66 : f32 to vector<512x200xf32>
    %sub3A_68 = arith.subf %sub3A_67, %div3A_61 : vector<512x200xf32>
    %mul3A_69 = arith.mulf %sub3A_68, %tanh3A : vector<512x200xf32>
    %mul3A_70 = arith.mulf %div3A_61, %get3A_18 : vector<512x200xf32>
    %add3A_71 = arith.addf %mul3A_69, %mul3A_70 : vector<512x200xf32>
    %max3A = arith.constant 0.000000e+00 : f32
    %max3A_72 = vector.broadcast %max3A : f32 to vector<512x200xf32>
    %max3A_73 = arith.maximumf %add3A_71, %max3A_72 : vector<512x200xf32>
    %swap3A = arith.constant 0 : index
    %swap3A_74 = arith.constant 0 : index
    %swap3A_75 = vector.load %arg10[%swap3A, %swap3A_74] : memref<512x200xf32, #tpu.memory_space<vmem>>, vector<512x200xf32>
    tpu.vector_store %arg10[%swap3A, %swap3A_74], %max3A_73 {strides = array<i32>} : memref<512x200xf32, #tpu.memory_space<vmem>>, vector<512x200xf32>,
    %get3A_76 = arith.constant 0 : index
    %get3A_77 = arith.constant 0 : index
    %get3A_78 = vector.load %arg8[%get3A_76, %get3A_77] : memref<200x1xf32, #tpu.memory_space<vmem>>, vector<200x1xf32>
    %dot_general3A_79 = arith.constant dense<0.000000e+00> : vector<512x1xf32>
    %dot_general3A_80 = tpu.matmul %max3A_73, %get3A_78, %dot_general3A_79 {dimension_numbers = #tpu.dot_dimension_numbers<[1], [0], [0], [1], [0, 0, 1, 1], [], []>, transpose_lhs_hint = false} : vector<512x200xf32>, vector<200x1xf32>, vector<512x1xf32> -> vector<512x1xf32>
    %swap3A_81 = arith.constant 0 : index
    %swap3A_82 = arith.constant 0 : index
    %swap3A_83 = vector.load %arg11[%swap3A_81, %swap3A_82] : memref<512x1xf32, #tpu.memory_space<vmem>>, vector<512x1xf32>
    tpu.vector_store %arg11[%swap3A_81, %swap3A_82], %dot_general3A_80 {strides = array<i32>} : memref<512x1xf32, #tpu.memory_space<vmem>>, vector<512x1xf32>,
    %get3A_84 = arith.constant 0 : index
    %get3A_85 = arith.constant 0 : index
    %get3A_86 = vector.load %arg9[%get3A_84, %get3A_85] : memref<200x1xf32, #tpu.memory_space<vmem>>, vector<200x1xf32>
    %dot_general3A_87 = arith.constant dense<0.000000e+00> : vector<512x1xf32>
    %dot_general3A_88 = tpu.matmul %max3A_73, %get3A_86, %dot_general3A_87 {dimension_numbers = #tpu.dot_dimension_numbers<[1], [0], [0], [1], [0, 0, 1, 1], [], []>, transpose_lhs_hint = false} : vector<512x200xf32>, vector<200x1xf32>, vector<512x1xf32> -> vector<512x1xf32>
    %swap3A_89 = arith.constant 0 : index
    %swap3A_90 = arith.constant 0 : index
    %swap3A_91 = vector.load %arg12[%swap3A_89, %swap3A_90] : memref<512x1xf32, #tpu.memory_space<vmem>>, vector<512x1xf32>
    tpu.vector_store %arg12[%swap3A_89, %swap3A_90], %dot_general3A_88 {strides = array<i32>} : memref<512x1xf32, #tpu.memory_space<vmem>>, vector<512x1xf32>,
    %get3A_92 = arith.constant 0 : index
    %get3A_93 = arith.constant 0 : index
    %get3A_94 = vector.load %arg3[%get3A_92, %get3A_93] : memref<512x1xi32, #tpu.memory_space<vmem>>, vector<512x1xi32>
    %iota3A = tpu.iota {dimensions = array<i32: 1>} : vector<512x64xi32>
    %eq3A = vector.broadcast %get3A_94 : vector<512x1xi32> to vector<512x64xi32>
    %eq3A_95 = arith.cmpi eq, %eq3A, %iota3A : vector<512x64xi32>
    %convert_element_type3A = arith.extui %eq3A_95 : vector<512x64xi1> to vector<512x64xi32>
    %convert_element_type3A_96 = arith.sitofp %convert_element_type3A : vector<512x64xi32> to vector<512x64xf32>
    %dot_general3A_97 = arith.constant dense<0.000000e+00> : vector<64x200xf32>
    %dot_general3A_98 = tpu.matmul %convert_element_type3A_96, %max3A_73, %dot_general3A_97 {dimension_numbers = #tpu.dot_dimension_numbers<[0], [0], [1], [1], [0, 1, 1, 1], [], []>, precision = #tpu.contract_precision<fp32>, transpose_lhs_hint = false} : vector<512x64xf32>, vector<512x200xf32>, vector<64x200xf32> -> vector<64x200xf32>
    %eq3A_99 = arith.constant 0 : i32
    %eq3A_100 = arith.cmpi eq, %arg0, %eq3A_99 : i32
    %convert_element_type3A_101 = arith.extui %eq3A_100 : i1 to i32
    %cond3A = arith.constant 0 : i32
    %cond3A_102 = arith.cmpi ne, %convert_element_type3A_101, %cond3A : i32
    scf.if %cond3A_102 {
      %broadcast_in_dim3A = arith.constant 0.000000e+00 : f32
      %broadcast_in_dim3A_110 = vector.broadcast %broadcast_in_dim3A : f32 to vector<64x200xf32>
      %swap3A_111 = arith.constant 0 : index
      %swap3A_112 = arith.constant 0 : index
      %swap3A_113 = vector.load %arg13[%swap3A_111, %swap3A_112] : memref<64x200xf32, #tpu.memory_space<vmem>>, vector<64x200xf32>
      tpu.vector_store %arg13[%swap3A_111, %swap3A_112], %broadcast_in_dim3A_110 {strides = array<i32>} : memref<64x200xf32, #tpu.memory_space<vmem>>, vector<64x200xf32>,
    } else {
    }
    %get3A_103 = arith.constant 0 : index
    %get3A_104 = arith.constant 0 : index
    %get3A_105 = vector.load %arg13[%get3A_103, %get3A_104] : memref<64x200xf32, #tpu.memory_space<vmem>>, vector<64x200xf32>
    %add3A_106 = arith.addf %get3A_105, %dot_general3A_98 : vector<64x200xf32>
    %swap3A_107 = arith.constant 0 : index
    %swap3A_108 = arith.constant 0 : index
    %swap3A_109 = vector.load %arg13[%swap3A_107, %swap3A_108] : memref<64x200xf32, #tpu.memory_space<vmem>>, vector<64x200xf32>
    tpu.vector_store %arg13[%swap3A_107, %swap3A_108], %add3A_106 {strides = array<i32>} : memref<64x200xf32, #tpu.memory_space<vmem>>, vector<64x200xf32>,
    return
  }
  func.func @transform_0(%arg0: i32) -> (i32, i32) {
    %c0_i32 = arith.constant 0 : i32
    %c0_i32_0 = arith.constant 0 : i32
    return %arg0, %c0_i32 : i32, i32
  }
  func.func @transform_1(%arg0: i32) -> (i32, i32) {
    %c0_i32 = arith.constant 0 : i32
    %c0_i32_0 = arith.constant 0 : i32
    return %arg0, %c0_i32 : i32, i32
  }
  func.func @transform_2(%arg0: i32) -> (i32, i32) {
    %c0_i32 = arith.constant 0 : i32
    %c0_i32_0 = arith.constant 0 : i32
    return %arg0, %c0_i32 : i32, i32
  }
  func.func @transform_3(%arg0: i32) -> (i32, i32) {
    %c0_i32 = arith.constant 0 : i32
    %c0_i32_0 = arith.constant 0 : i32
    %c0_i32_1 = arith.constant 0 : i32
    return %c0_i32, %c0_i32_0 : i32, i32
  }
  func.func @transform_4(%arg0: i32) -> (i32, i32) {
    %c0_i32 = arith.constant 0 : i32
    %c0_i32_0 = arith.constant 0 : i32
    %c0_i32_1 = arith.constant 0 : i32
    return %c0_i32, %c0_i32_0 : i32, i32
  }
  func.func @transform_5(%arg0: i32) -> (i32, i32) {
    %c0_i32 = arith.constant 0 : i32
    %c0_i32_0 = arith.constant 0 : i32
    %c0_i32_1 = arith.constant 0 : i32
    return %c0_i32, %c0_i32_0 : i32, i32
  }
  func.func @transform_6(%arg0: i32) -> (i32, i32) {
    %c0_i32 = arith.constant 0 : i32
    %c0_i32_0 = arith.constant 0 : i32
    %c0_i32_1 = arith.constant 0 : i32
    return %c0_i32, %c0_i32_0 : i32, i32
  }
  func.func @transform_7(%arg0: i32) -> (i32, i32) {
    %c0_i32 = arith.constant 0 : i32
    %c0_i32_0 = arith.constant 0 : i32
    %c0_i32_1 = arith.constant 0 : i32
    return %c0_i32, %c0_i32_0 : i32, i32
  }
  func.func @transform_8(%arg0: i32) -> (i32, i32) {
    %c0_i32 = arith.constant 0 : i32
    %c0_i32_0 = arith.constant 0 : i32
    %c0_i32_1 = arith.constant 0 : i32
    return %c0_i32, %c0_i32_0 : i32, i32
  }
  func.func @transform_9(%arg0: i32) -> (i32, i32) {
    %c0_i32 = arith.constant 0 : i32
    %c0_i32_0 = arith.constant 0 : i32
    return %arg0, %c0_i32 : i32, i32
  }
  func.func @transform_10(%arg0: i32) -> (i32, i32) {
    %c0_i32 = arith.constant 0 : i32
    %c0_i32_0 = arith.constant 0 : i32
    return %arg0, %c0_i32 : i32, i32
  }
  func.func @transform_11(%arg0: i32) -> (i32, i32) {
    %c0_i32 = arith.constant 0 : i32
    %c0_i32_0 = arith.constant 0 : i32
    return %arg0, %c0_i32 : i32, i32
  }
  func.func @transform_12(%arg0: i32) -> (i32, i32) {
    %c0_i32 = arith.constant 0 : i32
    %c0_i32_0 = arith.constant 0 : i32
    %c0_i32_1 = arith.constant 0 : i32
    return %c0_i32, %c0_i32_0 : i32, i32
  }
}

module attributes {stable_mosaic.version = 14 : i64} {
  func.func @tc7b_readout_attn(%arg0: i32, %arg1: memref<512x200xf32, #tpu.memory_space<vmem>>, %arg2: memref<512x1xf32, #tpu.memory_space<vmem>>, %arg3: memref<512x1xi32, #tpu.memory_space<vmem>>, %arg4: memref<64x200xf32, #tpu.memory_space<vmem>>, %arg5: memref<200x1xf32, #tpu.memory_space<vmem>>, %arg6: memref<1x1xf32, #tpu.memory_space<vmem>>, %arg7: memref<200x200xf32, #tpu.memory_space<vmem>>, %arg8: memref<1x200xf32, #tpu.memory_space<vmem>>, %arg9: memref<64x1xf32, #tpu.memory_space<vmem>>, %arg10: memref<64x200xf32, #tpu.memory_space<vmem>>) attributes {dimension_semantics = [#tpu.dimension_semantics<arbitrary>], iteration_bounds = array<i64: 20>, scalar_prefetch = 0 : i64, scratch_operands = 0 : i64, tpu.core_type = #tpu.core_type<tc>, window_params = [{transform_indices = @transform_0, window_bounds = array<i64: 512, 200>}, {transform_indices = @transform_1, window_bounds = array<i64: 512, 1>}, {transform_indices = @transform_2, window_bounds = array<i64: 512, 1>}, {pipeline_mode = #tpu.pipeline_mode<synchronous>, transform_indices = @transform_3, window_bounds = array<i64: 64, 200>}, {pipeline_mode = #tpu.pipeline_mode<synchronous>, transform_indices = @transform_4, window_bounds = array<i64: 200, 1>}, {pipeline_mode = #tpu.pipeline_mode<synchronous>, transform_indices = @transform_5, window_bounds = array<i64: 1, 1>}, {pipeline_mode = #tpu.pipeline_mode<synchronous>, transform_indices = @transform_6, window_bounds = array<i64: 200, 200>}, {pipeline_mode = #tpu.pipeline_mode<synchronous>, transform_indices = @transform_7, window_bounds = array<i64: 1, 200>}, {pipeline_mode = #tpu.pipeline_mode<synchronous>, transform_indices = @transform_8, window_bounds = array<i64: 64, 1>}, {pipeline_mode = #tpu.pipeline_mode<synchronous>, transform_indices = @transform_9, window_bounds = array<i64: 64, 200>}]} {
    %get3A = arith.constant 0 : index
    %get3A_0 = arith.constant 0 : index
    %get3A_1 = vector.load %arg4[%get3A, %get3A_0] : memref<64x200xf32, #tpu.memory_space<vmem>>, vector<64x200xf32>
    %max3A = arith.constant 0.000000e+00 : f32
    %max3A_2 = vector.broadcast %max3A : f32 to vector<64x200xf32>
    %max3A_3 = arith.maximumf %get3A_1, %max3A_2 : vector<64x200xf32>
    %get3A_4 = arith.constant 0 : index
    %get3A_5 = arith.constant 0 : index
    %get3A_6 = vector.load %arg5[%get3A_4, %get3A_5] : memref<200x1xf32, #tpu.memory_space<vmem>>, vector<200x1xf32>
    %dot_general3A = arith.constant dense<0.000000e+00> : vector<64x1xf32>
    %dot_general3A_7 = tpu.matmul %max3A_3, %get3A_6, %dot_general3A {dimension_numbers = #tpu.dot_dimension_numbers<[1], [0], [0], [1], [0, 0, 1, 1], [], []>, transpose_lhs_hint = false} : vector<64x200xf32>, vector<200x1xf32>, vector<64x1xf32> -> vector<64x1xf32>
    %get3A_8 = arith.constant 0 : index
    %get3A_9 = arith.constant 0 : index
    %get3A_10 = vector.load %arg6[%get3A_8, %get3A_9] : memref<1x1xf32, #tpu.memory_space<vmem>>, vector<1x1xf32>
    %add3A = vector.broadcast %get3A_10 : vector<1x1xf32> to vector<64x1xf32>
    %add3A_11 = arith.addf %dot_general3A_7, %add3A : vector<64x1xf32>
    %get3A_12 = arith.constant 0 : index
    %get3A_13 = arith.constant 0 : index
    %get3A_14 = vector.load %arg3[%get3A_12, %get3A_13] : memref<512x1xi32, #tpu.memory_space<vmem>>, vector<512x1xi32>
    %iota3A = tpu.iota {dimensions = array<i32: 1>} : vector<512x64xi32>
    %eq3A = vector.broadcast %get3A_14 : vector<512x1xi32> to vector<512x64xi32>
    %eq3A_15 = arith.cmpi eq, %eq3A, %iota3A : vector<512x64xi32>
    %convert_element_type3A = arith.extui %eq3A_15 : vector<512x64xi1> to vector<512x64xi32>
    %convert_element_type3A_16 = arith.sitofp %convert_element_type3A : vector<512x64xi32> to vector<512x64xf32>
    %dot_general3A_17 = arith.constant dense<0.000000e+00> : vector<512x1xf32>
    %dot_general3A_18 = tpu.matmul %convert_element_type3A_16, %add3A_11, %dot_general3A_17 {dimension_numbers = #tpu.dot_dimension_numbers<[1], [0], [0], [1], [0, 0, 1, 1], [], []>, precision = #tpu.contract_precision<fp32>, transpose_lhs_hint = false} : vector<512x64xf32>, vector<64x1xf32>, vector<512x1xf32> -> vector<512x1xf32>
    %get3A_19 = arith.constant 0 : index
    %get3A_20 = arith.constant 0 : index
    %get3A_21 = vector.load %arg2[%get3A_19, %get3A_20] : memref<512x1xf32, #tpu.memory_space<vmem>>, vector<512x1xf32>
    %add3A_22 = arith.addf %dot_general3A_18, %get3A_21 : vector<512x1xf32>
    %ge3A = arith.constant 0.000000e+00 : f32
    %ge3A_23 = vector.broadcast %ge3A : f32 to vector<512x1xf32>
    %ge3A_24 = arith.cmpf oge, %add3A_22, %ge3A_23 : vector<512x1xf32>
    %mul3A = arith.constant 0.00999999977 : f32
    %mul3A_25 = vector.broadcast %mul3A : f32 to vector<512x1xf32>
    %mul3A_26 = arith.mulf %mul3A_25, %add3A_22 : vector<512x1xf32>
    %select_n3A = arith.select %ge3A_24, %add3A_22, %mul3A_26 : vector<512x1xi1>, vector<512x1xf32>
    %exp3A = math.exp %select_n3A : vector<512x1xf32>
    %get3A_27 = arith.constant 0 : index
    %get3A_28 = arith.constant 0 : index
    %get3A_29 = vector.load %arg1[%get3A_27, %get3A_28] : memref<512x200xf32, #tpu.memory_space<vmem>>, vector<512x200xf32>
    %get3A_30 = arith.constant 0 : index
    %get3A_31 = arith.constant 0 : index
    %get3A_32 = vector.load %arg7[%get3A_30, %get3A_31] : memref<200x200xf32, #tpu.memory_space<vmem>>, vector<200x200xf32>
    %dot_general3A_33 = arith.constant dense<0.000000e+00> : vector<512x200xf32>
    %dot_general3A_34 = tpu.matmul %get3A_29, %get3A_32, %dot_general3A_33 {dimension_numbers = #tpu.dot_dimension_numbers<[1], [0], [0], [1], [0, 0, 1, 1], [], []>, transpose_lhs_hint = false} : vector<512x200xf32>, vector<200x200xf32>, vector<512x200xf32> -> vector<512x200xf32>
    %get3A_35 = arith.constant 0 : index
    %get3A_36 = arith.constant 0 : index
    %get3A_37 = vector.load %arg8[%get3A_35, %get3A_36] : memref<1x200xf32, #tpu.memory_space<vmem>>, vector<1x200xf32>
    %add3A_38 = vector.broadcast %get3A_37 : vector<1x200xf32> to vector<512x200xf32>
    %add3A_39 = arith.addf %dot_general3A_34, %add3A_38 : vector<512x200xf32>
    %dot_general3A_40 = arith.constant dense<0.000000e+00> : vector<64x1xf32>
    %dot_general3A_41 = tpu.matmul %convert_element_type3A_16, %exp3A, %dot_general3A_40 {dimension_numbers = #tpu.dot_dimension_numbers<[0], [0], [1], [1], [0, 1, 1, 1], [], []>, precision = #tpu.contract_precision<fp32>, transpose_lhs_hint = false} : vector<512x64xf32>, vector<512x1xf32>, vector<64x1xf32> -> vector<64x1xf32>
    %mul3A_42 = vector.broadcast %exp3A : vector<512x1xf32> to vector<512x200xf32>
    %mul3A_43 = arith.mulf %mul3A_42, %add3A_39 : vector<512x200xf32>
    %dot_general3A_44 = arith.constant dense<0.000000e+00> : vector<64x200xf32>
    %dot_general3A_45 = tpu.matmul %convert_element_type3A_16, %mul3A_43, %dot_general3A_44 {dimension_numbers = #tpu.dot_dimension_numbers<[0], [0], [1], [1], [0, 1, 1, 1], [], []>, precision = #tpu.contract_precision<fp32>, transpose_lhs_hint = false} : vector<512x64xf32>, vector<512x200xf32>, vector<64x200xf32> -> vector<64x200xf32>
    %eq3A_46 = arith.constant 0 : i32
    %eq3A_47 = arith.cmpi eq, %arg0, %eq3A_46 : i32
    %convert_element_type3A_48 = arith.extui %eq3A_47 : i1 to i32
    %cond3A = arith.constant 0 : i32
    %cond3A_49 = arith.cmpi ne, %convert_element_type3A_48, %cond3A : i32
    scf.if %cond3A_49 {
      %broadcast_in_dim3A = arith.constant 0.000000e+00 : f32
      %broadcast_in_dim3A_63 = vector.broadcast %broadcast_in_dim3A : f32 to vector<64x1xf32>
      %swap3A_64 = arith.constant 0 : index
      %swap3A_65 = arith.constant 0 : index
      %swap3A_66 = vector.load %arg9[%swap3A_64, %swap3A_65] : memref<64x1xf32, #tpu.memory_space<vmem>>, vector<64x1xf32>
      tpu.vector_store %arg9[%swap3A_64, %swap3A_65], %broadcast_in_dim3A_63 {strides = array<i32>} : memref<64x1xf32, #tpu.memory_space<vmem>>, vector<64x1xf32>,
      %broadcast_in_dim3A_67 = arith.constant 0.000000e+00 : f32
      %broadcast_in_dim3A_68 = vector.broadcast %broadcast_in_dim3A_67 : f32 to vector<64x200xf32>
      %swap3A_69 = arith.constant 0 : index
      %swap3A_70 = arith.constant 0 : index
      %swap3A_71 = vector.load %arg10[%swap3A_69, %swap3A_70] : memref<64x200xf32, #tpu.memory_space<vmem>>, vector<64x200xf32>
      tpu.vector_store %arg10[%swap3A_69, %swap3A_70], %broadcast_in_dim3A_68 {strides = array<i32>} : memref<64x200xf32, #tpu.memory_space<vmem>>, vector<64x200xf32>,
    } else {
    }
    %get3A_50 = arith.constant 0 : index
    %get3A_51 = arith.constant 0 : index
    %get3A_52 = vector.load %arg9[%get3A_50, %get3A_51] : memref<64x1xf32, #tpu.memory_space<vmem>>, vector<64x1xf32>
    %add3A_53 = arith.addf %get3A_52, %dot_general3A_41 : vector<64x1xf32>
    %swap3A = arith.constant 0 : index
    %swap3A_54 = arith.constant 0 : index
    %swap3A_55 = vector.load %arg9[%swap3A, %swap3A_54] : memref<64x1xf32, #tpu.memory_space<vmem>>, vector<64x1xf32>
    tpu.vector_store %arg9[%swap3A, %swap3A_54], %add3A_53 {strides = array<i32>} : memref<64x1xf32, #tpu.memory_space<vmem>>, vector<64x1xf32>,
    %get3A_56 = arith.constant 0 : index
    %get3A_57 = arith.constant 0 : index
    %get3A_58 = vector.load %arg10[%get3A_56, %get3A_57] : memref<64x200xf32, #tpu.memory_space<vmem>>, vector<64x200xf32>
    %add3A_59 = arith.addf %get3A_58, %dot_general3A_45 : vector<64x200xf32>
    %swap3A_60 = arith.constant 0 : index
    %swap3A_61 = arith.constant 0 : index
    %swap3A_62 = vector.load %arg10[%swap3A_60, %swap3A_61] : memref<64x200xf32, #tpu.memory_space<vmem>>, vector<64x200xf32>
    tpu.vector_store %arg10[%swap3A_60, %swap3A_61], %add3A_59 {strides = array<i32>} : memref<64x200xf32, #tpu.memory_space<vmem>>, vector<64x200xf32>,
    return
  }
  func.func @transform_0(%arg0: i32) -> (i32, i32) {
    %c0_i32 = arith.constant 0 : i32
    %c0_i32_0 = arith.constant 0 : i32
    return %arg0, %c0_i32 : i32, i32
  }
  func.func @transform_1(%arg0: i32) -> (i32, i32) {
    %c0_i32 = arith.constant 0 : i32
    %c0_i32_0 = arith.constant 0 : i32
    return %arg0, %c0_i32 : i32, i32
  }
  func.func @transform_2(%arg0: i32) -> (i32, i32) {
    %c0_i32 = arith.constant 0 : i32
    %c0_i32_0 = arith.constant 0 : i32
    return %arg0, %c0_i32 : i32, i32
  }
  func.func @transform_3(%arg0: i32) -> (i32, i32) {
    %c0_i32 = arith.constant 0 : i32
    %c0_i32_0 = arith.constant 0 : i32
    %c0_i32_1 = arith.constant 0 : i32
    return %c0_i32, %c0_i32_0 : i32, i32
  }
  func.func @transform_4(%arg0: i32) -> (i32, i32) {
    %c0_i32 = arith.constant 0 : i32
    %c0_i32_0 = arith.constant 0 : i32
    %c0_i32_1 = arith.constant 0 : i32
    return %c0_i32, %c0_i32_0 : i32, i32
  }
  func.func @transform_5(%arg0: i32) -> (i32, i32) {
    %c0_i32 = arith.constant 0 : i32
    %c0_i32_0 = arith.constant 0 : i32
    %c0_i32_1 = arith.constant 0 : i32
    return %c0_i32, %c0_i32_0 : i32, i32
  }
  func.func @transform_6(%arg0: i32) -> (i32, i32) {
    %c0_i32 = arith.constant 0 : i32
    %c0_i32_0 = arith.constant 0 : i32
    %c0_i32_1 = arith.constant 0 : i32
    return %c0_i32, %c0_i32_0 : i32, i32
  }
  func.func @transform_7(%arg0: i32) -> (i32, i32) {
    %c0_i32 = arith.constant 0 : i32
    %c0_i32_0 = arith.constant 0 : i32
    %c0_i32_1 = arith.constant 0 : i32
    return %c0_i32, %c0_i32_0 : i32, i32
  }
  func.func @transform_8(%arg0: i32) -> (i32, i32) {
    %c0_i32 = arith.constant 0 : i32
    %c0_i32_0 = arith.constant 0 : i32
    %c0_i32_1 = arith.constant 0 : i32
    return %c0_i32, %c0_i32_0 : i32, i32
  }
  func.func @transform_9(%arg0: i32) -> (i32, i32) {
    %c0_i32 = arith.constant 0 : i32
    %c0_i32_0 = arith.constant 0 : i32
    %c0_i32_1 = arith.constant 0 : i32
    return %c0_i32, %c0_i32_0 : i32, i32
  }
}

module attributes {stable_mosaic.version = 14 : i64} {
  func.func @tc7c_graph_gru(%arg0: i32, %arg1: memref<64x1xf32, #tpu.memory_space<vmem>>, %arg2: memref<64x200xf32, #tpu.memory_space<vmem>>, %arg3: memref<64x200xf32, #tpu.memory_space<vmem>>, %arg4: memref<200x600xf32, #tpu.memory_space<vmem>>, %arg5: memref<200x600xf32, #tpu.memory_space<vmem>>, %arg6: memref<1x600xf32, #tpu.memory_space<vmem>>, %arg7: memref<1x600xf32, #tpu.memory_space<vmem>>, %arg8: memref<64x200xf32, #tpu.memory_space<vmem>>) attributes {dimension_semantics = [#tpu.dimension_semantics<arbitrary>], iteration_bounds = array<i64: 1>, scalar_prefetch = 0 : i64, scratch_operands = 0 : i64, tpu.core_type = #tpu.core_type<tc>, window_params = [{pipeline_mode = #tpu.pipeline_mode<synchronous>, transform_indices = @transform_0, window_bounds = array<i64: 64, 1>}, {pipeline_mode = #tpu.pipeline_mode<synchronous>, transform_indices = @transform_1, window_bounds = array<i64: 64, 200>}, {pipeline_mode = #tpu.pipeline_mode<synchronous>, transform_indices = @transform_2, window_bounds = array<i64: 64, 200>}, {pipeline_mode = #tpu.pipeline_mode<synchronous>, transform_indices = @transform_3, window_bounds = array<i64: 200, 600>}, {pipeline_mode = #tpu.pipeline_mode<synchronous>, transform_indices = @transform_4, window_bounds = array<i64: 200, 600>}, {pipeline_mode = #tpu.pipeline_mode<synchronous>, transform_indices = @transform_5, window_bounds = array<i64: 1, 600>}, {pipeline_mode = #tpu.pipeline_mode<synchronous>, transform_indices = @transform_6, window_bounds = array<i64: 1, 600>}, {pipeline_mode = #tpu.pipeline_mode<synchronous>, transform_indices = @transform_7, window_bounds = array<i64: 64, 200>}]} {
    %get3A = arith.constant 0 : index
    %get3A_0 = arith.constant 0 : index
    %get3A_1 = vector.load %arg2[%get3A, %get3A_0] : memref<64x200xf32, #tpu.memory_space<vmem>>, vector<64x200xf32>
    %get3A_2 = arith.constant 0 : index
    %get3A_3 = arith.constant 0 : index
    %get3A_4 = vector.load %arg1[%get3A_2, %get3A_3] : memref<64x1xf32, #tpu.memory_space<vmem>>, vector<64x1xf32>
    %add3A = arith.constant 9.99999971E-10 : f32
    %add3A_5 = vector.broadcast %add3A : f32 to vector<64x1xf32>
    %add3A_6 = arith.addf %get3A_4, %add3A_5 : vector<64x1xf32>
    %div3A = vector.broadcast %add3A_6 : vector<64x1xf32> to vector<64x200xf32>
    %div3A_7 = arith.divf %get3A_1, %div3A : vector<64x200xf32>
    %gt3A = arith.constant 0.000000e+00 : f32
    %gt3A_8 = vector.broadcast %gt3A : f32 to vector<64x200xf32>
    %gt3A_9 = arith.cmpf ogt, %div3A_7, %gt3A_8 : vector<64x200xf32>
    %min3A = arith.constant 0.000000e+00 : f32
    %min3A_10 = vector.broadcast %min3A : f32 to vector<64x200xf32>
    %min3A_11 = arith.minimumf %div3A_7, %min3A_10 : vector<64x200xf32>
    %exp3A = math.exp %min3A_11 : vector<64x200xf32>
    %sub3A = arith.constant 1.000000e+00 : f32
    %sub3A_12 = vector.broadcast %sub3A : f32 to vector<64x200xf32>
    %sub3A_13 = arith.subf %exp3A, %sub3A_12 : vector<64x200xf32>
    %select_n3A = arith.select %gt3A_9, %div3A_7, %sub3A_13 : vector<64x200xi1>, vector<64x200xf32>
    %get3A_14 = arith.constant 0 : index
    %get3A_15 = arith.constant 0 : index
    %get3A_16 = vector.load %arg3[%get3A_14, %get3A_15] : memref<64x200xf32, #tpu.memory_space<vmem>>, vector<64x200xf32>
    %get3A_17 = arith.constant 0 : index
    %get3A_18 = arith.constant 0 : index
    %get3A_19 = vector.load %arg4[%get3A_17, %get3A_18] : memref<200x600xf32, #tpu.memory_space<vmem>>, vector<200x600xf32>
    %get3A_20 = arith.constant 0 : index
    %get3A_21 = arith.constant 0 : index
    %get3A_22 = vector.load %arg5[%get3A_20, %get3A_21] : memref<200x600xf32, #tpu.memory_space<vmem>>, vector<200x600xf32>
    %get3A_23 = arith.constant 0 : index
    %get3A_24 = arith.constant 0 : index
    %get3A_25 = vector.load %arg6[%get3A_23, %get3A_24] : memref<1x600xf32, #tpu.memory_space<vmem>>, vector<1x600xf32>
    %get3A_26 = arith.constant 0 : index
    %get3A_27 = arith.constant 0 : index
    %get3A_28 = vector.load %arg7[%get3A_26, %get3A_27] : memref<1x600xf32, #tpu.memory_space<vmem>>, vector<1x600xf32>
    %dot_general3A = arith.constant dense<0.000000e+00> : vector<64x600xf32>
    %dot_general3A_29 = tpu.matmul %select_n3A, %get3A_19, %dot_general3A {dimension_numbers = #tpu.dot_dimension_numbers<[1], [0], [0], [1], [0, 0, 1, 1], [], []>, transpose_lhs_hint = false} : vector<64x200xf32>, vector<200x600xf32>, vector<64x600xf32> -> vector<64x600xf32>
    %add3A_30 = vector.broadcast %get3A_25 : vector<1x600xf32> to vector<64x600xf32>
    %add3A_31 = arith.addf %dot_general3A_29, %add3A_30 : vector<64x600xf32>
    %dot_general3A_32 = arith.constant dense<0.000000e+00> : vector<64x600xf32>
    %dot_general3A_33 = tpu.matmul %get3A_16, %get3A_22, %dot_general3A_32 {dimension_numbers = #tpu.dot_dimension_numbers<[1], [0], [0], [1], [0, 0, 1, 1], [], []>, transpose_lhs_hint = false} : vector<64x200xf32>, vector<200x600xf32>, vector<64x600xf32> -> vector<64x600xf32>
    %add3A_34 = vector.broadcast %get3A_28 : vector<1x600xf32> to vector<64x600xf32>
    %add3A_35 = arith.addf %dot_general3A_33, %add3A_34 : vector<64x600xf32>
    %slice3A = vector.extract_strided_slice %add3A_31 {offsets = [0, 0], sizes = [64, 200], strides = [1, 1]} : vector<64x600xf32> to vector<64x200xf32>
    %slice3A_36 = vector.extract_strided_slice %add3A_35 {offsets = [0, 0], sizes = [64, 200], strides = [1, 1]} : vector<64x600xf32> to vector<64x200xf32>
    %add3A_37 = arith.addf %slice3A, %slice3A_36 : vector<64x200xf32>
    %neg3A = arith.constant 0.000000e+00 : f32
    %neg3A_38 = vector.broadcast %neg3A : f32 to vector<64x200xf32>
    %neg3A_39 = arith.subf %neg3A_38, %add3A_37 : vector<64x200xf32>
    %exp3A_40 = math.exp %neg3A_39 : vector<64x200xf32>
    %add3A_41 = arith.constant 1.000000e+00 : f32
    %add3A_42 = vector.broadcast %add3A_41 : f32 to vector<64x200xf32>
    %add3A_43 = arith.addf %add3A_42, %exp3A_40 : vector<64x200xf32>
    %div3A_44 = arith.constant 1.000000e+00 : f32
    %div3A_45 = vector.broadcast %div3A_44 : f32 to vector<64x200xf32>
    %div3A_46 = arith.divf %div3A_45, %add3A_43 : vector<64x200xf32>
    %slice3A_47 = vector.extract_strided_slice %add3A_31 {offsets = [0, 200], sizes = [64, 200], strides = [1, 1]} : vector<64x600xf32> to vector<64x200xf32>
    %slice3A_48 = vector.extract_strided_slice %add3A_35 {offsets = [0, 200], sizes = [64, 200], strides = [1, 1]} : vector<64x600xf32> to vector<64x200xf32>
    %add3A_49 = arith.addf %slice3A_47, %slice3A_48 : vector<64x200xf32>
    %neg3A_50 = arith.constant 0.000000e+00 : f32
    %neg3A_51 = vector.broadcast %neg3A_50 : f32 to vector<64x200xf32>
    %neg3A_52 = arith.subf %neg3A_51, %add3A_49 : vector<64x200xf32>
    %exp3A_53 = math.exp %neg3A_52 : vector<64x200xf32>
    %add3A_54 = arith.constant 1.000000e+00 : f32
    %add3A_55 = vector.broadcast %add3A_54 : f32 to vector<64x200xf32>
    %add3A_56 = arith.addf %add3A_55, %exp3A_53 : vector<64x200xf32>
    %div3A_57 = arith.constant 1.000000e+00 : f32
    %div3A_58 = vector.broadcast %div3A_57 : f32 to vector<64x200xf32>
    %div3A_59 = arith.divf %div3A_58, %add3A_56 : vector<64x200xf32>
    %slice3A_60 = vector.extract_strided_slice %add3A_31 {offsets = [0, 400], sizes = [64, 200], strides = [1, 1]} : vector<64x600xf32> to vector<64x200xf32>
    %slice3A_61 = vector.extract_strided_slice %add3A_35 {offsets = [0, 400], sizes = [64, 200], strides = [1, 1]} : vector<64x600xf32> to vector<64x200xf32>
    %mul3A = arith.mulf %div3A_46, %slice3A_61 : vector<64x200xf32>
    %add3A_62 = arith.addf %slice3A_60, %mul3A : vector<64x200xf32>
    %tanh3A = math.tanh %add3A_62 : vector<64x200xf32>
    %sub3A_63 = arith.constant 1.000000e+00 : f32
    %sub3A_64 = vector.broadcast %sub3A_63 : f32 to vector<64x200xf32>
    %sub3A_65 = arith.subf %sub3A_64, %div3A_59 : vector<64x200xf32>
    %mul3A_66 = arith.mulf %sub3A_65, %tanh3A : vector<64x200xf32>
    %mul3A_67 = arith.mulf %div3A_59, %get3A_16 : vector<64x200xf32>
    %add3A_68 = arith.addf %mul3A_66, %mul3A_67 : vector<64x200xf32>
    %max3A = arith.constant 0.000000e+00 : f32
    %max3A_69 = vector.broadcast %max3A : f32 to vector<64x200xf32>
    %max3A_70 = arith.maximumf %add3A_68, %max3A_69 : vector<64x200xf32>
    %swap3A = arith.constant 0 : index
    %swap3A_71 = arith.constant 0 : index
    %swap3A_72 = vector.load %arg8[%swap3A, %swap3A_71] : memref<64x200xf32, #tpu.memory_space<vmem>>, vector<64x200xf32>
    tpu.vector_store %arg8[%swap3A, %swap3A_71], %max3A_70 {strides = array<i32>} : memref<64x200xf32, #tpu.memory_space<vmem>>, vector<64x200xf32>,
    return
  }
  func.func @transform_0(%arg0: i32) -> (i32, i32) {
    %c0_i32 = arith.constant 0 : i32
    %c0_i32_0 = arith.constant 0 : i32
    %c0_i32_1 = arith.constant 0 : i32
    return %c0_i32, %c0_i32_0 : i32, i32
  }
  func.func @transform_1(%arg0: i32) -> (i32, i32) {
    %c0_i32 = arith.constant 0 : i32
    %c0_i32_0 = arith.constant 0 : i32
    %c0_i32_1 = arith.constant 0 : i32
    return %c0_i32, %c0_i32_0 : i32, i32
  }
  func.func @transform_2(%arg0: i32) -> (i32, i32) {
    %c0_i32 = arith.constant 0 : i32
    %c0_i32_0 = arith.constant 0 : i32
    %c0_i32_1 = arith.constant 0 : i32
    return %c0_i32, %c0_i32_0 : i32, i32
  }
  func.func @transform_3(%arg0: i32) -> (i32, i32) {
    %c0_i32 = arith.constant 0 : i32
    %c0_i32_0 = arith.constant 0 : i32
    %c0_i32_1 = arith.constant 0 : i32
    return %c0_i32, %c0_i32_0 : i32, i32
  }
  func.func @transform_4(%arg0: i32) -> (i32, i32) {
    %c0_i32 = arith.constant 0 : i32
    %c0_i32_0 = arith.constant 0 : i32
    %c0_i32_1 = arith.constant 0 : i32
    return %c0_i32, %c0_i32_0 : i32, i32
  }
  func.func @transform_5(%arg0: i32) -> (i32, i32) {
    %c0_i32 = arith.constant 0 : i32
    %c0_i32_0 = arith.constant 0 : i32
    %c0_i32_1 = arith.constant 0 : i32
    return %c0_i32, %c0_i32_0 : i32, i32
  }
  func.func @transform_6(%arg0: i32) -> (i32, i32) {
    %c0_i32 = arith.constant 0 : i32
    %c0_i32_0 = arith.constant 0 : i32
    %c0_i32_1 = arith.constant 0 : i32
    return %c0_i32, %c0_i32_0 : i32, i32
  }
  func.func @transform_7(%arg0: i32) -> (i32, i32) {
    %c0_i32 = arith.constant 0 : i32
    %c0_i32_0 = arith.constant 0 : i32
    %c0_i32_1 = arith.constant 0 : i32
    return %c0_i32, %c0_i32_0 : i32, i32
  }
}

module attributes {stable_mosaic.version = 14 : i64} {
  func.func @tc_head(%arg0: i32, %arg1: memref<64x1xf32, #tpu.memory_space<vmem>>, %arg2: memref<64x200xf32, #tpu.memory_space<vmem>>, %arg3: memref<64x200xf32, #tpu.memory_space<vmem>>, %arg4: memref<200x600xf32, #tpu.memory_space<vmem>>, %arg5: memref<200x600xf32, #tpu.memory_space<vmem>>, %arg6: memref<1x600xf32, #tpu.memory_space<vmem>>, %arg7: memref<1x600xf32, #tpu.memory_space<vmem>>, %arg8: memref<200x128xf32, #tpu.memory_space<vmem>>, %arg9: memref<1x128xf32, #tpu.memory_space<vmem>>, %arg10: memref<1x128xf32, #tpu.memory_space<vmem>>, %arg11: memref<1x128xf32, #tpu.memory_space<vmem>>, %arg12: memref<128x1xf32, #tpu.memory_space<vmem>>, %arg13: memref<1x1xf32, #tpu.memory_space<vmem>>, %arg14: memref<64x1xf32, #tpu.memory_space<vmem>>) attributes {dimension_semantics = [#tpu.dimension_semantics<arbitrary>], iteration_bounds = array<i64: 1>, scalar_prefetch = 0 : i64, scratch_operands = 0 : i64, tpu.core_type = #tpu.core_type<tc>, window_params = [{pipeline_mode = #tpu.pipeline_mode<synchronous>, transform_indices = @transform_0, window_bounds = array<i64: 64, 1>}, {pipeline_mode = #tpu.pipeline_mode<synchronous>, transform_indices = @transform_1, window_bounds = array<i64: 64, 200>}, {pipeline_mode = #tpu.pipeline_mode<synchronous>, transform_indices = @transform_2, window_bounds = array<i64: 64, 200>}, {pipeline_mode = #tpu.pipeline_mode<synchronous>, transform_indices = @transform_3, window_bounds = array<i64: 200, 600>}, {pipeline_mode = #tpu.pipeline_mode<synchronous>, transform_indices = @transform_4, window_bounds = array<i64: 200, 600>}, {pipeline_mode = #tpu.pipeline_mode<synchronous>, transform_indices = @transform_5, window_bounds = array<i64: 1, 600>}, {pipeline_mode = #tpu.pipeline_mode<synchronous>, transform_indices = @transform_6, window_bounds = array<i64: 1, 600>}, {pipeline_mode = #tpu.pipeline_mode<synchronous>, transform_indices = @transform_7, window_bounds = array<i64: 200, 128>}, {pipeline_mode = #tpu.pipeline_mode<synchronous>, transform_indices = @transform_8, window_bounds = array<i64: 1, 128>}, {pipeline_mode = #tpu.pipeline_mode<synchronous>, transform_indices = @transform_9, window_bounds = array<i64: 1, 128>}, {pipeline_mode = #tpu.pipeline_mode<synchronous>, transform_indices = @transform_10, window_bounds = array<i64: 1, 128>}, {pipeline_mode = #tpu.pipeline_mode<synchronous>, transform_indices = @transform_11, window_bounds = array<i64: 128, 1>}, {pipeline_mode = #tpu.pipeline_mode<synchronous>, transform_indices = @transform_12, window_bounds = array<i64: 1, 1>}, {pipeline_mode = #tpu.pipeline_mode<synchronous>, transform_indices = @transform_13, window_bounds = array<i64: 64, 1>}]} {
    %get3A = arith.constant 0 : index
    %get3A_0 = arith.constant 0 : index
    %get3A_1 = vector.load %arg2[%get3A, %get3A_0] : memref<64x200xf32, #tpu.memory_space<vmem>>, vector<64x200xf32>
    %get3A_2 = arith.constant 0 : index
    %get3A_3 = arith.constant 0 : index
    %get3A_4 = vector.load %arg1[%get3A_2, %get3A_3] : memref<64x1xf32, #tpu.memory_space<vmem>>, vector<64x1xf32>
    %add3A = arith.constant 9.99999971E-10 : f32
    %add3A_5 = vector.broadcast %add3A : f32 to vector<64x1xf32>
    %add3A_6 = arith.addf %get3A_4, %add3A_5 : vector<64x1xf32>
    %div3A = vector.broadcast %add3A_6 : vector<64x1xf32> to vector<64x200xf32>
    %div3A_7 = arith.divf %get3A_1, %div3A : vector<64x200xf32>
    %gt3A = arith.constant 0.000000e+00 : f32
    %gt3A_8 = vector.broadcast %gt3A : f32 to vector<64x200xf32>
    %gt3A_9 = arith.cmpf ogt, %div3A_7, %gt3A_8 : vector<64x200xf32>
    %min3A = arith.constant 0.000000e+00 : f32
    %min3A_10 = vector.broadcast %min3A : f32 to vector<64x200xf32>
    %min3A_11 = arith.minimumf %div3A_7, %min3A_10 : vector<64x200xf32>
    %exp3A = math.exp %min3A_11 : vector<64x200xf32>
    %sub3A = arith.constant 1.000000e+00 : f32
    %sub3A_12 = vector.broadcast %sub3A : f32 to vector<64x200xf32>
    %sub3A_13 = arith.subf %exp3A, %sub3A_12 : vector<64x200xf32>
    %select_n3A = arith.select %gt3A_9, %div3A_7, %sub3A_13 : vector<64x200xi1>, vector<64x200xf32>
    %get3A_14 = arith.constant 0 : index
    %get3A_15 = arith.constant 0 : index
    %get3A_16 = vector.load %arg3[%get3A_14, %get3A_15] : memref<64x200xf32, #tpu.memory_space<vmem>>, vector<64x200xf32>
    %get3A_17 = arith.constant 0 : index
    %get3A_18 = arith.constant 0 : index
    %get3A_19 = vector.load %arg4[%get3A_17, %get3A_18] : memref<200x600xf32, #tpu.memory_space<vmem>>, vector<200x600xf32>
    %get3A_20 = arith.constant 0 : index
    %get3A_21 = arith.constant 0 : index
    %get3A_22 = vector.load %arg5[%get3A_20, %get3A_21] : memref<200x600xf32, #tpu.memory_space<vmem>>, vector<200x600xf32>
    %get3A_23 = arith.constant 0 : index
    %get3A_24 = arith.constant 0 : index
    %get3A_25 = vector.load %arg6[%get3A_23, %get3A_24] : memref<1x600xf32, #tpu.memory_space<vmem>>, vector<1x600xf32>
    %get3A_26 = arith.constant 0 : index
    %get3A_27 = arith.constant 0 : index
    %get3A_28 = vector.load %arg7[%get3A_26, %get3A_27] : memref<1x600xf32, #tpu.memory_space<vmem>>, vector<1x600xf32>
    %dot_general3A = arith.constant dense<0.000000e+00> : vector<64x600xf32>
    %dot_general3A_29 = tpu.matmul %select_n3A, %get3A_19, %dot_general3A {dimension_numbers = #tpu.dot_dimension_numbers<[1], [0], [0], [1], [0, 0, 1, 1], [], []>, transpose_lhs_hint = false} : vector<64x200xf32>, vector<200x600xf32>, vector<64x600xf32> -> vector<64x600xf32>
    %add3A_30 = vector.broadcast %get3A_25 : vector<1x600xf32> to vector<64x600xf32>
    %add3A_31 = arith.addf %dot_general3A_29, %add3A_30 : vector<64x600xf32>
    %dot_general3A_32 = arith.constant dense<0.000000e+00> : vector<64x600xf32>
    %dot_general3A_33 = tpu.matmul %get3A_16, %get3A_22, %dot_general3A_32 {dimension_numbers = #tpu.dot_dimension_numbers<[1], [0], [0], [1], [0, 0, 1, 1], [], []>, transpose_lhs_hint = false} : vector<64x200xf32>, vector<200x600xf32>, vector<64x600xf32> -> vector<64x600xf32>
    %add3A_34 = vector.broadcast %get3A_28 : vector<1x600xf32> to vector<64x600xf32>
    %add3A_35 = arith.addf %dot_general3A_33, %add3A_34 : vector<64x600xf32>
    %slice3A = vector.extract_strided_slice %add3A_31 {offsets = [0, 0], sizes = [64, 200], strides = [1, 1]} : vector<64x600xf32> to vector<64x200xf32>
    %slice3A_36 = vector.extract_strided_slice %add3A_35 {offsets = [0, 0], sizes = [64, 200], strides = [1, 1]} : vector<64x600xf32> to vector<64x200xf32>
    %add3A_37 = arith.addf %slice3A, %slice3A_36 : vector<64x200xf32>
    %neg3A = arith.constant 0.000000e+00 : f32
    %neg3A_38 = vector.broadcast %neg3A : f32 to vector<64x200xf32>
    %neg3A_39 = arith.subf %neg3A_38, %add3A_37 : vector<64x200xf32>
    %exp3A_40 = math.exp %neg3A_39 : vector<64x200xf32>
    %add3A_41 = arith.constant 1.000000e+00 : f32
    %add3A_42 = vector.broadcast %add3A_41 : f32 to vector<64x200xf32>
    %add3A_43 = arith.addf %add3A_42, %exp3A_40 : vector<64x200xf32>
    %div3A_44 = arith.constant 1.000000e+00 : f32
    %div3A_45 = vector.broadcast %div3A_44 : f32 to vector<64x200xf32>
    %div3A_46 = arith.divf %div3A_45, %add3A_43 : vector<64x200xf32>
    %slice3A_47 = vector.extract_strided_slice %add3A_31 {offsets = [0, 200], sizes = [64, 200], strides = [1, 1]} : vector<64x600xf32> to vector<64x200xf32>
    %slice3A_48 = vector.extract_strided_slice %add3A_35 {offsets = [0, 200], sizes = [64, 200], strides = [1, 1]} : vector<64x600xf32> to vector<64x200xf32>
    %add3A_49 = arith.addf %slice3A_47, %slice3A_48 : vector<64x200xf32>
    %neg3A_50 = arith.constant 0.000000e+00 : f32
    %neg3A_51 = vector.broadcast %neg3A_50 : f32 to vector<64x200xf32>
    %neg3A_52 = arith.subf %neg3A_51, %add3A_49 : vector<64x200xf32>
    %exp3A_53 = math.exp %neg3A_52 : vector<64x200xf32>
    %add3A_54 = arith.constant 1.000000e+00 : f32
    %add3A_55 = vector.broadcast %add3A_54 : f32 to vector<64x200xf32>
    %add3A_56 = arith.addf %add3A_55, %exp3A_53 : vector<64x200xf32>
    %div3A_57 = arith.constant 1.000000e+00 : f32
    %div3A_58 = vector.broadcast %div3A_57 : f32 to vector<64x200xf32>
    %div3A_59 = arith.divf %div3A_58, %add3A_56 : vector<64x200xf32>
    %slice3A_60 = vector.extract_strided_slice %add3A_31 {offsets = [0, 400], sizes = [64, 200], strides = [1, 1]} : vector<64x600xf32> to vector<64x200xf32>
    %slice3A_61 = vector.extract_strided_slice %add3A_35 {offsets = [0, 400], sizes = [64, 200], strides = [1, 1]} : vector<64x600xf32> to vector<64x200xf32>
    %mul3A = arith.mulf %div3A_46, %slice3A_61 : vector<64x200xf32>
    %add3A_62 = arith.addf %slice3A_60, %mul3A : vector<64x200xf32>
    %tanh3A = math.tanh %add3A_62 : vector<64x200xf32>
    %sub3A_63 = arith.constant 1.000000e+00 : f32
    %sub3A_64 = vector.broadcast %sub3A_63 : f32 to vector<64x200xf32>
    %sub3A_65 = arith.subf %sub3A_64, %div3A_59 : vector<64x200xf32>
    %mul3A_66 = arith.mulf %sub3A_65, %tanh3A : vector<64x200xf32>
    %mul3A_67 = arith.mulf %div3A_59, %get3A_16 : vector<64x200xf32>
    %add3A_68 = arith.addf %mul3A_66, %mul3A_67 : vector<64x200xf32>
    %max3A = arith.constant 0.000000e+00 : f32
    %max3A_69 = vector.broadcast %max3A : f32 to vector<64x200xf32>
    %max3A_70 = arith.maximumf %add3A_68, %max3A_69 : vector<64x200xf32>
    %get3A_71 = arith.constant 0 : index
    %get3A_72 = arith.constant 0 : index
    %get3A_73 = vector.load %arg8[%get3A_71, %get3A_72] : memref<200x128xf32, #tpu.memory_space<vmem>>, vector<200x128xf32>
    %dot_general3A_74 = arith.constant dense<0.000000e+00> : vector<64x128xf32>
    %dot_general3A_75 = tpu.matmul %max3A_70, %get3A_73, %dot_general3A_74 {dimension_numbers = #tpu.dot_dimension_numbers<[1], [0], [0], [1], [0, 0, 1, 1], [], []>, transpose_lhs_hint = false} : vector<64x200xf32>, vector<200x128xf32>, vector<64x128xf32> -> vector<64x128xf32>
    %get3A_76 = arith.constant 0 : index
    %get3A_77 = arith.constant 0 : index
    %get3A_78 = vector.load %arg9[%get3A_76, %get3A_77] : memref<1x128xf32, #tpu.memory_space<vmem>>, vector<1x128xf32>
    %add3A_79 = vector.broadcast %get3A_78 : vector<1x128xf32> to vector<64x128xf32>
    %add3A_80 = arith.addf %dot_general3A_75, %add3A_79 : vector<64x128xf32>
    %max3A_81 = arith.constant 0.000000e+00 : f32
    %max3A_82 = vector.broadcast %max3A_81 : f32 to vector<64x128xf32>
    %max3A_83 = arith.maximumf %add3A_80, %max3A_82 : vector<64x128xf32>
    %reduce_sum3A = arith.constant dense<0.000000e+00> : vector<64xf32>
    %reduce_sum3A_84 = vector.multi_reduction <add>, %max3A_83, %reduce_sum3A [1] : vector<64x128xf32> to vector<64xf32>
    %broadcast_in_dim3A = vector.shape_cast %reduce_sum3A_84 : vector<64xf32> to vector<64x1xf32>
    %div3A_85 = arith.constant 1.280000e+02 : f32
    %div3A_86 = vector.broadcast %div3A_85 : f32 to vector<64x1xf32>
    %div3A_87 = arith.divf %broadcast_in_dim3A, %div3A_86 : vector<64x1xf32>
    %sub3A_88 = vector.broadcast %div3A_87 : vector<64x1xf32> to vector<64x128xf32>
    %sub3A_89 = arith.subf %max3A_83, %sub3A_88 : vector<64x128xf32>
    %mul3A_90 = arith.mulf %sub3A_89, %sub3A_89 : vector<64x128xf32>
    %reduce_sum3A_91 = arith.constant dense<0.000000e+00> : vector<64xf32>
    %reduce_sum3A_92 = vector.multi_reduction <add>, %mul3A_90, %reduce_sum3A_91 [1] : vector<64x128xf32> to vector<64xf32>
    %broadcast_in_dim3A_93 = vector.shape_cast %reduce_sum3A_92 : vector<64xf32> to vector<64x1xf32>
    %div3A_94 = arith.constant 1.280000e+02 : f32
    %div3A_95 = vector.broadcast %div3A_94 : f32 to vector<64x1xf32>
    %div3A_96 = arith.divf %broadcast_in_dim3A_93, %div3A_95 : vector<64x1xf32>
    %add3A_97 = arith.constant 9.99999974E-6 : f32
    %add3A_98 = vector.broadcast %add3A_97 : f32 to vector<64x1xf32>
    %add3A_99 = arith.addf %div3A_96, %add3A_98 : vector<64x1xf32>
    %rsqrt3A = math.rsqrt %add3A_99 : vector<64x1xf32>
    %mul3A_100 = vector.broadcast %rsqrt3A : vector<64x1xf32> to vector<64x128xf32>
    %mul3A_101 = arith.mulf %sub3A_89, %mul3A_100 : vector<64x128xf32>
    %get3A_102 = arith.constant 0 : index
    %get3A_103 = arith.constant 0 : index
    %get3A_104 = vector.load %arg10[%get3A_102, %get3A_103] : memref<1x128xf32, #tpu.memory_space<vmem>>, vector<1x128xf32>
    %mul3A_105 = vector.broadcast %get3A_104 : vector<1x128xf32> to vector<64x128xf32>
    %mul3A_106 = arith.mulf %mul3A_101, %mul3A_105 : vector<64x128xf32>
    %get3A_107 = arith.constant 0 : index
    %get3A_108 = arith.constant 0 : index
    %get3A_109 = vector.load %arg11[%get3A_107, %get3A_108] : memref<1x128xf32, #tpu.memory_space<vmem>>, vector<1x128xf32>
    %add3A_110 = vector.broadcast %get3A_109 : vector<1x128xf32> to vector<64x128xf32>
    %add3A_111 = arith.addf %mul3A_106, %add3A_110 : vector<64x128xf32>
    %get3A_112 = arith.constant 0 : index
    %get3A_113 = arith.constant 0 : index
    %get3A_114 = vector.load %arg12[%get3A_112, %get3A_113] : memref<128x1xf32, #tpu.memory_space<vmem>>, vector<128x1xf32>
    %dot_general3A_115 = arith.constant dense<0.000000e+00> : vector<64x1xf32>
    %dot_general3A_116 = tpu.matmul %add3A_111, %get3A_114, %dot_general3A_115 {dimension_numbers = #tpu.dot_dimension_numbers<[1], [0], [0], [1], [0, 0, 1, 1], [], []>, transpose_lhs_hint = false} : vector<64x128xf32>, vector<128x1xf32>, vector<64x1xf32> -> vector<64x1xf32>
    %get3A_117 = arith.constant 0 : index
    %get3A_118 = arith.constant 0 : index
    %get3A_119 = vector.load %arg13[%get3A_117, %get3A_118] : memref<1x1xf32, #tpu.memory_space<vmem>>, vector<1x1xf32>
    %add3A_120 = vector.broadcast %get3A_119 : vector<1x1xf32> to vector<64x1xf32>
    %add3A_121 = arith.addf %dot_general3A_116, %add3A_120 : vector<64x1xf32>
    %swap3A = arith.constant 0 : index
    %swap3A_122 = arith.constant 0 : index
    %swap3A_123 = vector.load %arg14[%swap3A, %swap3A_122] : memref<64x1xf32, #tpu.memory_space<vmem>>, vector<64x1xf32>
    tpu.vector_store %arg14[%swap3A, %swap3A_122], %add3A_121 {strides = array<i32>} : memref<64x1xf32, #tpu.memory_space<vmem>>, vector<64x1xf32>,
    return
  }
  func.func @transform_0(%arg0: i32) -> (i32, i32) {
    %c0_i32 = arith.constant 0 : i32
    %c0_i32_0 = arith.constant 0 : i32
    %c0_i32_1 = arith.constant 0 : i32
    return %c0_i32, %c0_i32_0 : i32, i32
  }
  func.func @transform_1(%arg0: i32) -> (i32, i32) {
    %c0_i32 = arith.constant 0 : i32
    %c0_i32_0 = arith.constant 0 : i32
    %c0_i32_1 = arith.constant 0 : i32
    return %c0_i32, %c0_i32_0 : i32, i32
  }
  func.func @transform_2(%arg0: i32) -> (i32, i32) {
    %c0_i32 = arith.constant 0 : i32
    %c0_i32_0 = arith.constant 0 : i32
    %c0_i32_1 = arith.constant 0 : i32
    return %c0_i32, %c0_i32_0 : i32, i32
  }
  func.func @transform_3(%arg0: i32) -> (i32, i32) {
    %c0_i32 = arith.constant 0 : i32
    %c0_i32_0 = arith.constant 0 : i32
    %c0_i32_1 = arith.constant 0 : i32
    return %c0_i32, %c0_i32_0 : i32, i32
  }
  func.func @transform_4(%arg0: i32) -> (i32, i32) {
    %c0_i32 = arith.constant 0 : i32
    %c0_i32_0 = arith.constant 0 : i32
    %c0_i32_1 = arith.constant 0 : i32
    return %c0_i32, %c0_i32_0 : i32, i32
  }
  func.func @transform_5(%arg0: i32) -> (i32, i32) {
    %c0_i32 = arith.constant 0 : i32
    %c0_i32_0 = arith.constant 0 : i32
    %c0_i32_1 = arith.constant 0 : i32
    return %c0_i32, %c0_i32_0 : i32, i32
  }
  func.func @transform_6(%arg0: i32) -> (i32, i32) {
    %c0_i32 = arith.constant 0 : i32
    %c0_i32_0 = arith.constant 0 : i32
    %c0_i32_1 = arith.constant 0 : i32
    return %c0_i32, %c0_i32_0 : i32, i32
  }
  func.func @transform_7(%arg0: i32) -> (i32, i32) {
    %c0_i32 = arith.constant 0 : i32
    %c0_i32_0 = arith.constant 0 : i32
    %c0_i32_1 = arith.constant 0 : i32
    return %c0_i32, %c0_i32_0 : i32, i32
  }
  func.func @transform_8(%arg0: i32) -> (i32, i32) {
    %c0_i32 = arith.constant 0 : i32
    %c0_i32_0 = arith.constant 0 : i32
    %c0_i32_1 = arith.constant 0 : i32
    return %c0_i32, %c0_i32_0 : i32, i32
  }
  func.func @transform_9(%arg0: i32) -> (i32, i32) {
    %c0_i32 = arith.constant 0 : i32
    %c0_i32_0 = arith.constant 0 : i32
    %c0_i32_1 = arith.constant 0 : i32
    return %c0_i32, %c0_i32_0 : i32, i32
  }
  func.func @transform_10(%arg0: i32) -> (i32, i32) {
    %c0_i32 = arith.constant 0 : i32
    %c0_i32_0 = arith.constant 0 : i32
    %c0_i32_1 = arith.constant 0 : i32
    return %c0_i32, %c0_i32_0 : i32, i32
  }
  func.func @transform_11(%arg0: i32) -> (i32, i32) {
    %c0_i32 = arith.constant 0 : i32
    %c0_i32_0 = arith.constant 0 : i32
    %c0_i32_1 = arith.constant 0 : i32
    return %c0_i32, %c0_i32_0 : i32, i32
  }
  func.func @transform_12(%arg0: i32) -> (i32, i32) {
    %c0_i32 = arith.constant 0 : i32
    %c0_i32_0 = arith.constant 0 : i32
    %c0_i32_1 = arith.constant 0 : i32
    return %c0_i32, %c0_i32_0 : i32, i32
  }
  func.func @transform_13(%arg0: i32) -> (i32, i32) {
    %c0_i32 = arith.constant 0 : i32
    %c0_i32_0 = arith.constant 0 : i32
    %c0_i32_1 = arith.constant 0 : i32
    return %c0_i32, %c0_i32_0 : i32, i32
  }
}

</mosaic_0001>

<sc_bundles>
// kernel: sc_gather_rows.3.cloned.1.call-start
scs
__scs_entry_jumppad:
0x0: {  	(pc) =	sbr.rel $0x88, $3  }
0x1: {  	(tag) =	ssettag $0x0;
	lr =	simm.s32 $0x1  }
0x2: {  	[smem:$0x3F73] =	sst lr;
	_ =	strace $0xD0000000  }
0x3: {  	_ = 	snop  }
0x4: {  	_ = 	snop  }
0x5: {  	_ = 	snop  }
0x6: {  	_ = 	snop  }
0x7: {  	_ = 	snop  }
__scs_overlays_trampoline_lowered:
0x8: {  	[smem:$0x3F82] =	sst s0  }
0x9: {  	[smem:$0x3F83] =	sst s1  }
0xa: {  	[smem:$0x3F84] =	sst s2  }
0xb: {  	[smem:$0x3F85] =	sst s3  }
0xc: {  	[smem:$0x3F86] =	sst s4  }
0xd: {  	[smem:$0x3F87] =	sst s5  }
0xe: {  	[smem:$0x3F88] =	sst s6  }
0xf: {  	[smem:$0x3F89] =	sst s7  }
0x10: {  	[smem:$0x3F8A] =	sst s8  }
0x11: {  	[smem:$0x3F8B] =	sst s9;
	s0 =	simm.s32 @!p0 $0x0  }
0x12: {  	s1 =	sld [smem:$0x3F71];
	s0 =	simm.s32 @p0 $0x1  }
0x13: {  	[smem:$0x3F8C] =	sst s0;
	s0 =	simm.s32 @!p1 $0x0  }
0x14: {  	s2 =	sld [smem:$0x3F70];
	s0 =	simm.s32 @p1 $0x1  }
0x15: {  	[smem:$0x3F8D] =	sst s0;
	s0 =	simm.s32 @!p2 $0x0  }
0x16: {  	s3 =	sld [smem:$0x3FDB];
	s0 =	simm.s32 @p2 $0x1  }
0x17: {  	s4 =	simm.s32 $0x1BF5;
	[smem:$0x3F8F] =	sst s0  }
0x18: {  	s0 =	sld [smem:$0x3F72];
	_ =	swait.ge [sflag:s4], $0x0  }
0x19: {  	s7 =	sld [smem:$0x3F73]  }
0x1a: {  	s8 =	sadd.s32 $0xFFFFE003, lr  }
0x1b: {  	s9 =	sadd.s32 $0xFFFFFEF7, lr;
	s5 =	simm.s32 $0xFFFFFFFF;
	p2 =	slt.u32 s8, $0xFFFFF086  }
0x1c: {  	p1 =	slt.u32 s9, $0xF7A;
	s5 =	simm.s32 @!p2 $0x0  }
0x1d: {  	s5 =	simm.s32 @p1 $0x1;
	p0 =	seq.s32 s7, s2  }
0x1e: {  	s7 =	smul.u32 @!p0 $0xF7A, s2;
	p2 =	seq.s32 @!p0 s5, $0x0  }
0x1f: {  	s9 =	smul.u32 $0xF7A, s1;
	s8 =	simm.s32 @!p0 $0x1BF5;
	p2 =	por !p2, p0  }
0x20: {  	[sflag:s8] =	ssyncset.s32 @!p0 $0xFFFFF086;
	s6 =	sadd.s32 @!p0 s3, s7;
	s7 =	simm.s32 @!p0 $0x108  }
0x21: {  	s3 =	sadd.s32 s3, s9;
	s6 =	sadd.s32 @!p0 $0x88, s6;
	s7 =	simm.s32 @p2 $0x1082  }
0x22: {  	[simem:s7], [sflag:s8] =	dma.local @!p0 [hbm:s6], $0xF7A  }
0x23: {  	s9 =	sor.u32 $0xD0000000, s2;
	s6 =	simm.s32 $0x108;
	_ =	swait.ge @!p0 [sflag:s8], $0x0  }
0x24: {  	s3 =	sadd.s32 $0x88, s3;
	s6 =	simm.s32 @!p1 $0x1082;
	[sflag:s4] =	ssyncset.s32 $0xFFFFF086  }
0x25: {  	[simem:s6], [sflag:s4] =	dma.local [hbm:s3], $0xF7A  }
0x26: {  	[smem:$0x3F73] =	sst s1;
	(tag) =	ssettag s2;
	_ =	strace s9  }
0x27: {  	s1 =	sld [smem:$0x3F83]  }
0x28: {  	s2 =	sld [smem:$0x3F84]  }
0x29: {  	s4 =	sld [smem:$0x3F86]  }
0x2a: {  	p0 =	seq.s32 s5, $0x0;
	s5 =	sld [smem:$0x3F87]  }
0x2b: {  	s6 =	sld [smem:$0x3F88]  }
0x2c: {  	s7 =	sld [smem:$0x3F89]  }
0x2d: {  	s3 =	simm.s32 $0x108;
	s8 =	sld [smem:$0x3F8A]  }
0x2e: {  	s3 =	simm.s32 @!p0 $0x1082;
	s9 =	sld [smem:$0x3F8B]  }
0x2f: {  	lr =	sadd.s32 s0, s3;
	s0 =	sld [smem:$0x3F82]  }
0x30: {  	s3 =	sld [smem:$0x3F85]  }
0x31: {  	[smem:$0x3F8E] =	sst s10  }
0x32: {  	s10 =	sld [smem:$0x3F8C];
	_ =	sdelay $0x3  }
0x33: {  	p0 =	seq.s32 s10, $0x1;
	s10 =	sld [smem:$0x3F8E];
	_ =	sdelay $0x3  }
0x34: {  	[smem:$0x3F8E] =	sst s10  }
0x35: {  	s10 =	sld [smem:$0x3F8D];
	_ =	sdelay $0x3  }
0x36: {  	p1 =	seq.s32 s10, $0x1;
	s10 =	sld [smem:$0x3F8E];
	_ =	sdelay $0x3  }
0x37: {  	[smem:$0x3F8E] =	sst s10  }
0x38: {  	s10 =	sld [smem:$0x3F8F]  }
0x39: {  	_ = 	snop;
	(pc) =	sbr.ind lr, $3  }
0x3a: {  	_ = 	snop  }
0x3b: {  	_ = 	snop  }
0x3c: {  	p2 =	seq.s32 s10, $0x1;
	s10 =	sld [smem:$0x3F8E]  }
0x3d: {  	_ =	shalt  }
0x3e: {  	_ =	shalt  }
0x3f: {  	_ =	shalt  }
0x40: {  	_ =	shalt  }
0x41: {  	_ =	shalt  }
0x42: {  	_ =	shalt  }
0x43: {  	_ =	shalt  }
0x44: {  	_ =	shalt  }
0x45: {  	_ =	shalt  }
0x46: {  	_ =	shalt  }
0x47: {  	_ =	shalt  }
0x48: {  	_ =	shalt  }
0x49: {  	_ =	shalt  }
0x4a: {  	_ =	shalt  }
0x4b: {  	_ =	shalt  }
0x4c: {  	_ =	shalt  }
0x4d: {  	_ =	shalt  }
0x4e: {  	_ =	shalt  }
0x4f: {  	_ =	shalt  }
0x50: {  	_ =	shalt  }
0x51: {  	_ =	shalt  }
0x52: {  	_ =	shalt  }
0x53: {  	_ =	shalt  }
0x54: {  	_ =	shalt  }
0x55: {  	_ =	shalt  }
0x56: {  	_ =	shalt  }
0x57: {  	_ =	shalt  }
0x58: {  	_ =	shalt  }
0x59: {  	_ =	shalt  }
0x5a: {  	_ =	shalt  }
0x5b: {  	_ =	shalt  }
0x5c: {  	_ =	shalt  }
0x5d: {  	_ =	shalt  }
0x5e: {  	_ =	shalt  }
0x5f: {  	_ =	shalt  }
0x60: {  	_ =	shalt  }
0x61: {  	_ =	shalt  }
0x62: {  	_ =	shalt  }
0x63: {  	_ =	shalt  }
0x64: {  	_ =	shalt  }
0x65: {  	_ =	shalt  }
0x66: {  	_ =	shalt  }
0x67: {  	_ =	shalt  }
0x68: {  	_ =	shalt  }
0x69: {  	_ =	shalt  }
0x6a: {  	_ =	shalt  }
0x6b: {  	_ =	shalt  }
0x6c: {  	_ =	shalt  }
0x6d: {  	_ =	shalt  }
0x6e: {  	_ =	shalt  }
0x6f: {  	_ =	shalt  }
0x70: {  	_ =	shalt  }
0x71: {  	_ =	shalt  }
0x72: {  	_ =	shalt  }
0x73: {  	_ =	shalt  }
0x74: {  	_ =	shalt  }
0x75: {  	_ =	shalt  }
0x76: {  	_ =	shalt  }
0x77: {  	_ =	shalt  }
0x78: {  	_ =	shalt  }
0x79: {  	_ =	shalt  }
0x7a: {  	_ =	shalt  }
0x7b: {  	_ =	shalt  }
0x7c: {  	_ =	shalt  }
0x7d: {  	_ =	shalt  }
0x7e: {  	_ =	shalt  }
0x7f: {  	_ =	shalt  }
0x80: {  	_ =	shalt  }
0x81: {  	_ =	shalt  }
0x82: {  	_ =	shalt  }
0x83: {  	_ =	shalt  }
0x84: {  	_ =	shalt  }
0x85: {  	_ =	shalt  }
0x86: {  	_ =	shalt  }
0x87: {  	_ =	shalt  }
.Lfunc_end0:
.L_simem_size_0:
called_computation_lowered:
.L_overlay_start_0:
0x88: {  	s2 =	sld [smem:$0x3FD9]  }
0x89: {  	s3 =	sld [smem:$0x3FFE];
	_ =	sdelay $0x1  }
0x8a: {  	s1 =	srdreg.scid  }
0x8b: {  	s0 =	sand.u32 $0x1, s1  }
0x8c: {  	s17 =	sshll.u32 s0, $0xA;
	s2 =	sadd.s32 s3, s2  }
0x8d: {  	s2 =	sadd.s32 s2, s17  }
0x8e: {  	[smem:$0x3F9A] =	sst s2  }
0x8f: {  	_ = 	snop  }
0x90: {  	(tm) =	ssettm $0x1  }
0x91: {  	s18 =	sld [smem:$0x3FFB];
	_ =	sdelay $0x3  }
0x92: {  	_ =	strace s18  }
0x93: {  	s2 =	sld [smem:$0x3FFC];
	_ =	sdelay $0x3  }
0x94: {  	_ =	strace s2  }
0x95: {  	s2 =	sld [smem:$0x3FFD];
	_ =	sdelay $0x3  }
0x96: {  	_ =	strace s2  }
0x97: {  	_ =	strace $0x8FFFFFFF  }
0x98: {  	s19 =	sld [smem:$0x3FDB];
	_ =	sdelay $0x1  }
0x99: {  	s20 =	simm.s32 $_scs_section_size  }
0x9a: {  	s4 =	simm.s32 $_size__tile_overlayer_lowered;
	s5 =	simm.s32 $_tile_overlayer_lowered  }
0x9b: {  	s6 =	simm.s32 $0x1BFF;
	s21 =	sshll.u32 s5, $0x1;
	s3 =	sadd.s32 s20, s19  }
0x9c: {  	s22 =	simm.s32 $0x0;
	s4 =	sshll.u32 s4, $0x1;
	s5 =	sadd.s32 s21, s3  }
0x9d: {  	[timem:s22], [sflag:s6] =	dma.local [hbm:s5], s4  }
0x9e: {  	_ =	swait.ge [sflag:s6], s4  }
0x9f: {  	s4 =	ssub.s32 $0x0, s4;
	[sflag:s6] =	ssyncset.done $0x0  }
0xa0: {  	[sflag:s6] =	ssyncadd.s32 s4;
	_ =	sdelay $0x1  }
0xa1: {  	s23 =	simm.s32 $0x1B8B  }
0xa2: {  	_ =	swait.ge [sflag:s23], $0x1  }
0xa3: {  	[sflag:s23] =	ssyncset.done $0x0  }
0xa4: {  	[sflag:s23] =	ssyncadd.s32 $0xFFFFFFFF  }
0xa5: {  	s4 =	sld [smem:$0x0]  }
0xa6: {  	s5 =	sand.u32 $0xFFFFFFFE, s1  }
0xa7: {  	p0 =	sne.s32 s1, s5  }
0xa8: {  	s5 =	sshll.u32 @p0 s5, $0xE  }
0xa9: {  	s5 =	sadd.s32 @p0 $0x11B8D, s5;
	s6 =	sshll.u32 @p0 s4, $0x11  }
0xaa: {  	s5 =	sor.u32 @p0 s6, s5  }
0xab: {  	[sflag:s5] =	ssyncadd.remote.s32 @p0 $0x1;
	_ =	sdelay $0x1  }
0xac: {  	s5 =	simm.s32 @p0 $0x1B8D  }
0xad: {  	_ =	swait.eq @p0 [sflag:s5], $0x1  }
0xae: {  	[sflag:s5] =	ssyncadd.s32 @p0 $0xFFFFFFFF  }
0xaf: {  	s6 =	sshll.u32 @!p0 s1, $0xE  }
0xb0: {  	s6 =	sor.u32 @!p0 $0x4000, s6;
	s5 =	simm.s32 @!p0 $0x1B8D  }
0xb1: {  	s4 =	sshll.u32 @!p0 s4, $0x11;
	s6 =	sadd.s32 @!p0 $0x11B8D, s6;
	_ =	swait.eq @!p0 [sflag:s5], $0x1  }
0xb2: {  	s4 =	sor.u32 @!p0 s4, s6;
	[sflag:s5] =	ssyncadd.s32 @!p0 $0xFFFFFFFF  }
0xb3: {  	s25 =	simm.s32 $0x1B8E;
	s24 =	sld [smem:$0x3FFE];
	[sflag:s4] =	ssyncadd.remote.s32 @!p0 $0x1  }
0xb4: {  	s26 =	simm.s32 $execute0_lowered;
	[smem:$0x3FD2] =	sst s25  }
0xb5: {  	s5 =	sshll.u32 s26, $0x1;
	_ =	strace $0x80000049;
	[dreg:$0x1] =	wrdreg $0xFFFFFFFF  }
0xb6: {  	s28 =	simm.s32 $_size_execute0_lowered;
	s3 =	sadd.s32 s3, s5;
	[dreg:$0x0] =	wrdreg $0x0  }
0xb7: {  	s5 =	sshll.u32 s28, $0x1;
	[dreg:$0x2] =	wrdreg s3  }
0xb8: {  	[dreg:$0x3] =	wrdreg s5  }
0xb9: {  	[dreg:$0x4] =	wrdreg $0xC0  }
0xba: {  	_ =	task [dreg:s22], $0x5FFFF  }
0xbb: {  	[dreg:$0x1] =	wrdreg $0xFFFFFFFF  }
0xbc: {  	[dreg:$0x0] =	wrdreg $0x60  }
0xbd: {  	[dreg:$0x2] =	wrdreg s24  }
0xbe: {  	[dreg:$0x3] =	wrdreg $0x9  }
0xbf: {  	_ =	task.clear_ibuf [dreg:s22], $0x4FFFF;
	_ =	strace $0x90000049  }
0xc0: {  	s29 =	simm.s32 $0x9;
	_ =	strace $0x8000004B  }
0xc1: {  	_ =	swait.ge [sflag:s29], $0x1  }
0xc2: {  	[sflag:s29] =	ssyncadd.s32 $0xFFFFFFFF  }
0xc3: {  	_ =	strace $0x9000004B  }
0xc4: {  	_ =	sfence  }
0xc5: {  	s30 =	sld [smem:$0x0];
	_ =	sdelay $0x2  }
0xc6: {  	s31 =	sshll.u32 s1, $0xD;
	s1 =	sshrl.u32 s1, $0x2  }
0xc7: {  	s4 =	sand.u32 $0x4000, s31;
	s1 =	sadd.s32 s1, s30  }
0xc8: {  	s0 =	sor.u32 s4, s0;
	s1 =	sshll.u32 s1, $0x11  }
0xc9: {  	s0 =	sor.u32 s1, s0  }
0xca: {  	s0 =	sadd.s32 $0x8F2B, s0  }
0xcb: {  	[sflag:s0] =	ssyncadd.remote.s32 $0x1  }
0xcc: {  	_ =	sfence.sel $0xFFFF  }
0xcd: {  	[dreg:$0x0] =	wrdreg $0xFFFFFFFF;
	(pc) =	sbr.abs _section_cstart, $3  }
0xce: {  	[dreg:$0x1] =	wrdreg $0xFFFFFFFF  }
0xcf: {  	_ =	task.clear_ibuf [dreg:s22], $0x2FFFF;
	_ =	strace $0x9FFFFFFF  }
0xd0: {  	(tm) =	ssettm $0x7FFFFFFF  }
0xd1: {  	_ =	shalt  }
tec
execute0_lowered:
.L_overlay_start_1:
0x0: {  	(tag) =	ssettag $0x1  }
0x1: {  	s0 =	rddreg [dreg:$0x0];
	s1 =	simm.s32 $0x0  }
0x2: {  	s2 =	srdreg.scid;
	s8 =	stileid.u32;
	s10 =	simm.s32 $0x100  }
0x3: {  	s28 =	simm.s32 $0x4;
	s29 =	simm.s32 $0x8100;
	s30 =	simm.s32 $0x8900  }
0x4: {  	s31 =	simm.s32 $0x9100;
	s11 =	simm.s32 $0xC900;
	s12 =	simm.s32 $0xD100  }
0x5: {  	s13 =	simm.s32 $0xD900;
	s14 =	simm.s32 $0xE100;
	s15 =	simm.s32 $0xE900  }
0x6: {  	s16 =	simm.s32 $0xF100;
	s17 =	simm.s32 $0xF900;
	s18 =	simm.s32 $0x1  }
0x7: {  	s19 =	simm.s32 $0x2;
	s20 =	simm.s32 $0x0;
	[smem:$0x7FF] =	sst s1  }
0x8: {  	s3 =	sadd.s32 $0x10E00, s0;
	s4 =	sadd.s32 $0xBC00, s0;
	s2 =	sand.u32 $0x1, s2  }
0x9: {  	s5 =	sshll.u32 s8, $0xD;
	s7 =	sshll.u32 s8, $0x1;
	s8 =	sshll.u32 s8, $0x5  }
0xa: {  	_ =	strace $0x8000004A;
	s6 =	ssub.s32 $0x2, s2;
	s0 =	sadd.s32 s5, s0  }
0xb: {  	s7 =	sor.u32 s2, s7;
	s9 =	sshll.u32 s2, $0xC;
	s8 =	sadd.s32 s8, s4  }
0xc: {  	s2 =	sshll.u32 s2, $0x4;
	s22 =	sshrl.u32 s6, $0x1;
	s23 =	sshll.u32 s7, $0x4  }
0xd: {  	s0 =	sadd.s32 s9, s0;
	s2 =	sadd.s32 s2, s8;
	s26 =	sor.u32 $0x20, s7  }
0xe: {  	s9 =	simm.s32 $0x3;
	s7 =	simm.s32 $0xB900;
	s8 =	simm.s32 $0xC100  }
.Ltmp0:
0xf: {  	s5 =	ssub.s32 s6, s22;
	s4 =	sadd.s32 s4, s23;
	(pc) =	sbr.rel .LBB2_1-.Ltmp0, $4  }
0x10: {  	s6 =	sadd.s32 $0xB6400, s0;
	s25 =	sadd.s32 $0x400, s2;
	[dreg:$0x5] =	wrdreg s26  }
0x11: {  	v2 =	vlaneseq.u32;
	s26 =	simm.s32 $0x80;
	s0 =	simm.s32 $0x9900;
	[dreg:$0x2] =	wrdreg s4  }
0x12: {  	vm0 =	vmmov $0xffff;
	v1 =	vshrl.u32 v2, $0x3;
	s2 =	simm.s32 $0xA100;
	s24 =	smax.u32 s5, $0x1;
	[dreg:$0x4] =	wrdreg s25  }
0x13: {  	v0 =	vand.u32 $0x7, v2;
	v2 =	vor.u32 $0x8, v2;
	v1 =	vmul.u32 $0x8, v1;
	s4 =	simm.s32 $0xA900;
	s5 =	simm.s32 $0xB100;
	[dreg:$0x3] =	wrdreg s24  }
.LBB2_9:
0x14: {  	s20 =	sadd.s32 $0x1, s20;
	s21 =	rddreg [dreg:$0x3]  }
0x15: {  	p0 =	sne.s32 s20, s21  }
.Ltmp1:
0x16: {  	_ = 	snop;
	(pc) =	sbr.rel @!p0 .LBB2_10-.Ltmp1, $1  }
0x17: {  	_ =	sdelay $0x3  }
.LBB2_1:
0x18: {  	s21 =	rddreg [dreg:$0x2]  }
0x19: {  	[tilespmem:s1], [sflag:$0x3] =	stream.linear.gather [hbm4b:s21+s1], $0x80, $0x38;
	[tilespmem:$0x10100] =	vst v63  }
0x1a: {  	_ =	swait.ge [sflag:s9], $0x80  }
0x1b: {  	[sflag:s9] =	ssyncset.done $0x0  }
0x1c: {  	[sflag:s9] =	ssyncadd.s32 $0xFFFFFF80  }
0x1d: {  	v3 =	vld [tilespmem:$0x0];
	_ =	sdelay $0x4  }
0x1e: {  	v4 =	vshll.u32 v3, $0x1  }
0x1f: {  	v3 =	vand.u32 $0x7, v3;
	v4 =	vand.u32 $0xFFFFFFF0, v4  }
0x20: {  	v3 =	vor.u32 v3, v4  }
0x21: {  	v4 =	vperm.xlane v3, v0;
	_ =	sdelay $0x1  }
0x22: {  	v3 =	vperm.xlane v3, v2;
	v4 =	vadd.s32 v1, v4;
	_ =	sdelay $0x1  }
0x23: {  	v3 =	vadd.s32 v1, v3;
	_ =	sdelay $0x2  }
0x24: {  	[tilespmem:s10], [sflag:$0x1] =	stream.indirect_vreg.gather [hbm4b:s3+s1], $0x80, v4, vm0, $0xb8;
	[tilespmem:$0x10100] =	vst v63  }
0x25: {  	s23 =	simm.s32 $0x900  }
0x26: {  	[tilespmem:s23], [sflag:$0x1] =	stream.indirect_vreg.gather [hbm4b:s3+s1], $0x80, v3, vm0, $0xb8;
	[tilespmem:$0x10100] =	vst v63  }
0x27: {  	v3 =	vld [tilespmem:$0x10];
	_ =	sdelay $0x4  }
0x28: {  	v57 =	vshll.u32 v3, $0x1  }
0x29: {  	v3 =	vand.u32 $0x7, v3;
	v4 =	vand.u32 $0xFFFFFFF0, v57  }
0x2a: {  	v3 =	vor.u32 v3, v4  }
0x2b: {  	v4 =	vperm.xlane v3, v0;
	_ =	sdelay $0x1  }
0x2c: {  	v3 =	vperm.xlane v3, v2;
	v4 =	vadd.s32 v1, v4;
	_ =	sdelay $0x1  }
0x2d: {  	v3 =	vadd.s32 v1, v3;
	_ =	sdelay $0x1  }
0x2e: {  	s24 =	simm.s32 $0x1100  }
0x2f: {  	[tilespmem:s24], [sflag:$0x1] =	stream.indirect_vreg.gather [hbm4b:s3+s1], $0x80, v4, vm0, $0xb8;
	[tilespmem:$0x10100] =	vst v63  }
0x30: {  	s25 =	simm.s32 $0x1900  }
0x31: {  	[tilespmem:s25], [sflag:$0x1] =	stream.indirect_vreg.gather [hbm4b:s3+s1], $0x80, v3, vm0, $0xb8;
	[tilespmem:$0x10100] =	vst v63  }
0x32: {  	v3 =	vld [tilespmem:$0x20];
	_ =	sdelay $0x4  }
0x33: {  	v58 =	vshll.u32 v3, $0x1  }
0x34: {  	v3 =	vand.u32 $0x7, v3;
	v4 =	vand.u32 $0xFFFFFFF0, v58  }
0x35: {  	v3 =	vor.u32 v3, v4  }
0x36: {  	v4 =	vperm.xlane v3, v0;
	_ =	sdelay $0x1  }
0x37: {  	v3 =	vperm.xlane v3, v2;
	v4 =	vadd.s32 v1, v4;
	_ =	sdelay $0x1  }
0x38: {  	v3 =	vadd.s32 v1, v3;
	_ =	sdelay $0x1  }
0x39: {  	s22 =	simm.s32 $0x2100  }
0x3a: {  	[tilespmem:s22], [sflag:$0x1] =	stream.indirect_vreg.gather [hbm4b:s3+s1], $0x80, v4, vm0, $0xb8;
	[tilespmem:$0x10100] =	vst v63  }
0x3b: {  	s23 =	simm.s32 $0x2900  }
0x3c: {  	[tilespmem:s23], [sflag:$0x1] =	stream.indirect_vreg.gather [hbm4b:s3+s1], $0x80, v3, vm0, $0xb8;
	[tilespmem:$0x10100] =	vst v63  }
0x3d: {  	v3 =	vld [tilespmem:$0x30];
	_ =	sdelay $0x4  }
0x3e: {  	v59 =	vshll.u32 v3, $0x1  }
0x3f: {  	v3 =	vand.u32 $0x7, v3;
	v4 =	vand.u32 $0xFFFFFFF0, v59  }
0x40: {  	v3 =	vor.u32 v3, v4  }
0x41: {  	v4 =	vperm.xlane v3, v0;
	_ =	sdelay $0x1  }
0x42: {  	v3 =	vperm.xlane v3, v2;
	v4 =	vadd.s32 v1, v4;
	_ =	sdelay $0x1  }
0x43: {  	v3 =	vadd.s32 v1, v3;
	_ =	sdelay $0x1  }
0x44: {  	s24 =	simm.s32 $0x3100  }
0x45: {  	[tilespmem:s24], [sflag:$0x1] =	stream.indirect_vreg.gather [hbm4b:s3+s1], $0x80, v4, vm0, $0xb8;
	[tilespmem:$0x10100] =	vst v63  }
0x46: {  	s25 =	simm.s32 $0x3900  }
0x47: {  	[tilespmem:s25], [sflag:$0x1] =	stream.indirect_vreg.gather [hbm4b:s3+s1], $0x80, v3, vm0, $0xb8;
	[tilespmem:$0x10100] =	vst v63  }
0x48: {  	v3 =	vld [tilespmem:$0x40];
	_ =	sdelay $0x4  }
0x49: {  	v60 =	vshll.u32 v3, $0x1  }
0x4a: {  	v3 =	vand.u32 $0x7, v3;
	v4 =	vand.u32 $0xFFFFFFF0, v60  }
0x4b: {  	v3 =	vor.u32 v3, v4  }
0x4c: {  	v4 =	vperm.xlane v3, v0;
	_ =	sdelay $0x1  }
0x4d: {  	v3 =	vperm.xlane v3, v2;
	v4 =	vadd.s32 v1, v4;
	_ =	sdelay $0x1  }
0x4e: {  	v3 =	vadd.s32 v1, v3;
	_ =	sdelay $0x1  }
0x4f: {  	s22 =	simm.s32 $0x4100  }
0x50: {  	[tilespmem:s22], [sflag:$0x1] =	stream.indirect_vreg.gather [hbm4b:s3+s1], $0x80, v4, vm0, $0xb8;
	[tilespmem:$0x10100] =	vst v63  }
0x51: {  	s23 =	simm.s32 $0x4900  }
0x52: {  	[tilespmem:s23], [sflag:$0x1] =	stream.indirect_vreg.gather [hbm4b:s3+s1], $0x80, v3, vm0, $0xb8;
	[tilespmem:$0x10100] =	vst v63  }
0x53: {  	v3 =	vld [tilespmem:$0x50];
	_ =	sdelay $0x4  }
0x54: {  	v61 =	vshll.u32 v3, $0x1  }
0x55: {  	v3 =	vand.u32 $0x7, v3;
	v4 =	vand.u32 $0xFFFFFFF0, v61  }
0x56: {  	v3 =	vor.u32 v3, v4  }
0x57: {  	v4 =	vperm.xlane v3, v0;
	_ =	sdelay $0x1  }
0x58: {  	v3 =	vperm.xlane v3, v2;
	v4 =	vadd.s32 v1, v4;
	_ =	sdelay $0x1  }
0x59: {  	v3 =	vadd.s32 v1, v3;
	_ =	sdelay $0x1  }
0x5a: {  	s24 =	simm.s32 $0x5100  }
0x5b: {  	[tilespmem:s24], [sflag:$0x1] =	stream.indirect_vreg.gather [hbm4b:s3+s1], $0x80, v4, vm0, $0xb8;
	[tilespmem:$0x10100] =	vst v63  }
0x5c: {  	s25 =	simm.s32 $0x5900  }
0x5d: {  	[tilespmem:s25], [sflag:$0x1] =	stream.indirect_vreg.gather [hbm4b:s3+s1], $0x80, v3, vm0, $0xb8;
	[tilespmem:$0x10100] =	vst v63  }
0x5e: {  	v3 =	vld [tilespmem:$0x60];
	_ =	sdelay $0x4  }
0x5f: {  	v62 =	vshll.u32 v3, $0x1  }
0x60: {  	v3 =	vand.u32 $0x7, v3;
	v4 =	vand.u32 $0xFFFFFFF0, v62  }
0x61: {  	v3 =	vor.u32 v3, v4  }
0x62: {  	v4 =	vperm.xlane v3, v0;
	_ =	sdelay $0x1  }
0x63: {  	v3 =	vperm.xlane v3, v2;
	v4 =	vadd.s32 v1, v4;
	_ =	sdelay $0x1  }
0x64: {  	v3 =	vadd.s32 v1, v3;
	_ =	sdelay $0x1  }
0x65: {  	s22 =	simm.s32 $0x6100  }
0x66: {  	[tilespmem:s22], [sflag:$0x1] =	stream.indirect_vreg.gather [hbm4b:s3+s1], $0x80, v4, vm0, $0xb8;
	[tilespmem:$0x10100] =	vst v63  }
0x67: {  	s23 =	simm.s32 $0x6900  }
0x68: {  	[tilespmem:s23], [sflag:$0x1] =	stream.indirect_vreg.gather [hbm4b:s3+s1], $0x80, v3, vm0, $0xb8;
	[tilespmem:$0x10100] =	vst v63  }
0x69: {  	v3 =	vld [tilespmem:$0x70];
	_ =	sdelay $0x4  }
0x6a: {  	v63 =	vshll.u32 v3, $0x1  }
0x6b: {  	v3 =	vand.u32 $0x7, v3;
	v4 =	vand.u32 $0xFFFFFFF0, v63  }
0x6c: {  	v3 =	vor.u32 v3, v4  }
0x6d: {  	v4 =	vperm.xlane v3, v0;
	_ =	sdelay $0x1  }
0x6e: {  	v3 =	vperm.xlane v3, v2;
	v4 =	vadd.s32 v1, v4;
	_ =	sdelay $0x1  }
0x6f: {  	v3 =	vadd.s32 v1, v3  }
.Ltmp2:
0x70: {  	_ = 	snop;
	(pc) =	sbr.rel .LBB2_2-.Ltmp2, $4  }
0x71: {  	s21 =	rddreg [dreg:$0x5];
	s24 =	simm.s32 $0x7100  }
0x72: {  	[tilespmem:s24], [sflag:$0x1] =	stream.indirect_vreg.gather [hbm4b:s3+s1], $0x80, v4, vm0, $0xb8;
	[tilespmem:$0x10100] =	vst v63  }
0x73: {  	s25 =	simm.s32 $0x7900;
	s22 =	rddreg [dreg:$0x4];
	s23 =	simm.s32 $0x0  }
0x74: {  	[tilespmem:s25], [sflag:$0x1] =	stream.indirect_vreg.gather [hbm4b:s3+s1], $0x80, v3, vm0, $0xb8;
	[tilespmem:$0x10100] =	vst v63  }
.LBB2_7:
0x75: {  	_ =	swait.ge [sflag:s19], $0x8000  }
0x76: {  	[sflag:s19] =	ssyncset.done $0x0  }
0x77: {  	s24 =	sadd.s32 $0x20000, s24;
	[sflag:s19] =	ssyncadd.s32 $0xFFFF8000  }
0x78: {  	[hbm4b:s24+s1] =	stream.linear.scatter [tilespmem:s29], [sflag:$0x3], $0x8000, $0x38;
	[tilespmem:$0x10100] =	vst v63  }
0x79: {  	_ =	swait.ge [sflag:s9], $0x8000  }
0x7a: {  	[sflag:s9] =	ssyncset.done $0x0  }
0x7b: {  	[sflag:s9] =	ssyncadd.s32 $0xFFFF8000  }
.LBB2_8:
0x7c: {  	s23 =	sadd.s32 $0x40000, s23  }
0x7d: {  	p0 =	sne.s32 s23, $0x500000  }
.Ltmp3:
0x7e: {  	_ = 	snop;
	(pc) =	sbr.rel @!p0 .LBB2_9-.Ltmp3, $2  }
0x7f: {  	_ =	sdelay $0x2  }
0x80: {  	s22 =	sadd.s32 $0x400, s22;
	s21 =	sadd.s32 $0x40, s21  }
.LBB2_2:
0x81: {  	p0 =	sgt.u32 s21, $0x4E1  }
.Ltmp4:
0x82: {  	_ = 	snop;
	(pc) =	sbr.rel @p0 .LBB2_4-.Ltmp4, $1  }
0x83: {  	_ =	sdelay $0x3  }
0x84: {  	s24 =	sadd.s32 $0xFFFFFE00, s22  }
0x85: {  	[tilespmem:s26], [sflag:$0x4] =	stream.linear.gather [hbm4b:s24+s1], $0x80, $0x38;
	[tilespmem:$0x10100] =	vst v63  }
0x86: {  	_ =	swait.ge [sflag:s28], $0x80  }
0x87: {  	[sflag:s28] =	ssyncset.done $0x0  }
0x88: {  	[sflag:s28] =	ssyncadd.s32 $0xFFFFFF80  }
0x89: {  	v3 =	vld [tilespmem:$0x80];
	_ =	sdelay $0x4  }
0x8a: {  	v4 =	vshll.u32 v3, $0x1  }
0x8b: {  	v3 =	vand.u32 $0x7, v3;
	v4 =	vand.u32 $0xFFFFFFF0, v4  }
0x8c: {  	v3 =	vor.u32 v3, v4  }
0x8d: {  	v4 =	vperm.xlane v3, v0;
	_ =	sdelay $0x1  }
0x8e: {  	v3 =	vperm.xlane v3, v2;
	v4 =	vadd.s32 v1, v4;
	_ =	sdelay $0x1  }
0x8f: {  	v3 =	vadd.s32 v1, v3;
	_ =	sdelay $0x2  }
0x90: {  	[tilespmem:s29], [sflag:$0x2] =	stream.indirect_vreg.gather [hbm4b:s3+s1], $0x80, v4, vm0, $0xb8;
	[tilespmem:$0x10100] =	vst v63  }
0x91: {  	_ = 	snop  }
0x92: {  	[tilespmem:s30], [sflag:$0x2] =	stream.indirect_vreg.gather [hbm4b:s3+s1], $0x80, v3, vm0, $0xb8;
	[tilespmem:$0x10100] =	vst v63  }
0x93: {  	v3 =	vld [tilespmem:$0x90];
	_ =	sdelay $0x4  }
0x94: {  	v57 =	vshll.u32 v3, $0x1  }
0x95: {  	v3 =	vand.u32 $0x7, v3;
	v4 =	vand.u32 $0xFFFFFFF0, v57  }
0x96: {  	v3 =	vor.u32 v3, v4  }
0x97: {  	v4 =	vperm.xlane v3, v0;
	_ =	sdelay $0x1  }
0x98: {  	v3 =	vperm.xlane v3, v2;
	v4 =	vadd.s32 v1, v4;
	_ =	sdelay $0x1  }
0x99: {  	v3 =	vadd.s32 v1, v3;
	_ =	sdelay $0x2  }
0x9a: {  	[tilespmem:s31], [sflag:$0x2] =	stream.indirect_vreg.gather [hbm4b:s3+s1], $0x80, v4, vm0, $0xb8;
	[tilespmem:$0x10100] =	vst v63  }
0x9b: {  	_ = 	snop  }
0x9c: {  	[tilespmem:s0], [sflag:$0x2] =	stream.indirect_vreg.gather [hbm4b:s3+s1], $0x80, v3, vm0, $0xb8;
	[tilespmem:$0x10100] =	vst v63  }
0x9d: {  	v3 =	vld [tilespmem:$0xA0];
	_ =	sdelay $0x4  }
0x9e: {  	v58 =	vshll.u32 v3, $0x1  }
0x9f: {  	v3 =	vand.u32 $0x7, v3;
	v4 =	vand.u32 $0xFFFFFFF0, v58  }
0xa0: {  	v3 =	vor.u32 v3, v4  }
0xa1: {  	v4 =	vperm.xlane v3, v0;
	_ =	sdelay $0x1  }
0xa2: {  	v3 =	vperm.xlane v3, v2;
	v4 =	vadd.s32 v1, v4;
	_ =	sdelay $0x1  }
0xa3: {  	v3 =	vadd.s32 v1, v3;
	_ =	sdelay $0x2  }
0xa4: {  	[tilespmem:s2], [sflag:$0x2] =	stream.indirect_vreg.gather [hbm4b:s3+s1], $0x80, v4, vm0, $0xb8;
	[tilespmem:$0x10100] =	vst v63  }
0xa5: {  	_ = 	snop  }
0xa6: {  	[tilespmem:s4], [sflag:$0x2] =	stream.indirect_vreg.gather [hbm4b:s3+s1], $0x80, v3, vm0, $0xb8;
	[tilespmem:$0x10100] =	vst v63  }
0xa7: {  	v3 =	vld [tilespmem:$0xB0];
	_ =	sdelay $0x4  }
0xa8: {  	v59 =	vshll.u32 v3, $0x1  }
0xa9: {  	v3 =	vand.u32 $0x7, v3;
	v4 =	vand.u32 $0xFFFFFFF0, v59  }
0xaa: {  	v3 =	vor.u32 v3, v4  }
0xab: {  	v4 =	vperm.xlane v3, v0;
	_ =	sdelay $0x1  }
0xac: {  	v3 =	vperm.xlane v3, v2;
	v4 =	vadd.s32 v1, v4;
	_ =	sdelay $0x1  }
0xad: {  	v3 =	vadd.s32 v1, v3;
	_ =	sdelay $0x2  }
0xae: {  	[tilespmem:s5], [sflag:$0x2] =	stream.indirect_vreg.gather [hbm4b:s3+s1], $0x80, v4, vm0, $0xb8;
	[tilespmem:$0x10100] =	vst v63  }
0xaf: {  	_ = 	snop  }
0xb0: {  	[tilespmem:s7], [sflag:$0x2] =	stream.indirect_vreg.gather [hbm4b:s3+s1], $0x80, v3, vm0, $0xb8;
	[tilespmem:$0x10100] =	vst v63  }
0xb1: {  	v3 =	vld [tilespmem:$0xC0];
	_ =	sdelay $0x4  }
0xb2: {  	v60 =	vshll.u32 v3, $0x1  }
0xb3: {  	v3 =	vand.u32 $0x7, v3;
	v4 =	vand.u32 $0xFFFFFFF0, v60  }
0xb4: {  	v3 =	vor.u32 v3, v4  }
0xb5: {  	v4 =	vperm.xlane v3, v0;
	_ =	sdelay $0x1  }
0xb6: {  	v3 =	vperm.xlane v3, v2;
	v4 =	vadd.s32 v1, v4;
	_ =	sdelay $0x1  }
0xb7: {  	v3 =	vadd.s32 v1, v3;
	_ =	sdelay $0x2  }
0xb8: {  	[tilespmem:s8], [sflag:$0x2] =	stream.indirect_vreg.gather [hbm4b:s3+s1], $0x80, v4, vm0, $0xb8;
	[tilespmem:$0x10100] =	vst v63  }
0xb9: {  	_ = 	snop  }
0xba: {  	[tilespmem:s11], [sflag:$0x2] =	stream.indirect_vreg.gather [hbm4b:s3+s1], $0x80, v3, vm0, $0xb8;
	[tilespmem:$0x10100] =	vst v63  }
0xbb: {  	v3 =	vld [tilespmem:$0xD0];
	_ =	sdelay $0x4  }
0xbc: {  	v61 =	vshll.u32 v3, $0x1  }
0xbd: {  	v3 =	vand.u32 $0x7, v3;
	v4 =	vand.u32 $0xFFFFFFF0, v61  }
0xbe: {  	v3 =	vor.u32 v3, v4  }
0xbf: {  	v4 =	vperm.xlane v3, v0;
	_ =	sdelay $0x1  }
0xc0: {  	v3 =	vperm.xlane v3, v2;
	v4 =	vadd.s32 v1, v4;
	_ =	sdelay $0x1  }
0xc1: {  	v3 =	vadd.s32 v1, v3;
	_ =	sdelay $0x2  }
0xc2: {  	[tilespmem:s12], [sflag:$0x2] =	stream.indirect_vreg.gather [hbm4b:s3+s1], $0x80, v4, vm0, $0xb8;
	[tilespmem:$0x10100] =	vst v63  }
0xc3: {  	_ = 	snop  }
0xc4: {  	[tilespmem:s13], [sflag:$0x2] =	stream.indirect_vreg.gather [hbm4b:s3+s1], $0x80, v3, vm0, $0xb8;
	[tilespmem:$0x10100] =	vst v63  }
0xc5: {  	v3 =	vld [tilespmem:$0xE0];
	_ =	sdelay $0x4  }
0xc6: {  	v62 =	vshll.u32 v3, $0x1  }
0xc7: {  	v3 =	vand.u32 $0x7, v3;
	v4 =	vand.u32 $0xFFFFFFF0, v62  }
0xc8: {  	v3 =	vor.u32 v3, v4  }
0xc9: {  	v4 =	vperm.xlane v3, v0;
	_ =	sdelay $0x1  }
0xca: {  	v3 =	vperm.xlane v3, v2;
	v4 =	vadd.s32 v1, v4;
	_ =	sdelay $0x1  }
0xcb: {  	v3 =	vadd.s32 v1, v3;
	_ =	sdelay $0x2  }
0xcc: {  	[tilespmem:s14], [sflag:$0x2] =	stream.indirect_vreg.gather [hbm4b:s3+s1], $0x80, v4, vm0, $0xb8;
	[tilespmem:$0x10100] =	vst v63  }
0xcd: {  	_ = 	snop  }
0xce: {  	[tilespmem:s15], [sflag:$0x2] =	stream.indirect_vreg.gather [hbm4b:s3+s1], $0x80, v3, vm0, $0xb8;
	[tilespmem:$0x10100] =	vst v63  }
0xcf: {  	v3 =	vld [tilespmem:$0xF0];
	_ =	sdelay $0x4  }
0xd0: {  	v63 =	vshll.u32 v3, $0x1  }
0xd1: {  	v3 =	vand.u32 $0x7, v3;
	v4 =	vand.u32 $0xFFFFFFF0, v63  }
0xd2: {  	v3 =	vor.u32 v3, v4  }
0xd3: {  	v4 =	vperm.xlane v3, v0;
	_ =	sdelay $0x1  }
0xd4: {  	v3 =	vperm.xlane v3, v2;
	v4 =	vadd.s32 v1, v4;
	_ =	sdelay $0x1  }
0xd5: {  	v3 =	vadd.s32 v1, v3;
	_ =	sdelay $0x2  }
0xd6: {  	[tilespmem:s16], [sflag:$0x2] =	stream.indirect_vreg.gather [hbm4b:s3+s1], $0x80, v4, vm0, $0xb8;
	[tilespmem:$0x10100] =	vst v63  }
0xd7: {  	_ = 	snop  }
0xd8: {  	[tilespmem:s17], [sflag:$0x2] =	stream.indirect_vreg.gather [hbm4b:s3+s1], $0x80, v3, vm0, $0xb8;
	[tilespmem:$0x10100] =	vst v63  }
.LBB2_4:
0xd9: {  	_ =	swait.ge [sflag:s18], $0x8000  }
0xda: {  	[sflag:s18] =	ssyncset.done $0x0  }
.Ltmp5:
0xdb: {  	s24 =	sadd.s32 s23, s6;
	[sflag:s18] =	ssyncadd.s32 $0xFFFF8000;
	(pc) =	sbr.rel @p0 .LBB2_8-.Ltmp5, $4  }
0xdc: {  	[hbm4b:s24+s1] =	stream.linear.scatter [tilespmem:s10], [sflag:$0x4], $0x8000, $0x38;
	[tilespmem:$0x10100] =	vst v63  }
0xdd: {  	_ =	swait.ge [sflag:s28], $0x8000  }
0xde: {  	[sflag:s28] =	ssyncset.done $0x0  }
0xdf: {  	[sflag:s28] =	ssyncadd.s32 $0xFFFF8000  }
0xe0: {  	p0 =	sgt.u32 s21, $0x4C1  }
.Ltmp6:
0xe1: {  	_ = 	snop;
	(pc) =	sbr.rel @p0 .LBB2_7-.Ltmp6, $1  }
0xe2: {  	_ =	sdelay $0x3  }
0xe3: {  	[tilespmem:s1], [sflag:$0x4] =	stream.linear.gather [hbm4b:s22+s1], $0x80, $0x38;
	[tilespmem:$0x10100] =	vst v63  }
0xe4: {  	_ =	swait.ge [sflag:s28], $0x80  }
0xe5: {  	[sflag:s28] =	ssyncset.done $0x0  }
0xe6: {  	[sflag:s28] =	ssyncadd.s32 $0xFFFFFF80  }
0xe7: {  	v3 =	vld [tilespmem:$0x0];
	_ =	sdelay $0x4  }
0xe8: {  	v4 =	vshll.u32 v3, $0x1  }
0xe9: {  	v3 =	vand.u32 $0x7, v3;
	v4 =	vand.u32 $0xFFFFFFF0, v4  }
0xea: {  	v3 =	vor.u32 v3, v4  }
0xeb: {  	v4 =	vperm.xlane v3, v0;
	_ =	sdelay $0x1  }
0xec: {  	v3 =	vperm.xlane v3, v2;
	v4 =	vadd.s32 v1, v4;
	_ =	sdelay $0x1  }
0xed: {  	v3 =	vadd.s32 v1, v3;
	_ =	sdelay $0x2  }
0xee: {  	[tilespmem:s10], [sflag:$0x1] =	stream.indirect_vreg.gather [hbm4b:s3+s1], $0x80, v4, vm0, $0xb8;
	[tilespmem:$0x10100] =	vst v63  }
0xef: {  	s25 =	simm.s32 $0x900  }
0xf0: {  	[tilespmem:s25], [sflag:$0x1] =	stream.indirect_vreg.gather [hbm4b:s3+s1], $0x80, v3, vm0, $0xb8;
	[tilespmem:$0x10100] =	vst v63  }
0xf1: {  	v3 =	vld [tilespmem:$0x10];
	_ =	sdelay $0x4  }
0xf2: {  	v57 =	vshll.u32 v3, $0x1  }
0xf3: {  	v3 =	vand.u32 $0x7, v3;
	v4 =	vand.u32 $0xFFFFFFF0, v57  }
0xf4: {  	v3 =	vor.u32 v3, v4  }
0xf5: {  	v4 =	vperm.xlane v3, v0;
	_ =	sdelay $0x1  }
0xf6: {  	v3 =	vperm.xlane v3, v2;
	v4 =	vadd.s32 v1, v4;
	_ =	sdelay $0x1  }
0xf7: {  	v3 =	vadd.s32 v1, v3;
	_ =	sdelay $0x1  }
0xf8: {  	s25 =	simm.s32 $0x1100  }
0xf9: {  	[tilespmem:s25], [sflag:$0x1] =	stream.indirect_vreg.gather [hbm4b:s3+s1], $0x80, v4, vm0, $0xb8;
	[tilespmem:$0x10100] =	vst v63  }
0xfa: {  	s25 =	simm.s32 $0x1900  }
0xfb: {  	[tilespmem:s25], [sflag:$0x1] =	stream.indirect_vreg.gather [hbm4b:s3+s1], $0x80, v3, vm0, $0xb8;
	[tilespmem:$0x10100] =	vst v63  }
0xfc: {  	v3 =	vld [tilespmem:$0x20];
	_ =	sdelay $0x4  }
0xfd: {  	v58 =	vshll.u32 v3, $0x1  }
0xfe: {  	v3 =	vand.u32 $0x7, v3;
	v4 =	vand.u32 $0xFFFFFFF0, v58  }
0xff: {  	v3 =	vor.u32 v3, v4  }
0x100: {  	v4 =	vperm.xlane v3, v0;
	_ =	sdelay $0x1  }
0x101: {  	v3 =	vperm.xlane v3, v2;
	v4 =	vadd.s32 v1, v4;
	_ =	sdelay $0x1  }
0x102: {  	v3 =	vadd.s32 v1, v3;
	_ =	sdelay $0x1  }
0x103: {  	s25 =	simm.s32 $0x2100  }
0x104: {  	[tilespmem:s25], [sflag:$0x1] =	stream.indirect_vreg.gather [hbm4b:s3+s1], $0x80, v4, vm0, $0xb8;
	[tilespmem:$0x10100] =	vst v63  }
0x105: {  	s25 =	simm.s32 $0x2900  }
0x106: {  	[tilespmem:s25], [sflag:$0x1] =	stream.indirect_vreg.gather [hbm4b:s3+s1], $0x80, v3, vm0, $0xb8;
	[tilespmem:$0x10100] =	vst v63  }
0x107: {  	v3 =	vld [tilespmem:$0x30];
	_ =	sdelay $0x4  }
0x108: {  	v59 =	vshll.u32 v3, $0x1  }
0x109: {  	v3 =	vand.u32 $0x7, v3;
	v4 =	vand.u32 $0xFFFFFFF0, v59  }
0x10a: {  	v3 =	vor.u32 v3, v4  }
0x10b: {  	v4 =	vperm.xlane v3, v0;
	_ =	sdelay $0x1  }
0x10c: {  	v3 =	vperm.xlane v3, v2;
	v4 =	vadd.s32 v1, v4;
	_ =	sdelay $0x1  }
0x10d: {  	v3 =	vadd.s32 v1, v3;
	_ =	sdelay $0x1  }
0x10e: {  	s25 =	simm.s32 $0x3100  }
0x10f: {  	[tilespmem:s25], [sflag:$0x1] =	stream.indirect_vreg.gather [hbm4b:s3+s1], $0x80, v4, vm0, $0xb8;
	[tilespmem:$0x10100] =	vst v63  }
0x110: {  	s25 =	simm.s32 $0x3900  }
0x111: {  	[tilespmem:s25], [sflag:$0x1] =	stream.indirect_vreg.gather [hbm4b:s3+s1], $0x80, v3, vm0, $0xb8;
	[tilespmem:$0x10100] =	vst v63  }
0x112: {  	v3 =	vld [tilespmem:$0x40];
	_ =	sdelay $0x4  }
0x113: {  	v60 =	vshll.u32 v3, $0x1  }
0x114: {  	v3 =	vand.u32 $0x7, v3;
	v4 =	vand.u32 $0xFFFFFFF0, v60  }
0x115: {  	v3 =	vor.u32 v3, v4  }
0x116: {  	v4 =	vperm.xlane v3, v0;
	_ =	sdelay $0x1  }
0x117: {  	v3 =	vperm.xlane v3, v2;
	v4 =	vadd.s32 v1, v4;
	_ =	sdelay $0x1  }
0x118: {  	v3 =	vadd.s32 v1, v3;
	_ =	sdelay $0x1  }
0x119: {  	s25 =	simm.s32 $0x4100  }
0x11a: {  	[tilespmem:s25], [sflag:$0x1] =	stream.indirect_vreg.gather [hbm4b:s3+s1], $0x80, v4, vm0, $0xb8;
	[tilespmem:$0x10100] =	vst v63  }
0x11b: {  	s25 =	simm.s32 $0x4900  }
0x11c: {  	[tilespmem:s25], [sflag:$0x1] =	stream.indirect_vreg.gather [hbm4b:s3+s1], $0x80, v3, vm0, $0xb8;
	[tilespmem:$0x10100] =	vst v63  }
0x11d: {  	v3 =	vld [tilespmem:$0x50];
	_ =	sdelay $0x4  }
0x11e: {  	v61 =	vshll.u32 v3, $0x1  }
0x11f: {  	v3 =	vand.u32 $0x7, v3;
	v4 =	vand.u32 $0xFFFFFFF0, v61  }
0x120: {  	v3 =	vor.u32 v3, v4  }
0x121: {  	v4 =	vperm.xlane v3, v0;
	_ =	sdelay $0x1  }
0x122: {  	v3 =	vperm.xlane v3, v2;
	v4 =	vadd.s32 v1, v4;
	_ =	sdelay $0x1  }
0x123: {  	v3 =	vadd.s32 v1, v3;
	_ =	sdelay $0x1  }
0x124: {  	s25 =	simm.s32 $0x5100  }
0x125: {  	[tilespmem:s25], [sflag:$0x1] =	stream.indirect_vreg.gather [hbm4b:s3+s1], $0x80, v4, vm0, $0xb8;
	[tilespmem:$0x10100] =	vst v63  }
0x126: {  	s25 =	simm.s32 $0x5900  }
0x127: {  	[tilespmem:s25], [sflag:$0x1] =	stream.indirect_vreg.gather [hbm4b:s3+s1], $0x80, v3, vm0, $0xb8;
	[tilespmem:$0x10100] =	vst v63  }
0x128: {  	v3 =	vld [tilespmem:$0x60];
	_ =	sdelay $0x4  }
0x129: {  	v62 =	vshll.u32 v3, $0x1  }
0x12a: {  	v3 =	vand.u32 $0x7, v3;
	v4 =	vand.u32 $0xFFFFFFF0, v62  }
0x12b: {  	v3 =	vor.u32 v3, v4  }
0x12c: {  	v4 =	vperm.xlane v3, v0;
	_ =	sdelay $0x1  }
0x12d: {  	v3 =	vperm.xlane v3, v2;
	v4 =	vadd.s32 v1, v4;
	_ =	sdelay $0x1  }
0x12e: {  	v3 =	vadd.s32 v1, v3;
	_ =	sdelay $0x1  }
0x12f: {  	s25 =	simm.s32 $0x6100  }
0x130: {  	[tilespmem:s25], [sflag:$0x1] =	stream.indirect_vreg.gather [hbm4b:s3+s1], $0x80, v4, vm0, $0xb8;
	[tilespmem:$0x10100] =	vst v63  }
0x131: {  	s25 =	simm.s32 $0x6900  }
0x132: {  	[tilespmem:s25], [sflag:$0x1] =	stream.indirect_vreg.gather [hbm4b:s3+s1], $0x80, v3, vm0, $0xb8;
	[tilespmem:$0x10100] =	vst v63  }
0x133: {  	v3 =	vld [tilespmem:$0x70];
	_ =	sdelay $0x4  }
0x134: {  	v63 =	vshll.u32 v3, $0x1  }
0x135: {  	v3 =	vand.u32 $0x7, v3;
	v4 =	vand.u32 $0xFFFFFFF0, v63  }
0x136: {  	v3 =	vor.u32 v3, v4  }
0x137: {  	v4 =	vperm.xlane v3, v0;
	_ =	sdelay $0x1  }
0x138: {  	v3 =	vperm.xlane v3, v2;
	v4 =	vadd.s32 v1, v4;
	_ =	sdelay $0x1  }
0x139: {  	v3 =	vadd.s32 v1, v3  }
.Ltmp7:
0x13a: {  	_ = 	snop;
	(pc) =	sbr.rel .LBB2_7-.Ltmp7, $4  }
0x13b: {  	s25 =	simm.s32 $0x7100  }
0x13c: {  	[tilespmem:s25], [sflag:$0x1] =	stream.indirect_vreg.gather [hbm4b:s3+s1], $0x80, v4, vm0, $0xb8;
	[tilespmem:$0x10100] =	vst v63  }
0x13d: {  	s25 =	simm.s32 $0x7900  }
0x13e: {  	[tilespmem:s25], [sflag:$0x1] =	stream.indirect_vreg.gather [hbm4b:s3+s1], $0x80, v3, vm0, $0xb8;
	[tilespmem:$0x10100] =	vst v63  }
.LBB2_10:
0x13f: {  	_ =	sfence.sel $0x180000  }
0x140: {  	[bflag:$0x0] =	sbarrier.arrive $0xFFFF  }
0x141: {  	_ =	strace $0x9000004A  }
0x142: {  	s0 =	stileid.u32;
	[bflag:$0x2] =	sbarrier.arrive $0xFFFF  }
0x143: {  	p0 =	sne.s32 s0, $0x0;
	s0 =	rddreg [dreg:$0x1]  }
0x144: {  	s0 =	sadd.s32 @!p0 $0x100000, s0  }
0x145: {  	[sflag:s0] =	ssyncadd.tile.s32 @!p0 $0x1;
	_ =	shalt  }
.Lfunc_end2:
_tile_overlayer_lowered:
.L_overlay_start_2:
0x146: {  	(tag) =	ssettag $0x2  }
0x147: {  	s0 =	rddreg [dreg:$0x0];
	s2 =	stileid.u32  }
0x148: {  	s1 =	rddreg [dreg:$0x1];
	p0 =	sne.s32 s2, $0x0  }
0x149: {  	s3 =	rddreg [dreg:$0x2];
	[bflag:$0x3] =	sbarrier.arrive $0xFFFF;
	s2 =	simm.s32 @!p0 $0x1C03  }
0x14a: {  	[timem:s3], [sflag:s2] =	dma.local @!p0 [hbm:s0], s1  }
0x14b: {  	s0 =	simm.s32 @!p0 $0x3  }
0x14c: {  	_ =	swait.ge @!p0 [sflag:s0], s1  }
0x14d: {  	s1 =	ssub.s32 @!p0 $0x0, s1;
	[sflag:s0] =	ssyncset.done @!p0 $0x0  }
0x14e: {  	[sflag:s0] =	ssyncadd.s32 @!p0 s1  }
0x14f: {  	[bflag:$0x3] =	sbarrier.arrive $0xFFFF  }
0x150: {  	_ =	shalt  }

// kernel: sc_gather_scalar.3.cloned.1.call-start
scs
__scs_entry_jumppad:
0x0: {  	(pc) =	sbr.rel $0x88, $3  }
0x1: {  	(tag) =	ssettag $0x0;
	lr =	simm.s32 $0x1  }
0x2: {  	[smem:$0x3F73] =	sst lr;
	_ =	strace $0xD0000000  }
0x3: {  	_ = 	snop  }
0x4: {  	_ = 	snop  }
0x5: {  	_ = 	snop  }
0x6: {  	_ = 	snop  }
0x7: {  	_ = 	snop  }
__scs_overlays_trampoline_lowered:
0x8: {  	[smem:$0x3F82] =	sst s0  }
0x9: {  	[smem:$0x3F83] =	sst s1  }
0xa: {  	[smem:$0x3F84] =	sst s2  }
0xb: {  	[smem:$0x3F85] =	sst s3  }
0xc: {  	[smem:$0x3F86] =	sst s4  }
0xd: {  	[smem:$0x3F87] =	sst s5  }
0xe: {  	[smem:$0x3F88] =	sst s6  }
0xf: {  	[smem:$0x3F89] =	sst s7  }
0x10: {  	[smem:$0x3F8A] =	sst s8  }
0x11: {  	[smem:$0x3F8B] =	sst s9;
	s0 =	simm.s32 @!p0 $0x0  }
0x12: {  	s1 =	sld [smem:$0x3F71];
	s0 =	simm.s32 @p0 $0x1  }
0x13: {  	[smem:$0x3F8C] =	sst s0;
	s0 =	simm.s32 @!p1 $0x0  }
0x14: {  	s2 =	sld [smem:$0x3F70];
	s0 =	simm.s32 @p1 $0x1  }
0x15: {  	[smem:$0x3F8D] =	sst s0;
	s0 =	simm.s32 @!p2 $0x0  }
0x16: {  	s3 =	sld [smem:$0x3FDB];
	s0 =	simm.s32 @p2 $0x1  }
0x17: {  	s4 =	simm.s32 $0x1BF5;
	[smem:$0x3F8F] =	sst s0  }
0x18: {  	s0 =	sld [smem:$0x3F72];
	_ =	swait.ge [sflag:s4], $0x0  }
0x19: {  	s7 =	sld [smem:$0x3F73]  }
0x1a: {  	s8 =	sadd.s32 $0xFFFFE003, lr  }
0x1b: {  	s9 =	sadd.s32 $0xFFFFFEF7, lr;
	s5 =	simm.s32 $0xFFFFFFFF;
	p2 =	slt.u32 s8, $0xFFFFF086  }
0x1c: {  	p1 =	slt.u32 s9, $0xF7A;
	s5 =	simm.s32 @!p2 $0x0  }
0x1d: {  	s5 =	simm.s32 @p1 $0x1;
	p0 =	seq.s32 s7, s2  }
0x1e: {  	s7 =	smul.u32 @!p0 $0xF7A, s2;
	p2 =	seq.s32 @!p0 s5, $0x0  }
0x1f: {  	s9 =	smul.u32 $0xF7A, s1;
	s8 =	simm.s32 @!p0 $0x1BF5;
	p2 =	por !p2, p0  }
0x20: {  	[sflag:s8] =	ssyncset.s32 @!p0 $0xFFFFF086;
	s6 =	sadd.s32 @!p0 s3, s7;
	s7 =	simm.s32 @!p0 $0x108  }
0x21: {  	s3 =	sadd.s32 s3, s9;
	s6 =	sadd.s32 @!p0 $0x88, s6;
	s7 =	simm.s32 @p2 $0x1082  }
0x22: {  	[simem:s7], [sflag:s8] =	dma.local @!p0 [hbm:s6], $0xF7A  }
0x23: {  	s9 =	sor.u32 $0xD0000000, s2;
	s6 =	simm.s32 $0x108;
	_ =	swait.ge @!p0 [sflag:s8], $0x0  }
0x24: {  	s3 =	sadd.s32 $0x88, s3;
	s6 =	simm.s32 @!p1 $0x1082;
	[sflag:s4] =	ssyncset.s32 $0xFFFFF086  }
0x25: {  	[simem:s6], [sflag:s4] =	dma.local [hbm:s3], $0xF7A  }
0x26: {  	[smem:$0x3F73] =	sst s1;
	(tag) =	ssettag s2;
	_ =	strace s9  }
0x27: {  	s1 =	sld [smem:$0x3F83]  }
0x28: {  	s2 =	sld [smem:$0x3F84]  }
0x29: {  	s4 =	sld [smem:$0x3F86]  }
0x2a: {  	p0 =	seq.s32 s5, $0x0;
	s5 =	sld [smem:$0x3F87]  }
0x2b: {  	s6 =	sld [smem:$0x3F88]  }
0x2c: {  	s7 =	sld [smem:$0x3F89]  }
0x2d: {  	s3 =	simm.s32 $0x108;
	s8 =	sld [smem:$0x3F8A]  }
0x2e: {  	s3 =	simm.s32 @!p0 $0x1082;
	s9 =	sld [smem:$0x3F8B]  }
0x2f: {  	lr =	sadd.s32 s0, s3;
	s0 =	sld [smem:$0x3F82]  }
0x30: {  	s3 =	sld [smem:$0x3F85]  }
0x31: {  	[smem:$0x3F8E] =	sst s10  }
0x32: {  	s10 =	sld [smem:$0x3F8C];
	_ =	sdelay $0x3  }
0x33: {  	p0 =	seq.s32 s10, $0x1;
	s10 =	sld [smem:$0x3F8E];
	_ =	sdelay $0x3  }
0x34: {  	[smem:$0x3F8E] =	sst s10  }
0x35: {  	s10 =	sld [smem:$0x3F8D];
	_ =	sdelay $0x3  }
0x36: {  	p1 =	seq.s32 s10, $0x1;
	s10 =	sld [smem:$0x3F8E];
	_ =	sdelay $0x3  }
0x37: {  	[smem:$0x3F8E] =	sst s10  }
0x38: {  	s10 =	sld [smem:$0x3F8F]  }
0x39: {  	_ = 	snop;
	(pc) =	sbr.ind lr, $3  }
0x3a: {  	_ = 	snop  }
0x3b: {  	_ = 	snop  }
0x3c: {  	p2 =	seq.s32 s10, $0x1;
	s10 =	sld [smem:$0x3F8E]  }
0x3d: {  	_ =	shalt  }
0x3e: {  	_ =	shalt  }
0x3f: {  	_ =	shalt  }
0x40: {  	_ =	shalt  }
0x41: {  	_ =	shalt  }
0x42: {  	_ =	shalt  }
0x43: {  	_ =	shalt  }
0x44: {  	_ =	shalt  }
0x45: {  	_ =	shalt  }
0x46: {  	_ =	shalt  }
0x47: {  	_ =	shalt  }
0x48: {  	_ =	shalt  }
0x49: {  	_ =	shalt  }
0x4a: {  	_ =	shalt  }
0x4b: {  	_ =	shalt  }
0x4c: {  	_ =	shalt  }
0x4d: {  	_ =	shalt  }
0x4e: {  	_ =	shalt  }
0x4f: {  	_ =	shalt  }
0x50: {  	_ =	shalt  }
0x51: {  	_ =	shalt  }
0x52: {  	_ =	shalt  }
0x53: {  	_ =	shalt  }
0x54: {  	_ =	shalt  }
0x55: {  	_ =	shalt  }
0x56: {  	_ =	shalt  }
0x57: {  	_ =	shalt  }
0x58: {  	_ =	shalt  }
0x59: {  	_ =	shalt  }
0x5a: {  	_ =	shalt  }
0x5b: {  	_ =	shalt  }
0x5c: {  	_ =	shalt  }
0x5d: {  	_ =	shalt  }
0x5e: {  	_ =	shalt  }
0x5f: {  	_ =	shalt  }
0x60: {  	_ =	shalt  }
0x61: {  	_ =	shalt  }
0x62: {  	_ =	shalt  }
0x63: {  	_ =	shalt  }
0x64: {  	_ =	shalt  }
0x65: {  	_ =	shalt  }
0x66: {  	_ =	shalt  }
0x67: {  	_ =	shalt  }
0x68: {  	_ =	shalt  }
0x69: {  	_ =	shalt  }
0x6a: {  	_ =	shalt  }
0x6b: {  	_ =	shalt  }
0x6c: {  	_ =	shalt  }
0x6d: {  	_ =	shalt  }
0x6e: {  	_ =	shalt  }
0x6f: {  	_ =	shalt  }
0x70: {  	_ =	shalt  }
0x71: {  	_ =	shalt  }
0x72: {  	_ =	shalt  }
0x73: {  	_ =	shalt  }
0x74: {  	_ =	shalt  }
0x75: {  	_ =	shalt  }
0x76: {  	_ =	shalt  }
0x77: {  	_ =	shalt  }
0x78: {  	_ =	shalt  }
0x79: {  	_ =	shalt  }
0x7a: {  	_ =	shalt  }
0x7b: {  	_ =	shalt  }
0x7c: {  	_ =	shalt  }
0x7d: {  	_ =	shalt  }
0x7e: {  	_ =	shalt  }
0x7f: {  	_ =	shalt  }
0x80: {  	_ =	shalt  }
0x81: {  	_ =	shalt  }
0x82: {  	_ =	shalt  }
0x83: {  	_ =	shalt  }
0x84: {  	_ =	shalt  }
0x85: {  	_ =	shalt  }
0x86: {  	_ =	shalt  }
0x87: {  	_ =	shalt  }
.Lfunc_end0:
.L_simem_size_0:
called_computation.1_lowered:
.L_overlay_start_0:
0x88: {  	s2 =	sld [smem:$0x3FD9]  }
0x89: {  	s3 =	sld [smem:$0x3FFE];
	_ =	sdelay $0x1  }
0x8a: {  	s1 =	srdreg.scid  }
0x8b: {  	s0 =	sand.u32 $0x1, s1  }
0x8c: {  	s16 =	sshll.u32 s0, $0xA;
	s2 =	sadd.s32 s3, s2  }
0x8d: {  	s2 =	sadd.s32 s2, s16  }
0x8e: {  	[smem:$0x3F9A] =	sst s2  }
0x8f: {  	_ = 	snop  }
0x90: {  	(tm) =	ssettm $0x1  }
0x91: {  	s17 =	sld [smem:$0x3FFB];
	_ =	sdelay $0x3  }
0x92: {  	_ =	strace s17  }
0x93: {  	s2 =	sld [smem:$0x3FFC];
	_ =	sdelay $0x3  }
0x94: {  	_ =	strace s2  }
0x95: {  	s2 =	sld [smem:$0x3FFD];
	_ =	sdelay $0x3  }
0x96: {  	_ =	strace s2  }
0x97: {  	_ =	strace $0x8FFFFFFF  }
0x98: {  	s18 =	sld [smem:$0x3FDB];
	_ =	sdelay $0x1  }
0x99: {  	s19 =	simm.s32 $_scs_section_size  }
0x9a: {  	s4 =	simm.s32 $_size__tile_overlayer_lowered;
	s5 =	simm.s32 $_tile_overlayer_lowered  }
0x9b: {  	s22 =	simm.s32 $0x1BFF;
	s21 =	sshll.u32 s5, $0x1;
	s2 =	sadd.s32 s19, s18  }
0x9c: {  	s6 =	simm.s32 $0x0;
	s20 =	sshll.u32 s4, $0x1;
	s4 =	sadd.s32 s21, s2  }
0x9d: {  	[timem:s6], [sflag:s22] =	dma.local [hbm:s4], s20  }
0x9e: {  	_ =	swait.ge [sflag:s22], s20  }
0x9f: {  	s3 =	ssub.s32 $0x0, s20;
	[sflag:s22] =	ssyncset.done $0x0  }
0xa0: {  	[sflag:s22] =	ssyncadd.s32 s3;
	_ =	sdelay $0x1  }
0xa1: {  	s23 =	simm.s32 $0x1B8B  }
0xa2: {  	_ =	swait.ge [sflag:s23], $0x1  }
0xa3: {  	[sflag:s23] =	ssyncset.done $0x0  }
0xa4: {  	s25 =	simm.s32 $0x1B8E;
	s24 =	sld [smem:$0x3FFE];
	[sflag:s23] =	ssyncadd.s32 $0xFFFFFFFF  }
0xa5: {  	s26 =	simm.s32 $execute0_lowered;
	[smem:$0x3FD2] =	sst s25  }
0xa6: {  	s4 =	sshll.u32 s26, $0x1;
	_ =	strace $0x80000046;
	[dreg:$0x1] =	wrdreg $0xFFFFFFFF  }
0xa7: {  	s28 =	simm.s32 $_size_execute0_lowered;
	s2 =	sadd.s32 s2, s4;
	[dreg:$0x0] =	wrdreg $0x0  }
0xa8: {  	s4 =	sshll.u32 s28, $0x1;
	[dreg:$0x2] =	wrdreg s2  }
0xa9: {  	[dreg:$0x3] =	wrdreg s4  }
0xaa: {  	[dreg:$0x4] =	wrdreg $0xC0  }
0xab: {  	_ =	task [dreg:s6], $0x5FFFF  }
0xac: {  	[dreg:$0x1] =	wrdreg $0xFFFFFFFF  }
0xad: {  	[dreg:$0x0] =	wrdreg $0x60  }
0xae: {  	[dreg:$0x2] =	wrdreg s24  }
0xaf: {  	[dreg:$0x3] =	wrdreg $0xA  }
0xb0: {  	_ =	task.clear_ibuf [dreg:s6], $0x4FFFF;
	_ =	strace $0x90000046  }
0xb1: {  	s29 =	simm.s32 $0xA;
	_ =	strace $0x80000048  }
0xb2: {  	_ =	swait.ge [sflag:s29], $0x1  }
0xb3: {  	[sflag:s29] =	ssyncadd.s32 $0xFFFFFFFF  }
0xb4: {  	_ =	strace $0x90000048  }
0xb5: {  	_ =	sfence  }
0xb6: {  	s30 =	sld [smem:$0x0];
	_ =	sdelay $0x2  }
0xb7: {  	s31 =	sshll.u32 s1, $0xD;
	s1 =	sshrl.u32 s1, $0x2  }
0xb8: {  	s3 =	sand.u32 $0x4000, s31;
	s1 =	sadd.s32 s1, s30  }
0xb9: {  	s0 =	sor.u32 s3, s0;
	s1 =	sshll.u32 s1, $0x11  }
0xba: {  	s0 =	sor.u32 s1, s0  }
0xbb: {  	s0 =	sadd.s32 $0x8F2B, s0  }
0xbc: {  	[sflag:s0] =	ssyncadd.remote.s32 $0x1  }
0xbd: {  	_ =	sfence.sel $0xFFFF  }
0xbe: {  	[dreg:$0x0] =	wrdreg $0xFFFFFFFF;
	(pc) =	sbr.abs _section_cstart, $3  }
0xbf: {  	[dreg:$0x1] =	wrdreg $0xFFFFFFFF  }
0xc0: {  	_ =	task.clear_ibuf [dreg:s6], $0x2FFFF;
	_ =	strace $0x9FFFFFFF  }
0xc1: {  	(tm) =	ssettm $0x7FFFFFFF  }
tec
execute0_lowered:
.L_overlay_start_1:
0x0: {  	(tag) =	ssettag $0x1  }
0x1: {  	s3 =	rddreg [dreg:$0x0]  }
0x2: {  	s0 =	rddreg [dreg:$0x1];
	s2 =	simm.s32 $0x0;
	s4 =	srdreg.scid  }
0x3: {  	s1 =	stileid.u32;
	s8 =	simm.s32 $0x1;
	s9 =	simm.s32 $0x0  }
0x4: {  	[smem:$0x7FF] =	sst s2;
	s4 =	sand.u32 $0x1, s4;
	s5 =	sshll.u32 s1, $0x5  }
0x5: {  	_ =	strace $0x80000047;
	s6 =	ssub.s32 $0x2, s4;
	s5 =	sadd.s32 s5, s3  }
0x6: {  	s4 =	sshll.u32 s4, $0x4;
	s3 =	sadd.s32 $0xB0E00, s3;
	s7 =	sshrl.u32 s6, $0x1  }
0x7: {  	s31 =	sadd.s32 s4, s5;
	s4 =	sshll.u32 s1, $0x1;
	s6 =	ssub.s32 s6, s7  }
0x8: {  	s7 =	sadd.s32 $0x6C00, s31;
	s5 =	smax.u32 s6, $0x1;
	s6 =	sadd.s32 $0xB1400, s31  }
.LBB2_1:
0x9: {  	[tilespmem:s2], [sflag:$0x1] =	stream.linear.gather [hbm4b:s3+s2], $0x2800, $0x38;
	[tilespmem:$0x2900] =	vst v63  }
0xa: {  	p0 =	sgt.u32 s4, $0x4E1;
	_ =	swait.ge [sflag:s8], $0x2800  }
0xb: {  	s10 =	sadd.s32 @!p0 $0x0, s7;
	s11 =	simm.s32 @!p0 $0x0;
	[sflag:s8] =	ssyncset.done $0x0  }
0xc: {  	s12 =	simm.s32 @!p0 $0x2800;
	s13 =	simm.s32 @!p0 $0x2;
	[sflag:s8] =	ssyncadd.s32 $0xFFFFD800  }
0xd: {  	[tilespmem:s12], [sflag:$0x2] =	stream.linear.gather @!p0 [hbm4b:s10+s11], $0x80, $0x38;
	[tilespmem:$0x2900] =	vst v63  }
0xe: {  	_ =	swait.ge @!p0 [sflag:s13], $0x80  }
0xf: {  	[sflag:s13] =	ssyncset.done @!p0 $0x0;
	p0 =	por p0, p0  }
0x10: {  	[sflag:s13] =	ssyncadd.s32 @!p0 $0xFFFFFF80  }
0x11: {  	v0 =	vld @!p0 [tilespmem:$0x2800];
	_ =	sdelay $0x5  }
0x12: {  	v1 =	vld @!p0 [tilespmem:$0x2810];
	_ =	sdelay $0x1  }
0x13: {  	v0 =	vld.idx.msk @!p0 [tilespmem:v0+s11+$0x0], $0xffff;
	_ =	sdelay $0x3  }
0x14: {  	v2 =	vld @!p0 [tilespmem:$0x2820]  }
0x15: {  	[tilespmem:$0x2880] =	vst @!p0 v0  }
0x16: {  	v0 =	vld.idx.msk @!p0 [tilespmem:v1+s11+$0x0], $0xffff;
	_ =	sdelay $0x3  }
0x17: {  	v1 =	vld @!p0 [tilespmem:$0x2830]  }
0x18: {  	[tilespmem:$0x2890] =	vst @!p0 v0  }
0x19: {  	v0 =	vld.idx.msk @!p0 [tilespmem:v2+s11+$0x0], $0xffff;
	_ =	sdelay $0x3  }
0x1a: {  	v2 =	vld @!p0 [tilespmem:$0x2840]  }
0x1b: {  	[tilespmem:$0x28A0] =	vst @!p0 v0  }
0x1c: {  	v0 =	vld.idx.msk @!p0 [tilespmem:v1+s11+$0x0], $0xffff;
	_ =	sdelay $0x3  }
0x1d: {  	v1 =	vld @!p0 [tilespmem:$0x2850]  }
0x1e: {  	[tilespmem:$0x28B0] =	vst @!p0 v0  }
0x1f: {  	v0 =	vld.idx.msk @!p0 [tilespmem:v2+s11+$0x0], $0xffff;
	_ =	sdelay $0x3  }
0x20: {  	v2 =	vld @!p0 [tilespmem:$0x2860]  }
0x21: {  	[tilespmem:$0x28C0] =	vst @!p0 v0  }
0x22: {  	v0 =	vld.idx.msk @!p0 [tilespmem:v1+s11+$0x0], $0xffff;
	_ =	sdelay $0x3  }
0x23: {  	v1 =	vld @!p0 [tilespmem:$0x2870]  }
0x24: {  	[tilespmem:$0x28D0] =	vst @!p0 v0  }
0x25: {  	v0 =	vld.idx.msk @!p0 [tilespmem:v2+s11+$0x0], $0xffff;
	_ =	sdelay $0x4  }
0x26: {  	[tilespmem:$0x28E0] =	vst @!p0 v0  }
0x27: {  	v0 =	vld.idx.msk @!p0 [tilespmem:v1+s11+$0x0], $0xffff;
	_ =	sdelay $0x4  }
0x28: {  	s10 =	sadd.s32 @!p0 $0x0, s6;
	s12 =	simm.s32 @!p0 $0x2880;
	[tilespmem:$0x28F0] =	vst @!p0 v0  }
0x29: {  	[hbm4b:s10+s11] =	stream.linear.scatter @!p0 [tilespmem:s12], [sflag:$0x1], $0x80, $0x38;
	[tilespmem:$0x2900] =	vst v63  }
0x2a: {  	s15 =	simm.s32 @!p0 $0x1;
	s10 =	simm.s32 $0x200;
	s11 =	sadd.s32 $0x20, s4  }
0x2b: {  	s12 =	simm.s32 $0x400;
	p2 =	sgt.u32 s11, $0x4E1;
	_ =	swait.ge @!p0 [sflag:s15], $0x80  }
.LBB2_2:
0x2c: {  	s14 =	sadd.s32 @!p2 s10, s7;
	s13 =	simm.s32 @!p2 $0x0;
	[sflag:s15] =	ssyncset.done @!p0 $0x0  }
0x2d: {  	s16 =	simm.s32 @!p2 $0x2800;
	s17 =	simm.s32 @!p2 $0x2;
	[sflag:s15] =	ssyncadd.s32 @!p0 $0xFFFFFF80  }
0x2e: {  	[tilespmem:s16], [sflag:$0x2] =	stream.linear.gather @!p2 [hbm4b:s14+s13], $0x80, $0x38;
	[tilespmem:$0x2900] =	vst v63  }
0x2f: {  	s14 =	smov.u32 s12;
	s12 =	sadd.s32 $0x200, s12;
	_ =	swait.ge @!p2 [sflag:s17], $0x80  }
0x30: {  	p0 =	por p2, p2;
	p1 =	sne.s32 s12, $0x5000;
	[sflag:s17] =	ssyncset.done @!p2 $0x0  }
0x31: {  	[sflag:s17] =	ssyncadd.s32 @!p0 $0xFFFFFF80  }
0x32: {  	v0 =	vld @!p0 [tilespmem:$0x2800]  }
0x33: {  	v1 =	vld @!p0 [tilespmem:$0x2810]  }
0x34: {  	v2 =	vld @!p0 [tilespmem:$0x2820]  }
0x35: {  	v3 =	vld @!p0 [tilespmem:$0x2830]  }
0x36: {  	v4 =	vld @!p0 [tilespmem:$0x2840]  }
0x37: {  	v5 =	vld @!p0 [tilespmem:$0x2850]  }
0x38: {  	v6 =	vld @!p0 [tilespmem:$0x2860]  }
0x39: {  	v7 =	vld @!p0 [tilespmem:$0x2870]  }
0x3a: {  	v0 =	vld.idx.msk @!p0 [tilespmem:v0+s13+$0x0], $0xffff;
	_ =	sdelay $0x5  }
0x3b: {  	[tilespmem:$0x2880] =	vst @!p0 v0  }
0x3c: {  	v0 =	vld.idx.msk @!p0 [tilespmem:v1+s13+$0x0], $0xffff;
	_ =	sdelay $0x5  }
0x3d: {  	[tilespmem:$0x2890] =	vst @!p0 v0  }
0x3e: {  	v0 =	vld.idx.msk @!p0 [tilespmem:v2+s13+$0x0], $0xffff;
	_ =	sdelay $0x5  }
0x3f: {  	[tilespmem:$0x28A0] =	vst @!p0 v0  }
0x40: {  	v0 =	vld.idx.msk @!p0 [tilespmem:v3+s13+$0x0], $0xffff;
	_ =	sdelay $0x5  }
0x41: {  	[tilespmem:$0x28B0] =	vst @!p0 v0  }
0x42: {  	v0 =	vld.idx.msk @!p0 [tilespmem:v4+s13+$0x0], $0xffff;
	_ =	sdelay $0x5  }
0x43: {  	[tilespmem:$0x28C0] =	vst @!p0 v0  }
0x44: {  	v0 =	vld.idx.msk @!p0 [tilespmem:v5+s13+$0x0], $0xffff;
	_ =	sdelay $0x5  }
0x45: {  	[tilespmem:$0x28D0] =	vst @!p0 v0  }
0x46: {  	v0 =	vld.idx.msk @!p0 [tilespmem:v6+s13+$0x0], $0xffff;
	_ =	sdelay $0x5  }
0x47: {  	[tilespmem:$0x28E0] =	vst @!p0 v0  }
0x48: {  	v0 =	vld.idx.msk @!p0 [tilespmem:v7+s13+$0x0], $0xffff;
	_ =	sdelay $0x3  }
.Ltmp0:
0x49: {  	(pc) =	sbr.rel @p1 .LBB2_2-.Ltmp0, $4  }
0x4a: {  	s11 =	sadd.s32 $0x20, s11  }
0x4b: {  	s10 =	sadd.s32 @!p0 s10, s6;
	s16 =	simm.s32 @!p0 $0x2880;
	s15 =	simm.s32 @!p0 $0x1;
	[tilespmem:$0x28F0] =	vst @!p0 v0  }
0x4c: {  	[hbm4b:s10+s13] =	stream.linear.scatter @!p0 [tilespmem:s16], [sflag:$0x1], $0x80, $0x38;
	[tilespmem:$0x2900] =	vst v63  }
0x4d: {  	p2 =	sgt.u32 s11, $0x4E1;
	s10 =	smov.u32 s14;
	_ =	swait.ge @!p0 [sflag:s15], $0x80  }
0x4e: {  	s11 =	sadd.s32 @!p2 s10, s7;
	s12 =	simm.s32 @!p2 $0x0;
	[sflag:s15] =	ssyncset.done @!p0 $0x0  }
0x4f: {  	s13 =	simm.s32 @!p2 $0x2800;
	s14 =	simm.s32 @!p2 $0x2;
	[sflag:s15] =	ssyncadd.s32 @!p0 $0xFFFFFF80  }
0x50: {  	[tilespmem:s13], [sflag:$0x2] =	stream.linear.gather @!p2 [hbm4b:s11+s12], $0x80, $0x38;
	[tilespmem:$0x2900] =	vst v63  }
0x51: {  	_ =	swait.ge @!p2 [sflag:s14], $0x80  }
0x52: {  	p0 =	por p2, p2;
	[sflag:s14] =	ssyncset.done @!p2 $0x0  }
0x53: {  	[sflag:s14] =	ssyncadd.s32 @!p0 $0xFFFFFF80  }
0x54: {  	v0 =	vld @!p0 [tilespmem:$0x2800];
	_ =	sdelay $0x5  }
0x55: {  	v1 =	vld @!p0 [tilespmem:$0x2810];
	_ =	sdelay $0x1  }
0x56: {  	v0 =	vld.idx.msk @!p0 [tilespmem:v0+s12+$0x0], $0xffff;
	_ =	sdelay $0x3  }
0x57: {  	v2 =	vld @!p0 [tilespmem:$0x2820]  }
0x58: {  	[tilespmem:$0x2880] =	vst @!p0 v0  }
0x59: {  	v0 =	vld.idx.msk @!p0 [tilespmem:v1+s12+$0x0], $0xffff;
	_ =	sdelay $0x3  }
0x5a: {  	v1 =	vld @!p0 [tilespmem:$0x2830]  }
0x5b: {  	[tilespmem:$0x2890] =	vst @!p0 v0  }
0x5c: {  	v0 =	vld.idx.msk @!p0 [tilespmem:v2+s12+$0x0], $0xffff;
	_ =	sdelay $0x3  }
0x5d: {  	v2 =	vld @!p0 [tilespmem:$0x2840]  }
0x5e: {  	[tilespmem:$0x28A0] =	vst @!p0 v0  }
0x5f: {  	v0 =	vld.idx.msk @!p0 [tilespmem:v1+s12+$0x0], $0xffff;
	_ =	sdelay $0x3  }
0x60: {  	v1 =	vld @!p0 [tilespmem:$0x2850]  }
0x61: {  	[tilespmem:$0x28B0] =	vst @!p0 v0  }
0x62: {  	v0 =	vld.idx.msk @!p0 [tilespmem:v2+s12+$0x0], $0xffff;
	_ =	sdelay $0x3  }
0x63: {  	v2 =	vld @!p0 [tilespmem:$0x2860]  }
0x64: {  	[tilespmem:$0x28C0] =	vst @!p0 v0  }
0x65: {  	v0 =	vld.idx.msk @!p0 [tilespmem:v1+s12+$0x0], $0xffff;
	_ =	sdelay $0x3  }
0x66: {  	v1 =	vld @!p0 [tilespmem:$0x2870]  }
0x67: {  	[tilespmem:$0x28D0] =	vst @!p0 v0  }
0x68: {  	v0 =	vld.idx.msk @!p0 [tilespmem:v2+s12+$0x0], $0xffff;
	_ =	sdelay $0x4  }
0x69: {  	[tilespmem:$0x28E0] =	vst @!p0 v0  }
0x6a: {  	v0 =	vld.idx.msk @!p0 [tilespmem:v1+s12+$0x0], $0xffff;
	_ =	sdelay $0x2  }
0x6b: {  	s9 =	sadd.s32 $0x1, s9  }
0x6c: {  	p1 =	sne.s32 s9, s5;
	s10 =	sadd.s32 @!p0 s10, s6  }
.Ltmp1:
0x6d: {  	s11 =	simm.s32 @!p0 $0x2880;
	s13 =	simm.s32 @!p0 $0x1;
	[tilespmem:$0x28F0] =	vst @!p0 v0;
	(pc) =	sbr.rel @p1 .LBB2_1-.Ltmp1, $4  }
0x6e: {  	[hbm4b:s10+s12] =	stream.linear.scatter @!p0 [tilespmem:s11], [sflag:$0x1], $0x80, $0x38;
	[tilespmem:$0x2900] =	vst v63  }
0x6f: {  	_ =	swait.ge @!p0 [sflag:s13], $0x80  }
0x70: {  	[sflag:s13] =	ssyncset.done @!p0 $0x0  }
0x71: {  	[sflag:s13] =	ssyncadd.s32 @!p0 $0xFFFFFF80  }
0x72: {  	_ =	sfence.sel $0x180000  }
0x73: {  	[bflag:$0x0] =	sbarrier.arrive $0xFFFF  }
0x74: {  	p0 =	sne.s32 s1, $0x0;
	_ =	strace $0x90000047  }
0x75: {  	s0 =	sadd.s32 @!p0 $0x100000, s0;
	[bflag:$0x2] =	sbarrier.arrive $0xFFFF  }
0x76: {  	[sflag:s0] =	ssyncadd.tile.s32 @!p0 $0x1;
	_ =	shalt  }
.Lfunc_end2:
_tile_overlayer_lowered:
.L_overlay_start_2:
0x77: {  	(tag) =	ssettag $0x2  }
0x78: {  	s0 =	rddreg [dreg:$0x0];
	s2 =	stileid.u32  }
0x79: {  	s1 =	rddreg [dreg:$0x1];
	p0 =	sne.s32 s2, $0x0  }
0x7a: {  	s3 =	rddreg [dreg:$0x2];
	[bflag:$0x3] =	sbarrier.arrive $0xFFFF;
	s2 =	simm.s32 @!p0 $0x1C01  }
0x7b: {  	[timem:s3], [sflag:s2] =	dma.local @!p0 [hbm:s0], s1  }
0x7c: {  	s0 =	simm.s32 @!p0 $0x1  }
0x7d: {  	_ =	swait.ge @!p0 [sflag:s0], s1  }
0x7e: {  	s1 =	ssub.s32 @!p0 $0x0, s1;
	[sflag:s0] =	ssyncset.done @!p0 $0x0  }
0x7f: {  	[sflag:s0] =	ssyncadd.s32 @!p0 s1  }
0x80: {  	[bflag:$0x3] =	sbarrier.arrive $0xFFFF  }
0x81: {  	_ =	shalt  }

// kernel: sc_l1_aggregate.3.cloned.1.call-start
scs
__scs_entry_jumppad:
0x0: {  	(pc) =	sbr.rel $0x88, $3  }
0x1: {  	(tag) =	ssettag $0x0;
	lr =	simm.s32 $0x1  }
0x2: {  	[smem:$0x3F73] =	sst lr;
	_ =	strace $0xD0000000  }
0x3: {  	_ = 	snop  }
0x4: {  	_ = 	snop  }
0x5: {  	_ = 	snop  }
0x6: {  	_ = 	snop  }
0x7: {  	_ = 	snop  }
__scs_overlays_trampoline_lowered:
0x8: {  	[smem:$0x3F82] =	sst s0  }
0x9: {  	[smem:$0x3F83] =	sst s1  }
0xa: {  	[smem:$0x3F84] =	sst s2  }
0xb: {  	[smem:$0x3F85] =	sst s3  }
0xc: {  	[smem:$0x3F86] =	sst s4  }
0xd: {  	[smem:$0x3F87] =	sst s5  }
0xe: {  	[smem:$0x3F88] =	sst s6  }
0xf: {  	[smem:$0x3F89] =	sst s7  }
0x10: {  	[smem:$0x3F8A] =	sst s8  }
0x11: {  	[smem:$0x3F8B] =	sst s9;
	s0 =	simm.s32 @!p0 $0x0  }
0x12: {  	s1 =	sld [smem:$0x3F71];
	s0 =	simm.s32 @p0 $0x1  }
0x13: {  	[smem:$0x3F8C] =	sst s0;
	s0 =	simm.s32 @!p1 $0x0  }
0x14: {  	s2 =	sld [smem:$0x3F70];
	s0 =	simm.s32 @p1 $0x1  }
0x15: {  	[smem:$0x3F8D] =	sst s0;
	s0 =	simm.s32 @!p2 $0x0  }
0x16: {  	s3 =	sld [smem:$0x3FDB];
	s0 =	simm.s32 @p2 $0x1  }
0x17: {  	s4 =	simm.s32 $0x1BF5;
	[smem:$0x3F8F] =	sst s0  }
0x18: {  	s0 =	sld [smem:$0x3F72];
	_ =	swait.ge [sflag:s4], $0x0  }
0x19: {  	s7 =	sld [smem:$0x3F73]  }
0x1a: {  	s8 =	sadd.s32 $0xFFFFE003, lr  }
0x1b: {  	s9 =	sadd.s32 $0xFFFFFEF7, lr;
	s5 =	simm.s32 $0xFFFFFFFF;
	p2 =	slt.u32 s8, $0xFFFFF086  }
0x1c: {  	p1 =	slt.u32 s9, $0xF7A;
	s5 =	simm.s32 @!p2 $0x0  }
0x1d: {  	s5 =	simm.s32 @p1 $0x1;
	p0 =	seq.s32 s7, s2  }
0x1e: {  	s7 =	smul.u32 @!p0 $0xF7A, s2;
	p2 =	seq.s32 @!p0 s5, $0x0  }
0x1f: {  	s9 =	smul.u32 $0xF7A, s1;
	s8 =	simm.s32 @!p0 $0x1BF5;
	p2 =	por !p2, p0  }
0x20: {  	[sflag:s8] =	ssyncset.s32 @!p0 $0xFFFFF086;
	s6 =	sadd.s32 @!p0 s3, s7;
	s7 =	simm.s32 @!p0 $0x108  }
0x21: {  	s3 =	sadd.s32 s3, s9;
	s6 =	sadd.s32 @!p0 $0x88, s6;
	s7 =	simm.s32 @p2 $0x1082  }
0x22: {  	[simem:s7], [sflag:s8] =	dma.local @!p0 [hbm:s6], $0xF7A  }
0x23: {  	s9 =	sor.u32 $0xD0000000, s2;
	s6 =	simm.s32 $0x108;
	_ =	swait.ge @!p0 [sflag:s8], $0x0  }
0x24: {  	s3 =	sadd.s32 $0x88, s3;
	s6 =	simm.s32 @!p1 $0x1082;
	[sflag:s4] =	ssyncset.s32 $0xFFFFF086  }
0x25: {  	[simem:s6], [sflag:s4] =	dma.local [hbm:s3], $0xF7A  }
0x26: {  	[smem:$0x3F73] =	sst s1;
	(tag) =	ssettag s2;
	_ =	strace s9  }
0x27: {  	s1 =	sld [smem:$0x3F83]  }
0x28: {  	s2 =	sld [smem:$0x3F84]  }
0x29: {  	s4 =	sld [smem:$0x3F86]  }
0x2a: {  	p0 =	seq.s32 s5, $0x0;
	s5 =	sld [smem:$0x3F87]  }
0x2b: {  	s6 =	sld [smem:$0x3F88]  }
0x2c: {  	s7 =	sld [smem:$0x3F89]  }
0x2d: {  	s3 =	simm.s32 $0x108;
	s8 =	sld [smem:$0x3F8A]  }
0x2e: {  	s3 =	simm.s32 @!p0 $0x1082;
	s9 =	sld [smem:$0x3F8B]  }
0x2f: {  	lr =	sadd.s32 s0, s3;
	s0 =	sld [smem:$0x3F82]  }
0x30: {  	s3 =	sld [smem:$0x3F85]  }
0x31: {  	[smem:$0x3F8E] =	sst s10  }
0x32: {  	s10 =	sld [smem:$0x3F8C];
	_ =	sdelay $0x3  }
0x33: {  	p0 =	seq.s32 s10, $0x1;
	s10 =	sld [smem:$0x3F8E];
	_ =	sdelay $0x3  }
0x34: {  	[smem:$0x3F8E] =	sst s10  }
0x35: {  	s10 =	sld [smem:$0x3F8D];
	_ =	sdelay $0x3  }
0x36: {  	p1 =	seq.s32 s10, $0x1;
	s10 =	sld [smem:$0x3F8E];
	_ =	sdelay $0x3  }
0x37: {  	[smem:$0x3F8E] =	sst s10  }
0x38: {  	s10 =	sld [smem:$0x3F8F]  }
0x39: {  	_ = 	snop;
	(pc) =	sbr.ind lr, $3  }
0x3a: {  	_ = 	snop  }
0x3b: {  	_ = 	snop  }
0x3c: {  	p2 =	seq.s32 s10, $0x1;
	s10 =	sld [smem:$0x3F8E]  }
0x3d: {  	_ =	shalt  }
0x3e: {  	_ =	shalt  }
0x3f: {  	_ =	shalt  }
0x40: {  	_ =	shalt  }
0x41: {  	_ =	shalt  }
0x42: {  	_ =	shalt  }
0x43: {  	_ =	shalt  }
0x44: {  	_ =	shalt  }
0x45: {  	_ =	shalt  }
0x46: {  	_ =	shalt  }
0x47: {  	_ =	shalt  }
0x48: {  	_ =	shalt  }
0x49: {  	_ =	shalt  }
0x4a: {  	_ =	shalt  }
0x4b: {  	_ =	shalt  }
0x4c: {  	_ =	shalt  }
0x4d: {  	_ =	shalt  }
0x4e: {  	_ =	shalt  }
0x4f: {  	_ =	shalt  }
0x50: {  	_ =	shalt  }
0x51: {  	_ =	shalt  }
0x52: {  	_ =	shalt  }
0x53: {  	_ =	shalt  }
0x54: {  	_ =	shalt  }
0x55: {  	_ =	shalt  }
0x56: {  	_ =	shalt  }
0x57: {  	_ =	shalt  }
0x58: {  	_ =	shalt  }
0x59: {  	_ =	shalt  }
0x5a: {  	_ =	shalt  }
0x5b: {  	_ =	shalt  }
0x5c: {  	_ =	shalt  }
0x5d: {  	_ =	shalt  }
0x5e: {  	_ =	shalt  }
0x5f: {  	_ =	shalt  }
0x60: {  	_ =	shalt  }
0x61: {  	_ =	shalt  }
0x62: {  	_ =	shalt  }
0x63: {  	_ =	shalt  }
0x64: {  	_ =	shalt  }
0x65: {  	_ =	shalt  }
0x66: {  	_ =	shalt  }
0x67: {  	_ =	shalt  }
0x68: {  	_ =	shalt  }
0x69: {  	_ =	shalt  }
0x6a: {  	_ =	shalt  }
0x6b: {  	_ =	shalt  }
0x6c: {  	_ =	shalt  }
0x6d: {  	_ =	shalt  }
0x6e: {  	_ =	shalt  }
0x6f: {  	_ =	shalt  }
0x70: {  	_ =	shalt  }
0x71: {  	_ =	shalt  }
0x72: {  	_ =	shalt  }
0x73: {  	_ =	shalt  }
0x74: {  	_ =	shalt  }
0x75: {  	_ =	shalt  }
0x76: {  	_ =	shalt  }
0x77: {  	_ =	shalt  }
0x78: {  	_ =	shalt  }
0x79: {  	_ =	shalt  }
0x7a: {  	_ =	shalt  }
0x7b: {  	_ =	shalt  }
0x7c: {  	_ =	shalt  }
0x7d: {  	_ =	shalt  }
0x7e: {  	_ =	shalt  }
0x7f: {  	_ =	shalt  }
0x80: {  	_ =	shalt  }
0x81: {  	_ =	shalt  }
0x82: {  	_ =	shalt  }
0x83: {  	_ =	shalt  }
0x84: {  	_ =	shalt  }
0x85: {  	_ =	shalt  }
0x86: {  	_ =	shalt  }
0x87: {  	_ =	shalt  }
.Lfunc_end0:
.L_simem_size_0:
called_computation.4_lowered:
.L_overlay_start_0:
0x88: {  	s2 =	sld [smem:$0x3FD9]  }
0x89: {  	s3 =	sld [smem:$0x3FFE];
	_ =	sdelay $0x1  }
0x8a: {  	s1 =	srdreg.scid  }
0x8b: {  	s0 =	sand.u32 $0x1, s1  }
0x8c: {  	s16 =	sshll.u32 s0, $0xA;
	s2 =	sadd.s32 s3, s2  }
0x8d: {  	s2 =	sadd.s32 s2, s16  }
0x8e: {  	[smem:$0x3F9A] =	sst s2  }
0x8f: {  	_ = 	snop  }
0x90: {  	(tm) =	ssettm $0x1  }
0x91: {  	s17 =	sld [smem:$0x3FFB];
	_ =	sdelay $0x3  }
0x92: {  	_ =	strace s17  }
0x93: {  	s2 =	sld [smem:$0x3FFC];
	_ =	sdelay $0x3  }
0x94: {  	_ =	strace s2  }
0x95: {  	s2 =	sld [smem:$0x3FFD];
	_ =	sdelay $0x3  }
0x96: {  	_ =	strace s2  }
0x97: {  	_ =	strace $0x8FFFFFFF  }
0x98: {  	s18 =	sld [smem:$0x3FDB];
	_ =	sdelay $0x1  }
0x99: {  	s19 =	simm.s32 $_scs_section_size  }
0x9a: {  	s4 =	simm.s32 $_size__tile_overlayer_lowered;
	s5 =	simm.s32 $_tile_overlayer_lowered  }
0x9b: {  	s22 =	simm.s32 $0x1BFF;
	s21 =	sshll.u32 s5, $0x1;
	s2 =	sadd.s32 s19, s18  }
0x9c: {  	s6 =	simm.s32 $0x0;
	s20 =	sshll.u32 s4, $0x1;
	s4 =	sadd.s32 s21, s2  }
0x9d: {  	[timem:s6], [sflag:s22] =	dma.local [hbm:s4], s20  }
0x9e: {  	_ =	swait.ge [sflag:s22], s20  }
0x9f: {  	s3 =	ssub.s32 $0x0, s20;
	[sflag:s22] =	ssyncset.done $0x0  }
0xa0: {  	[sflag:s22] =	ssyncadd.s32 s3;
	_ =	sdelay $0x1  }
0xa1: {  	s23 =	simm.s32 $0x1B8B  }
0xa2: {  	_ =	swait.ge [sflag:s23], $0x1  }
0xa3: {  	[sflag:s23] =	ssyncset.done $0x0  }
0xa4: {  	s25 =	simm.s32 $0x1B8E;
	s24 =	sld [smem:$0x3FFE];
	[sflag:s23] =	ssyncadd.s32 $0xFFFFFFFF  }
0xa5: {  	s26 =	simm.s32 $execute0_lowered;
	[smem:$0x3FD2] =	sst s25  }
0xa6: {  	s4 =	sshll.u32 s26, $0x1;
	_ =	strace $0x80000052;
	[dreg:$0x1] =	wrdreg $0xFFFFFFFF  }
0xa7: {  	s28 =	simm.s32 $_size_execute0_lowered;
	s2 =	sadd.s32 s2, s4;
	[dreg:$0x0] =	wrdreg $0x0  }
0xa8: {  	s4 =	sshll.u32 s28, $0x1;
	[dreg:$0x2] =	wrdreg s2  }
0xa9: {  	[dreg:$0x3] =	wrdreg s4  }
0xaa: {  	[dreg:$0x4] =	wrdreg $0xC0  }
0xab: {  	_ =	task [dreg:s6], $0x5FFFF  }
0xac: {  	[dreg:$0x1] =	wrdreg $0xFFFFFFFF  }
0xad: {  	[dreg:$0x0] =	wrdreg $0x60  }
0xae: {  	[dreg:$0x2] =	wrdreg s24  }
0xaf: {  	[dreg:$0x3] =	wrdreg $0x82000  }
0xb0: {  	[dreg:$0x4] =	wrdreg $0x9  }
0xb1: {  	_ =	task.clear_ibuf [dreg:s6], $0x5FFFF;
	_ =	strace $0x90000052  }
0xb2: {  	s29 =	simm.s32 $0x9;
	_ =	strace $0x80000054  }
0xb3: {  	_ =	swait.ge [sflag:s29], $0x1  }
0xb4: {  	[sflag:s29] =	ssyncadd.s32 $0xFFFFFFFF  }
0xb5: {  	_ =	strace $0x90000054  }
0xb6: {  	_ =	sfence  }
0xb7: {  	s30 =	sld [smem:$0x0];
	_ =	sdelay $0x2  }
0xb8: {  	s31 =	sshll.u32 s1, $0xD;
	s1 =	sshrl.u32 s1, $0x2  }
0xb9: {  	s3 =	sand.u32 $0x4000, s31;
	s1 =	sadd.s32 s1, s30  }
0xba: {  	s0 =	sor.u32 s3, s0;
	s1 =	sshll.u32 s1, $0x11  }
0xbb: {  	s0 =	sor.u32 s1, s0  }
0xbc: {  	s0 =	sadd.s32 $0x8F2B, s0  }
0xbd: {  	[sflag:s0] =	ssyncadd.remote.s32 $0x1  }
0xbe: {  	_ =	sfence.sel $0xFFFF  }
0xbf: {  	[dreg:$0x0] =	wrdreg $0xFFFFFFFF;
	(pc) =	sbr.abs _section_cstart, $3  }
0xc0: {  	[dreg:$0x1] =	wrdreg $0xFFFFFFFF  }
0xc1: {  	_ =	task.clear_ibuf [dreg:s6], $0x2FFFF;
	_ =	strace $0x9FFFFFFF  }
0xc2: {  	(tm) =	ssettm $0x7FFFFFFF  }
0xc3: {  	_ =	shalt  }
tec
execute0_lowered:
.L_overlay_start_1:
0x0: {  	(tag) =	ssettag $0x1  }
0x1: {  	s0 =	rddreg [dreg:$0x0]  }
0x2: {  	s1 =	rddreg [dreg:$0x1]  }
0x3: {  	s3 =	simm.s32 $0x0;
	s2 =	stileid.u32;
	s7 =	srdreg.scid  }
0x4: {  	s18 =	simm.s32 $0x3;
	s19 =	simm.s32 $0x8000;
	s20 =	simm.s32 $0x80  }
0x5: {  	s21 =	simm.s32 $0x8100;
	s22 =	simm.s32 $0x4;
	s23 =	simm.s32 $0x8180  }
0x6: {  	s24 =	simm.s32 $0x1;
	s25 =	simm.s32 $0x2;
	s26 =	simm.s32 $0x4000  }
0x7: {  	s30 =	simm.s32 $0x0;
	[smem:$0x7FF] =	sst s3;
	s4 =	sadd.s32 $0x67000, s0  }
0x8: {  	s5 =	sadd.s32 $0x62000, s0;
	s8 =	smul.u32 $0x28000, s2;
	s6 =	sadd.s32 $0xBC00, s0  }
0x9: {  	s14 =	sand.u32 $0x1, s7;
	s9 =	smul.u32 $0x50000, s2;
	s7 =	sadd.s32 $0x6C00, s0  }
0xa: {  	s10 =	sadd.s32 $0x10C00, s0;
	s15 =	sshll.u32 s2, $0x4;
	_ =	strace $0x80000053  }
0xb: {  	[dreg:$0x3] =	wrdreg s10;
	s28 =	sshll.u32 s14, $0xA;
	s29 =	ssub.s32 $0x2, s14  }
0xc: {  	s8 =	sor.u32 s28, s8;
	s9 =	sshrl.u32 s9, $0x2;
	s28 =	smul.u32 $0x2800, s14  }
.Ltmp0:
0xd: {  	s11 =	sshrl.u32 s29, $0x1;
	s14 =	sadd.s32 s6, s15;
	(pc) =	sbr.rel .LBB2_1-.Ltmp0, $4  }
0xe: {  	s15 =	sadd.s32 $0xBD00, s0;
	s8 =	sshrl.u32 s8, $0x3;
	s9 =	sadd.s32 s9, s1  }
0xf: {  	s17 =	ssub.s32 s29, s11;
	s8 =	sadd.s32 s8, s0;
	s31 =	sadd.s32 $0x4000, s9  }
0x10: {  	s11 =	sadd.s32 $0x8000, s9;
	s12 =	sadd.s32 $0xC000, s9;
	s13 =	sadd.s32 $0x10000, s9  }
0x11: {  	s17 =	smax.u32 s17, $0x1;
	v0 =	vmov s28;
	[dreg:$0x4] =	wrdreg s31;
	s16 =	sadd.s32 $0xB7000, s8  }
.LBB2_10:
0x12: {  	s0 =	sshll.u32 s2, $0x6;
	[bflag:$0x0] =	sbarrier.arrive $0xFFFF;
	s30 =	sadd.s32 $0x1, s30  }
0x13: {  	s8 =	sshrl.u32 s9, $0x3;
	s10 =	simm.s32 $0x8;
	p0 =	sne.s32 s30, s17  }
.Ltmp1:
0x14: {  	s28 =	simm.s32 $0x100;
	s0 =	sor.u32 $0x1C03, s0;
	(pc) =	sbr.rel @!p0 .LBB2_11-.Ltmp1, $4  }
0x15: {  	[hbm:s16@s28], [sflag:s0] =	dma.strided [spmem:s8@s20], $0x2800, s10, $0x10   }
0x16: {  	_ =	swait.ge [sflag:s18], $0x2800  }
0x17: {  	[sflag:s18] =	ssyncset.done $0x0  }
0x18: {  	[sflag:s18] =	ssyncadd.s32 $0xFFFFD800  }
.LBB2_1:
0x19: {  	s0 =	rddreg [dreg:$0x3]  }
0x1a: {  	[tilespmem:s3], [sflag:$0x3] =	stream.linear.gather [hbm4b:s0+s3], $0x4000, $0x38;
	[tilespmem:$0x1C200] =	vst v63  }
0x1b: {  	_ =	swait.ge [sflag:s18], $0x4000  }
0x1c: {  	[sflag:s18] =	ssyncset.done $0x0  }
0x1d: {  	[sflag:s18] =	ssyncadd.s32 $0xFFFFC000  }
0x1e: {  	[spmem:s9] =	stream.linear.scatter [tilespmem:s3], [sflag:$0x3], $0x4000, $0x38;
	[tilespmem:$0x1C200] =	vst v63  }
0x1f: {  	_ =	swait.ge [sflag:s18], $0x4000  }
0x20: {  	[sflag:s18] =	ssyncset.done $0x0  }
0x21: {  	s29 =	rddreg [dreg:$0x4];
	[sflag:s18] =	ssyncadd.s32 $0xFFFFC000  }
0x22: {  	[spmem:s29] =	stream.linear.scatter [tilespmem:s3], [sflag:$0x3], $0x4000, $0x38;
	[tilespmem:$0x1C200] =	vst v63  }
0x23: {  	_ =	swait.ge [sflag:s18], $0x4000  }
0x24: {  	[sflag:s18] =	ssyncset.done $0x0  }
0x25: {  	[sflag:s18] =	ssyncadd.s32 $0xFFFFC000  }
0x26: {  	[spmem:s11] =	stream.linear.scatter [tilespmem:s3], [sflag:$0x3], $0x4000, $0x38;
	[tilespmem:$0x1C200] =	vst v63  }
0x27: {  	_ =	swait.ge [sflag:s18], $0x4000  }
0x28: {  	[sflag:s18] =	ssyncset.done $0x0  }
0x29: {  	[sflag:s18] =	ssyncadd.s32 $0xFFFFC000  }
0x2a: {  	[spmem:s12] =	stream.linear.scatter [tilespmem:s3], [sflag:$0x3], $0x4000, $0x38;
	[tilespmem:$0x1C200] =	vst v63  }
0x2b: {  	_ =	swait.ge [sflag:s18], $0x4000  }
0x2c: {  	[sflag:s18] =	ssyncset.done $0x0  }
0x2d: {  	[sflag:s18] =	ssyncadd.s32 $0xFFFFC000  }
0x2e: {  	[spmem:s13] =	stream.linear.scatter [tilespmem:s3], [sflag:$0x3], $0x4000, $0x38;
	[tilespmem:$0x1C200] =	vst v63  }
0x2f: {  	_ =	swait.ge [sflag:s18], $0x4000  }
0x30: {  	[sflag:s18] =	ssyncset.done $0x0  }
0x31: {  	[sflag:s18] =	ssyncadd.s32 $0xFFFFC000  }
0x32: {  	[bflag:$0x0] =	sbarrier.arrive $0xFFFF  }
0x33: {  	[tilespmem:s19], [sflag:$0x3] =	stream.linear.gather [hbm4b:s14+s3], $0x80, $0x38;
	[tilespmem:$0x1C200] =	vst v63  }
0x34: {  	_ =	swait.ge [sflag:s18], $0x80  }
0x35: {  	[sflag:s18] =	ssyncset.done $0x0  }
0x36: {  	[sflag:s18] =	ssyncadd.s32 $0xFFFFFF80  }
0x37: {  	v1 =	vld [tilespmem:$0x8000]  }
0x38: {  	v2 =	vld [tilespmem:$0x8010]  }
0x39: {  	v3 =	vld [tilespmem:$0x8020]  }
0x3a: {  	v4 =	vld [tilespmem:$0x8030]  }
0x3b: {  	v5 =	vld [tilespmem:$0x8040]  }
0x3c: {  	v6 =	vld [tilespmem:$0x8050];
	v1 =	vadd.s32 v0, v1  }
0x3d: {  	[tilespmem:$0x8000] =	vst v1;
	v1 =	vadd.s32 v0, v2;
	v2 =	vld [tilespmem:$0x8060]  }
0x3e: {  	[tilespmem:$0x8010] =	vst v1;
	v1 =	vadd.s32 v0, v3;
	v3 =	vld [tilespmem:$0x8070]  }
0x3f: {  	[tilespmem:$0x8020] =	vst v1;
	v1 =	vadd.s32 v0, v4  }
0x40: {  	[tilespmem:$0x8030] =	vst v1;
	v1 =	vadd.s32 v0, v5  }
.Ltmp2:
0x41: {  	[tilespmem:$0x8040] =	vst v1;
	v1 =	vadd.s32 v0, v6;
	(pc) =	sbr.rel .LBB2_2-.Ltmp2, $4  }
0x42: {  	[tilespmem:$0x8050] =	vst v1;
	v1 =	vadd.s32 v0, v2  }
0x43: {  	[tilespmem:$0x8060] =	vst v1;
	v1 =	vadd.s32 v0, v3  }
0x44: {  	s31 =	simm.s32 $0x0;
	[tilespmem:$0x8070] =	vst v1  }
0x45: {  	[tilespmem:s3], [sflag:$0x1] =	stream.indirect.gather [hbm4b:s4+s20], $0x80, s19, s20, $0xb8;
	[tilespmem:$0x1C200] =	vst v63  }
.LBB2_9:
0x46: {  	s31 =	sadd.s32 $0x1, s31  }
0x47: {  	p0 =	sne.s32 s31, $0x28  }
.Ltmp3:
0x48: {  	_ = 	snop;
	(pc) =	sbr.rel @!p0 .LBB2_10-.Ltmp3, $1  }
0x49: {  	_ =	sdelay $0x3  }
.LBB2_2:
0x4a: {  	s0 =	sshll.u32 s31, $0x5  }
0x4b: {  	s8 =	sor.u32 s2, s0  }
0x4c: {  	p0 =	sgt.u32 s8, $0x4E1  }
.Ltmp4:
0x4d: {  	_ = 	snop;
	(pc) =	sbr.rel @p0 .LBB2_9-.Ltmp4, $1  }
0x4e: {  	_ =	sdelay $0x3  }
0x4f: {  	s0 =	sor.u32 $0x10, s8  }
0x50: {  	p0 =	sgt.u32 s0, $0x4E1  }
0x51: {  	s28 =	sshll.u32 @!p0 s0, $0x4  }
0x52: {  	s29 =	simm.s32 @!p0 $0x0;
	s10 =	simm.s32 @!p0 $0x8080;
	s28 =	sadd.s32 @!p0 s6, s28  }
0x53: {  	[tilespmem:s10], [sflag:$0x4] =	stream.linear.gather @!p0 [hbm4b:s28+s29], $0x80, $0x38;
	[tilespmem:$0x1C200] =	vst v63  }
0x54: {  	s28 =	simm.s32 @!p0 $0x4  }
0x55: {  	_ =	swait.ge @!p0 [sflag:s28], $0x80  }
0x56: {  	[sflag:s28] =	ssyncset.done @!p0 $0x0  }
0x57: {  	[sflag:s28] =	ssyncadd.s32 @!p0 $0xFFFFFF80  }
0x58: {  	v1 =	vld @!p0 [tilespmem:$0x8080]  }
0x59: {  	v2 =	vld @!p0 [tilespmem:$0x8090]  }
0x5a: {  	v3 =	vld @!p0 [tilespmem:$0x80A0]  }
0x5b: {  	v4 =	vld @!p0 [tilespmem:$0x80B0]  }
0x5c: {  	v5 =	vld @!p0 [tilespmem:$0x80C0]  }
0x5d: {  	v6 =	vld @!p0 [tilespmem:$0x80D0];
	v1 =	vadd.s32 @!p0 v0, v1  }
0x5e: {  	[tilespmem:$0x8080] =	vst @!p0 v1;
	v1 =	vadd.s32 @!p0 v0, v2;
	v2 =	vld @!p0 [tilespmem:$0x80E0]  }
0x5f: {  	[tilespmem:$0x8090] =	vst @!p0 v1;
	v1 =	vadd.s32 @!p0 v0, v3;
	v3 =	vld @!p0 [tilespmem:$0x80F0]  }
0x60: {  	[tilespmem:$0x80A0] =	vst @!p0 v1;
	v1 =	vadd.s32 @!p0 v0, v4  }
0x61: {  	[tilespmem:$0x80B0] =	vst @!p0 v1;
	v1 =	vadd.s32 @!p0 v0, v5  }
0x62: {  	[tilespmem:$0x80C0] =	vst @!p0 v1;
	v1 =	vadd.s32 @!p0 v0, v6  }
0x63: {  	[tilespmem:$0x80D0] =	vst @!p0 v1;
	v1 =	vadd.s32 @!p0 v0, v2  }
0x64: {  	[tilespmem:$0x80E0] =	vst @!p0 v1;
	v1 =	vadd.s32 @!p0 v0, v3  }
0x65: {  	s8 =	sshll.u32 s8, $0x4;
	s29 =	simm.s32 @!p0 $0x4000;
	s28 =	simm.s32 @!p0 $0x80;
	[tilespmem:$0x80F0] =	vst @!p0 v1  }
0x66: {  	[tilespmem:s29], [sflag:$0x2] =	stream.indirect.gather @!p0 [hbm4b:s4+s28], $0x80, s10, s28, $0xb8;
	[tilespmem:$0x1C200] =	vst v63  }
0x67: {  	s10 =	sadd.s32 s7, s8;
	s28 =	simm.s32 $0x0  }
0x68: {  	[tilespmem:s21], [sflag:$0x4] =	stream.linear.gather [hbm4b:s10+s28], $0x80, $0x38;
	[tilespmem:$0x1C200] =	vst v63  }
0x69: {  	_ =	swait.ge [sflag:s22], $0x80  }
0x6a: {  	[sflag:s22] =	ssyncset.done $0x0  }
0x6b: {  	s8 =	sadd.s32 s5, s8;
	[sflag:s22] =	ssyncadd.s32 $0xFFFFFF80  }
0x6c: {  	[tilespmem:s23], [sflag:$0x4] =	stream.linear.gather [hbm4b:s8+s28], $0x80, $0x38;
	[tilespmem:$0x1C200] =	vst v63  }
0x6d: {  	_ =	swait.ge [sflag:s22], $0x80  }
0x6e: {  	[sflag:s22] =	ssyncset.done $0x0  }
0x6f: {  	[sflag:s22] =	ssyncadd.s32 $0xFFFFFF80  }
0x70: {  	_ =	swait.ge [sflag:s24], $0x4000  }
0x71: {  	v1 =	vmov s28;
	[sflag:s24] =	ssyncset.done $0x0  }
0x72: {  	s28 =	simm.s32 $0x40;
	[sflag:s24] =	ssyncadd.s32 $0xFFFFC000  }
0x73: {  	v5 =	vld [tilespmem:s28+$0x30]  }
0x74: {  	v8 =	vld [tilespmem:s28+$0x10]  }
0x75: {  	v6 =	vld [tilespmem:s28+$0xFFFFFFC0]  }
0x76: {  	v2 =	vld.idx.msk [tilespmem:v1+s23+$0x0], $0xffff  }
0x77: {  	v10 =	vld [tilespmem:s28+$0xFFFFFFE0]  }
0x78: {  	v1 =	vld [tilespmem:s28+$0xFFFFFFF0]  }
0x79: {  	v3 =	vld [tilespmem:s28+$0x20]  }
0x7a: {  	v4 =	vld [tilespmem:s28+$0xFFFFFFD0]  }
0x7b: {  	v9 =	vmul.f32 v5, v2;
	v5 =	vld [tilespmem:s28+$0x0]  }
0x7c: {  	v7 =	vmul.f32 v6, v2  }
0x7d: {  	s29 =	simm.s32 $0x1;
	s8 =	simm.s32 $0x40;
	v6 =	vmul.f32 v10, v2;
	v8 =	vmul.f32 v8, v2  }
.LBB2_4:
0x7e: {  	p1 =	sne.s32 s29, $0x7F  }
0x7f: {  	v4 =	vmul.f32 v4, v2;
	v3 =	vmul.f32 v3, v2;
	[tilespmem:s28+$0x30] =	vst v9;
	s8 =	sadd.s32 $0x80, s8;
	s10 =	smov.u32 s29;
	s29 =	sadd.s32 $0x1, s29  }
0x80: {  	[tilespmem:s28+$0xFFFFFFC0] =	vst v7;
	v7 =	vmul.f32 v1, v2;
	v2 =	vmul.f32 v5, v2  }
0x81: {  	[tilespmem:s28+$0x10] =	vst v8  }
0x82: {  	v5 =	vmov s10;
	[tilespmem:s28+$0xFFFFFFE0] =	vst v6  }
0x83: {  	v1 =	vld [tilespmem:s8+$0xFFFFFFF0];
	[tilespmem:s28+$0xFFFFFFF0] =	vst v7  }
0x84: {  	v6 =	vld [tilespmem:s8+$0x30];
	[tilespmem:s28+$0x0] =	vst v2  }
0x85: {  	v8 =	vld [tilespmem:s8+$0x10];
	[tilespmem:s28+$0x20] =	vst v3  }
0x86: {  	v7 =	vld [tilespmem:s8+$0xFFFFFFC0];
	[tilespmem:s28+$0xFFFFFFD0] =	vst v4;
	s28 =	smov.u32 s8  }
0x87: {  	v2 =	vld.idx.msk [tilespmem:v5+s23+$0x0], $0xffff  }
0x88: {  	v10 =	vld [tilespmem:s8+$0xFFFFFFE0]  }
0x89: {  	v3 =	vld [tilespmem:s8+$0x20]  }
.Ltmp5:
0x8a: {  	v4 =	vld [tilespmem:s8+$0xFFFFFFD0];
	(pc) =	sbr.rel @p1 .LBB2_4-.Ltmp5, $3  }
0x8b: {  	v5 =	vld [tilespmem:s8+$0x0];
	_ =	sdelay $0x1  }
0x8c: {  	v7 =	vmul.f32 v7, v2;
	v9 =	vmul.f32 v6, v2  }
0x8d: {  	v8 =	vmul.f32 v8, v2;
	v6 =	vmul.f32 v10, v2  }
0x8e: {  	[tilespmem:s28+$0x30] =	vst v9  }
0x8f: {  	[tilespmem:s28+$0xFFFFFFC0] =	vst v7  }
0x90: {  	v1 =	vmul.f32 v1, v2;
	[tilespmem:s28+$0x10] =	vst v8  }
0x91: {  	v3 =	vmul.f32 v3, v2;
	[tilespmem:s28+$0xFFFFFFE0] =	vst v6  }
0x92: {  	v5 =	vmul.f32 v5, v2;
	[tilespmem:s28+$0xFFFFFFF0] =	vst v1  }
0x93: {  	v1 =	vmul.f32 v4, v2;
	[tilespmem:s28+$0x20] =	vst v3  }
0x94: {  	[tilespmem:s28+$0x0] =	vst v5  }
.Ltmp6:
0x95: {  	[tilespmem:s28+$0xFFFFFFD0] =	vst v1;
	(pc) =	sbr.rel @p0 .LBB2_9-.Ltmp6, $4  }
0x96: {  	[spmem:s1] =	stream.indirect.scatter.add.f32 [tilespmem:s3], [sflag:$0x4], $0x80, s21, s20, $0xb8;
	[tilespmem:$0x1C200] =	vst v63  }
0x97: {  	_ =	swait.ge [sflag:s22], $0x4000  }
0x98: {  	[sflag:s22] =	ssyncset.done $0x0  }
0x99: {  	[sflag:s22] =	ssyncadd.s32 $0xFFFFC000  }
0x9a: {  	p0 =	slt.u32 s0, $0x4D2  }
0x9b: {  	s8 =	sshll.u32 @p0 s0, $0x4  }
0x9c: {  	s28 =	simm.s32 @p0 $0x0;
	s29 =	simm.s32 @p0 $0x8000;
	s10 =	sadd.s32 @p0 s8, s15  }
0x9d: {  	[tilespmem:s29], [sflag:$0x4] =	stream.linear.gather @p0 [hbm4b:s10+s28], $0x80, $0x38;
	[tilespmem:$0x1C200] =	vst v63  }
0x9e: {  	s10 =	simm.s32 @p0 $0x4  }
0x9f: {  	_ =	swait.ge @p0 [sflag:s10], $0x80  }
0xa0: {  	[sflag:s10] =	ssyncset.done @p0 $0x0  }
0xa1: {  	[sflag:s10] =	ssyncadd.s32 @p0 $0xFFFFFF80  }
0xa2: {  	v1 =	vld @p0 [tilespmem:$0x8000]  }
0xa3: {  	v2 =	vld @p0 [tilespmem:$0x8010]  }
0xa4: {  	v3 =	vld @p0 [tilespmem:$0x8020]  }
0xa5: {  	v4 =	vld @p0 [tilespmem:$0x8030]  }
0xa6: {  	v5 =	vld @p0 [tilespmem:$0x8040]  }
0xa7: {  	v6 =	vld @p0 [tilespmem:$0x8050];
	v1 =	vadd.s32 @p0 v0, v1  }
0xa8: {  	[tilespmem:$0x8000] =	vst @p0 v1;
	v1 =	vadd.s32 @p0 v0, v2;
	v2 =	vld @p0 [tilespmem:$0x8060]  }
0xa9: {  	[tilespmem:$0x8010] =	vst @p0 v1;
	v1 =	vadd.s32 @p0 v0, v3;
	v3 =	vld @p0 [tilespmem:$0x8070]  }
0xaa: {  	[tilespmem:$0x8020] =	vst @p0 v1;
	v1 =	vadd.s32 @p0 v0, v4  }
0xab: {  	[tilespmem:$0x8030] =	vst @p0 v1;
	v1 =	vadd.s32 @p0 v0, v5  }
0xac: {  	[tilespmem:$0x8040] =	vst @p0 v1;
	v1 =	vadd.s32 @p0 v0, v6  }
0xad: {  	[tilespmem:$0x8050] =	vst @p0 v1;
	v1 =	vadd.s32 @p0 v0, v2  }
0xae: {  	s0 =	sshll.u32 @!p0 s0, $0x4;
	[tilespmem:$0x8060] =	vst @p0 v1;
	v1 =	vadd.s32 @p0 v0, v3  }
0xaf: {  	s0 =	smov.u32 @p0 s8;
	s10 =	simm.s32 @p0 $0x80;
	[tilespmem:$0x8070] =	vst @p0 v1  }
0xb0: {  	[tilespmem:s28], [sflag:$0x1] =	stream.indirect.gather @p0 [hbm4b:s4+s10], $0x80, s29, s10, $0xb8;
	[tilespmem:$0x1C200] =	vst v63  }
0xb1: {  	s8 =	sadd.s32 s7, s0;
	s29 =	simm.s32 $0x0  }
0xb2: {  	[tilespmem:s21], [sflag:$0x4] =	stream.linear.gather [hbm4b:s8+s29], $0x80, $0x38;
	[tilespmem:$0x1C200] =	vst v63  }
0xb3: {  	_ =	swait.ge [sflag:s22], $0x80  }
0xb4: {  	[sflag:s22] =	ssyncset.done $0x0  }
0xb5: {  	s0 =	sadd.s32 s5, s0;
	[sflag:s22] =	ssyncadd.s32 $0xFFFFFF80  }
0xb6: {  	[tilespmem:s23], [sflag:$0x4] =	stream.linear.gather [hbm4b:s0+s29], $0x80, $0x38;
	[tilespmem:$0x1C200] =	vst v63  }
0xb7: {  	_ =	swait.ge [sflag:s22], $0x80  }
0xb8: {  	[sflag:s22] =	ssyncset.done $0x0  }
0xb9: {  	[sflag:s22] =	ssyncadd.s32 $0xFFFFFF80  }
0xba: {  	_ =	swait.ge [sflag:s25], $0x4000  }
0xbb: {  	v1 =	vmov s29;
	[sflag:s25] =	ssyncset.done $0x0  }
0xbc: {  	s0 =	simm.s32 $0x4040;
	[sflag:s25] =	ssyncadd.s32 $0xFFFFC000  }
0xbd: {  	v5 =	vld [tilespmem:s0+$0x30]  }
0xbe: {  	v8 =	vld [tilespmem:s0+$0x10]  }
0xbf: {  	v6 =	vld [tilespmem:s0+$0xFFFFFFC0]  }
0xc0: {  	v2 =	vld.idx.msk [tilespmem:v1+s23+$0x0], $0xffff  }
0xc1: {  	v10 =	vld [tilespmem:s0+$0xFFFFFFE0]  }
0xc2: {  	v1 =	vld [tilespmem:s0+$0xFFFFFFF0]  }
0xc3: {  	v3 =	vld [tilespmem:s0+$0x20]  }
0xc4: {  	v4 =	vld [tilespmem:s0+$0xFFFFFFD0]  }
0xc5: {  	v9 =	vmul.f32 v5, v2;
	v5 =	vld [tilespmem:s0+$0x0]  }
0xc6: {  	v7 =	vmul.f32 v6, v2  }
0xc7: {  	s28 =	simm.s32 $0x1;
	s8 =	simm.s32 $0x4040;
	v6 =	vmul.f32 v10, v2;
	v8 =	vmul.f32 v8, v2  }
.LBB2_7:
0xc8: {  	p0 =	sne.s32 s28, $0x7F  }
0xc9: {  	v4 =	vmul.f32 v4, v2;
	v3 =	vmul.f32 v3, v2;
	[tilespmem:s0+$0x30] =	vst v9;
	s8 =	sadd.s32 $0x80, s8;
	s10 =	smov.u32 s28;
	s28 =	sadd.s32 $0x1, s28  }
0xca: {  	[tilespmem:s0+$0xFFFFFFC0] =	vst v7;
	v7 =	vmul.f32 v1, v2;
	v2 =	vmul.f32 v5, v2  }
0xcb: {  	[tilespmem:s0+$0x10] =	vst v8  }
0xcc: {  	v5 =	vmov s10;
	[tilespmem:s0+$0xFFFFFFE0] =	vst v6  }
0xcd: {  	v1 =	vld [tilespmem:s8+$0xFFFFFFF0];
	[tilespmem:s0+$0xFFFFFFF0] =	vst v7  }
0xce: {  	v6 =	vld [tilespmem:s8+$0x30];
	[tilespmem:s0+$0x0] =	vst v2  }
0xcf: {  	v8 =	vld [tilespmem:s8+$0x10];
	[tilespmem:s0+$0x20] =	vst v3  }
0xd0: {  	v7 =	vld [tilespmem:s8+$0xFFFFFFC0];
	[tilespmem:s0+$0xFFFFFFD0] =	vst v4;
	s0 =	smov.u32 s8  }
0xd1: {  	v2 =	vld.idx.msk [tilespmem:v5+s23+$0x0], $0xffff  }
0xd2: {  	v10 =	vld [tilespmem:s8+$0xFFFFFFE0]  }
0xd3: {  	v3 =	vld [tilespmem:s8+$0x20]  }
.Ltmp7:
0xd4: {  	v4 =	vld [tilespmem:s8+$0xFFFFFFD0];
	(pc) =	sbr.rel @p0 .LBB2_7-.Ltmp7, $3  }
0xd5: {  	v5 =	vld [tilespmem:s8+$0x0];
	_ =	sdelay $0x1  }
0xd6: {  	v7 =	vmul.f32 v7, v2;
	v9 =	vmul.f32 v6, v2  }
0xd7: {  	v8 =	vmul.f32 v8, v2;
	v6 =	vmul.f32 v10, v2  }
0xd8: {  	[tilespmem:s0+$0x30] =	vst v9  }
0xd9: {  	[tilespmem:s0+$0xFFFFFFC0] =	vst v7  }
0xda: {  	v1 =	vmul.f32 v1, v2;
	[tilespmem:s0+$0x10] =	vst v8  }
0xdb: {  	v3 =	vmul.f32 v3, v2;
	[tilespmem:s0+$0xFFFFFFE0] =	vst v6  }
0xdc: {  	v5 =	vmul.f32 v5, v2;
	[tilespmem:s0+$0xFFFFFFF0] =	vst v1  }
0xdd: {  	v1 =	vmul.f32 v4, v2;
	[tilespmem:s0+$0x20] =	vst v3  }
0xde: {  	[tilespmem:s0+$0x0] =	vst v5  }
.Ltmp8:
0xdf: {  	[tilespmem:s0+$0xFFFFFFD0] =	vst v1;
	(pc) =	sbr.rel .LBB2_9-.Ltmp8, $4  }
0xe0: {  	[spmem:s1] =	stream.indirect.scatter.add.f32 [tilespmem:s26], [sflag:$0x3], $0x80, s21, s20, $0xb8;
	[tilespmem:$0x1C200] =	vst v63  }
0xe1: {  	_ =	swait.ge [sflag:s18], $0x4000  }
0xe2: {  	[sflag:s18] =	ssyncset.done $0x0  }
0xe3: {  	[sflag:s18] =	ssyncadd.s32 $0xFFFFC000  }
.LBB2_11:
0xe4: {  	_ =	sfence.sel $0x180000  }
0xe5: {  	[bflag:$0x0] =	sbarrier.arrive $0xFFFF  }
0xe6: {  	_ =	strace $0x90000053  }
0xe7: {  	[bflag:$0x2] =	sbarrier.arrive $0xFFFF  }
0xe8: {  	p0 =	sne.s32 s2, $0x0;
	s0 =	rddreg [dreg:$0x2]  }
0xe9: {  	s0 =	sadd.s32 @!p0 $0x100000, s0  }
0xea: {  	[sflag:s0] =	ssyncadd.tile.s32 @!p0 $0x1;
	_ =	shalt  }
.Lfunc_end2:
_tile_overlayer_lowered:
.L_overlay_start_2:
0xeb: {  	(tag) =	ssettag $0x2  }
0xec: {  	s0 =	rddreg [dreg:$0x0];
	s2 =	stileid.u32  }
0xed: {  	s1 =	rddreg [dreg:$0x1];
	p0 =	sne.s32 s2, $0x0  }
0xee: {  	s3 =	rddreg [dreg:$0x2];
	[bflag:$0x3] =	sbarrier.arrive $0xFFFF;
	s2 =	simm.s32 @!p0 $0x1C03  }
0xef: {  	[timem:s3], [sflag:s2] =	dma.local @!p0 [hbm:s0], s1  }
0xf0: {  	s0 =	simm.s32 @!p0 $0x3  }
0xf1: {  	_ =	swait.ge @!p0 [sflag:s0], s1  }
0xf2: {  	s1 =	ssub.s32 @!p0 $0x0, s1;
	[sflag:s0] =	ssyncset.done @!p0 $0x0  }
0xf3: {  	[sflag:s0] =	ssyncadd.s32 @!p0 s1  }
0xf4: {  	[bflag:$0x3] =	sbarrier.arrive $0xFFFF  }
0xf5: {  	_ =	shalt  }

// kernel: sc_layer1_logits.3.cloned.1.call-start
scs
__scs_entry_jumppad:
0x0: {  	(pc) =	sbr.rel $0x88, $3  }
0x1: {  	(tag) =	ssettag $0x0;
	lr =	simm.s32 $0x1  }
0x2: {  	[smem:$0x3F73] =	sst lr;
	_ =	strace $0xD0000000  }
0x3: {  	_ = 	snop  }
0x4: {  	_ = 	snop  }
0x5: {  	_ = 	snop  }
0x6: {  	_ = 	snop  }
0x7: {  	_ = 	snop  }
__scs_overlays_trampoline_lowered:
0x8: {  	[smem:$0x3F82] =	sst s0  }
0x9: {  	[smem:$0x3F83] =	sst s1  }
0xa: {  	[smem:$0x3F84] =	sst s2  }
0xb: {  	[smem:$0x3F85] =	sst s3  }
0xc: {  	[smem:$0x3F86] =	sst s4  }
0xd: {  	[smem:$0x3F87] =	sst s5  }
0xe: {  	[smem:$0x3F88] =	sst s6  }
0xf: {  	[smem:$0x3F89] =	sst s7  }
0x10: {  	[smem:$0x3F8A] =	sst s8  }
0x11: {  	[smem:$0x3F8B] =	sst s9;
	s0 =	simm.s32 @!p0 $0x0  }
0x12: {  	s1 =	sld [smem:$0x3F71];
	s0 =	simm.s32 @p0 $0x1  }
0x13: {  	[smem:$0x3F8C] =	sst s0;
	s0 =	simm.s32 @!p1 $0x0  }
0x14: {  	s2 =	sld [smem:$0x3F70];
	s0 =	simm.s32 @p1 $0x1  }
0x15: {  	[smem:$0x3F8D] =	sst s0;
	s0 =	simm.s32 @!p2 $0x0  }
0x16: {  	s3 =	sld [smem:$0x3FDB];
	s0 =	simm.s32 @p2 $0x1  }
0x17: {  	s4 =	simm.s32 $0x1BF5;
	[smem:$0x3F8F] =	sst s0  }
0x18: {  	s0 =	sld [smem:$0x3F72];
	_ =	swait.ge [sflag:s4], $0x0  }
0x19: {  	s7 =	sld [smem:$0x3F73]  }
0x1a: {  	s8 =	sadd.s32 $0xFFFFE003, lr  }
0x1b: {  	s9 =	sadd.s32 $0xFFFFFEF7, lr;
	s5 =	simm.s32 $0xFFFFFFFF;
	p2 =	slt.u32 s8, $0xFFFFF086  }
0x1c: {  	p1 =	slt.u32 s9, $0xF7A;
	s5 =	simm.s32 @!p2 $0x0  }
0x1d: {  	s5 =	simm.s32 @p1 $0x1;
	p0 =	seq.s32 s7, s2  }
0x1e: {  	s7 =	smul.u32 @!p0 $0xF7A, s2;
	p2 =	seq.s32 @!p0 s5, $0x0  }
0x1f: {  	s9 =	smul.u32 $0xF7A, s1;
	s8 =	simm.s32 @!p0 $0x1BF5;
	p2 =	por !p2, p0  }
0x20: {  	[sflag:s8] =	ssyncset.s32 @!p0 $0xFFFFF086;
	s6 =	sadd.s32 @!p0 s3, s7;
	s7 =	simm.s32 @!p0 $0x108  }
0x21: {  	s3 =	sadd.s32 s3, s9;
	s6 =	sadd.s32 @!p0 $0x88, s6;
	s7 =	simm.s32 @p2 $0x1082  }
0x22: {  	[simem:s7], [sflag:s8] =	dma.local @!p0 [hbm:s6], $0xF7A  }
0x23: {  	s9 =	sor.u32 $0xD0000000, s2;
	s6 =	simm.s32 $0x108;
	_ =	swait.ge @!p0 [sflag:s8], $0x0  }
0x24: {  	s3 =	sadd.s32 $0x88, s3;
	s6 =	simm.s32 @!p1 $0x1082;
	[sflag:s4] =	ssyncset.s32 $0xFFFFF086  }
0x25: {  	[simem:s6], [sflag:s4] =	dma.local [hbm:s3], $0xF7A  }
0x26: {  	[smem:$0x3F73] =	sst s1;
	(tag) =	ssettag s2;
	_ =	strace s9  }
0x27: {  	s1 =	sld [smem:$0x3F83]  }
0x28: {  	s2 =	sld [smem:$0x3F84]  }
0x29: {  	s4 =	sld [smem:$0x3F86]  }
0x2a: {  	p0 =	seq.s32 s5, $0x0;
	s5 =	sld [smem:$0x3F87]  }
0x2b: {  	s6 =	sld [smem:$0x3F88]  }
0x2c: {  	s7 =	sld [smem:$0x3F89]  }
0x2d: {  	s3 =	simm.s32 $0x108;
	s8 =	sld [smem:$0x3F8A]  }
0x2e: {  	s3 =	simm.s32 @!p0 $0x1082;
	s9 =	sld [smem:$0x3F8B]  }
0x2f: {  	lr =	sadd.s32 s0, s3;
	s0 =	sld [smem:$0x3F82]  }
0x30: {  	s3 =	sld [smem:$0x3F85]  }
0x31: {  	[smem:$0x3F8E] =	sst s10  }
0x32: {  	s10 =	sld [smem:$0x3F8C];
	_ =	sdelay $0x3  }
0x33: {  	p0 =	seq.s32 s10, $0x1;
	s10 =	sld [smem:$0x3F8E];
	_ =	sdelay $0x3  }
0x34: {  	[smem:$0x3F8E] =	sst s10  }
0x35: {  	s10 =	sld [smem:$0x3F8D];
	_ =	sdelay $0x3  }
0x36: {  	p1 =	seq.s32 s10, $0x1;
	s10 =	sld [smem:$0x3F8E];
	_ =	sdelay $0x3  }
0x37: {  	[smem:$0x3F8E] =	sst s10  }
0x38: {  	s10 =	sld [smem:$0x3F8F]  }
0x39: {  	_ = 	snop;
	(pc) =	sbr.ind lr, $3  }
0x3a: {  	_ = 	snop  }
0x3b: {  	_ = 	snop  }
0x3c: {  	p2 =	seq.s32 s10, $0x1;
	s10 =	sld [smem:$0x3F8E]  }
0x3d: {  	_ =	shalt  }
0x3e: {  	_ =	shalt  }
0x3f: {  	_ =	shalt  }
0x40: {  	_ =	shalt  }
0x41: {  	_ =	shalt  }
0x42: {  	_ =	shalt  }
0x43: {  	_ =	shalt  }
0x44: {  	_ =	shalt  }
0x45: {  	_ =	shalt  }
0x46: {  	_ =	shalt  }
0x47: {  	_ =	shalt  }
0x48: {  	_ =	shalt  }
0x49: {  	_ =	shalt  }
0x4a: {  	_ =	shalt  }
0x4b: {  	_ =	shalt  }
0x4c: {  	_ =	shalt  }
0x4d: {  	_ =	shalt  }
0x4e: {  	_ =	shalt  }
0x4f: {  	_ =	shalt  }
0x50: {  	_ =	shalt  }
0x51: {  	_ =	shalt  }
0x52: {  	_ =	shalt  }
0x53: {  	_ =	shalt  }
0x54: {  	_ =	shalt  }
0x55: {  	_ =	shalt  }
0x56: {  	_ =	shalt  }
0x57: {  	_ =	shalt  }
0x58: {  	_ =	shalt  }
0x59: {  	_ =	shalt  }
0x5a: {  	_ =	shalt  }
0x5b: {  	_ =	shalt  }
0x5c: {  	_ =	shalt  }
0x5d: {  	_ =	shalt  }
0x5e: {  	_ =	shalt  }
0x5f: {  	_ =	shalt  }
0x60: {  	_ =	shalt  }
0x61: {  	_ =	shalt  }
0x62: {  	_ =	shalt  }
0x63: {  	_ =	shalt  }
0x64: {  	_ =	shalt  }
0x65: {  	_ =	shalt  }
0x66: {  	_ =	shalt  }
0x67: {  	_ =	shalt  }
0x68: {  	_ =	shalt  }
0x69: {  	_ =	shalt  }
0x6a: {  	_ =	shalt  }
0x6b: {  	_ =	shalt  }
0x6c: {  	_ =	shalt  }
0x6d: {  	_ =	shalt  }
0x6e: {  	_ =	shalt  }
0x6f: {  	_ =	shalt  }
0x70: {  	_ =	shalt  }
0x71: {  	_ =	shalt  }
0x72: {  	_ =	shalt  }
0x73: {  	_ =	shalt  }
0x74: {  	_ =	shalt  }
0x75: {  	_ =	shalt  }
0x76: {  	_ =	shalt  }
0x77: {  	_ =	shalt  }
0x78: {  	_ =	shalt  }
0x79: {  	_ =	shalt  }
0x7a: {  	_ =	shalt  }
0x7b: {  	_ =	shalt  }
0x7c: {  	_ =	shalt  }
0x7d: {  	_ =	shalt  }
0x7e: {  	_ =	shalt  }
0x7f: {  	_ =	shalt  }
0x80: {  	_ =	shalt  }
0x81: {  	_ =	shalt  }
0x82: {  	_ =	shalt  }
0x83: {  	_ =	shalt  }
0x84: {  	_ =	shalt  }
0x85: {  	_ =	shalt  }
0x86: {  	_ =	shalt  }
0x87: {  	_ =	shalt  }
.Lfunc_end0:
.L_simem_size_0:
called_computation.3_lowered:
.L_overlay_start_0:
0x88: {  	s2 =	sld [smem:$0x3FD9]  }
0x89: {  	s3 =	sld [smem:$0x3FFE];
	_ =	sdelay $0x1  }
0x8a: {  	s1 =	srdreg.scid  }
0x8b: {  	s0 =	sand.u32 $0x1, s1  }
0x8c: {  	s16 =	sshll.u32 s0, $0xA;
	s2 =	sadd.s32 s3, s2  }
0x8d: {  	s2 =	sadd.s32 s2, s16  }
0x8e: {  	[smem:$0x3F9A] =	sst s2  }
0x8f: {  	_ = 	snop  }
0x90: {  	(tm) =	ssettm $0x1  }
0x91: {  	s17 =	sld [smem:$0x3FFB];
	_ =	sdelay $0x3  }
0x92: {  	_ =	strace s17  }
0x93: {  	s2 =	sld [smem:$0x3FFC];
	_ =	sdelay $0x3  }
0x94: {  	_ =	strace s2  }
0x95: {  	s2 =	sld [smem:$0x3FFD];
	_ =	sdelay $0x3  }
0x96: {  	_ =	strace s2  }
0x97: {  	_ =	strace $0x8FFFFFFF  }
0x98: {  	s18 =	sld [smem:$0x3FDB];
	_ =	sdelay $0x1  }
0x99: {  	s19 =	simm.s32 $_scs_section_size  }
0x9a: {  	s4 =	simm.s32 $_size__tile_overlayer_lowered;
	s5 =	simm.s32 $_tile_overlayer_lowered  }
0x9b: {  	s22 =	simm.s32 $0x1BFF;
	s21 =	sshll.u32 s5, $0x1;
	s2 =	sadd.s32 s19, s18  }
0x9c: {  	s6 =	simm.s32 $0x0;
	s20 =	sshll.u32 s4, $0x1;
	s4 =	sadd.s32 s21, s2  }
0x9d: {  	[timem:s6], [sflag:s22] =	dma.local [hbm:s4], s20  }
0x9e: {  	_ =	swait.ge [sflag:s22], s20  }
0x9f: {  	s3 =	ssub.s32 $0x0, s20;
	[sflag:s22] =	ssyncset.done $0x0  }
0xa0: {  	[sflag:s22] =	ssyncadd.s32 s3;
	_ =	sdelay $0x1  }
0xa1: {  	s23 =	simm.s32 $0x1B8B  }
0xa2: {  	_ =	swait.ge [sflag:s23], $0x1  }
0xa3: {  	[sflag:s23] =	ssyncset.done $0x0  }
0xa4: {  	s25 =	simm.s32 $0x1B8E;
	s24 =	sld [smem:$0x3FFE];
	[sflag:s23] =	ssyncadd.s32 $0xFFFFFFFF  }
0xa5: {  	s26 =	simm.s32 $execute0_lowered;
	[smem:$0x3FD2] =	sst s25  }
0xa6: {  	s4 =	sshll.u32 s26, $0x1;
	_ =	strace $0x8000004F;
	[dreg:$0x1] =	wrdreg $0xFFFFFFFF  }
0xa7: {  	s28 =	simm.s32 $_size_execute0_lowered;
	s2 =	sadd.s32 s2, s4;
	[dreg:$0x0] =	wrdreg $0x0  }
0xa8: {  	s4 =	sshll.u32 s28, $0x1;
	[dreg:$0x2] =	wrdreg s2  }
0xa9: {  	[dreg:$0x3] =	wrdreg s4  }
0xaa: {  	[dreg:$0x4] =	wrdreg $0xC0  }
0xab: {  	_ =	task [dreg:s6], $0x5FFFF  }
0xac: {  	[dreg:$0x1] =	wrdreg $0xFFFFFFFF  }
0xad: {  	[dreg:$0x0] =	wrdreg $0x60  }
0xae: {  	[dreg:$0x2] =	wrdreg s24  }
0xaf: {  	[dreg:$0x3] =	wrdreg $0x9  }
0xb0: {  	_ =	task.clear_ibuf [dreg:s6], $0x4FFFF;
	_ =	strace $0x9000004F  }
0xb1: {  	s29 =	simm.s32 $0x9;
	_ =	strace $0x80000051  }
0xb2: {  	_ =	swait.ge [sflag:s29], $0x1  }
0xb3: {  	[sflag:s29] =	ssyncadd.s32 $0xFFFFFFFF  }
0xb4: {  	_ =	strace $0x90000051  }
0xb5: {  	_ =	sfence  }
0xb6: {  	s30 =	sld [smem:$0x0];
	_ =	sdelay $0x2  }
0xb7: {  	s31 =	sshll.u32 s1, $0xD;
	s1 =	sshrl.u32 s1, $0x2  }
0xb8: {  	s3 =	sand.u32 $0x4000, s31;
	s1 =	sadd.s32 s1, s30  }
0xb9: {  	s0 =	sor.u32 s3, s0;
	s1 =	sshll.u32 s1, $0x11  }
0xba: {  	s0 =	sor.u32 s1, s0  }
0xbb: {  	s0 =	sadd.s32 $0x8F2B, s0  }
0xbc: {  	[sflag:s0] =	ssyncadd.remote.s32 $0x1  }
0xbd: {  	_ =	sfence.sel $0xFFFF  }
0xbe: {  	[dreg:$0x0] =	wrdreg $0xFFFFFFFF;
	(pc) =	sbr.abs _section_cstart, $3  }
0xbf: {  	[dreg:$0x1] =	wrdreg $0xFFFFFFFF  }
0xc0: {  	_ =	task.clear_ibuf [dreg:s6], $0x2FFFF;
	_ =	strace $0x9FFFFFFF  }
0xc1: {  	(tm) =	ssettm $0x7FFFFFFF  }
tec
execute0_lowered:
.L_overlay_start_1:
0x0: {  	(tag) =	ssettag $0x1  }
0x1: {  	s4 =	rddreg [dreg:$0x0]  }
0x2: {  	s0 =	rddreg [dreg:$0x1];
	s2 =	simm.s32 $0x0  }
0x3: {  	s3 =	srdreg.scid;
	s1 =	stileid.u32;
	s10 =	simm.s32 $0x1  }
0x4: {  	s11 =	simm.s32 $0x2800;
	s12 =	simm.s32 $0x5000;
	s13 =	simm.s32 $0x2  }
0x5: {  	s14 =	simm.s32 $0x5080;
	s15 =	simm.s32 $0x5100;
	s16 =	simm.s32 $0x0  }
0x6: {  	[smem:$0x7FF] =	sst s2;
	s5 =	sand.u32 $0x1, s3;
	s3 =	sadd.s32 $0x61A00, s4  }
.Ltmp0:
0x7: {  	s6 =	sshll.u32 s1, $0x5;
	_ =	strace $0x80000050;
	(pc) =	sbr.rel .LBB2_1-.Ltmp0, $4  }
0x8: {  	s7 =	ssub.s32 $0x2, s5;
	s6 =	sadd.s32 s6, s4;
	s5 =	sshll.u32 s5, $0x4  }
0x9: {  	s4 =	sadd.s32 $0x61400, s4;
	s8 =	sshrl.u32 s7, $0x1;
	s9 =	sadd.s32 s5, s6  }
0xa: {  	s5 =	sshll.u32 s1, $0x1;
	s7 =	ssub.s32 s7, s8;
	s8 =	sadd.s32 $0xBC00, s9  }
0xb: {  	s6 =	smax.u32 s7, $0x1;
	s7 =	sadd.s32 $0x62000, s9;
	s9 =	sadd.s32 $0x6C00, s9  }
.LBB2_5:
0xc: {  	s16 =	sadd.s32 $0x1, s16  }
0xd: {  	p0 =	sne.s32 s16, s6  }
.Ltmp1:
0xe: {  	_ = 	snop;
	(pc) =	sbr.rel @!p0 .LBB2_6-.Ltmp1, $1  }
0xf: {  	_ =	sdelay $0x3  }
.LBB2_1:
0x10: {  	[tilespmem:s2], [sflag:$0x1] =	stream.linear.gather [hbm4b:s3+s2], $0x2800, $0x38;
	[tilespmem:$0x5180] =	vst v63  }
0x11: {  	_ =	swait.ge [sflag:s10], $0x2800  }
0x12: {  	[sflag:s10] =	ssyncset.done $0x0  }
.Ltmp2:
0x13: {  	[sflag:s10] =	ssyncadd.s32 $0xFFFFD800;
	(pc) =	sbr.rel .LBB2_2-.Ltmp2, $4  }
0x14: {  	[tilespmem:s11], [sflag:$0x1] =	stream.linear.gather [hbm4b:s4+s2], $0x2800, $0x38;
	[tilespmem:$0x5180] =	vst v63  }
0x15: {  	_ =	swait.ge [sflag:s10], $0x2800  }
0x16: {  	[sflag:s10] =	ssyncset.done $0x0  }
0x17: {  	s17 =	smov.u32 s5;
	s18 =	simm.s32 $0x0;
	[sflag:s10] =	ssyncadd.s32 $0xFFFFD800  }
.LBB2_4:
0x18: {  	s18 =	sadd.s32 $0x200, s18  }
0x19: {  	p0 =	sne.s32 s18, $0x5000  }
.Ltmp3:
0x1a: {  	_ = 	snop;
	(pc) =	sbr.rel @!p0 .LBB2_5-.Ltmp3, $2  }
0x1b: {  	_ =	sdelay $0x2  }
0x1c: {  	s17 =	sadd.s32 $0x20, s17  }
.LBB2_2:
0x1d: {  	p0 =	sgt.u32 s17, $0x4E1  }
.Ltmp4:
0x1e: {  	_ = 	snop;
	(pc) =	sbr.rel @p0 .LBB2_4-.Ltmp4, $1  }
0x1f: {  	_ =	sdelay $0x3  }
0x20: {  	s19 =	sadd.s32 s18, s9  }
0x21: {  	[tilespmem:s12], [sflag:$0x2] =	stream.linear.gather [hbm4b:s19+s2], $0x80, $0x38;
	[tilespmem:$0x5180] =	vst v63  }
0x22: {  	_ =	swait.ge [sflag:s13], $0x80  }
0x23: {  	[sflag:s13] =	ssyncset.done $0x0  }
0x24: {  	s30 =	sadd.s32 s18, s8;
	[sflag:s13] =	ssyncadd.s32 $0xFFFFFF80  }
0x25: {  	[tilespmem:s14], [sflag:$0x2] =	stream.linear.gather [hbm4b:s30+s2], $0x80, $0x38;
	[tilespmem:$0x5180] =	vst v63  }
0x26: {  	_ =	swait.ge [sflag:s13], $0x80  }
0x27: {  	[sflag:s13] =	ssyncset.done $0x0  }
0x28: {  	[sflag:s13] =	ssyncadd.s32 $0xFFFFFF80  }
0x29: {  	v0 =	vld [tilespmem:$0x5000]  }
0x2a: {  	v1 =	vld [tilespmem:$0x5080];
	_ =	sdelay $0x6  }
0x2b: {  	v0 =	vld.idx.msk [tilespmem:v0+s2+$0x0], $0xffff  }
0x2c: {  	v1 =	vld.idx.msk [tilespmem:v1+s11+$0x0], $0xffff;
	_ =	sdelay $0x4  }
0x2d: {  	v0 =	vadd.f32 v1, v0;
	_ =	sdelay $0x1  }
0x2e: {  	v1 =	vmul.f32 $9.999999770e-03, v0  }
0x2f: {  	vm0 =	vge.f32 v0, $0.0e+00  }
0x30: {  	v0 =	vsel vm0, v0, v1  }
0x31: {  	v0 =	vmul.f32 $1.442695020e+00, v0;
	_ =	sdelay $0x1  }
0x32: {  	(erf) = vpow2.f32 v0;
	_ =	sdelay $0x2  }
0x33: {  	v44 =	vld [tilespmem:$0x5010]  }
0x34: {  	v45 =	vld [tilespmem:$0x5090];
	_ =	sdelay $0x4  }
0x35: {  	v2 =	vpop (erf)  }
0x36: {  	[tilespmem:$0x5100] =	vst v2  }
0x37: {  	v0 =	vld.idx.msk [tilespmem:v44+s2+$0x0], $0xffff  }
0x38: {  	v1 =	vld.idx.msk [tilespmem:v45+s11+$0x0], $0xffff;
	_ =	sdelay $0x4  }
0x39: {  	v0 =	vadd.f32 v1, v0;
	_ =	sdelay $0x1  }
0x3a: {  	v1 =	vmul.f32 $9.999999770e-03, v0  }
0x3b: {  	vm9 =	vge.f32 v0, $0.0e+00  }
0x3c: {  	v0 =	vsel vm9, v0, v1  }
0x3d: {  	v0 =	vmul.f32 $1.442695020e+00, v0;
	_ =	sdelay $0x1  }
0x3e: {  	(erf) = vpow2.f32 v0;
	_ =	sdelay $0x2  }
0x3f: {  	v46 =	vld [tilespmem:$0x5020]  }
0x40: {  	v47 =	vld [tilespmem:$0x50A0];
	_ =	sdelay $0x4  }
0x41: {  	v48 =	vpop (erf)  }
0x42: {  	[tilespmem:$0x5110] =	vst v48  }
0x43: {  	v0 =	vld.idx.msk [tilespmem:v46+s2+$0x0], $0xffff  }
0x44: {  	v1 =	vld.idx.msk [tilespmem:v47+s11+$0x0], $0xffff;
	_ =	sdelay $0x4  }
0x45: {  	v0 =	vadd.f32 v1, v0;
	_ =	sdelay $0x1  }
0x46: {  	v1 =	vmul.f32 $9.999999770e-03, v0  }
0x47: {  	vm10 =	vge.f32 v0, $0.0e+00  }
0x48: {  	v0 =	vsel vm10, v0, v1  }
0x49: {  	v0 =	vmul.f32 $1.442695020e+00, v0;
	_ =	sdelay $0x1  }
0x4a: {  	(erf) = vpow2.f32 v0;
	_ =	sdelay $0x2  }
0x4b: {  	v49 =	vld [tilespmem:$0x5030]  }
0x4c: {  	v50 =	vld [tilespmem:$0x50B0];
	_ =	sdelay $0x4  }
0x4d: {  	v51 =	vpop (erf)  }
0x4e: {  	[tilespmem:$0x5120] =	vst v51  }
0x4f: {  	v0 =	vld.idx.msk [tilespmem:v49+s2+$0x0], $0xffff  }
0x50: {  	v1 =	vld.idx.msk [tilespmem:v50+s11+$0x0], $0xffff;
	_ =	sdelay $0x4  }
0x51: {  	v0 =	vadd.f32 v1, v0;
	_ =	sdelay $0x1  }
0x52: {  	v1 =	vmul.f32 $9.999999770e-03, v0  }
0x53: {  	vm11 =	vge.f32 v0, $0.0e+00  }
0x54: {  	v0 =	vsel vm11, v0, v1  }
0x55: {  	v0 =	vmul.f32 $1.442695020e+00, v0;
	_ =	sdelay $0x1  }
0x56: {  	(erf) = vpow2.f32 v0;
	_ =	sdelay $0x2  }
0x57: {  	v52 =	vld [tilespmem:$0x5040]  }
0x58: {  	v53 =	vld [tilespmem:$0x50C0];
	_ =	sdelay $0x4  }
0x59: {  	v54 =	vpop (erf)  }
0x5a: {  	[tilespmem:$0x5130] =	vst v54  }
0x5b: {  	v0 =	vld.idx.msk [tilespmem:v52+s2+$0x0], $0xffff  }
0x5c: {  	v1 =	vld.idx.msk [tilespmem:v53+s11+$0x0], $0xffff;
	_ =	sdelay $0x4  }
0x5d: {  	v0 =	vadd.f32 v1, v0;
	_ =	sdelay $0x1  }
0x5e: {  	v1 =	vmul.f32 $9.999999770e-03, v0  }
0x5f: {  	vm12 =	vge.f32 v0, $0.0e+00  }
0x60: {  	v0 =	vsel vm12, v0, v1  }
0x61: {  	v0 =	vmul.f32 $1.442695020e+00, v0;
	_ =	sdelay $0x1  }
0x62: {  	(erf) = vpow2.f32 v0;
	_ =	sdelay $0x2  }
0x63: {  	v55 =	vld [tilespmem:$0x5050]  }
0x64: {  	v56 =	vld [tilespmem:$0x50D0];
	_ =	sdelay $0x4  }
0x65: {  	v57 =	vpop (erf)  }
0x66: {  	[tilespmem:$0x5140] =	vst v57  }
0x67: {  	v0 =	vld.idx.msk [tilespmem:v55+s2+$0x0], $0xffff  }
0x68: {  	v1 =	vld.idx.msk [tilespmem:v56+s11+$0x0], $0xffff;
	_ =	sdelay $0x4  }
0x69: {  	v0 =	vadd.f32 v1, v0;
	_ =	sdelay $0x1  }
0x6a: {  	v1 =	vmul.f32 $9.999999770e-03, v0  }
0x6b: {  	vm13 =	vge.f32 v0, $0.0e+00  }
0x6c: {  	v0 =	vsel vm13, v0, v1  }
0x6d: {  	v0 =	vmul.f32 $1.442695020e+00, v0;
	_ =	sdelay $0x1  }
0x6e: {  	(erf) = vpow2.f32 v0;
	_ =	sdelay $0x2  }
0x6f: {  	v58 =	vld [tilespmem:$0x5060]  }
0x70: {  	v59 =	vld [tilespmem:$0x50E0];
	_ =	sdelay $0x4  }
0x71: {  	v60 =	vpop (erf)  }
0x72: {  	[tilespmem:$0x5150] =	vst v60  }
0x73: {  	v0 =	vld.idx.msk [tilespmem:v58+s2+$0x0], $0xffff  }
0x74: {  	v1 =	vld.idx.msk [tilespmem:v59+s11+$0x0], $0xffff;
	_ =	sdelay $0x4  }
0x75: {  	v0 =	vadd.f32 v1, v0;
	_ =	sdelay $0x1  }
0x76: {  	v1 =	vmul.f32 $9.999999770e-03, v0  }
0x77: {  	vm14 =	vge.f32 v0, $0.0e+00  }
0x78: {  	v0 =	vsel vm14, v0, v1  }
0x79: {  	v0 =	vmul.f32 $1.442695020e+00, v0;
	_ =	sdelay $0x1  }
0x7a: {  	(erf) = vpow2.f32 v0;
	_ =	sdelay $0x2  }
0x7b: {  	v61 =	vld [tilespmem:$0x5070]  }
0x7c: {  	v62 =	vld [tilespmem:$0x50F0];
	_ =	sdelay $0x4  }
0x7d: {  	v63 =	vpop (erf)  }
0x7e: {  	[tilespmem:$0x5160] =	vst v63  }
0x7f: {  	v0 =	vld.idx.msk [tilespmem:v61+s2+$0x0], $0xffff  }
0x80: {  	v1 =	vld.idx.msk [tilespmem:v62+s11+$0x0], $0xffff;
	_ =	sdelay $0x4  }
0x81: {  	v0 =	vadd.f32 v1, v0;
	_ =	sdelay $0x1  }
0x82: {  	v1 =	vmul.f32 $9.999999770e-03, v0  }
0x83: {  	vm15 =	vge.f32 v0, $0.0e+00  }
0x84: {  	v0 =	vsel vm15, v0, v1  }
0x85: {  	v0 =	vmul.f32 $1.442695020e+00, v0;
	_ =	sdelay $0x1  }
0x86: {  	(erf) = vpow2.f32 v0;
	_ =	sdelay $0x8  }
0x87: {  	v0 =	vpop (erf)  }
.Ltmp5:
0x88: {  	s31 =	sadd.s32 s18, s7;
	[tilespmem:$0x5170] =	vst v0;
	(pc) =	sbr.rel .LBB2_4-.Ltmp5, $4  }
0x89: {  	[hbm4b:s31+s2] =	stream.linear.scatter [tilespmem:s15], [sflag:$0x1], $0x80, $0x38;
	[tilespmem:$0x5180] =	vst v63  }
0x8a: {  	_ =	swait.ge [sflag:s10], $0x80  }
0x8b: {  	[sflag:s10] =	ssyncset.done $0x0  }
0x8c: {  	[sflag:s10] =	ssyncadd.s32 $0xFFFFFF80  }
.LBB2_6:
0x8d: {  	_ =	sfence.sel $0x180000  }
0x8e: {  	[bflag:$0x0] =	sbarrier.arrive $0xFFFF  }
0x8f: {  	p0 =	sne.s32 s1, $0x0;
	_ =	strace $0x90000050  }
0x90: {  	s0 =	sadd.s32 @!p0 $0x100000, s0;
	[bflag:$0x2] =	sbarrier.arrive $0xFFFF  }
0x91: {  	[sflag:s0] =	ssyncadd.tile.s32 @!p0 $0x1;
	_ =	shalt  }
.Lfunc_end2:
_tile_overlayer_lowered:
.L_overlay_start_2:
0x92: {  	(tag) =	ssettag $0x2  }
0x93: {  	s0 =	rddreg [dreg:$0x0];
	s2 =	stileid.u32  }
0x94: {  	s1 =	rddreg [dreg:$0x1];
	p0 =	sne.s32 s2, $0x0  }
0x95: {  	s3 =	rddreg [dreg:$0x2];
	[bflag:$0x3] =	sbarrier.arrive $0xFFFF;
	s2 =	simm.s32 @!p0 $0x1C01  }
0x96: {  	[timem:s3], [sflag:s2] =	dma.local @!p0 [hbm:s0], s1  }
0x97: {  	s0 =	simm.s32 @!p0 $0x1  }
0x98: {  	_ =	swait.ge @!p0 [sflag:s0], s1  }
0x99: {  	s1 =	ssub.s32 @!p0 $0x0, s1;
	[sflag:s0] =	ssyncset.done @!p0 $0x0  }
0x9a: {  	[sflag:s0] =	ssyncadd.s32 @!p0 s1  }
0x9b: {  	[bflag:$0x3] =	sbarrier.arrive $0xFFFF  }
0x9c: {  	_ =	shalt  }

// kernel: sc_scatter_add_rows.3.cloned.1.call-start
scs
__scs_entry_jumppad:
0x0: {  	(pc) =	sbr.rel $0x88, $3  }
0x1: {  	(tag) =	ssettag $0x0;
	lr =	simm.s32 $0x1  }
0x2: {  	[smem:$0x3F73] =	sst lr;
	_ =	strace $0xD0000000  }
0x3: {  	_ = 	snop  }
0x4: {  	_ = 	snop  }
0x5: {  	_ = 	snop  }
0x6: {  	_ = 	snop  }
0x7: {  	_ = 	snop  }
__scs_overlays_trampoline_lowered:
0x8: {  	[smem:$0x3F82] =	sst s0  }
0x9: {  	[smem:$0x3F83] =	sst s1  }
0xa: {  	[smem:$0x3F84] =	sst s2  }
0xb: {  	[smem:$0x3F85] =	sst s3  }
0xc: {  	[smem:$0x3F86] =	sst s4  }
0xd: {  	[smem:$0x3F87] =	sst s5  }
0xe: {  	[smem:$0x3F88] =	sst s6  }
0xf: {  	[smem:$0x3F89] =	sst s7  }
0x10: {  	[smem:$0x3F8A] =	sst s8  }
0x11: {  	[smem:$0x3F8B] =	sst s9;
	s0 =	simm.s32 @!p0 $0x0  }
0x12: {  	s1 =	sld [smem:$0x3F71];
	s0 =	simm.s32 @p0 $0x1  }
0x13: {  	[smem:$0x3F8C] =	sst s0;
	s0 =	simm.s32 @!p1 $0x0  }
0x14: {  	s2 =	sld [smem:$0x3F70];
	s0 =	simm.s32 @p1 $0x1  }
0x15: {  	[smem:$0x3F8D] =	sst s0;
	s0 =	simm.s32 @!p2 $0x0  }
0x16: {  	s3 =	sld [smem:$0x3FDB];
	s0 =	simm.s32 @p2 $0x1  }
0x17: {  	s4 =	simm.s32 $0x1BF5;
	[smem:$0x3F8F] =	sst s0  }
0x18: {  	s0 =	sld [smem:$0x3F72];
	_ =	swait.ge [sflag:s4], $0x0  }
0x19: {  	s7 =	sld [smem:$0x3F73]  }
0x1a: {  	s8 =	sadd.s32 $0xFFFFE003, lr  }
0x1b: {  	s9 =	sadd.s32 $0xFFFFFEF7, lr;
	s5 =	simm.s32 $0xFFFFFFFF;
	p2 =	slt.u32 s8, $0xFFFFF086  }
0x1c: {  	p1 =	slt.u32 s9, $0xF7A;
	s5 =	simm.s32 @!p2 $0x0  }
0x1d: {  	s5 =	simm.s32 @p1 $0x1;
	p0 =	seq.s32 s7, s2  }
0x1e: {  	s7 =	smul.u32 @!p0 $0xF7A, s2;
	p2 =	seq.s32 @!p0 s5, $0x0  }
0x1f: {  	s9 =	smul.u32 $0xF7A, s1;
	s8 =	simm.s32 @!p0 $0x1BF5;
	p2 =	por !p2, p0  }
0x20: {  	[sflag:s8] =	ssyncset.s32 @!p0 $0xFFFFF086;
	s6 =	sadd.s32 @!p0 s3, s7;
	s7 =	simm.s32 @!p0 $0x108  }
0x21: {  	s3 =	sadd.s32 s3, s9;
	s6 =	sadd.s32 @!p0 $0x88, s6;
	s7 =	simm.s32 @p2 $0x1082  }
0x22: {  	[simem:s7], [sflag:s8] =	dma.local @!p0 [hbm:s6], $0xF7A  }
0x23: {  	s9 =	sor.u32 $0xD0000000, s2;
	s6 =	simm.s32 $0x108;
	_ =	swait.ge @!p0 [sflag:s8], $0x0  }
0x24: {  	s3 =	sadd.s32 $0x88, s3;
	s6 =	simm.s32 @!p1 $0x1082;
	[sflag:s4] =	ssyncset.s32 $0xFFFFF086  }
0x25: {  	[simem:s6], [sflag:s4] =	dma.local [hbm:s3], $0xF7A  }
0x26: {  	[smem:$0x3F73] =	sst s1;
	(tag) =	ssettag s2;
	_ =	strace s9  }
0x27: {  	s1 =	sld [smem:$0x3F83]  }
0x28: {  	s2 =	sld [smem:$0x3F84]  }
0x29: {  	s4 =	sld [smem:$0x3F86]  }
0x2a: {  	p0 =	seq.s32 s5, $0x0;
	s5 =	sld [smem:$0x3F87]  }
0x2b: {  	s6 =	sld [smem:$0x3F88]  }
0x2c: {  	s7 =	sld [smem:$0x3F89]  }
0x2d: {  	s3 =	simm.s32 $0x108;
	s8 =	sld [smem:$0x3F8A]  }
0x2e: {  	s3 =	simm.s32 @!p0 $0x1082;
	s9 =	sld [smem:$0x3F8B]  }
0x2f: {  	lr =	sadd.s32 s0, s3;
	s0 =	sld [smem:$0x3F82]  }
0x30: {  	s3 =	sld [smem:$0x3F85]  }
0x31: {  	[smem:$0x3F8E] =	sst s10  }
0x32: {  	s10 =	sld [smem:$0x3F8C];
	_ =	sdelay $0x3  }
0x33: {  	p0 =	seq.s32 s10, $0x1;
	s10 =	sld [smem:$0x3F8E];
	_ =	sdelay $0x3  }
0x34: {  	[smem:$0x3F8E] =	sst s10  }
0x35: {  	s10 =	sld [smem:$0x3F8D];
	_ =	sdelay $0x3  }
0x36: {  	p1 =	seq.s32 s10, $0x1;
	s10 =	sld [smem:$0x3F8E];
	_ =	sdelay $0x3  }
0x37: {  	[smem:$0x3F8E] =	sst s10  }
0x38: {  	s10 =	sld [smem:$0x3F8F]  }
0x39: {  	_ = 	snop;
	(pc) =	sbr.ind lr, $3  }
0x3a: {  	_ = 	snop  }
0x3b: {  	_ = 	snop  }
0x3c: {  	p2 =	seq.s32 s10, $0x1;
	s10 =	sld [smem:$0x3F8E]  }
0x3d: {  	_ =	shalt  }
0x3e: {  	_ =	shalt  }
0x3f: {  	_ =	shalt  }
0x40: {  	_ =	shalt  }
0x41: {  	_ =	shalt  }
0x42: {  	_ =	shalt  }
0x43: {  	_ =	shalt  }
0x44: {  	_ =	shalt  }
0x45: {  	_ =	shalt  }
0x46: {  	_ =	shalt  }
0x47: {  	_ =	shalt  }
0x48: {  	_ =	shalt  }
0x49: {  	_ =	shalt  }
0x4a: {  	_ =	shalt  }
0x4b: {  	_ =	shalt  }
0x4c: {  	_ =	shalt  }
0x4d: {  	_ =	shalt  }
0x4e: {  	_ =	shalt  }
0x4f: {  	_ =	shalt  }
0x50: {  	_ =	shalt  }
0x51: {  	_ =	shalt  }
0x52: {  	_ =	shalt  }
0x53: {  	_ =	shalt  }
0x54: {  	_ =	shalt  }
0x55: {  	_ =	shalt  }
0x56: {  	_ =	shalt  }
0x57: {  	_ =	shalt  }
0x58: {  	_ =	shalt  }
0x59: {  	_ =	shalt  }
0x5a: {  	_ =	shalt  }
0x5b: {  	_ =	shalt  }
0x5c: {  	_ =	shalt  }
0x5d: {  	_ =	shalt  }
0x5e: {  	_ =	shalt  }
0x5f: {  	_ =	shalt  }
0x60: {  	_ =	shalt  }
0x61: {  	_ =	shalt  }
0x62: {  	_ =	shalt  }
0x63: {  	_ =	shalt  }
0x64: {  	_ =	shalt  }
0x65: {  	_ =	shalt  }
0x66: {  	_ =	shalt  }
0x67: {  	_ =	shalt  }
0x68: {  	_ =	shalt  }
0x69: {  	_ =	shalt  }
0x6a: {  	_ =	shalt  }
0x6b: {  	_ =	shalt  }
0x6c: {  	_ =	shalt  }
0x6d: {  	_ =	shalt  }
0x6e: {  	_ =	shalt  }
0x6f: {  	_ =	shalt  }
0x70: {  	_ =	shalt  }
0x71: {  	_ =	shalt  }
0x72: {  	_ =	shalt  }
0x73: {  	_ =	shalt  }
0x74: {  	_ =	shalt  }
0x75: {  	_ =	shalt  }
0x76: {  	_ =	shalt  }
0x77: {  	_ =	shalt  }
0x78: {  	_ =	shalt  }
0x79: {  	_ =	shalt  }
0x7a: {  	_ =	shalt  }
0x7b: {  	_ =	shalt  }
0x7c: {  	_ =	shalt  }
0x7d: {  	_ =	shalt  }
0x7e: {  	_ =	shalt  }
0x7f: {  	_ =	shalt  }
0x80: {  	_ =	shalt  }
0x81: {  	_ =	shalt  }
0x82: {  	_ =	shalt  }
0x83: {  	_ =	shalt  }
0x84: {  	_ =	shalt  }
0x85: {  	_ =	shalt  }
0x86: {  	_ =	shalt  }
0x87: {  	_ =	shalt  }
.Lfunc_end0:
.L_simem_size_0:
called_computation.2_lowered:
.L_overlay_start_0:
0x88: {  	s2 =	sld [smem:$0x3FD9]  }
0x89: {  	s3 =	sld [smem:$0x3FFE];
	_ =	sdelay $0x1  }
0x8a: {  	s1 =	srdreg.scid  }
0x8b: {  	s0 =	sand.u32 $0x1, s1  }
0x8c: {  	s16 =	sshll.u32 s0, $0xA;
	s2 =	sadd.s32 s3, s2  }
0x8d: {  	s2 =	sadd.s32 s2, s16  }
0x8e: {  	[smem:$0x3F9A] =	sst s2  }
0x8f: {  	_ = 	snop  }
0x90: {  	(tm) =	ssettm $0x1  }
0x91: {  	s17 =	sld [smem:$0x3FFB];
	_ =	sdelay $0x3  }
0x92: {  	_ =	strace s17  }
0x93: {  	s2 =	sld [smem:$0x3FFC];
	_ =	sdelay $0x3  }
0x94: {  	_ =	strace s2  }
0x95: {  	s2 =	sld [smem:$0x3FFD];
	_ =	sdelay $0x3  }
0x96: {  	_ =	strace s2  }
0x97: {  	_ =	strace $0x8FFFFFFF  }
0x98: {  	s18 =	sld [smem:$0x3FDB];
	_ =	sdelay $0x1  }
0x99: {  	s19 =	simm.s32 $_scs_section_size  }
0x9a: {  	s4 =	simm.s32 $_size__tile_overlayer_lowered;
	s5 =	simm.s32 $_tile_overlayer_lowered  }
0x9b: {  	s22 =	simm.s32 $0x1BFF;
	s21 =	sshll.u32 s5, $0x1;
	s2 =	sadd.s32 s19, s18  }
0x9c: {  	s6 =	simm.s32 $0x0;
	s20 =	sshll.u32 s4, $0x1;
	s4 =	sadd.s32 s21, s2  }
0x9d: {  	[timem:s6], [sflag:s22] =	dma.local [hbm:s4], s20  }
0x9e: {  	_ =	swait.ge [sflag:s22], s20  }
0x9f: {  	s3 =	ssub.s32 $0x0, s20;
	[sflag:s22] =	ssyncset.done $0x0  }
0xa0: {  	[sflag:s22] =	ssyncadd.s32 s3;
	_ =	sdelay $0x1  }
0xa1: {  	s23 =	simm.s32 $0x1B8B  }
0xa2: {  	_ =	swait.ge [sflag:s23], $0x1  }
0xa3: {  	[sflag:s23] =	ssyncset.done $0x0  }
0xa4: {  	s25 =	simm.s32 $0x1B8E;
	s24 =	sld [smem:$0x3FFE];
	[sflag:s23] =	ssyncadd.s32 $0xFFFFFFFF  }
0xa5: {  	s26 =	simm.s32 $execute0_lowered;
	[smem:$0x3FD2] =	sst s25  }
0xa6: {  	s4 =	sshll.u32 s26, $0x1;
	_ =	strace $0x8000004C;
	[dreg:$0x1] =	wrdreg $0xFFFFFFFF  }
0xa7: {  	s28 =	simm.s32 $_size_execute0_lowered;
	s2 =	sadd.s32 s2, s4;
	[dreg:$0x0] =	wrdreg $0x0  }
0xa8: {  	s4 =	sshll.u32 s28, $0x1;
	[dreg:$0x2] =	wrdreg s2  }
0xa9: {  	[dreg:$0x3] =	wrdreg s4  }
0xaa: {  	[dreg:$0x4] =	wrdreg $0xC0  }
0xab: {  	_ =	task [dreg:s6], $0x5FFFF  }
0xac: {  	[dreg:$0x1] =	wrdreg $0xFFFFFFFF  }
0xad: {  	[dreg:$0x0] =	wrdreg $0x60  }
0xae: {  	[dreg:$0x2] =	wrdreg s24  }
0xaf: {  	[dreg:$0x3] =	wrdreg $0x81000  }
0xb0: {  	[dreg:$0x4] =	wrdreg $0x9  }
0xb1: {  	_ =	task.clear_ibuf [dreg:s6], $0x5FFFF;
	_ =	strace $0x9000004C  }
0xb2: {  	s29 =	simm.s32 $0x9;
	_ =	strace $0x8000004E  }
0xb3: {  	_ =	swait.ge [sflag:s29], $0x1  }
0xb4: {  	[sflag:s29] =	ssyncadd.s32 $0xFFFFFFFF  }
0xb5: {  	_ =	strace $0x9000004E  }
0xb6: {  	_ =	sfence  }
0xb7: {  	s30 =	sld [smem:$0x0];
	_ =	sdelay $0x2  }
0xb8: {  	s31 =	sshll.u32 s1, $0xD;
	s1 =	sshrl.u32 s1, $0x2  }
0xb9: {  	s3 =	sand.u32 $0x4000, s31;
	s1 =	sadd.s32 s1, s30  }
0xba: {  	s0 =	sor.u32 s3, s0;
	s1 =	sshll.u32 s1, $0x11  }
0xbb: {  	s0 =	sor.u32 s1, s0  }
0xbc: {  	s0 =	sadd.s32 $0x8F2B, s0  }
0xbd: {  	[sflag:s0] =	ssyncadd.remote.s32 $0x1  }
0xbe: {  	_ =	sfence.sel $0xFFFF  }
0xbf: {  	[dreg:$0x0] =	wrdreg $0xFFFFFFFF;
	(pc) =	sbr.abs _section_cstart, $3  }
0xc0: {  	[dreg:$0x1] =	wrdreg $0xFFFFFFFF  }
0xc1: {  	_ =	task.clear_ibuf [dreg:s6], $0x2FFFF;
	_ =	strace $0x9FFFFFFF  }
0xc2: {  	(tm) =	ssettm $0x7FFFFFFF  }
0xc3: {  	_ =	shalt  }
tec
execute0_lowered:
.L_overlay_start_1:
0x0: {  	(tag) =	ssettag $0x1  }
0x1: {  	s0 =	rddreg [dreg:$0x0]  }
0x2: {  	s2 =	rddreg [dreg:$0x1]  }
0x3: {  	s3 =	simm.s32 $0x0;
	s1 =	stileid.u32;
	s4 =	srdreg.scid  }
0x4: {  	s18 =	simm.s32 $0x3;
	s19 =	simm.s32 $0x8000;
	s28 =	simm.s32 $0x2  }
0x5: {  	s31 =	simm.s32 $0x0;
	[smem:$0x7FF] =	sst s3;
	s5 =	sand.u32 $0x1, s4  }
0x6: {  	s6 =	smul.u32 $0x28000, s1;
	s4 =	sadd.s32 $0xA7A400, s0;
	s7 =	sshll.u32 s1, $0x4  }
0x7: {  	s8 =	smul.u32 $0x50000, s1;
	s10 =	sadd.s32 $0x10C00, s0;
	s21 =	sshll.u32 s1, $0xF  }
0x8: {  	s29 =	sor.u32 $0x4E0, s1;
	_ =	strace $0x8000004D;
	s9 =	sshll.u32 s5, $0xA  }
0x9: {  	s7 =	sadd.s32 s7, s0;
	[dreg:$0x3] =	wrdreg s10;
	s5 =	ssub.s32 $0x2, s5  }
0xa: {  	p0 =	sgt.u32 s29, $0x4E1;
	s6 =	sor.u32 s9, s6;
	s20 =	sshrl.u32 s5, $0x1  }
0xb: {  	s8 =	sshrl.u32 s8, $0x2;
	s16 =	sor.u32 s9, s21;
	s25 =	sadd.s32 $0x6C00, s7  }
0xc: {  	s15 =	sadd.s32 $0x6E00, s7;
	s21 =	simm.s32 $0x800;
	s6 =	sshrl.u32 s6, $0x3  }
0xd: {  	s5 =	ssub.s32 s5, s20;
	s12 =	sshrl.u32 s16, $0x3;
	[dreg:$0x8] =	wrdreg s25  }
0xe: {  	s30 =	sor.u32 $0x80000, s16;
	s16 =	sor.u32 $0x100000, s16;
	s20 =	simm.s32 $0x400  }
0xf: {  	s0 =	sadd.s32 s6, s0;
	s6 =	sadd.s32 s8, s2;
	s26 =	sadd.s32 s4, s12  }
0x10: {  	s25 =	simm.s32 $0x1;
	s8 =	sadd.s32 $0x4000, s6;
	[dreg:$0x9] =	wrdreg s26  }
0x11: {  	s14 =	smax.u32 s5, $0x1;
	s22 =	sadd.s32 $0x8000, s6;
	[dreg:$0x4] =	wrdreg s8  }
0x12: {  	s5 =	sshrl.u32 s30, $0x3;
	s23 =	sadd.s32 $0xC000, s6;
	[dreg:$0x5] =	wrdreg s22  }
0x13: {  	s24 =	sadd.s32 $0x10000, s6;
	s13 =	sadd.s32 $0xB0E00, s0;
	[dreg:$0x6] =	wrdreg s23  }
0x14: {  	s17 =	sadd.s32 s5, s4;
	s26 =	simm.s32 $0x80;
	[dreg:$0x7] =	wrdreg s24  }
0x15: {  	s22 =	simm.s32 $0x8080;
	s23 =	simm.s32 $0x4;
	s24 =	simm.s32 $0x4000  }
.LBB2_1:
0x16: {  	s0 =	rddreg [dreg:$0x3]  }
0x17: {  	[tilespmem:s3], [sflag:$0x3] =	stream.linear.gather [hbm4b:s0+s3], $0x4000, $0x38;
	[tilespmem:$0x1C100] =	vst v63  }
0x18: {  	_ =	swait.ge [sflag:s18], $0x4000  }
0x19: {  	[sflag:s18] =	ssyncset.done $0x0  }
0x1a: {  	[sflag:s18] =	ssyncadd.s32 $0xFFFFC000  }
0x1b: {  	[spmem:s6] =	stream.linear.scatter [tilespmem:s3], [sflag:$0x3], $0x4000, $0x38;
	[tilespmem:$0x1C100] =	vst v63  }
0x1c: {  	_ =	swait.ge [sflag:s18], $0x4000  }
0x1d: {  	[sflag:s18] =	ssyncset.done $0x0  }
0x1e: {  	s12 =	rddreg [dreg:$0x4];
	[sflag:s18] =	ssyncadd.s32 $0xFFFFC000  }
0x1f: {  	[spmem:s12] =	stream.linear.scatter [tilespmem:s3], [sflag:$0x3], $0x4000, $0x38;
	[tilespmem:$0x1C100] =	vst v63  }
0x20: {  	_ =	swait.ge [sflag:s18], $0x4000  }
0x21: {  	[sflag:s18] =	ssyncset.done $0x0  }
0x22: {  	s5 =	rddreg [dreg:$0x5];
	[sflag:s18] =	ssyncadd.s32 $0xFFFFC000  }
0x23: {  	[spmem:s5] =	stream.linear.scatter [tilespmem:s3], [sflag:$0x3], $0x4000, $0x38;
	[tilespmem:$0x1C100] =	vst v63  }
0x24: {  	_ =	swait.ge [sflag:s18], $0x4000  }
0x25: {  	[sflag:s18] =	ssyncset.done $0x0  }
0x26: {  	s7 =	rddreg [dreg:$0x6];
	[sflag:s18] =	ssyncadd.s32 $0xFFFFC000  }
0x27: {  	[spmem:s7] =	stream.linear.scatter [tilespmem:s3], [sflag:$0x3], $0x4000, $0x38;
	[tilespmem:$0x1C100] =	vst v63  }
0x28: {  	_ =	swait.ge [sflag:s18], $0x4000  }
0x29: {  	[sflag:s18] =	ssyncset.done $0x0  }
0x2a: {  	s8 =	rddreg [dreg:$0x7];
	[sflag:s18] =	ssyncadd.s32 $0xFFFFC000  }
0x2b: {  	[spmem:s8] =	stream.linear.scatter [tilespmem:s3], [sflag:$0x3], $0x4000, $0x38;
	[tilespmem:$0x1C100] =	vst v63  }
0x2c: {  	_ =	swait.ge [sflag:s18], $0x4000  }
0x2d: {  	[sflag:s18] =	ssyncset.done $0x0  }
0x2e: {  	[sflag:s18] =	ssyncadd.s32 $0xFFFFC000  }
0x2f: {  	[bflag:$0x0] =	sbarrier.arrive $0xFFFF  }
0x30: {  	s9 =	rddreg [dreg:$0x8]  }
0x31: {  	[tilespmem:s19], [sflag:$0x3] =	stream.linear.gather [hbm4b:s9+s3], $0x80, $0x38;
	[tilespmem:$0x1C100] =	vst v63  }
0x32: {  	_ =	swait.ge [sflag:s18], $0x80  }
0x33: {  	[sflag:s18] =	ssyncset.done $0x0  }
0x34: {  	s10 =	rddreg [dreg:$0x9];
	[sflag:s18] =	ssyncadd.s32 $0xFFFFFF80  }
0x35: {  	[tilespmem:s3], [sflag:$0x1] =	stream.strided.gather [hbm4b:s10+s20], $0x4000, s21, s20, $0x38;
	[tilespmem:$0x1C100] =	vst v63  }
0x36: {  	s11 =	sadd.s32 $0xFFFFFF00, s15  }
0x37: {  	[tilespmem:s22], [sflag:$0x4] =	stream.linear.gather [hbm4b:s11+s3], $0x80, $0x38;
	[tilespmem:$0x1C100] =	vst v63  }
0x38: {  	_ =	swait.ge [sflag:s23], $0x80  }
0x39: {  	[sflag:s23] =	ssyncset.done $0x0  }
0x3a: {  	[sflag:s23] =	ssyncadd.s32 $0xFFFFFF80  }
0x3b: {  	[tilespmem:s24], [sflag:$0x2] =	stream.strided.gather [hbm4b:s17+s20], $0x4000, s21, s20, $0x38;
	[tilespmem:$0x1C100] =	vst v63  }
0x3c: {  	_ =	swait.ge [sflag:s25], $0x4000  }
0x3d: {  	[sflag:s25] =	ssyncset.done $0x0  }
0x3e: {  	s12 =	sadd.s32 $0x10, s1;
	[sflag:s25] =	ssyncadd.s32 $0xFFFFC000  }
0x3f: {  	[spmem:s2] =	stream.indirect.scatter.add.f32 [tilespmem:s3], [sflag:$0x4], $0x80, s19, s26, $0xb8;
	[tilespmem:$0x1C100] =	vst v63  }
0x40: {  	p1 =	sgt.u32 s12, $0x4D1;
	_ =	swait.ge [sflag:s23], $0x4000  }
0x41: {  	s0 =	simm.s32 @!p1 $0x0;
	[sflag:s23] =	ssyncset.done $0x0  }
0x42: {  	s5 =	simm.s32 @!p1 $0x8000;
	s7 =	simm.s32 @!p1 $0x4;
	[sflag:s23] =	ssyncadd.s32 $0xFFFFC000  }
0x43: {  	[tilespmem:s5], [sflag:$0x4] =	stream.linear.gather @!p1 [hbm4b:s15+s0], $0x80, $0x38;
	[tilespmem:$0x1C100] =	vst v63  }
0x44: {  	_ =	swait.ge @!p1 [sflag:s7], $0x80  }
0x45: {  	s29 =	simm.s32 @!p1 $0x400;
	s5 =	sshrl.u32 @!p1 s16, $0x3;
	[sflag:s7] =	ssyncset.done @!p1 $0x0  }
0x46: {  	s30 =	simm.s32 @!p1 $0x800;
	s5 =	sadd.s32 @!p1 s4, s5;
	[sflag:s7] =	ssyncadd.s32 @!p1 $0xFFFFFF80  }
0x47: {  	[tilespmem:s0], [sflag:$0x1] =	stream.strided.gather @!p1 [hbm4b:s5+s29], $0x4000, s30, s29, $0x38;
	[tilespmem:$0x1C100] =	vst v63  }
0x48: {  	_ =	swait.ge [sflag:s28], $0x4000  }
0x49: {  	s7 =	simm.s32 $0x50;
	[sflag:s28] =	ssyncset.done $0x0  }
0x4a: {  	s30 =	simm.s32 $0x30;
	s5 =	sadd.s32 $0x20000, s17;
	[sflag:s28] =	ssyncadd.s32 $0xFFFFC000  }
0x4b: {  	[spmem:s2] =	stream.indirect.scatter.add.f32 [tilespmem:s24], [sflag:$0x3], $0x80, s22, s26, $0xb8;
	[tilespmem:$0x1C100] =	vst v63  }
0x4c: {  	s0 =	sadd.s32 $0x200, s15;
	s29 =	sadd.s32 $0x100000, s16;
	_ =	swait.ge [sflag:s18], $0x4000  }
.LBB2_2:
0x4d: {  	s8 =	sadd.s32 $0xFFFFFF00, s0  }
0x4e: {  	[sflag:s18] =	ssyncset.done $0x0;
	s9 =	smov.u32 s7;
	s7 =	sadd.s32 $0x20, s7  }
0x4f: {  	p1 =	sne.s32 s7, $0x4F0;
	[sflag:s18] =	ssyncadd.s32 $0xFFFFC000  }
0x50: {  	[tilespmem:s22], [sflag:$0x4] =	stream.linear.gather [hbm4b:s8+s3], $0x80, $0x38;
	[tilespmem:$0x1C100] =	vst v63  }
0x51: {  	_ =	swait.ge [sflag:s23], $0x80  }
0x52: {  	[sflag:s23] =	ssyncset.done $0x0  }
0x53: {  	[sflag:s23] =	ssyncadd.s32 $0xFFFFFF80  }
0x54: {  	[tilespmem:s24], [sflag:$0x2] =	stream.strided.gather [hbm4b:s5+s20], $0x4000, s21, s20, $0x38;
	[tilespmem:$0x1C100] =	vst v63  }
0x55: {  	_ =	swait.ge [sflag:s25], $0x4000  }
0x56: {  	[sflag:s25] =	ssyncset.done $0x0  }
0x57: {  	s8 =	sadd.s32 s30, s1;
	s30 =	smov.u32 s9;
	[sflag:s25] =	ssyncadd.s32 $0xFFFFC000  }
0x58: {  	[spmem:s2] =	stream.indirect.scatter.add.f32 [tilespmem:s3], [sflag:$0x4], $0x80, s19, s26, $0xb8;
	[tilespmem:$0x1C100] =	vst v63  }
0x59: {  	p2 =	sgt.u32 s8, $0x4D1;
	_ =	swait.ge [sflag:s23], $0x4000  }
0x5a: {  	s8 =	simm.s32 @!p2 $0x0;
	s9 =	simm.s32 @!p2 $0x8000;
	[sflag:s23] =	ssyncset.done $0x0  }
0x5b: {  	s10 =	simm.s32 @!p2 $0x4;
	s11 =	sshrl.u32 @!p2 s29, $0x3;
	[sflag:s23] =	ssyncadd.s32 $0xFFFFC000  }
0x5c: {  	[tilespmem:s9], [sflag:$0x4] =	stream.linear.gather @!p2 [hbm4b:s0+s8], $0x80, $0x38;
	[tilespmem:$0x1C100] =	vst v63  }
0x5d: {  	s9 =	sadd.s32 @!p2 s4, s11;
	_ =	swait.ge @!p2 [sflag:s10], $0x80  }
0x5e: {  	s12 =	simm.s32 @!p2 $0x800;
	s11 =	simm.s32 @!p2 $0x400;
	[sflag:s10] =	ssyncset.done @!p2 $0x0  }
0x5f: {  	[sflag:s10] =	ssyncadd.s32 @!p2 $0xFFFFFF80  }
0x60: {  	[tilespmem:s8], [sflag:$0x1] =	stream.strided.gather @!p2 [hbm4b:s9+s11], $0x4000, s12, s11, $0x38;
	[tilespmem:$0x1C100] =	vst v63  }
.Ltmp0:
0x61: {  	_ =	swait.ge [sflag:s28], $0x4000;
	(pc) =	sbr.rel @p1 .LBB2_2-.Ltmp0, $4  }
0x62: {  	[sflag:s28] =	ssyncset.done $0x0  }
0x63: {  	s5 =	sadd.s32 $0x20000, s5;
	[sflag:s28] =	ssyncadd.s32 $0xFFFFC000  }
0x64: {  	[spmem:s2] =	stream.indirect.scatter.add.f32 [tilespmem:s24], [sflag:$0x3], $0x80, s22, s26, $0xb8;
	[tilespmem:$0x1C100] =	vst v63  }
0x65: {  	s29 =	sadd.s32 $0x100000, s29;
	s0 =	sadd.s32 $0x200, s0;
	_ =	swait.ge [sflag:s18], $0x4000  }
0x66: {  	[sflag:s18] =	ssyncset.done $0x0  }
0x67: {  	s7 =	sadd.s32 $0xFFFFFF00, s0;
	[sflag:s18] =	ssyncadd.s32 $0xFFFFC000  }
0x68: {  	[tilespmem:s22], [sflag:$0x4] =	stream.linear.gather [hbm4b:s7+s3], $0x80, $0x38;
	[tilespmem:$0x1C100] =	vst v63  }
0x69: {  	_ =	swait.ge [sflag:s23], $0x80  }
0x6a: {  	[sflag:s23] =	ssyncset.done $0x0  }
0x6b: {  	[sflag:s23] =	ssyncadd.s32 $0xFFFFFF80  }
0x6c: {  	[tilespmem:s24], [sflag:$0x2] =	stream.strided.gather [hbm4b:s5+s20], $0x4000, s21, s20, $0x38;
	[tilespmem:$0x1C100] =	vst v63  }
0x6d: {  	_ =	swait.ge [sflag:s25], $0x4000  }
0x6e: {  	[sflag:s25] =	ssyncset.done $0x0  }
0x6f: {  	s10 =	sadd.s32 s30, s1;
	[sflag:s25] =	ssyncadd.s32 $0xFFFFC000  }
0x70: {  	[spmem:s2] =	stream.indirect.scatter.add.f32 [tilespmem:s3], [sflag:$0x4], $0x80, s19, s26, $0xb8;
	[tilespmem:$0x1C100] =	vst v63  }
0x71: {  	p1 =	sgt.u32 s10, $0x4D1;
	_ =	swait.ge [sflag:s23], $0x4000  }
0x72: {  	s7 =	simm.s32 @!p1 $0x8000;
	[sflag:s23] =	ssyncset.done $0x0  }
0x73: {  	s8 =	simm.s32 @!p1 $0x4;
	s5 =	simm.s32 @!p1 $0x0;
	[sflag:s23] =	ssyncadd.s32 $0xFFFFC000  }
0x74: {  	[tilespmem:s7], [sflag:$0x4] =	stream.linear.gather @!p1 [hbm4b:s0+s5], $0x80, $0x38;
	[tilespmem:$0x1C100] =	vst v63  }
0x75: {  	_ =	swait.ge @!p1 [sflag:s8], $0x80  }
0x76: {  	s9 =	simm.s32 @!p1 $0x800;
	s0 =	sshrl.u32 @!p1 s29, $0x3;
	[sflag:s8] =	ssyncset.done @!p1 $0x0  }
0x77: {  	s7 =	simm.s32 @!p1 $0x400;
	s0 =	sadd.s32 @!p1 s4, s0;
	[sflag:s8] =	ssyncadd.s32 @!p1 $0xFFFFFF80  }
0x78: {  	[tilespmem:s5], [sflag:$0x1] =	stream.strided.gather @!p1 [hbm4b:s0+s7], $0x4000, s9, s7, $0x38;
	[tilespmem:$0x1C100] =	vst v63  }
0x79: {  	_ =	swait.ge [sflag:s28], $0x4000  }
0x7a: {  	[sflag:s28] =	ssyncset.done $0x0  }
0x7b: {  	[sflag:s28] =	ssyncadd.s32 $0xFFFFC000  }
0x7c: {  	[spmem:s2] =	stream.indirect.scatter.add.f32 [tilespmem:s24], [sflag:$0x3], $0x80, s22, s26, $0xb8;
	[tilespmem:$0x1C100] =	vst v63  }
0x7d: {  	_ =	swait.ge [sflag:s18], $0x4000  }
0x7e: {  	[sflag:s18] =	ssyncset.done $0x0  }
0x7f: {  	s0 =	simm.s32 @!p0 $0x1;
	[sflag:s18] =	ssyncadd.s32 $0xFFFFC000  }
0x80: {  	_ =	swait.ge @!p0 [sflag:s0], $0x4000  }
0x81: {  	s5 =	simm.s32 @!p0 $0x8000;
	[sflag:s0] =	ssyncset.done @!p0 $0x0  }
0x82: {  	s7 =	simm.s32 @!p0 $0x0;
	[sflag:s0] =	ssyncadd.s32 @!p0 $0xFFFFC000;
	s0 =	simm.s32 @!p0 $0x80  }
0x83: {  	[spmem:s2] =	stream.indirect.scatter.add.f32 @!p0 [tilespmem:s7], [sflag:$0x4], $0x80, s5, s0, $0xb8;
	[tilespmem:$0x1C100] =	vst v63  }
0x84: {  	s0 =	simm.s32 @!p0 $0x4  }
0x85: {  	s11 =	sshll.u32 s1, $0x6;
	s12 =	sshrl.u32 s6, $0x3;
	_ =	swait.ge @!p0 [sflag:s0], $0x4000  }
0x86: {  	s30 =	simm.s32 $0x100;
	s31 =	sadd.s32 $0x1, s31;
	[sflag:s0] =	ssyncset.done @!p0 $0x0  }
0x87: {  	s29 =	simm.s32 $0x8;
	p1 =	sne.s32 s31, s14;
	[sflag:s0] =	ssyncadd.s32 @!p0 $0xFFFFC000  }
.Ltmp1:
0x88: {  	s0 =	sor.u32 $0x1C03, s11;
	[bflag:$0x0] =	sbarrier.arrive $0xFFFF;
	(pc) =	sbr.rel @p1 .LBB2_1-.Ltmp1, $4  }
0x89: {  	[hbm:s13@s30], [sflag:s0] =	dma.strided [spmem:s12@s26], $0x2800, s29, $0x10   }
0x8a: {  	_ =	swait.ge [sflag:s18], $0x2800  }
0x8b: {  	[sflag:s18] =	ssyncset.done $0x0  }
0x8c: {  	[sflag:s18] =	ssyncadd.s32 $0xFFFFD800  }
0x8d: {  	_ =	sfence.sel $0x180000  }
0x8e: {  	[bflag:$0x0] =	sbarrier.arrive $0xFFFF  }
0x8f: {  	_ =	strace $0x9000004D  }
0x90: {  	[bflag:$0x2] =	sbarrier.arrive $0xFFFF  }
0x91: {  	p0 =	sne.s32 s1, $0x0;
	s0 =	rddreg [dreg:$0x2]  }
0x92: {  	s0 =	sadd.s32 @!p0 $0x100000, s0  }
0x93: {  	[sflag:s0] =	ssyncadd.tile.s32 @!p0 $0x1;
	_ =	shalt  }
.Lfunc_end2:
_tile_overlayer_lowered:
.L_overlay_start_2:
0x94: {  	(tag) =	ssettag $0x2  }
0x95: {  	s0 =	rddreg [dreg:$0x0];
	s2 =	stileid.u32  }
0x96: {  	s1 =	rddreg [dreg:$0x1];
	p0 =	sne.s32 s2, $0x0  }
0x97: {  	s3 =	rddreg [dreg:$0x2];
	[bflag:$0x3] =	sbarrier.arrive $0xFFFF;
	s2 =	simm.s32 @!p0 $0x1C03  }
0x98: {  	[timem:s3], [sflag:s2] =	dma.local @!p0 [hbm:s0], s1  }
0x99: {  	s0 =	simm.s32 @!p0 $0x3  }
0x9a: {  	_ =	swait.ge @!p0 [sflag:s0], s1  }
0x9b: {  	s1 =	ssub.s32 @!p0 $0x0, s1;
	[sflag:s0] =	ssyncset.done @!p0 $0x0  }
0x9c: {  	[sflag:s0] =	ssyncadd.s32 @!p0 s1  }
0x9d: {  	[bflag:$0x3] =	sbarrier.arrive $0xFFFF  }
0x9e: {  	_ =	shalt  }

</sc_bundles>
